<compile_context>
chip_gen: v7x
topology: tpu7x:2x2x1
jax: 0.10.2.dev20260603
libtpu: 0.0.44.dev20260713+nightly
codegen_flags: <defaults>
</compile_context>

<pallas_src>
import jax
import jax.numpy as jnp
from jax import lax
from jax.experimental import pallas as pl
from jax.experimental.pallas import tpu as pltpu
from jax.experimental.pallas import tpu_sc as plsc

B = 64
H = 512
W = 512
N = H * W
K = 1 + round(0.01 * 99.0 * (N - 1))

NC = 2
NS = 16
NW = NC * NS
SPT = B // NW

NB = 4096
NB_C = 128
L = 16
CH = 8192
NCH = N // CH
VPC = CH // L
CAP = 32768



def _tc_body(pred_ref, tgt_ref, mask_ref, loss_ref, sums_ref):
    lv = mask_ref[...] * lax.abs(pred_ref[...] - tgt_ref[...])
    loss_ref[...] = lv
    sums_ref[...] = jnp.full((1, 1, 128), jnp.sum(lv), jnp.float32)


def _tc_loss(pred, tgt, mask):
    return pl.pallas_call(
        _tc_body,
        grid=(B,),
        in_specs=[
            pl.BlockSpec((1, H, W), lambda b: (b, 0, 0)),
            pl.BlockSpec((1, H, W), lambda b: (b, 0, 0)),
            pl.BlockSpec((1, H, W), lambda b: (b, 0, 0)),
        ],
        out_specs=[
            pl.BlockSpec((1, H, W), lambda b: (b, 0, 0)),
            pl.BlockSpec((1, 1, 128), lambda b: (b, 0, 0)),
        ],
        out_shape=[
            jax.ShapeDtypeStruct((B, H, W), jnp.float32),
            jax.ShapeDtypeStruct((B, 1, 128), jnp.float32),
        ],
    )(pred, tgt, mask)



def _zero_hist(hist, nb):
    def body(i, _):
        for bank in range(L):
            hist[pl.ds(bank * NB + i * L, L)] = jnp.zeros((L,), jnp.int32)
        return 0
    lax.fori_loop(0, nb // L, body, 0)


def _select(hist, r, nb):
    zero = jnp.int32(0)

    def body(j, carry):
        cum, bstar, cumbef, cnt = carry
        v = jnp.zeros((L,), jnp.int32)
        for bank in range(L):
            v = v + hist[pl.ds(bank * NB + j * L, L)]
        cv = plsc.cumsum(v) + cum
        mlt = cv < r
        msel = jnp.logical_and(cv >= r, (cv - v) < r)
        ones_v = jnp.ones((L,), jnp.int32)
        zeros_v = jnp.zeros((L,), jnp.int32)
        bstar = bstar + jnp.sum(jnp.where(mlt, ones_v, zeros_v))
        cumbef = cumbef + jnp.sum(jnp.where(mlt, v, zeros_v))
        cnt = cnt + jnp.sum(jnp.where(msel, v, zeros_v))
        cum = cum + jnp.sum(v)
        return (cum, bstar, cumbef, cnt)

    cum, bstar, cumbef, cnt = lax.fori_loop(
        0, nb // L, body, (zero, zero, zero, zero))
    return bstar, r - cumbef, cnt


def _stream_pass(src_hbm, s, buf0, buf1, sem0, sem1, chunk_fn, init_carry):

    def start(c, buf, sem):
        off = pl.multiple_of(c * CH, CH)
        pltpu.async_copy(src_hbm.at[s, pl.ds(off, CH)], buf, sem)

    def wait(c, buf, sem):
        off = pl.multiple_of(c * CH, CH)
        pltpu.make_async_copy(src_hbm.at[s, pl.ds(off, CH)], buf, sem).wait()

    start(0, buf0, sem0)
    start(1, buf1, sem1)

    def body(c2, carry):
        c0 = c2 * 2
        wait(c0, buf0, sem0)
        carry = chunk_fn(buf0, c0, carry)

        @pl.when(c0 + 2 < NCH)
        def _():
            start(c0 + 2, buf0, sem0)

        wait(c0 + 1, buf1, sem1)
        carry = chunk_fn(buf1, c0 + 1, carry)

        @pl.when(c0 + 3 < NCH)
        def _():
            start(c0 + 3, buf1, sem1)

        return carry

    return lax.fori_loop(0, NCH // 2, body, init_carry)


def _sc_body(loss_hbm, qbits_hbm,
             buf0, buf1, cand, hist, outbuf_i, sem0, sem1):
    wid = lax.axis_index("s") * NC + lax.axis_index("c")
    lane = lax.broadcasted_iota(jnp.int32, (L,), 0)
    ones_i = jnp.ones((L,), jnp.int32)

    results = []
    for local in range(SPT):
        s = wid * SPT + local

        _zero_hist(hist, NB)

        def chunk_a(buf, c, carry):
            def vbody(i, _):
                bits = lax.bitcast_convert_type(buf[pl.ds(i * L, L)],
                                                jnp.int32)
                d = lax.shift_right_logical(bits, 19)
                plsc.addupdate_scatter(hist, [lane * NB + d], ones_i)
                return 0
            lax.fori_loop(0, VPC, vbody, 0)
            return carry

        _stream_pass(loss_hbm, s, buf0, buf1, sem0, sem1, chunk_a, 0)
        b1, r2, cnt1 = _select(hist, jnp.int32(K), NB)
        docap = cnt1 <= CAP

        _zero_hist(hist, NB)

        def chunk_b(buf, c, cnt):
            def vbody(i, cnt):
                bits = lax.bitcast_convert_type(buf[pl.ds(i * L, L)],
                                                jnp.int32)
                match = lax.shift_right_logical(bits, 19) == b1
                d = lax.bitwise_and(lax.shift_right_logical(bits, 7),
                                    jnp.int32(0xFFF))
                plsc.addupdate_scatter(hist, [lane * NB + d], ones_i,
                                       mask=match)

                @pl.when(docap)
                def _():
                    plsc.store_compressed(cand.at[pl.ds(cnt, L)], bits,
                                          mask=match)

                return cnt + jnp.sum(jnp.where(match, ones_i,
                                               jnp.zeros((L,), jnp.int32)))
            return lax.fori_loop(0, VPC, vbody, cnt)

        _stream_pass(loss_hbm, s, buf0, buf1, sem0, sem1, chunk_b,
                     jnp.int32(0))
        b2, r3, _cnt2 = _select(hist, r2, NB)
        prefix24 = b1 * 4096 + b2

        _zero_hist(hist, NB_C)

        @pl.when(docap)
        def _():
            nv = (cnt1 + (L - 1)) // L

            def vbody(i, _):
                bits = cand[pl.ds(i * L, L)]
                inb = (i * L + lane) < cnt1
                match = jnp.logical_and(
                    lax.shift_right_logical(bits, 7) == prefix24, inb)
                d = lax.bitwise_and(bits, jnp.int32(0x7F))
                plsc.addupdate_scatter(hist, [lane * NB + d], ones_i,
                                       mask=match)
                return 0

            lax.fori_loop(0, nv, vbody, 0)

        @pl.when(jnp.logical_not(docap))
        def _():
            def chunk_c(buf, c, carry):
                def vbody(i, _):
                    bits = lax.bitcast_convert_type(buf[pl.ds(i * L, L)],
                                                    jnp.int32)
                    match = lax.shift_right_logical(bits, 7) == prefix24
                    d = lax.bitwise_and(bits, jnp.int32(0x7F))
                    plsc.addupdate_scatter(hist, [lane * NB + d], ones_i,
                                           mask=match)
                    return 0
                lax.fori_loop(0, VPC, vbody, 0)
                return carry

            _stream_pass(loss_hbm, s, buf0, buf1, sem0, sem1, chunk_c, 0)

        b3, _r4, _c4 = _select(hist, r3, NB_C)
        qbits = prefix24 * 128 + b3
        results.append(qbits)

    q0, q1 = results
    row_i = jnp.where(lane == 0, jnp.full((L,), q0, jnp.int32),
                      jnp.where(lane == 1, jnp.full((L,), q1, jnp.int32),
                                jnp.zeros((L,), jnp.int32)))
    outbuf_i[...] = row_i
    pltpu.sync_copy(outbuf_i, qbits_hbm.at[wid])


@jax.jit
def kernel(predicted, target, mask):
    pred3 = predicted.reshape(B, H, W)
    tgt3 = target.reshape(B, H, W)
    mask3 = mask.reshape(B, H, W)

    loss, sums = _tc_loss(pred3, tgt3, mask3)

    mesh = plsc.VectorSubcoreMesh(core_axis_name="c", subcore_axis_name="s",
                                  num_cores=NC, num_subcores=NS)
    qbits = pl.kernel(
        _sc_body,
        out_type=jax.ShapeDtypeStruct((NW, L), jnp.int32),
        mesh=mesh,
        compiler_params=pltpu.CompilerParams(needs_layout_passes=False),
        scratch_types=[
            pltpu.VMEM((CH,), jnp.float32),
            pltpu.VMEM((CH,), jnp.float32),
            pltpu.VMEM((CAP + L,), jnp.int32),
            pltpu.VMEM((NB * L,), jnp.int32),
            pltpu.VMEM((L,), jnp.int32),
            pltpu.SemaphoreType.DMA,
            pltpu.SemaphoreType.DMA,
        ],
    )(loss.reshape(B, N))

    q_loss = lax.bitcast_convert_type(qbits[:, :SPT].reshape(B), jnp.float32)
    wmae = jnp.sum(sums[:, 0, 0]) / (B * N)
    return (q_loss, wmae)

# --- scband reference (transcript-rebuilt; emitter-appended) ---
"""Pipeline reference for scband-quantile-loss-40080634807041 (READ-ONLY COPY).

The authoritative reference and input builder live on the scoring server;
editing this copy changes nothing except your own understanding.
"""

import jax, jax.numpy as jnp
import numpy as np

Q = 99


def setup_inputs(seed: int = 0) -> dict:
    key = jax.random.key(seed)
    k1, k2, k3 = jax.random.split(key, 3)
    predicted = jax.random.normal(k1, (64, 1, 512, 512), dtype=jnp.float32)
    target = jax.random.normal(k2, (64, 1, 512, 512), dtype=jnp.float32)
    mask = jax.random.uniform(k3, (64, 1, 512, 512), dtype=jnp.float32)
    return {"predicted": predicted, "target": target, "mask": mask}


def _weighted_mae_loss_pixel(predicted, target, mask):
    # WeightedMaeLossPixel: per-pixel weighted absolute error (no reduction)
    return mask * jnp.abs(predicted - target)


def _percentile(t, q):
    # t: [B, 1, H, W] -> flatten per sample, take kth smallest (torch.kthvalue)
    assert t.shape[1] == 1
    t = t.reshape(t.shape[0], -1)
    k = 1 + round(0.01 * float(q) * (t.shape[-1] - 1))
    sorted_t = jnp.sort(t, axis=-1)
    return sorted_t[:, k - 1]


def reference(predicted, target, mask):
    pixel_loss = _weighted_mae_loss_pixel(predicted, target, mask)
    q_loss = _percentile(pixel_loss, Q)
    wmae = jnp.mean(pixel_loss)
    return (q_loss, wmae)

if __name__ == "__main__":
    import jax
    _d = setup_inputs()
    print(jax.jit(kernel)(*tuple(_d.values())))

</pallas_src>

<mosaic_0001>
#map = affine_map<(d0, d1) -> (0, 0)>
module attributes {stable_mosaic.version = 14 : i64} {
  func.func @_sc_body(%arg0: i32, %arg1: i32, %arg2: memref<64x262144xf32, #tpu.memory_space<hbm>>, %arg3: memref<32x16xi32, #tpu.memory_space<hbm>>, %arg4: memref<8192xf32, #tpu.memory_space<vmem>>, %arg5: memref<8192xf32, #tpu.memory_space<vmem>>, %arg6: memref<32784xi32, #tpu.memory_space<vmem>>, %arg7: memref<65536xi32, #tpu.memory_space<vmem>>, %arg8: memref<16xi32, #tpu.memory_space<vmem>>, %arg9: memref<!tpu.dma_semaphore, #tpu.memory_space<semaphore_mem>>, %arg10: memref<!tpu.dma_semaphore, #tpu.memory_space<semaphore_mem>>) attributes {dimension_semantics = [#tpu.dimension_semantics<core_parallel>, #tpu.dimension_semantics<subcore_parallel>], iteration_bounds = array<i64: 2, 16>, scalar_prefetch = 0 : i64, scratch_operands = 7 : i64, tpu.core_type = #tpu.core_type<sc_vector_subcore>, window_params = [{transform_indices = #map}, {transform_indices = #map}]} {
    %mul3A = arith.constant 2 : i32
    %mul3A_0 = arith.muli %arg1, %mul3A : i32
    %add3A = arith.addi %mul3A_0, %arg0 : i32
    %iota3A = tpu.iota {dimensions = array<i32: 0>} : vector<16xi32>
    %broadcast_in_dim3A = arith.constant 1 : i32
    %broadcast_in_dim3A_1 = vector.broadcast %broadcast_in_dim3A : i32 to vector<16xi32>
    %mul3A_2 = arith.constant 2 : i32
    %mul3A_3 = arith.muli %add3A, %mul3A_2 : i32
    %add3A_4 = arith.constant 0 : i32
    %add3A_5 = arith.addi %mul3A_3, %add3A_4 : i32
    %scan3A = arith.constant 0 : i32
    %scan3A_6 = arith.constant 0 : i32
    %scan3A_7 = arith.constant 256 : i32
    %scan3A_8 = arith.addi %scan3A_6, %scan3A_7 : i32
    %scan3A_9 = arith.constant 1 : i32
    %scan3A_10 = scf.for %scan3A_231 = %scan3A_6 to %scan3A_8 step %scan3A_9 iter_args(%scan3A_232 = %scan3A) -> (i32)  : i32 {
      %broadcast_in_dim3A_233 = arith.constant 0 : i32
      %broadcast_in_dim3A_234 = vector.broadcast %broadcast_in_dim3A_233 : i32 to vector<16xi32>
      %mul3A_235 = arith.constant 16 : i32
      %mul3A_236 = arith.muli %scan3A_231, %mul3A_235 : i32
      %add3A_237 = arith.constant 0 : i32
      %add3A_238 = arith.addi %add3A_237, %mul3A_236 : i32
      %swap3A_239 = arith.index_cast %add3A_238 : i32 to index
      %swap3A_240 = tpu.vector_load %arg7[%swap3A_239] {strides = array<i32>} : memref<65536xi32, #tpu.memory_space<vmem>>, vector<16xi32>,
      tpu.vector_store %arg7[%swap3A_239], %broadcast_in_dim3A_234 {strides = array<i32>} : memref<65536xi32, #tpu.memory_space<vmem>>, vector<16xi32>,
      %broadcast_in_dim3A_241 = arith.constant 0 : i32
      %broadcast_in_dim3A_242 = vector.broadcast %broadcast_in_dim3A_241 : i32 to vector<16xi32>
      %mul3A_243 = arith.constant 16 : i32
      %mul3A_244 = arith.muli %scan3A_231, %mul3A_243 : i32
      %add3A_245 = arith.constant 4096 : i32
      %add3A_246 = arith.addi %add3A_245, %mul3A_244 : i32
      %swap3A_247 = arith.index_cast %add3A_246 : i32 to index
      %swap3A_248 = tpu.vector_load %arg7[%swap3A_247] {strides = array<i32>} : memref<65536xi32, #tpu.memory_space<vmem>>, vector<16xi32>,
      tpu.vector_store %arg7[%swap3A_247], %broadcast_in_dim3A_242 {strides = array<i32>} : memref<65536xi32, #tpu.memory_space<vmem>>, vector<16xi32>,
      %broadcast_in_dim3A_249 = arith.constant 0 : i32
      %broadcast_in_dim3A_250 = vector.broadcast %broadcast_in_dim3A_249 : i32 to vector<16xi32>
      %mul3A_251 = arith.constant 16 : i32
      %mul3A_252 = arith.muli %scan3A_231, %mul3A_251 : i32
      %add3A_253 = arith.constant 8192 : i32
      %add3A_254 = arith.addi %add3A_253, %mul3A_252 : i32
      %swap3A_255 = arith.index_cast %add3A_254 : i32 to index
      %swap3A_256 = tpu.vector_load %arg7[%swap3A_255] {strides = array<i32>} : memref<65536xi32, #tpu.memory_space<vmem>>, vector<16xi32>,
      tpu.vector_store %arg7[%swap3A_255], %broadcast_in_dim3A_250 {strides = array<i32>} : memref<65536xi32, #tpu.memory_space<vmem>>, vector<16xi32>,
      %broadcast_in_dim3A_257 = arith.constant 0 : i32
      %broadcast_in_dim3A_258 = vector.broadcast %broadcast_in_dim3A_257 : i32 to vector<16xi32>
      %mul3A_259 = arith.constant 16 : i32
      %mul3A_260 = arith.muli %scan3A_231, %mul3A_259 : i32
      %add3A_261 = arith.constant 12288 : i32
      %add3A_262 = arith.addi %add3A_261, %mul3A_260 : i32
      %swap3A_263 = arith.index_cast %add3A_262 : i32 to index
      %swap3A_264 = tpu.vector_load %arg7[%swap3A_263] {strides = array<i32>} : memref<65536xi32, #tpu.memory_space<vmem>>, vector<16xi32>,
      tpu.vector_store %arg7[%swap3A_263], %broadcast_in_dim3A_258 {strides = array<i32>} : memref<65536xi32, #tpu.memory_space<vmem>>, vector<16xi32>,
      %broadcast_in_dim3A_265 = arith.constant 0 : i32
      %broadcast_in_dim3A_266 = vector.broadcast %broadcast_in_dim3A_265 : i32 to vector<16xi32>
      %mul3A_267 = arith.constant 16 : i32
      %mul3A_268 = arith.muli %scan3A_231, %mul3A_267 : i32
      %add3A_269 = arith.constant 16384 : i32
      %add3A_270 = arith.addi %add3A_269, %mul3A_268 : i32
      %swap3A_271 = arith.index_cast %add3A_270 : i32 to index
      %swap3A_272 = tpu.vector_load %arg7[%swap3A_271] {strides = array<i32>} : memref<65536xi32, #tpu.memory_space<vmem>>, vector<16xi32>,
      tpu.vector_store %arg7[%swap3A_271], %broadcast_in_dim3A_266 {strides = array<i32>} : memref<65536xi32, #tpu.memory_space<vmem>>, vector<16xi32>,
      %broadcast_in_dim3A_273 = arith.constant 0 : i32
      %broadcast_in_dim3A_274 = vector.broadcast %broadcast_in_dim3A_273 : i32 to vector<16xi32>
      %mul3A_275 = arith.constant 16 : i32
      %mul3A_276 = arith.muli %scan3A_231, %mul3A_275 : i32
      %add3A_277 = arith.constant 20480 : i32
      %add3A_278 = arith.addi %add3A_277, %mul3A_276 : i32
      %swap3A_279 = arith.index_cast %add3A_278 : i32 to index
      %swap3A_280 = tpu.vector_load %arg7[%swap3A_279] {strides = array<i32>} : memref<65536xi32, #tpu.memory_space<vmem>>, vector<16xi32>,
      tpu.vector_store %arg7[%swap3A_279], %broadcast_in_dim3A_274 {strides = array<i32>} : memref<65536xi32, #tpu.memory_space<vmem>>, vector<16xi32>,
      %broadcast_in_dim3A_281 = arith.constant 0 : i32
      %broadcast_in_dim3A_282 = vector.broadcast %broadcast_in_dim3A_281 : i32 to vector<16xi32>
      %mul3A_283 = arith.constant 16 : i32
      %mul3A_284 = arith.muli %scan3A_231, %mul3A_283 : i32
      %add3A_285 = arith.constant 24576 : i32
      %add3A_286 = arith.addi %add3A_285, %mul3A_284 : i32
      %swap3A_287 = arith.index_cast %add3A_286 : i32 to index
      %swap3A_288 = tpu.vector_load %arg7[%swap3A_287] {strides = array<i32>} : memref<65536xi32, #tpu.memory_space<vmem>>, vector<16xi32>,
      tpu.vector_store %arg7[%swap3A_287], %broadcast_in_dim3A_282 {strides = array<i32>} : memref<65536xi32, #tpu.memory_space<vmem>>, vector<16xi32>,
      %broadcast_in_dim3A_289 = arith.constant 0 : i32
      %broadcast_in_dim3A_290 = vector.broadcast %broadcast_in_dim3A_289 : i32 to vector<16xi32>
      %mul3A_291 = arith.constant 16 : i32
      %mul3A_292 = arith.muli %scan3A_231, %mul3A_291 : i32
      %add3A_293 = arith.constant 28672 : i32
      %add3A_294 = arith.addi %add3A_293, %mul3A_292 : i32
      %swap3A_295 = arith.index_cast %add3A_294 : i32 to index
      %swap3A_296 = tpu.vector_load %arg7[%swap3A_295] {strides = array<i32>} : memref<65536xi32, #tpu.memory_space<vmem>>, vector<16xi32>,
      tpu.vector_store %arg7[%swap3A_295], %broadcast_in_dim3A_290 {strides = array<i32>} : memref<65536xi32, #tpu.memory_space<vmem>>, vector<16xi32>,
      %broadcast_in_dim3A_297 = arith.constant 0 : i32
      %broadcast_in_dim3A_298 = vector.broadcast %broadcast_in_dim3A_297 : i32 to vector<16xi32>
      %mul3A_299 = arith.constant 16 : i32
      %mul3A_300 = arith.muli %scan3A_231, %mul3A_299 : i32
      %add3A_301 = arith.constant 32768 : i32
      %add3A_302 = arith.addi %add3A_301, %mul3A_300 : i32
      %swap3A_303 = arith.index_cast %add3A_302 : i32 to index
      %swap3A_304 = tpu.vector_load %arg7[%swap3A_303] {strides = array<i32>} : memref<65536xi32, #tpu.memory_space<vmem>>, vector<16xi32>,
      tpu.vector_store %arg7[%swap3A_303], %broadcast_in_dim3A_298 {strides = array<i32>} : memref<65536xi32, #tpu.memory_space<vmem>>, vector<16xi32>,
      %broadcast_in_dim3A_305 = arith.constant 0 : i32
      %broadcast_in_dim3A_306 = vector.broadcast %broadcast_in_dim3A_305 : i32 to vector<16xi32>
      %mul3A_307 = arith.constant 16 : i32
      %mul3A_308 = arith.muli %scan3A_231, %mul3A_307 : i32
      %add3A_309 = arith.constant 36864 : i32
      %add3A_310 = arith.addi %add3A_309, %mul3A_308 : i32
      %swap3A_311 = arith.index_cast %add3A_310 : i32 to index
      %swap3A_312 = tpu.vector_load %arg7[%swap3A_311] {strides = array<i32>} : memref<65536xi32, #tpu.memory_space<vmem>>, vector<16xi32>,
      tpu.vector_store %arg7[%swap3A_311], %broadcast_in_dim3A_306 {strides = array<i32>} : memref<65536xi32, #tpu.memory_space<vmem>>, vector<16xi32>,
      %broadcast_in_dim3A_313 = arith.constant 0 : i32
      %broadcast_in_dim3A_314 = vector.broadcast %broadcast_in_dim3A_313 : i32 to vector<16xi32>
      %mul3A_315 = arith.constant 16 : i32
      %mul3A_316 = arith.muli %scan3A_231, %mul3A_315 : i32
      %add3A_317 = arith.constant 40960 : i32
      %add3A_318 = arith.addi %add3A_317, %mul3A_316 : i32
      %swap3A_319 = arith.index_cast %add3A_318 : i32 to index
      %swap3A_320 = tpu.vector_load %arg7[%swap3A_319] {strides = array<i32>} : memref<65536xi32, #tpu.memory_space<vmem>>, vector<16xi32>,
      tpu.vector_store %arg7[%swap3A_319], %broadcast_in_dim3A_314 {strides = array<i32>} : memref<65536xi32, #tpu.memory_space<vmem>>, vector<16xi32>,
      %broadcast_in_dim3A_321 = arith.constant 0 : i32
      %broadcast_in_dim3A_322 = vector.broadcast %broadcast_in_dim3A_321 : i32 to vector<16xi32>
      %mul3A_323 = arith.constant 16 : i32
      %mul3A_324 = arith.muli %scan3A_231, %mul3A_323 : i32
      %add3A_325 = arith.constant 45056 : i32
      %add3A_326 = arith.addi %add3A_325, %mul3A_324 : i32
      %swap3A_327 = arith.index_cast %add3A_326 : i32 to index
      %swap3A_328 = tpu.vector_load %arg7[%swap3A_327] {strides = array<i32>} : memref<65536xi32, #tpu.memory_space<vmem>>, vector<16xi32>,
      tpu.vector_store %arg7[%swap3A_327], %broadcast_in_dim3A_322 {strides = array<i32>} : memref<65536xi32, #tpu.memory_space<vmem>>, vector<16xi32>,
      %broadcast_in_dim3A_329 = arith.constant 0 : i32
      %broadcast_in_dim3A_330 = vector.broadcast %broadcast_in_dim3A_329 : i32 to vector<16xi32>
      %mul3A_331 = arith.constant 16 : i32
      %mul3A_332 = arith.muli %scan3A_231, %mul3A_331 : i32
      %add3A_333 = arith.constant 49152 : i32
      %add3A_334 = arith.addi %add3A_333, %mul3A_332 : i32
      %swap3A_335 = arith.index_cast %add3A_334 : i32 to index
      %swap3A_336 = tpu.vector_load %arg7[%swap3A_335] {strides = array<i32>} : memref<65536xi32, #tpu.memory_space<vmem>>, vector<16xi32>,
      tpu.vector_store %arg7[%swap3A_335], %broadcast_in_dim3A_330 {strides = array<i32>} : memref<65536xi32, #tpu.memory_space<vmem>>, vector<16xi32>,
      %broadcast_in_dim3A_337 = arith.constant 0 : i32
      %broadcast_in_dim3A_338 = vector.broadcast %broadcast_in_dim3A_337 : i32 to vector<16xi32>
      %mul3A_339 = arith.constant 16 : i32
      %mul3A_340 = arith.muli %scan3A_231, %mul3A_339 : i32
      %add3A_341 = arith.constant 53248 : i32
      %add3A_342 = arith.addi %add3A_341, %mul3A_340 : i32
      %swap3A_343 = arith.index_cast %add3A_342 : i32 to index
      %swap3A_344 = tpu.vector_load %arg7[%swap3A_343] {strides = array<i32>} : memref<65536xi32, #tpu.memory_space<vmem>>, vector<16xi32>,
      tpu.vector_store %arg7[%swap3A_343], %broadcast_in_dim3A_338 {strides = array<i32>} : memref<65536xi32, #tpu.memory_space<vmem>>, vector<16xi32>,
      %broadcast_in_dim3A_345 = arith.constant 0 : i32
      %broadcast_in_dim3A_346 = vector.broadcast %broadcast_in_dim3A_345 : i32 to vector<16xi32>
      %mul3A_347 = arith.constant 16 : i32
      %mul3A_348 = arith.muli %scan3A_231, %mul3A_347 : i32
      %add3A_349 = arith.constant 57344 : i32
      %add3A_350 = arith.addi %add3A_349, %mul3A_348 : i32
      %swap3A_351 = arith.index_cast %add3A_350 : i32 to index
      %swap3A_352 = tpu.vector_load %arg7[%swap3A_351] {strides = array<i32>} : memref<65536xi32, #tpu.memory_space<vmem>>, vector<16xi32>,
      tpu.vector_store %arg7[%swap3A_351], %broadcast_in_dim3A_346 {strides = array<i32>} : memref<65536xi32, #tpu.memory_space<vmem>>, vector<16xi32>,
      %broadcast_in_dim3A_353 = arith.constant 0 : i32
      %broadcast_in_dim3A_354 = vector.broadcast %broadcast_in_dim3A_353 : i32 to vector<16xi32>
      %mul3A_355 = arith.constant 16 : i32
      %mul3A_356 = arith.muli %scan3A_231, %mul3A_355 : i32
      %add3A_357 = arith.constant 61440 : i32
      %add3A_358 = arith.addi %add3A_357, %mul3A_356 : i32
      %swap3A_359 = arith.index_cast %add3A_358 : i32 to index
      %swap3A_360 = tpu.vector_load %arg7[%swap3A_359] {strides = array<i32>} : memref<65536xi32, #tpu.memory_space<vmem>>, vector<16xi32>,
      tpu.vector_store %arg7[%swap3A_359], %broadcast_in_dim3A_354 {strides = array<i32>} : memref<65536xi32, #tpu.memory_space<vmem>>, vector<16xi32>,
      %scan3A_361 = arith.constant 0 : i32
      scf.yield %scan3A_361 : i32
    }
    %scan3A_11 = arith.constant 256 : i32
    %multiple_of3A = arith.constant 0 : i32
    %multiple_of3A_12 = tpu.assume_multiple %multiple_of3A, 8192 : i32
    %dma_start3A = tpu.memref_slice %arg2[%add3A_5, %multiple_of3A_12] : memref<64x262144xf32, #tpu.memory_space<hbm>> -> memref<1x8192xf32, #tpu.memory_space<hbm>>
    %dma_start3A_13 = tpu.memref_squeeze %dma_start3A : memref<1x8192xf32, #tpu.memory_space<hbm>> -> memref<8192xf32, #tpu.memory_space<hbm>>
    %dma_start3A_14 = tpu.memref_slice %arg2[%add3A_5, %multiple_of3A_12] : memref<64x262144xf32, #tpu.memory_space<hbm>> -> memref<1x8192xf32, #tpu.memory_space<hbm>>
    %dma_start3A_15 = tpu.memref_squeeze %dma_start3A_14 : memref<1x8192xf32, #tpu.memory_space<hbm>> -> memref<8192xf32, #tpu.memory_space<hbm>>
    tpu.enqueue_dma source(%dma_start3A_15 : memref<8192xf32, #tpu.memory_space<hbm>>) target(%arg4 : memref<8192xf32, #tpu.memory_space<vmem>>) target_semaphore(%arg9 : memref<!tpu.dma_semaphore, #tpu.memory_space<semaphore_mem>>)
    %multiple_of3A_16 = arith.constant 8192 : i32
    %multiple_of3A_17 = tpu.assume_multiple %multiple_of3A_16, 8192 : i32
    %dma_start3A_18 = tpu.memref_slice %arg2[%add3A_5, %multiple_of3A_17] : memref<64x262144xf32, #tpu.memory_space<hbm>> -> memref<1x8192xf32, #tpu.memory_space<hbm>>
    %dma_start3A_19 = tpu.memref_squeeze %dma_start3A_18 : memref<1x8192xf32, #tpu.memory_space<hbm>> -> memref<8192xf32, #tpu.memory_space<hbm>>
    %dma_start3A_20 = tpu.memref_slice %arg2[%add3A_5, %multiple_of3A_17] : memref<64x262144xf32, #tpu.memory_space<hbm>> -> memref<1x8192xf32, #tpu.memory_space<hbm>>
    %dma_start3A_21 = tpu.memref_squeeze %dma_start3A_20 : memref<1x8192xf32, #tpu.memory_space<hbm>> -> memref<8192xf32, #tpu.memory_space<hbm>>
    tpu.enqueue_dma source(%dma_start3A_21 : memref<8192xf32, #tpu.memory_space<hbm>>) target(%arg5 : memref<8192xf32, #tpu.memory_space<vmem>>) target_semaphore(%arg10 : memref<!tpu.dma_semaphore, #tpu.memory_space<semaphore_mem>>)
    %scan3A_22 = arith.constant 0 : i32
    %scan3A_23 = arith.constant 0 : i32
    %scan3A_24 = arith.constant 16 : i32
    %scan3A_25 = arith.addi %scan3A_23, %scan3A_24 : i32
    %scan3A_26 = arith.constant 1 : i32
    scf.for %scan3A_231 = %scan3A_23 to %scan3A_25 step %scan3A_26  : i32 {
      %mul3A_232 = arith.constant 2 : i32
      %mul3A_233 = arith.muli %scan3A_231, %mul3A_232 : i32
      %mul3A_234 = arith.constant 8192 : i32
      %mul3A_235 = arith.muli %mul3A_233, %mul3A_234 : i32
      %multiple_of3A_236 = tpu.assume_multiple %mul3A_235, 8192 : i32
      %dma_wait3A = tpu.memref_slice %arg2[%add3A_5, %multiple_of3A_236] : memref<64x262144xf32, #tpu.memory_space<hbm>> -> memref<1x8192xf32, #tpu.memory_space<hbm>>
      %dma_wait3A_237 = tpu.memref_squeeze %dma_wait3A : memref<1x8192xf32, #tpu.memory_space<hbm>> -> memref<8192xf32, #tpu.memory_space<hbm>>
      %dma_wait3A_238 = tpu.memref_slice %arg2[%add3A_5, %multiple_of3A_236] : memref<64x262144xf32, #tpu.memory_space<hbm>> -> memref<1x8192xf32, #tpu.memory_space<hbm>>
      %dma_wait3A_239 = tpu.memref_squeeze %dma_wait3A_238 : memref<1x8192xf32, #tpu.memory_space<hbm>> -> memref<8192xf32, #tpu.memory_space<hbm>>
      tpu.wait_dma2 semaphore(%arg9 : memref<!tpu.dma_semaphore, #tpu.memory_space<semaphore_mem>>) src(%dma_wait3A_239 : memref<8192xf32, #tpu.memory_space<hbm>>) dst(%arg4 : memref<8192xf32, #tpu.memory_space<vmem>>)
      %scan3A_240 = arith.constant 0 : i32
      %scan3A_241 = arith.constant 0 : i32
      %scan3A_242 = arith.constant 512 : i32
      %scan3A_243 = arith.addi %scan3A_241, %scan3A_242 : i32
      %scan3A_244 = arith.constant 1 : i32
      %scan3A_245 = scf.for %scan3A_278 = %scan3A_241 to %scan3A_243 step %scan3A_244 iter_args(%scan3A_279 = %scan3A_240) -> (i32)  : i32 {
        %mul3A_280 = arith.constant 16 : i32
        %mul3A_281 = arith.muli %scan3A_278, %mul3A_280 : i32
        %get3A = arith.index_cast %mul3A_281 : i32 to index
        %get3A_282 = tpu.vector_load %arg4[%get3A] {strides = array<i32>} : memref<8192xf32, #tpu.memory_space<vmem>>, vector<16xf32>,
        %bitcast_convert_type3A = tpu.bitcast %get3A_282 : vector<16xf32> -> vector<16xi32>
        %shift_right_logical3A = arith.constant 19 : i32
        %shift_right_logical3A_283 = vector.broadcast %shift_right_logical3A : i32 to vector<16xi32>
        %shift_right_logical3A_284 = arith.shrui %bitcast_convert_type3A, %shift_right_logical3A_283 : vector<16xi32>
        %mul3A_285 = arith.constant 4096 : i32
        %mul3A_286 = vector.broadcast %mul3A_285 : i32 to vector<16xi32>
        %mul3A_287 = arith.muli %iota3A, %mul3A_286 : vector<16xi32>
        %add3A_288 = arith.addi %mul3A_287, %shift_right_logical3A_284 : vector<16xi32>
        tpu.vector_store_idx %arg7[%add3A_288], %broadcast_in_dim3A_1 {add = true} : memref<65536xi32, #tpu.memory_space<vmem>>[vector<16xi32>], vector<16xi32>,
        %scan3A_289 = arith.constant 0 : i32
        scf.yield %scan3A_289 : i32
      }
      %scan3A_246 = arith.constant 512 : i32
      %add3A_247 = arith.constant 2 : i32
      %add3A_248 = arith.addi %mul3A_233, %add3A_247 : i32
      %lt3A = arith.constant 32 : i32
      %lt3A_249 = arith.cmpi slt, %add3A_248, %lt3A : i32
      %convert_element_type3A_250 = arith.extui %lt3A_249 : i1 to i32
      %cond3A_251 = arith.constant 0 : i32
      %cond3A_252 = arith.cmpi ne, %convert_element_type3A_250, %cond3A_251 : i32
      scf.if %cond3A_252 {
        %add3A_278 = arith.constant 2 : i32
        %add3A_279 = arith.addi %mul3A_233, %add3A_278 : i32
        %mul3A_280 = arith.constant 8192 : i32
        %mul3A_281 = arith.muli %add3A_279, %mul3A_280 : i32
        %multiple_of3A_282 = tpu.assume_multiple %mul3A_281, 8192 : i32
        %dma_start3A_283 = tpu.memref_slice %arg2[%add3A_5, %multiple_of3A_282] : memref<64x262144xf32, #tpu.memory_space<hbm>> -> memref<1x8192xf32, #tpu.memory_space<hbm>>
        %dma_start3A_284 = tpu.memref_squeeze %dma_start3A_283 : memref<1x8192xf32, #tpu.memory_space<hbm>> -> memref<8192xf32, #tpu.memory_space<hbm>>
        %dma_start3A_285 = tpu.memref_slice %arg2[%add3A_5, %multiple_of3A_282] : memref<64x262144xf32, #tpu.memory_space<hbm>> -> memref<1x8192xf32, #tpu.memory_space<hbm>>
        %dma_start3A_286 = tpu.memref_squeeze %dma_start3A_285 : memref<1x8192xf32, #tpu.memory_space<hbm>> -> memref<8192xf32, #tpu.memory_space<hbm>>
        tpu.enqueue_dma source(%dma_start3A_286 : memref<8192xf32, #tpu.memory_space<hbm>>) target(%arg4 : memref<8192xf32, #tpu.memory_space<vmem>>) target_semaphore(%arg9 : memref<!tpu.dma_semaphore, #tpu.memory_space<semaphore_mem>>)
      } else {
      }
      %add3A_253 = arith.constant 1 : i32
      %add3A_254 = arith.addi %mul3A_233, %add3A_253 : i32
      %mul3A_255 = arith.constant 8192 : i32
      %mul3A_256 = arith.muli %add3A_254, %mul3A_255 : i32
      %multiple_of3A_257 = tpu.assume_multiple %mul3A_256, 8192 : i32
      %dma_wait3A_258 = tpu.memref_slice %arg2[%add3A_5, %multiple_of3A_257] : memref<64x262144xf32, #tpu.memory_space<hbm>> -> memref<1x8192xf32, #tpu.memory_space<hbm>>
      %dma_wait3A_259 = tpu.memref_squeeze %dma_wait3A_258 : memref<1x8192xf32, #tpu.memory_space<hbm>> -> memref<8192xf32, #tpu.memory_space<hbm>>
      %dma_wait3A_260 = tpu.memref_slice %arg2[%add3A_5, %multiple_of3A_257] : memref<64x262144xf32, #tpu.memory_space<hbm>> -> memref<1x8192xf32, #tpu.memory_space<hbm>>
      %dma_wait3A_261 = tpu.memref_squeeze %dma_wait3A_260 : memref<1x8192xf32, #tpu.memory_space<hbm>> -> memref<8192xf32, #tpu.memory_space<hbm>>
      tpu.wait_dma2 semaphore(%arg10 : memref<!tpu.dma_semaphore, #tpu.memory_space<semaphore_mem>>) src(%dma_wait3A_261 : memref<8192xf32, #tpu.memory_space<hbm>>) dst(%arg5 : memref<8192xf32, #tpu.memory_space<vmem>>)
      %add3A_262 = arith.constant 1 : i32
      %add3A_263 = arith.addi %mul3A_233, %add3A_262 : i32
      %scan3A_264 = arith.constant 0 : i32
      %scan3A_265 = arith.constant 0 : i32
      %scan3A_266 = arith.constant 512 : i32
      %scan3A_267 = arith.addi %scan3A_265, %scan3A_266 : i32
      %scan3A_268 = arith.constant 1 : i32
      %scan3A_269 = scf.for %scan3A_278 = %scan3A_265 to %scan3A_267 step %scan3A_268 iter_args(%scan3A_279 = %scan3A_264) -> (i32)  : i32 {
        %mul3A_280 = arith.constant 16 : i32
        %mul3A_281 = arith.muli %scan3A_278, %mul3A_280 : i32
        %get3A = arith.index_cast %mul3A_281 : i32 to index
        %get3A_282 = tpu.vector_load %arg5[%get3A] {strides = array<i32>} : memref<8192xf32, #tpu.memory_space<vmem>>, vector<16xf32>,
        %bitcast_convert_type3A = tpu.bitcast %get3A_282 : vector<16xf32> -> vector<16xi32>
        %shift_right_logical3A = arith.constant 19 : i32
        %shift_right_logical3A_283 = vector.broadcast %shift_right_logical3A : i32 to vector<16xi32>
        %shift_right_logical3A_284 = arith.shrui %bitcast_convert_type3A, %shift_right_logical3A_283 : vector<16xi32>
        %mul3A_285 = arith.constant 4096 : i32
        %mul3A_286 = vector.broadcast %mul3A_285 : i32 to vector<16xi32>
        %mul3A_287 = arith.muli %iota3A, %mul3A_286 : vector<16xi32>
        %add3A_288 = arith.addi %mul3A_287, %shift_right_logical3A_284 : vector<16xi32>
        tpu.vector_store_idx %arg7[%add3A_288], %broadcast_in_dim3A_1 {add = true} : memref<65536xi32, #tpu.memory_space<vmem>>[vector<16xi32>], vector<16xi32>,
        %scan3A_289 = arith.constant 0 : i32
        scf.yield %scan3A_289 : i32
      }
      %scan3A_270 = arith.constant 512 : i32
      %add3A_271 = arith.constant 3 : i32
      %add3A_272 = arith.addi %mul3A_233, %add3A_271 : i32
      %lt3A_273 = arith.constant 32 : i32
      %lt3A_274 = arith.cmpi slt, %add3A_272, %lt3A_273 : i32
      %convert_element_type3A_275 = arith.extui %lt3A_274 : i1 to i32
      %cond3A_276 = arith.constant 0 : i32
      %cond3A_277 = arith.cmpi ne, %convert_element_type3A_275, %cond3A_276 : i32
      scf.if %cond3A_277 {
        %add3A_278 = arith.constant 3 : i32
        %add3A_279 = arith.addi %mul3A_233, %add3A_278 : i32
        %mul3A_280 = arith.constant 8192 : i32
        %mul3A_281 = arith.muli %add3A_279, %mul3A_280 : i32
        %multiple_of3A_282 = tpu.assume_multiple %mul3A_281, 8192 : i32
        %dma_start3A_283 = tpu.memref_slice %arg2[%add3A_5, %multiple_of3A_282] : memref<64x262144xf32, #tpu.memory_space<hbm>> -> memref<1x8192xf32, #tpu.memory_space<hbm>>
        %dma_start3A_284 = tpu.memref_squeeze %dma_start3A_283 : memref<1x8192xf32, #tpu.memory_space<hbm>> -> memref<8192xf32, #tpu.memory_space<hbm>>
        %dma_start3A_285 = tpu.memref_slice %arg2[%add3A_5, %multiple_of3A_282] : memref<64x262144xf32, #tpu.memory_space<hbm>> -> memref<1x8192xf32, #tpu.memory_space<hbm>>
        %dma_start3A_286 = tpu.memref_squeeze %dma_start3A_285 : memref<1x8192xf32, #tpu.memory_space<hbm>> -> memref<8192xf32, #tpu.memory_space<hbm>>
        tpu.enqueue_dma source(%dma_start3A_286 : memref<8192xf32, #tpu.memory_space<hbm>>) target(%arg5 : memref<8192xf32, #tpu.memory_space<vmem>>) target_semaphore(%arg10 : memref<!tpu.dma_semaphore, #tpu.memory_space<semaphore_mem>>)
      } else {
      }
    }
    %scan3A_27 = arith.constant 16 : i32
    %scan3A_28 = arith.constant 259523 : i32
    %scan3A_29 = arith.constant 0 : i32
    %scan3A_30 = arith.constant 0 : i32
    %scan3A_31 = arith.constant 0 : i32
    %scan3A_32 = arith.constant 0 : i32
    %scan3A_33 = arith.constant 0 : i32
    %scan3A_34 = arith.constant 256 : i32
    %scan3A_35 = arith.addi %scan3A_33, %scan3A_34 : i32
    %scan3A_36 = arith.constant 1 : i32
    %scan3A_37:4 = scf.for %scan3A_231 = %scan3A_33 to %scan3A_35 step %scan3A_36 iter_args(%scan3A_232 = %scan3A_29, %scan3A_233 = %scan3A_30, %scan3A_234 = %scan3A_31, %scan3A_235 = %scan3A_32) -> (i32, i32, i32, i32)  : i32 {
      %broadcast_in_dim3A_236 = arith.constant 0 : i32
      %broadcast_in_dim3A_237 = vector.broadcast %broadcast_in_dim3A_236 : i32 to vector<16xi32>
      %mul3A_238 = arith.constant 16 : i32
      %mul3A_239 = arith.muli %scan3A_231, %mul3A_238 : i32
      %add3A_240 = arith.constant 0 : i32
      %add3A_241 = arith.addi %add3A_240, %mul3A_239 : i32
      %get3A = arith.index_cast %add3A_241 : i32 to index
      %get3A_242 = tpu.vector_load %arg7[%get3A] {strides = array<i32>} : memref<65536xi32, #tpu.memory_space<vmem>>, vector<16xi32>,
      %add3A_243 = arith.addi %broadcast_in_dim3A_237, %get3A_242 : vector<16xi32>
      %mul3A_244 = arith.constant 16 : i32
      %mul3A_245 = arith.muli %scan3A_231, %mul3A_244 : i32
      %add3A_246 = arith.constant 4096 : i32
      %add3A_247 = arith.addi %add3A_246, %mul3A_245 : i32
      %get3A_248 = arith.index_cast %add3A_247 : i32 to index
      %get3A_249 = tpu.vector_load %arg7[%get3A_248] {strides = array<i32>} : memref<65536xi32, #tpu.memory_space<vmem>>, vector<16xi32>,
      %add3A_250 = arith.addi %add3A_243, %get3A_249 : vector<16xi32>
      %mul3A_251 = arith.constant 16 : i32
      %mul3A_252 = arith.muli %scan3A_231, %mul3A_251 : i32
      %add3A_253 = arith.constant 8192 : i32
      %add3A_254 = arith.addi %add3A_253, %mul3A_252 : i32
      %get3A_255 = arith.index_cast %add3A_254 : i32 to index
      %get3A_256 = tpu.vector_load %arg7[%get3A_255] {strides = array<i32>} : memref<65536xi32, #tpu.memory_space<vmem>>, vector<16xi32>,
      %add3A_257 = arith.addi %add3A_250, %get3A_256 : vector<16xi32>
      %mul3A_258 = arith.constant 16 : i32
      %mul3A_259 = arith.muli %scan3A_231, %mul3A_258 : i32
      %add3A_260 = arith.constant 12288 : i32
      %add3A_261 = arith.addi %add3A_260, %mul3A_259 : i32
      %get3A_262 = arith.index_cast %add3A_261 : i32 to index
      %get3A_263 = tpu.vector_load %arg7[%get3A_262] {strides = array<i32>} : memref<65536xi32, #tpu.memory_space<vmem>>, vector<16xi32>,
      %add3A_264 = arith.addi %add3A_257, %get3A_263 : vector<16xi32>
      %mul3A_265 = arith.constant 16 : i32
      %mul3A_266 = arith.muli %scan3A_231, %mul3A_265 : i32
      %add3A_267 = arith.constant 16384 : i32
      %add3A_268 = arith.addi %add3A_267, %mul3A_266 : i32
      %get3A_269 = arith.index_cast %add3A_268 : i32 to index
      %get3A_270 = tpu.vector_load %arg7[%get3A_269] {strides = array<i32>} : memref<65536xi32, #tpu.memory_space<vmem>>, vector<16xi32>,
      %add3A_271 = arith.addi %add3A_264, %get3A_270 : vector<16xi32>
      %mul3A_272 = arith.constant 16 : i32
      %mul3A_273 = arith.muli %scan3A_231, %mul3A_272 : i32
      %add3A_274 = arith.constant 20480 : i32
      %add3A_275 = arith.addi %add3A_274, %mul3A_273 : i32
      %get3A_276 = arith.index_cast %add3A_275 : i32 to index
      %get3A_277 = tpu.vector_load %arg7[%get3A_276] {strides = array<i32>} : memref<65536xi32, #tpu.memory_space<vmem>>, vector<16xi32>,
      %add3A_278 = arith.addi %add3A_271, %get3A_277 : vector<16xi32>
      %mul3A_279 = arith.constant 16 : i32
      %mul3A_280 = arith.muli %scan3A_231, %mul3A_279 : i32
      %add3A_281 = arith.constant 24576 : i32
      %add3A_282 = arith.addi %add3A_281, %mul3A_280 : i32
      %get3A_283 = arith.index_cast %add3A_282 : i32 to index
      %get3A_284 = tpu.vector_load %arg7[%get3A_283] {strides = array<i32>} : memref<65536xi32, #tpu.memory_space<vmem>>, vector<16xi32>,
      %add3A_285 = arith.addi %add3A_278, %get3A_284 : vector<16xi32>
      %mul3A_286 = arith.constant 16 : i32
      %mul3A_287 = arith.muli %scan3A_231, %mul3A_286 : i32
      %add3A_288 = arith.constant 28672 : i32
      %add3A_289 = arith.addi %add3A_288, %mul3A_287 : i32
      %get3A_290 = arith.index_cast %add3A_289 : i32 to index
      %get3A_291 = tpu.vector_load %arg7[%get3A_290] {strides = array<i32>} : memref<65536xi32, #tpu.memory_space<vmem>>, vector<16xi32>,
      %add3A_292 = arith.addi %add3A_285, %get3A_291 : vector<16xi32>
      %mul3A_293 = arith.constant 16 : i32
      %mul3A_294 = arith.muli %scan3A_231, %mul3A_293 : i32
      %add3A_295 = arith.constant 32768 : i32
      %add3A_296 = arith.addi %add3A_295, %mul3A_294 : i32
      %get3A_297 = arith.index_cast %add3A_296 : i32 to index
      %get3A_298 = tpu.vector_load %arg7[%get3A_297] {strides = array<i32>} : memref<65536xi32, #tpu.memory_space<vmem>>, vector<16xi32>,
      %add3A_299 = arith.addi %add3A_292, %get3A_298 : vector<16xi32>
      %mul3A_300 = arith.constant 16 : i32
      %mul3A_301 = arith.muli %scan3A_231, %mul3A_300 : i32
      %add3A_302 = arith.constant 36864 : i32
      %add3A_303 = arith.addi %add3A_302, %mul3A_301 : i32
      %get3A_304 = arith.index_cast %add3A_303 : i32 to index
      %get3A_305 = tpu.vector_load %arg7[%get3A_304] {strides = array<i32>} : memref<65536xi32, #tpu.memory_space<vmem>>, vector<16xi32>,
      %add3A_306 = arith.addi %add3A_299, %get3A_305 : vector<16xi32>
      %mul3A_307 = arith.constant 16 : i32
      %mul3A_308 = arith.muli %scan3A_231, %mul3A_307 : i32
      %add3A_309 = arith.constant 40960 : i32
      %add3A_310 = arith.addi %add3A_309, %mul3A_308 : i32
      %get3A_311 = arith.index_cast %add3A_310 : i32 to index
      %get3A_312 = tpu.vector_load %arg7[%get3A_311] {strides = array<i32>} : memref<65536xi32, #tpu.memory_space<vmem>>, vector<16xi32>,
      %add3A_313 = arith.addi %add3A_306, %get3A_312 : vector<16xi32>
      %mul3A_314 = arith.constant 16 : i32
      %mul3A_315 = arith.muli %scan3A_231, %mul3A_314 : i32
      %add3A_316 = arith.constant 45056 : i32
      %add3A_317 = arith.addi %add3A_316, %mul3A_315 : i32
      %get3A_318 = arith.index_cast %add3A_317 : i32 to index
      %get3A_319 = tpu.vector_load %arg7[%get3A_318] {strides = array<i32>} : memref<65536xi32, #tpu.memory_space<vmem>>, vector<16xi32>,
      %add3A_320 = arith.addi %add3A_313, %get3A_319 : vector<16xi32>
      %mul3A_321 = arith.constant 16 : i32
      %mul3A_322 = arith.muli %scan3A_231, %mul3A_321 : i32
      %add3A_323 = arith.constant 49152 : i32
      %add3A_324 = arith.addi %add3A_323, %mul3A_322 : i32
      %get3A_325 = arith.index_cast %add3A_324 : i32 to index
      %get3A_326 = tpu.vector_load %arg7[%get3A_325] {strides = array<i32>} : memref<65536xi32, #tpu.memory_space<vmem>>, vector<16xi32>,
      %add3A_327 = arith.addi %add3A_320, %get3A_326 : vector<16xi32>
      %mul3A_328 = arith.constant 16 : i32
      %mul3A_329 = arith.muli %scan3A_231, %mul3A_328 : i32
      %add3A_330 = arith.constant 53248 : i32
      %add3A_331 = arith.addi %add3A_330, %mul3A_329 : i32
      %get3A_332 = arith.index_cast %add3A_331 : i32 to index
      %get3A_333 = tpu.vector_load %arg7[%get3A_332] {strides = array<i32>} : memref<65536xi32, #tpu.memory_space<vmem>>, vector<16xi32>,
      %add3A_334 = arith.addi %add3A_327, %get3A_333 : vector<16xi32>
      %mul3A_335 = arith.constant 16 : i32
      %mul3A_336 = arith.muli %scan3A_231, %mul3A_335 : i32
      %add3A_337 = arith.constant 57344 : i32
      %add3A_338 = arith.addi %add3A_337, %mul3A_336 : i32
      %get3A_339 = arith.index_cast %add3A_338 : i32 to index
      %get3A_340 = tpu.vector_load %arg7[%get3A_339] {strides = array<i32>} : memref<65536xi32, #tpu.memory_space<vmem>>, vector<16xi32>,
      %add3A_341 = arith.addi %add3A_334, %get3A_340 : vector<16xi32>
      %mul3A_342 = arith.constant 16 : i32
      %mul3A_343 = arith.muli %scan3A_231, %mul3A_342 : i32
      %add3A_344 = arith.constant 61440 : i32
      %add3A_345 = arith.addi %add3A_344, %mul3A_343 : i32
      %get3A_346 = arith.index_cast %add3A_345 : i32 to index
      %get3A_347 = tpu.vector_load %arg7[%get3A_346] {strides = array<i32>} : memref<65536xi32, #tpu.memory_space<vmem>>, vector<16xi32>,
      %add3A_348 = arith.addi %add3A_341, %get3A_347 : vector<16xi32>
      %broadcast_in_dim3A_349 = arith.constant true
      %broadcast_in_dim3A_350 = vector.broadcast %broadcast_in_dim3A_349 : i1 to vector<16xi1>
      %masked_cumsum3A = tpu.scan <sum>, %add3A_348 masked %broadcast_in_dim3A_350 : vector<16xi32>, vector<16xi1> -> vector<16xi32>
      %add3A_351 = vector.broadcast %scan3A_232 : i32 to vector<16xi32>
      %add3A_352 = arith.addi %masked_cumsum3A, %add3A_351 : vector<16xi32>
      %lt3A = vector.broadcast %scan3A_28 : i32 to vector<16xi32>
      %lt3A_353 = arith.cmpi slt, %add3A_352, %lt3A : vector<16xi32>
      %ge3A = vector.broadcast %scan3A_28 : i32 to vector<16xi32>
      %ge3A_354 = arith.cmpi sge, %add3A_352, %ge3A : vector<16xi32>
      %sub3A_355 = arith.subi %add3A_352, %add3A_348 : vector<16xi32>
      %lt3A_356 = vector.broadcast %scan3A_28 : i32 to vector<16xi32>
      %lt3A_357 = arith.cmpi slt, %sub3A_355, %lt3A_356 : vector<16xi32>
      %and3A = arith.andi %ge3A_354, %lt3A_357 : vector<16xi1>
      %broadcast_in_dim3A_358 = arith.constant 1 : i32
      %broadcast_in_dim3A_359 = vector.broadcast %broadcast_in_dim3A_358 : i32 to vector<16xi32>
      %broadcast_in_dim3A_360 = arith.constant 0 : i32
      %broadcast_in_dim3A_361 = vector.broadcast %broadcast_in_dim3A_360 : i32 to vector<16xi32>
      %select_n3A_362 = arith.select %lt3A_353, %broadcast_in_dim3A_359, %broadcast_in_dim3A_361 : vector<16xi1>, vector<16xi32>
      %reduce_sum3A = arith.constant true
      %reduce_sum3A_363 = vector.broadcast %reduce_sum3A : i1 to vector<16xi1>
      %reduce_sum3A_364 = tpu.scan <sum>, %select_n3A_362 masked %reduce_sum3A_363 : vector<16xi32>, vector<16xi1> -> vector<16xi32>
      %reduce_sum3A_365 = vector.extract %reduce_sum3A_364[15] : i32 from vector<16xi32>
      %add3A_366 = arith.addi %scan3A_233, %reduce_sum3A_365 : i32
      %select_n3A_367 = arith.select %lt3A_353, %add3A_348, %broadcast_in_dim3A_361 : vector<16xi1>, vector<16xi32>
      %reduce_sum3A_368 = arith.constant true
      %reduce_sum3A_369 = vector.broadcast %reduce_sum3A_368 : i1 to vector<16xi1>
      %reduce_sum3A_370 = tpu.scan <sum>, %select_n3A_367 masked %reduce_sum3A_369 : vector<16xi32>, vector<16xi1> -> vector<16xi32>
      %reduce_sum3A_371 = vector.extract %reduce_sum3A_370[15] : i32 from vector<16xi32>
      %add3A_372 = arith.addi %scan3A_234, %reduce_sum3A_371 : i32
      %select_n3A_373 = arith.select %and3A, %add3A_348, %broadcast_in_dim3A_361 : vector<16xi1>, vector<16xi32>
      %reduce_sum3A_374 = arith.constant true
      %reduce_sum3A_375 = vector.broadcast %reduce_sum3A_374 : i1 to vector<16xi1>
      %reduce_sum3A_376 = tpu.scan <sum>, %select_n3A_373 masked %reduce_sum3A_375 : vector<16xi32>, vector<16xi1> -> vector<16xi32>
      %reduce_sum3A_377 = vector.extract %reduce_sum3A_376[15] : i32 from vector<16xi32>
      %add3A_378 = arith.addi %scan3A_235, %reduce_sum3A_377 : i32
      %reduce_sum3A_379 = arith.constant true
      %reduce_sum3A_380 = vector.broadcast %reduce_sum3A_379 : i1 to vector<16xi1>
      %reduce_sum3A_381 = tpu.scan <sum>, %add3A_348 masked %reduce_sum3A_380 : vector<16xi32>, vector<16xi1> -> vector<16xi32>
      %reduce_sum3A_382 = vector.extract %reduce_sum3A_381[15] : i32 from vector<16xi32>
      %add3A_383 = arith.addi %scan3A_232, %reduce_sum3A_382 : i32
      scf.yield %add3A_383, %add3A_366, %add3A_372, %add3A_378 : i32, i32, i32, i32
    }
    %scan3A_38 = arith.constant 256 : i32
    %sub3A = arith.constant 259523 : i32
    %sub3A_39 = arith.subi %sub3A, %scan3A_37#2 : i32
    %le3A = arith.constant 32768 : i32
    %le3A_40 = arith.cmpi sle, %scan3A_37#3, %le3A : i32
    %scan3A_41 = arith.constant 0 : i32
    %scan3A_42 = arith.constant 0 : i32
    %scan3A_43 = arith.constant 256 : i32
    %scan3A_44 = arith.addi %scan3A_42, %scan3A_43 : i32
    %scan3A_45 = arith.constant 1 : i32
    %scan3A_46 = scf.for %scan3A_231 = %scan3A_42 to %scan3A_44 step %scan3A_45 iter_args(%scan3A_232 = %scan3A_41) -> (i32)  : i32 {
      %broadcast_in_dim3A_233 = arith.constant 0 : i32
      %broadcast_in_dim3A_234 = vector.broadcast %broadcast_in_dim3A_233 : i32 to vector<16xi32>
      %mul3A_235 = arith.constant 16 : i32
      %mul3A_236 = arith.muli %scan3A_231, %mul3A_235 : i32
      %add3A_237 = arith.constant 0 : i32
      %add3A_238 = arith.addi %add3A_237, %mul3A_236 : i32
      %swap3A_239 = arith.index_cast %add3A_238 : i32 to index
      %swap3A_240 = tpu.vector_load %arg7[%swap3A_239] {strides = array<i32>} : memref<65536xi32, #tpu.memory_space<vmem>>, vector<16xi32>,
      tpu.vector_store %arg7[%swap3A_239], %broadcast_in_dim3A_234 {strides = array<i32>} : memref<65536xi32, #tpu.memory_space<vmem>>, vector<16xi32>,
      %broadcast_in_dim3A_241 = arith.constant 0 : i32
      %broadcast_in_dim3A_242 = vector.broadcast %broadcast_in_dim3A_241 : i32 to vector<16xi32>
      %mul3A_243 = arith.constant 16 : i32
      %mul3A_244 = arith.muli %scan3A_231, %mul3A_243 : i32
      %add3A_245 = arith.constant 4096 : i32
      %add3A_246 = arith.addi %add3A_245, %mul3A_244 : i32
      %swap3A_247 = arith.index_cast %add3A_246 : i32 to index
      %swap3A_248 = tpu.vector_load %arg7[%swap3A_247] {strides = array<i32>} : memref<65536xi32, #tpu.memory_space<vmem>>, vector<16xi32>,
      tpu.vector_store %arg7[%swap3A_247], %broadcast_in_dim3A_242 {strides = array<i32>} : memref<65536xi32, #tpu.memory_space<vmem>>, vector<16xi32>,
      %broadcast_in_dim3A_249 = arith.constant 0 : i32
      %broadcast_in_dim3A_250 = vector.broadcast %broadcast_in_dim3A_249 : i32 to vector<16xi32>
      %mul3A_251 = arith.constant 16 : i32
      %mul3A_252 = arith.muli %scan3A_231, %mul3A_251 : i32
      %add3A_253 = arith.constant 8192 : i32
      %add3A_254 = arith.addi %add3A_253, %mul3A_252 : i32
      %swap3A_255 = arith.index_cast %add3A_254 : i32 to index
      %swap3A_256 = tpu.vector_load %arg7[%swap3A_255] {strides = array<i32>} : memref<65536xi32, #tpu.memory_space<vmem>>, vector<16xi32>,
      tpu.vector_store %arg7[%swap3A_255], %broadcast_in_dim3A_250 {strides = array<i32>} : memref<65536xi32, #tpu.memory_space<vmem>>, vector<16xi32>,
      %broadcast_in_dim3A_257 = arith.constant 0 : i32
      %broadcast_in_dim3A_258 = vector.broadcast %broadcast_in_dim3A_257 : i32 to vector<16xi32>
      %mul3A_259 = arith.constant 16 : i32
      %mul3A_260 = arith.muli %scan3A_231, %mul3A_259 : i32
      %add3A_261 = arith.constant 12288 : i32
      %add3A_262 = arith.addi %add3A_261, %mul3A_260 : i32
      %swap3A_263 = arith.index_cast %add3A_262 : i32 to index
      %swap3A_264 = tpu.vector_load %arg7[%swap3A_263] {strides = array<i32>} : memref<65536xi32, #tpu.memory_space<vmem>>, vector<16xi32>,
      tpu.vector_store %arg7[%swap3A_263], %broadcast_in_dim3A_258 {strides = array<i32>} : memref<65536xi32, #tpu.memory_space<vmem>>, vector<16xi32>,
      %broadcast_in_dim3A_265 = arith.constant 0 : i32
      %broadcast_in_dim3A_266 = vector.broadcast %broadcast_in_dim3A_265 : i32 to vector<16xi32>
      %mul3A_267 = arith.constant 16 : i32
      %mul3A_268 = arith.muli %scan3A_231, %mul3A_267 : i32
      %add3A_269 = arith.constant 16384 : i32
      %add3A_270 = arith.addi %add3A_269, %mul3A_268 : i32
      %swap3A_271 = arith.index_cast %add3A_270 : i32 to index
      %swap3A_272 = tpu.vector_load %arg7[%swap3A_271] {strides = array<i32>} : memref<65536xi32, #tpu.memory_space<vmem>>, vector<16xi32>,
      tpu.vector_store %arg7[%swap3A_271], %broadcast_in_dim3A_266 {strides = array<i32>} : memref<65536xi32, #tpu.memory_space<vmem>>, vector<16xi32>,
      %broadcast_in_dim3A_273 = arith.constant 0 : i32
      %broadcast_in_dim3A_274 = vector.broadcast %broadcast_in_dim3A_273 : i32 to vector<16xi32>
      %mul3A_275 = arith.constant 16 : i32
      %mul3A_276 = arith.muli %scan3A_231, %mul3A_275 : i32
      %add3A_277 = arith.constant 20480 : i32
      %add3A_278 = arith.addi %add3A_277, %mul3A_276 : i32
      %swap3A_279 = arith.index_cast %add3A_278 : i32 to index
      %swap3A_280 = tpu.vector_load %arg7[%swap3A_279] {strides = array<i32>} : memref<65536xi32, #tpu.memory_space<vmem>>, vector<16xi32>,
      tpu.vector_store %arg7[%swap3A_279], %broadcast_in_dim3A_274 {strides = array<i32>} : memref<65536xi32, #tpu.memory_space<vmem>>, vector<16xi32>,
      %broadcast_in_dim3A_281 = arith.constant 0 : i32
      %broadcast_in_dim3A_282 = vector.broadcast %broadcast_in_dim3A_281 : i32 to vector<16xi32>
      %mul3A_283 = arith.constant 16 : i32
      %mul3A_284 = arith.muli %scan3A_231, %mul3A_283 : i32
      %add3A_285 = arith.constant 24576 : i32
      %add3A_286 = arith.addi %add3A_285, %mul3A_284 : i32
      %swap3A_287 = arith.index_cast %add3A_286 : i32 to index
      %swap3A_288 = tpu.vector_load %arg7[%swap3A_287] {strides = array<i32>} : memref<65536xi32, #tpu.memory_space<vmem>>, vector<16xi32>,
      tpu.vector_store %arg7[%swap3A_287], %broadcast_in_dim3A_282 {strides = array<i32>} : memref<65536xi32, #tpu.memory_space<vmem>>, vector<16xi32>,
      %broadcast_in_dim3A_289 = arith.constant 0 : i32
      %broadcast_in_dim3A_290 = vector.broadcast %broadcast_in_dim3A_289 : i32 to vector<16xi32>
      %mul3A_291 = arith.constant 16 : i32
      %mul3A_292 = arith.muli %scan3A_231, %mul3A_291 : i32
      %add3A_293 = arith.constant 28672 : i32
      %add3A_294 = arith.addi %add3A_293, %mul3A_292 : i32
      %swap3A_295 = arith.index_cast %add3A_294 : i32 to index
      %swap3A_296 = tpu.vector_load %arg7[%swap3A_295] {strides = array<i32>} : memref<65536xi32, #tpu.memory_space<vmem>>, vector<16xi32>,
      tpu.vector_store %arg7[%swap3A_295], %broadcast_in_dim3A_290 {strides = array<i32>} : memref<65536xi32, #tpu.memory_space<vmem>>, vector<16xi32>,
      %broadcast_in_dim3A_297 = arith.constant 0 : i32
      %broadcast_in_dim3A_298 = vector.broadcast %broadcast_in_dim3A_297 : i32 to vector<16xi32>
      %mul3A_299 = arith.constant 16 : i32
      %mul3A_300 = arith.muli %scan3A_231, %mul3A_299 : i32
      %add3A_301 = arith.constant 32768 : i32
      %add3A_302 = arith.addi %add3A_301, %mul3A_300 : i32
      %swap3A_303 = arith.index_cast %add3A_302 : i32 to index
      %swap3A_304 = tpu.vector_load %arg7[%swap3A_303] {strides = array<i32>} : memref<65536xi32, #tpu.memory_space<vmem>>, vector<16xi32>,
      tpu.vector_store %arg7[%swap3A_303], %broadcast_in_dim3A_298 {strides = array<i32>} : memref<65536xi32, #tpu.memory_space<vmem>>, vector<16xi32>,
      %broadcast_in_dim3A_305 = arith.constant 0 : i32
      %broadcast_in_dim3A_306 = vector.broadcast %broadcast_in_dim3A_305 : i32 to vector<16xi32>
      %mul3A_307 = arith.constant 16 : i32
      %mul3A_308 = arith.muli %scan3A_231, %mul3A_307 : i32
      %add3A_309 = arith.constant 36864 : i32
      %add3A_310 = arith.addi %add3A_309, %mul3A_308 : i32
      %swap3A_311 = arith.index_cast %add3A_310 : i32 to index
      %swap3A_312 = tpu.vector_load %arg7[%swap3A_311] {strides = array<i32>} : memref<65536xi32, #tpu.memory_space<vmem>>, vector<16xi32>,
      tpu.vector_store %arg7[%swap3A_311], %broadcast_in_dim3A_306 {strides = array<i32>} : memref<65536xi32, #tpu.memory_space<vmem>>, vector<16xi32>,
      %broadcast_in_dim3A_313 = arith.constant 0 : i32
      %broadcast_in_dim3A_314 = vector.broadcast %broadcast_in_dim3A_313 : i32 to vector<16xi32>
      %mul3A_315 = arith.constant 16 : i32
      %mul3A_316 = arith.muli %scan3A_231, %mul3A_315 : i32
      %add3A_317 = arith.constant 40960 : i32
      %add3A_318 = arith.addi %add3A_317, %mul3A_316 : i32
      %swap3A_319 = arith.index_cast %add3A_318 : i32 to index
      %swap3A_320 = tpu.vector_load %arg7[%swap3A_319] {strides = array<i32>} : memref<65536xi32, #tpu.memory_space<vmem>>, vector<16xi32>,
      tpu.vector_store %arg7[%swap3A_319], %broadcast_in_dim3A_314 {strides = array<i32>} : memref<65536xi32, #tpu.memory_space<vmem>>, vector<16xi32>,
      %broadcast_in_dim3A_321 = arith.constant 0 : i32
      %broadcast_in_dim3A_322 = vector.broadcast %broadcast_in_dim3A_321 : i32 to vector<16xi32>
      %mul3A_323 = arith.constant 16 : i32
      %mul3A_324 = arith.muli %scan3A_231, %mul3A_323 : i32
      %add3A_325 = arith.constant 45056 : i32
      %add3A_326 = arith.addi %add3A_325, %mul3A_324 : i32
      %swap3A_327 = arith.index_cast %add3A_326 : i32 to index
      %swap3A_328 = tpu.vector_load %arg7[%swap3A_327] {strides = array<i32>} : memref<65536xi32, #tpu.memory_space<vmem>>, vector<16xi32>,
      tpu.vector_store %arg7[%swap3A_327], %broadcast_in_dim3A_322 {strides = array<i32>} : memref<65536xi32, #tpu.memory_space<vmem>>, vector<16xi32>,
      %broadcast_in_dim3A_329 = arith.constant 0 : i32
      %broadcast_in_dim3A_330 = vector.broadcast %broadcast_in_dim3A_329 : i32 to vector<16xi32>
      %mul3A_331 = arith.constant 16 : i32
      %mul3A_332 = arith.muli %scan3A_231, %mul3A_331 : i32
      %add3A_333 = arith.constant 49152 : i32
      %add3A_334 = arith.addi %add3A_333, %mul3A_332 : i32
      %swap3A_335 = arith.index_cast %add3A_334 : i32 to index
      %swap3A_336 = tpu.vector_load %arg7[%swap3A_335] {strides = array<i32>} : memref<65536xi32, #tpu.memory_space<vmem>>, vector<16xi32>,
      tpu.vector_store %arg7[%swap3A_335], %broadcast_in_dim3A_330 {strides = array<i32>} : memref<65536xi32, #tpu.memory_space<vmem>>, vector<16xi32>,
      %broadcast_in_dim3A_337 = arith.constant 0 : i32
      %broadcast_in_dim3A_338 = vector.broadcast %broadcast_in_dim3A_337 : i32 to vector<16xi32>
      %mul3A_339 = arith.constant 16 : i32
      %mul3A_340 = arith.muli %scan3A_231, %mul3A_339 : i32
      %add3A_341 = arith.constant 53248 : i32
      %add3A_342 = arith.addi %add3A_341, %mul3A_340 : i32
      %swap3A_343 = arith.index_cast %add3A_342 : i32 to index
      %swap3A_344 = tpu.vector_load %arg7[%swap3A_343] {strides = array<i32>} : memref<65536xi32, #tpu.memory_space<vmem>>, vector<16xi32>,
      tpu.vector_store %arg7[%swap3A_343], %broadcast_in_dim3A_338 {strides = array<i32>} : memref<65536xi32, #tpu.memory_space<vmem>>, vector<16xi32>,
      %broadcast_in_dim3A_345 = arith.constant 0 : i32
      %broadcast_in_dim3A_346 = vector.broadcast %broadcast_in_dim3A_345 : i32 to vector<16xi32>
      %mul3A_347 = arith.constant 16 : i32
      %mul3A_348 = arith.muli %scan3A_231, %mul3A_347 : i32
      %add3A_349 = arith.constant 57344 : i32
      %add3A_350 = arith.addi %add3A_349, %mul3A_348 : i32
      %swap3A_351 = arith.index_cast %add3A_350 : i32 to index
      %swap3A_352 = tpu.vector_load %arg7[%swap3A_351] {strides = array<i32>} : memref<65536xi32, #tpu.memory_space<vmem>>, vector<16xi32>,
      tpu.vector_store %arg7[%swap3A_351], %broadcast_in_dim3A_346 {strides = array<i32>} : memref<65536xi32, #tpu.memory_space<vmem>>, vector<16xi32>,
      %broadcast_in_dim3A_353 = arith.constant 0 : i32
      %broadcast_in_dim3A_354 = vector.broadcast %broadcast_in_dim3A_353 : i32 to vector<16xi32>
      %mul3A_355 = arith.constant 16 : i32
      %mul3A_356 = arith.muli %scan3A_231, %mul3A_355 : i32
      %add3A_357 = arith.constant 61440 : i32
      %add3A_358 = arith.addi %add3A_357, %mul3A_356 : i32
      %swap3A_359 = arith.index_cast %add3A_358 : i32 to index
      %swap3A_360 = tpu.vector_load %arg7[%swap3A_359] {strides = array<i32>} : memref<65536xi32, #tpu.memory_space<vmem>>, vector<16xi32>,
      tpu.vector_store %arg7[%swap3A_359], %broadcast_in_dim3A_354 {strides = array<i32>} : memref<65536xi32, #tpu.memory_space<vmem>>, vector<16xi32>,
      %scan3A_361 = arith.constant 0 : i32
      scf.yield %scan3A_361 : i32
    }
    %scan3A_47 = arith.constant 256 : i32
    %multiple_of3A_48 = arith.constant 0 : i32
    %multiple_of3A_49 = tpu.assume_multiple %multiple_of3A_48, 8192 : i32
    %dma_start3A_50 = tpu.memref_slice %arg2[%add3A_5, %multiple_of3A_49] : memref<64x262144xf32, #tpu.memory_space<hbm>> -> memref<1x8192xf32, #tpu.memory_space<hbm>>
    %dma_start3A_51 = tpu.memref_squeeze %dma_start3A_50 : memref<1x8192xf32, #tpu.memory_space<hbm>> -> memref<8192xf32, #tpu.memory_space<hbm>>
    %dma_start3A_52 = tpu.memref_slice %arg2[%add3A_5, %multiple_of3A_49] : memref<64x262144xf32, #tpu.memory_space<hbm>> -> memref<1x8192xf32, #tpu.memory_space<hbm>>
    %dma_start3A_53 = tpu.memref_squeeze %dma_start3A_52 : memref<1x8192xf32, #tpu.memory_space<hbm>> -> memref<8192xf32, #tpu.memory_space<hbm>>
    tpu.enqueue_dma source(%dma_start3A_53 : memref<8192xf32, #tpu.memory_space<hbm>>) target(%arg4 : memref<8192xf32, #tpu.memory_space<vmem>>) target_semaphore(%arg9 : memref<!tpu.dma_semaphore, #tpu.memory_space<semaphore_mem>>)
    %multiple_of3A_54 = arith.constant 8192 : i32
    %multiple_of3A_55 = tpu.assume_multiple %multiple_of3A_54, 8192 : i32
    %dma_start3A_56 = tpu.memref_slice %arg2[%add3A_5, %multiple_of3A_55] : memref<64x262144xf32, #tpu.memory_space<hbm>> -> memref<1x8192xf32, #tpu.memory_space<hbm>>
    %dma_start3A_57 = tpu.memref_squeeze %dma_start3A_56 : memref<1x8192xf32, #tpu.memory_space<hbm>> -> memref<8192xf32, #tpu.memory_space<hbm>>
    %dma_start3A_58 = tpu.memref_slice %arg2[%add3A_5, %multiple_of3A_55] : memref<64x262144xf32, #tpu.memory_space<hbm>> -> memref<1x8192xf32, #tpu.memory_space<hbm>>
    %dma_start3A_59 = tpu.memref_squeeze %dma_start3A_58 : memref<1x8192xf32, #tpu.memory_space<hbm>> -> memref<8192xf32, #tpu.memory_space<hbm>>
    tpu.enqueue_dma source(%dma_start3A_59 : memref<8192xf32, #tpu.memory_space<hbm>>) target(%arg5 : memref<8192xf32, #tpu.memory_space<vmem>>) target_semaphore(%arg10 : memref<!tpu.dma_semaphore, #tpu.memory_space<semaphore_mem>>)
    %scan3A_60 = arith.constant 0 : i32
    %scan3A_61 = arith.constant 0 : i32
    %scan3A_62 = arith.constant 16 : i32
    %scan3A_63 = arith.addi %scan3A_61, %scan3A_62 : i32
    %scan3A_64 = arith.constant 1 : i32
    %scan3A_65 = scf.for %scan3A_231 = %scan3A_61 to %scan3A_63 step %scan3A_64 iter_args(%scan3A_232 = %scan3A_60) -> (i32)  : i32 {
      %mul3A_233 = arith.constant 2 : i32
      %mul3A_234 = arith.muli %scan3A_231, %mul3A_233 : i32
      %mul3A_235 = arith.constant 8192 : i32
      %mul3A_236 = arith.muli %mul3A_234, %mul3A_235 : i32
      %multiple_of3A_237 = tpu.assume_multiple %mul3A_236, 8192 : i32
      %dma_wait3A = tpu.memref_slice %arg2[%add3A_5, %multiple_of3A_237] : memref<64x262144xf32, #tpu.memory_space<hbm>> -> memref<1x8192xf32, #tpu.memory_space<hbm>>
      %dma_wait3A_238 = tpu.memref_squeeze %dma_wait3A : memref<1x8192xf32, #tpu.memory_space<hbm>> -> memref<8192xf32, #tpu.memory_space<hbm>>
      %dma_wait3A_239 = tpu.memref_slice %arg2[%add3A_5, %multiple_of3A_237] : memref<64x262144xf32, #tpu.memory_space<hbm>> -> memref<1x8192xf32, #tpu.memory_space<hbm>>
      %dma_wait3A_240 = tpu.memref_squeeze %dma_wait3A_239 : memref<1x8192xf32, #tpu.memory_space<hbm>> -> memref<8192xf32, #tpu.memory_space<hbm>>
      tpu.wait_dma2 semaphore(%arg9 : memref<!tpu.dma_semaphore, #tpu.memory_space<semaphore_mem>>) src(%dma_wait3A_240 : memref<8192xf32, #tpu.memory_space<hbm>>) dst(%arg4 : memref<8192xf32, #tpu.memory_space<vmem>>)
      %scan3A_241 = arith.constant 0 : i32
      %scan3A_242 = arith.constant 512 : i32
      %scan3A_243 = arith.addi %scan3A_241, %scan3A_242 : i32
      %scan3A_244 = arith.constant 1 : i32
      %scan3A_245 = scf.for %scan3A_277 = %scan3A_241 to %scan3A_243 step %scan3A_244 iter_args(%scan3A_278 = %scan3A_232) -> (i32)  : i32 {
        %mul3A_279 = arith.constant 16 : i32
        %mul3A_280 = arith.muli %scan3A_277, %mul3A_279 : i32
        %get3A = arith.index_cast %mul3A_280 : i32 to index
        %get3A_281 = tpu.vector_load %arg4[%get3A] {strides = array<i32>} : memref<8192xf32, #tpu.memory_space<vmem>>, vector<16xf32>,
        %bitcast_convert_type3A = tpu.bitcast %get3A_281 : vector<16xf32> -> vector<16xi32>
        %shift_right_logical3A = arith.constant 19 : i32
        %shift_right_logical3A_282 = vector.broadcast %shift_right_logical3A : i32 to vector<16xi32>
        %shift_right_logical3A_283 = arith.shrui %bitcast_convert_type3A, %shift_right_logical3A_282 : vector<16xi32>
        %eq3A_284 = vector.broadcast %scan3A_37#1 : i32 to vector<16xi32>
        %eq3A_285 = arith.cmpi eq, %shift_right_logical3A_283, %eq3A_284 : vector<16xi32>
        %shift_right_logical3A_286 = arith.constant 7 : i32
        %shift_right_logical3A_287 = vector.broadcast %shift_right_logical3A_286 : i32 to vector<16xi32>
        %shift_right_logical3A_288 = arith.shrui %bitcast_convert_type3A, %shift_right_logical3A_287 : vector<16xi32>
        %and3A = arith.constant 4095 : i32
        %and3A_289 = vector.broadcast %and3A : i32 to vector<16xi32>
        %and3A_290 = arith.andi %shift_right_logical3A_288, %and3A_289 : vector<16xi32>
        %mul3A_291 = arith.constant 4096 : i32
        %mul3A_292 = vector.broadcast %mul3A_291 : i32 to vector<16xi32>
        %mul3A_293 = arith.muli %iota3A, %mul3A_292 : vector<16xi32>
        %add3A_294 = arith.addi %mul3A_293, %and3A_290 : vector<16xi32>
        tpu.vector_store_idx %arg7[%add3A_294], %broadcast_in_dim3A_1 masked %eq3A_285 {add = true} : memref<65536xi32, #tpu.memory_space<vmem>>[vector<16xi32>], vector<16xi32>, vector<16xi1>
        %convert_element_type3A_295 = arith.extui %le3A_40 : i1 to i32
        %cond3A_296 = arith.constant 0 : i32
        %cond3A_297 = arith.cmpi ne, %convert_element_type3A_295, %cond3A_296 : i32
        scf.if %cond3A_297 {
          %swap3A_305 = arith.index_cast %scan3A_278 : i32 to index
          %swap3A_306 = tpu.vector_load %arg6[%swap3A_305] masked %eq3A_285 {strides = array<i32>} : memref<32784xi32, #tpu.memory_space<vmem>>, vector<16xi32>, vector<16xi1>
          tpu.vector_store %arg6[%swap3A_305], %bitcast_convert_type3A masked %eq3A_285 {strides = array<i32>} : memref<32784xi32, #tpu.memory_space<vmem>>, vector<16xi32>, vector<16xi1>
        } else {
        }
        %broadcast_in_dim3A_298 = arith.constant 0 : i32
        %broadcast_in_dim3A_299 = vector.broadcast %broadcast_in_dim3A_298 : i32 to vector<16xi32>
        %select_n3A_300 = arith.select %eq3A_285, %broadcast_in_dim3A_1, %broadcast_in_dim3A_299 : vector<16xi1>, vector<16xi32>
        %reduce_sum3A = arith.constant true
        %reduce_sum3A_301 = vector.broadcast %reduce_sum3A : i1 to vector<16xi1>
        %reduce_sum3A_302 = tpu.scan <sum>, %select_n3A_300 masked %reduce_sum3A_301 : vector<16xi32>, vector<16xi1> -> vector<16xi32>
        %reduce_sum3A_303 = vector.extract %reduce_sum3A_302[15] : i32 from vector<16xi32>
        %add3A_304 = arith.addi %scan3A_278, %reduce_sum3A_303 : i32
        scf.yield %add3A_304 : i32
      }
      %scan3A_246 = arith.constant 512 : i32
      %add3A_247 = arith.constant 2 : i32
      %add3A_248 = arith.addi %mul3A_234, %add3A_247 : i32
      %lt3A = arith.constant 32 : i32
      %lt3A_249 = arith.cmpi slt, %add3A_248, %lt3A : i32
      %convert_element_type3A_250 = arith.extui %lt3A_249 : i1 to i32
      %cond3A_251 = arith.constant 0 : i32
      %cond3A_252 = arith.cmpi ne, %convert_element_type3A_250, %cond3A_251 : i32
      scf.if %cond3A_252 {
        %add3A_277 = arith.constant 2 : i32
        %add3A_278 = arith.addi %mul3A_234, %add3A_277 : i32
        %mul3A_279 = arith.constant 8192 : i32
        %mul3A_280 = arith.muli %add3A_278, %mul3A_279 : i32
        %multiple_of3A_281 = tpu.assume_multiple %mul3A_280, 8192 : i32
        %dma_start3A_282 = tpu.memref_slice %arg2[%add3A_5, %multiple_of3A_281] : memref<64x262144xf32, #tpu.memory_space<hbm>> -> memref<1x8192xf32, #tpu.memory_space<hbm>>
        %dma_start3A_283 = tpu.memref_squeeze %dma_start3A_282 : memref<1x8192xf32, #tpu.memory_space<hbm>> -> memref<8192xf32, #tpu.memory_space<hbm>>
        %dma_start3A_284 = tpu.memref_slice %arg2[%add3A_5, %multiple_of3A_281] : memref<64x262144xf32, #tpu.memory_space<hbm>> -> memref<1x8192xf32, #tpu.memory_space<hbm>>
        %dma_start3A_285 = tpu.memref_squeeze %dma_start3A_284 : memref<1x8192xf32, #tpu.memory_space<hbm>> -> memref<8192xf32, #tpu.memory_space<hbm>>
        tpu.enqueue_dma source(%dma_start3A_285 : memref<8192xf32, #tpu.memory_space<hbm>>) target(%arg4 : memref<8192xf32, #tpu.memory_space<vmem>>) target_semaphore(%arg9 : memref<!tpu.dma_semaphore, #tpu.memory_space<semaphore_mem>>)
      } else {
      }
      %add3A_253 = arith.constant 1 : i32
      %add3A_254 = arith.addi %mul3A_234, %add3A_253 : i32
      %mul3A_255 = arith.constant 8192 : i32
      %mul3A_256 = arith.muli %add3A_254, %mul3A_255 : i32
      %multiple_of3A_257 = tpu.assume_multiple %mul3A_256, 8192 : i32
      %dma_wait3A_258 = tpu.memref_slice %arg2[%add3A_5, %multiple_of3A_257] : memref<64x262144xf32, #tpu.memory_space<hbm>> -> memref<1x8192xf32, #tpu.memory_space<hbm>>
      %dma_wait3A_259 = tpu.memref_squeeze %dma_wait3A_258 : memref<1x8192xf32, #tpu.memory_space<hbm>> -> memref<8192xf32, #tpu.memory_space<hbm>>
      %dma_wait3A_260 = tpu.memref_slice %arg2[%add3A_5, %multiple_of3A_257] : memref<64x262144xf32, #tpu.memory_space<hbm>> -> memref<1x8192xf32, #tpu.memory_space<hbm>>
      %dma_wait3A_261 = tpu.memref_squeeze %dma_wait3A_260 : memref<1x8192xf32, #tpu.memory_space<hbm>> -> memref<8192xf32, #tpu.memory_space<hbm>>
      tpu.wait_dma2 semaphore(%arg10 : memref<!tpu.dma_semaphore, #tpu.memory_space<semaphore_mem>>) src(%dma_wait3A_261 : memref<8192xf32, #tpu.memory_space<hbm>>) dst(%arg5 : memref<8192xf32, #tpu.memory_space<vmem>>)
      %add3A_262 = arith.constant 1 : i32
      %add3A_263 = arith.addi %mul3A_234, %add3A_262 : i32
      %scan3A_264 = arith.constant 0 : i32
      %scan3A_265 = arith.constant 512 : i32
      %scan3A_266 = arith.addi %scan3A_264, %scan3A_265 : i32
      %scan3A_267 = arith.constant 1 : i32
      %scan3A_268 = scf.for %scan3A_277 = %scan3A_264 to %scan3A_266 step %scan3A_267 iter_args(%scan3A_278 = %scan3A_245) -> (i32)  : i32 {
        %mul3A_279 = arith.constant 16 : i32
        %mul3A_280 = arith.muli %scan3A_277, %mul3A_279 : i32
        %get3A = arith.index_cast %mul3A_280 : i32 to index
        %get3A_281 = tpu.vector_load %arg5[%get3A] {strides = array<i32>} : memref<8192xf32, #tpu.memory_space<vmem>>, vector<16xf32>,
        %bitcast_convert_type3A = tpu.bitcast %get3A_281 : vector<16xf32> -> vector<16xi32>
        %shift_right_logical3A = arith.constant 19 : i32
        %shift_right_logical3A_282 = vector.broadcast %shift_right_logical3A : i32 to vector<16xi32>
        %shift_right_logical3A_283 = arith.shrui %bitcast_convert_type3A, %shift_right_logical3A_282 : vector<16xi32>
        %eq3A_284 = vector.broadcast %scan3A_37#1 : i32 to vector<16xi32>
        %eq3A_285 = arith.cmpi eq, %shift_right_logical3A_283, %eq3A_284 : vector<16xi32>
        %shift_right_logical3A_286 = arith.constant 7 : i32
        %shift_right_logical3A_287 = vector.broadcast %shift_right_logical3A_286 : i32 to vector<16xi32>
        %shift_right_logical3A_288 = arith.shrui %bitcast_convert_type3A, %shift_right_logical3A_287 : vector<16xi32>
        %and3A = arith.constant 4095 : i32
        %and3A_289 = vector.broadcast %and3A : i32 to vector<16xi32>
        %and3A_290 = arith.andi %shift_right_logical3A_288, %and3A_289 : vector<16xi32>
        %mul3A_291 = arith.constant 4096 : i32
        %mul3A_292 = vector.broadcast %mul3A_291 : i32 to vector<16xi32>
        %mul3A_293 = arith.muli %iota3A, %mul3A_292 : vector<16xi32>
        %add3A_294 = arith.addi %mul3A_293, %and3A_290 : vector<16xi32>
        tpu.vector_store_idx %arg7[%add3A_294], %broadcast_in_dim3A_1 masked %eq3A_285 {add = true} : memref<65536xi32, #tpu.memory_space<vmem>>[vector<16xi32>], vector<16xi32>, vector<16xi1>
        %convert_element_type3A_295 = arith.extui %le3A_40 : i1 to i32
        %cond3A_296 = arith.constant 0 : i32
        %cond3A_297 = arith.cmpi ne, %convert_element_type3A_295, %cond3A_296 : i32
        scf.if %cond3A_297 {
          %swap3A_305 = arith.index_cast %scan3A_278 : i32 to index
          %swap3A_306 = tpu.vector_load %arg6[%swap3A_305] masked %eq3A_285 {strides = array<i32>} : memref<32784xi32, #tpu.memory_space<vmem>>, vector<16xi32>, vector<16xi1>
          tpu.vector_store %arg6[%swap3A_305], %bitcast_convert_type3A masked %eq3A_285 {strides = array<i32>} : memref<32784xi32, #tpu.memory_space<vmem>>, vector<16xi32>, vector<16xi1>
        } else {
        }
        %broadcast_in_dim3A_298 = arith.constant 0 : i32
        %broadcast_in_dim3A_299 = vector.broadcast %broadcast_in_dim3A_298 : i32 to vector<16xi32>
        %select_n3A_300 = arith.select %eq3A_285, %broadcast_in_dim3A_1, %broadcast_in_dim3A_299 : vector<16xi1>, vector<16xi32>
        %reduce_sum3A = arith.constant true
        %reduce_sum3A_301 = vector.broadcast %reduce_sum3A : i1 to vector<16xi1>
        %reduce_sum3A_302 = tpu.scan <sum>, %select_n3A_300 masked %reduce_sum3A_301 : vector<16xi32>, vector<16xi1> -> vector<16xi32>
        %reduce_sum3A_303 = vector.extract %reduce_sum3A_302[15] : i32 from vector<16xi32>
        %add3A_304 = arith.addi %scan3A_278, %reduce_sum3A_303 : i32
        scf.yield %add3A_304 : i32
      }
      %scan3A_269 = arith.constant 512 : i32
      %add3A_270 = arith.constant 3 : i32
      %add3A_271 = arith.addi %mul3A_234, %add3A_270 : i32
      %lt3A_272 = arith.constant 32 : i32
      %lt3A_273 = arith.cmpi slt, %add3A_271, %lt3A_272 : i32
      %convert_element_type3A_274 = arith.extui %lt3A_273 : i1 to i32
      %cond3A_275 = arith.constant 0 : i32
      %cond3A_276 = arith.cmpi ne, %convert_element_type3A_274, %cond3A_275 : i32
      scf.if %cond3A_276 {
        %add3A_277 = arith.constant 3 : i32
        %add3A_278 = arith.addi %mul3A_234, %add3A_277 : i32
        %mul3A_279 = arith.constant 8192 : i32
        %mul3A_280 = arith.muli %add3A_278, %mul3A_279 : i32
        %multiple_of3A_281 = tpu.assume_multiple %mul3A_280, 8192 : i32
        %dma_start3A_282 = tpu.memref_slice %arg2[%add3A_5, %multiple_of3A_281] : memref<64x262144xf32, #tpu.memory_space<hbm>> -> memref<1x8192xf32, #tpu.memory_space<hbm>>
        %dma_start3A_283 = tpu.memref_squeeze %dma_start3A_282 : memref<1x8192xf32, #tpu.memory_space<hbm>> -> memref<8192xf32, #tpu.memory_space<hbm>>
        %dma_start3A_284 = tpu.memref_slice %arg2[%add3A_5, %multiple_of3A_281] : memref<64x262144xf32, #tpu.memory_space<hbm>> -> memref<1x8192xf32, #tpu.memory_space<hbm>>
        %dma_start3A_285 = tpu.memref_squeeze %dma_start3A_284 : memref<1x8192xf32, #tpu.memory_space<hbm>> -> memref<8192xf32, #tpu.memory_space<hbm>>
        tpu.enqueue_dma source(%dma_start3A_285 : memref<8192xf32, #tpu.memory_space<hbm>>) target(%arg5 : memref<8192xf32, #tpu.memory_space<vmem>>) target_semaphore(%arg10 : memref<!tpu.dma_semaphore, #tpu.memory_space<semaphore_mem>>)
      } else {
      }
      scf.yield %scan3A_268 : i32
    }
    %scan3A_66 = arith.constant 16 : i32
    %scan3A_67 = arith.constant 0 : i32
    %scan3A_68 = arith.constant 0 : i32
    %scan3A_69 = arith.constant 0 : i32
    %scan3A_70 = arith.constant 0 : i32
    %scan3A_71 = arith.constant 0 : i32
    %scan3A_72 = arith.constant 256 : i32
    %scan3A_73 = arith.addi %scan3A_71, %scan3A_72 : i32
    %scan3A_74 = arith.constant 1 : i32
    %scan3A_75:4 = scf.for %scan3A_231 = %scan3A_71 to %scan3A_73 step %scan3A_74 iter_args(%scan3A_232 = %scan3A_67, %scan3A_233 = %scan3A_68, %scan3A_234 = %scan3A_69, %scan3A_235 = %scan3A_70) -> (i32, i32, i32, i32)  : i32 {
      %broadcast_in_dim3A_236 = arith.constant 0 : i32
      %broadcast_in_dim3A_237 = vector.broadcast %broadcast_in_dim3A_236 : i32 to vector<16xi32>
      %mul3A_238 = arith.constant 16 : i32
      %mul3A_239 = arith.muli %scan3A_231, %mul3A_238 : i32
      %add3A_240 = arith.constant 0 : i32
      %add3A_241 = arith.addi %add3A_240, %mul3A_239 : i32
      %get3A = arith.index_cast %add3A_241 : i32 to index
      %get3A_242 = tpu.vector_load %arg7[%get3A] {strides = array<i32>} : memref<65536xi32, #tpu.memory_space<vmem>>, vector<16xi32>,
      %add3A_243 = arith.addi %broadcast_in_dim3A_237, %get3A_242 : vector<16xi32>
      %mul3A_244 = arith.constant 16 : i32
      %mul3A_245 = arith.muli %scan3A_231, %mul3A_244 : i32
      %add3A_246 = arith.constant 4096 : i32
      %add3A_247 = arith.addi %add3A_246, %mul3A_245 : i32
      %get3A_248 = arith.index_cast %add3A_247 : i32 to index
      %get3A_249 = tpu.vector_load %arg7[%get3A_248] {strides = array<i32>} : memref<65536xi32, #tpu.memory_space<vmem>>, vector<16xi32>,
      %add3A_250 = arith.addi %add3A_243, %get3A_249 : vector<16xi32>
      %mul3A_251 = arith.constant 16 : i32
      %mul3A_252 = arith.muli %scan3A_231, %mul3A_251 : i32
      %add3A_253 = arith.constant 8192 : i32
      %add3A_254 = arith.addi %add3A_253, %mul3A_252 : i32
      %get3A_255 = arith.index_cast %add3A_254 : i32 to index
      %get3A_256 = tpu.vector_load %arg7[%get3A_255] {strides = array<i32>} : memref<65536xi32, #tpu.memory_space<vmem>>, vector<16xi32>,
      %add3A_257 = arith.addi %add3A_250, %get3A_256 : vector<16xi32>
      %mul3A_258 = arith.constant 16 : i32
      %mul3A_259 = arith.muli %scan3A_231, %mul3A_258 : i32
      %add3A_260 = arith.constant 12288 : i32
      %add3A_261 = arith.addi %add3A_260, %mul3A_259 : i32
      %get3A_262 = arith.index_cast %add3A_261 : i32 to index
      %get3A_263 = tpu.vector_load %arg7[%get3A_262] {strides = array<i32>} : memref<65536xi32, #tpu.memory_space<vmem>>, vector<16xi32>,
      %add3A_264 = arith.addi %add3A_257, %get3A_263 : vector<16xi32>
      %mul3A_265 = arith.constant 16 : i32
      %mul3A_266 = arith.muli %scan3A_231, %mul3A_265 : i32
      %add3A_267 = arith.constant 16384 : i32
      %add3A_268 = arith.addi %add3A_267, %mul3A_266 : i32
      %get3A_269 = arith.index_cast %add3A_268 : i32 to index
      %get3A_270 = tpu.vector_load %arg7[%get3A_269] {strides = array<i32>} : memref<65536xi32, #tpu.memory_space<vmem>>, vector<16xi32>,
      %add3A_271 = arith.addi %add3A_264, %get3A_270 : vector<16xi32>
      %mul3A_272 = arith.constant 16 : i32
      %mul3A_273 = arith.muli %scan3A_231, %mul3A_272 : i32
      %add3A_274 = arith.constant 20480 : i32
      %add3A_275 = arith.addi %add3A_274, %mul3A_273 : i32
      %get3A_276 = arith.index_cast %add3A_275 : i32 to index
      %get3A_277 = tpu.vector_load %arg7[%get3A_276] {strides = array<i32>} : memref<65536xi32, #tpu.memory_space<vmem>>, vector<16xi32>,
      %add3A_278 = arith.addi %add3A_271, %get3A_277 : vector<16xi32>
      %mul3A_279 = arith.constant 16 : i32
      %mul3A_280 = arith.muli %scan3A_231, %mul3A_279 : i32
      %add3A_281 = arith.constant 24576 : i32
      %add3A_282 = arith.addi %add3A_281, %mul3A_280 : i32
      %get3A_283 = arith.index_cast %add3A_282 : i32 to index
      %get3A_284 = tpu.vector_load %arg7[%get3A_283] {strides = array<i32>} : memref<65536xi32, #tpu.memory_space<vmem>>, vector<16xi32>,
      %add3A_285 = arith.addi %add3A_278, %get3A_284 : vector<16xi32>
      %mul3A_286 = arith.constant 16 : i32
      %mul3A_287 = arith.muli %scan3A_231, %mul3A_286 : i32
      %add3A_288 = arith.constant 28672 : i32
      %add3A_289 = arith.addi %add3A_288, %mul3A_287 : i32
      %get3A_290 = arith.index_cast %add3A_289 : i32 to index
      %get3A_291 = tpu.vector_load %arg7[%get3A_290] {strides = array<i32>} : memref<65536xi32, #tpu.memory_space<vmem>>, vector<16xi32>,
      %add3A_292 = arith.addi %add3A_285, %get3A_291 : vector<16xi32>
      %mul3A_293 = arith.constant 16 : i32
      %mul3A_294 = arith.muli %scan3A_231, %mul3A_293 : i32
      %add3A_295 = arith.constant 32768 : i32
      %add3A_296 = arith.addi %add3A_295, %mul3A_294 : i32
      %get3A_297 = arith.index_cast %add3A_296 : i32 to index
      %get3A_298 = tpu.vector_load %arg7[%get3A_297] {strides = array<i32>} : memref<65536xi32, #tpu.memory_space<vmem>>, vector<16xi32>,
      %add3A_299 = arith.addi %add3A_292, %get3A_298 : vector<16xi32>
      %mul3A_300 = arith.constant 16 : i32
      %mul3A_301 = arith.muli %scan3A_231, %mul3A_300 : i32
      %add3A_302 = arith.constant 36864 : i32
      %add3A_303 = arith.addi %add3A_302, %mul3A_301 : i32
      %get3A_304 = arith.index_cast %add3A_303 : i32 to index
      %get3A_305 = tpu.vector_load %arg7[%get3A_304] {strides = array<i32>} : memref<65536xi32, #tpu.memory_space<vmem>>, vector<16xi32>,
      %add3A_306 = arith.addi %add3A_299, %get3A_305 : vector<16xi32>
      %mul3A_307 = arith.constant 16 : i32
      %mul3A_308 = arith.muli %scan3A_231, %mul3A_307 : i32
      %add3A_309 = arith.constant 40960 : i32
      %add3A_310 = arith.addi %add3A_309, %mul3A_308 : i32
      %get3A_311 = arith.index_cast %add3A_310 : i32 to index
      %get3A_312 = tpu.vector_load %arg7[%get3A_311] {strides = array<i32>} : memref<65536xi32, #tpu.memory_space<vmem>>, vector<16xi32>,
      %add3A_313 = arith.addi %add3A_306, %get3A_312 : vector<16xi32>
      %mul3A_314 = arith.constant 16 : i32
      %mul3A_315 = arith.muli %scan3A_231, %mul3A_314 : i32
      %add3A_316 = arith.constant 45056 : i32
      %add3A_317 = arith.addi %add3A_316, %mul3A_315 : i32
      %get3A_318 = arith.index_cast %add3A_317 : i32 to index
      %get3A_319 = tpu.vector_load %arg7[%get3A_318] {strides = array<i32>} : memref<65536xi32, #tpu.memory_space<vmem>>, vector<16xi32>,
      %add3A_320 = arith.addi %add3A_313, %get3A_319 : vector<16xi32>
      %mul3A_321 = arith.constant 16 : i32
      %mul3A_322 = arith.muli %scan3A_231, %mul3A_321 : i32
      %add3A_323 = arith.constant 49152 : i32
      %add3A_324 = arith.addi %add3A_323, %mul3A_322 : i32
      %get3A_325 = arith.index_cast %add3A_324 : i32 to index
      %get3A_326 = tpu.vector_load %arg7[%get3A_325] {strides = array<i32>} : memref<65536xi32, #tpu.memory_space<vmem>>, vector<16xi32>,
      %add3A_327 = arith.addi %add3A_320, %get3A_326 : vector<16xi32>
      %mul3A_328 = arith.constant 16 : i32
      %mul3A_329 = arith.muli %scan3A_231, %mul3A_328 : i32
      %add3A_330 = arith.constant 53248 : i32
      %add3A_331 = arith.addi %add3A_330, %mul3A_329 : i32
      %get3A_332 = arith.index_cast %add3A_331 : i32 to index
      %get3A_333 = tpu.vector_load %arg7[%get3A_332] {strides = array<i32>} : memref<65536xi32, #tpu.memory_space<vmem>>, vector<16xi32>,
      %add3A_334 = arith.addi %add3A_327, %get3A_333 : vector<16xi32>
      %mul3A_335 = arith.constant 16 : i32
      %mul3A_336 = arith.muli %scan3A_231, %mul3A_335 : i32
      %add3A_337 = arith.constant 57344 : i32
      %add3A_338 = arith.addi %add3A_337, %mul3A_336 : i32
      %get3A_339 = arith.index_cast %add3A_338 : i32 to index
      %get3A_340 = tpu.vector_load %arg7[%get3A_339] {strides = array<i32>} : memref<65536xi32, #tpu.memory_space<vmem>>, vector<16xi32>,
      %add3A_341 = arith.addi %add3A_334, %get3A_340 : vector<16xi32>
      %mul3A_342 = arith.constant 16 : i32
      %mul3A_343 = arith.muli %scan3A_231, %mul3A_342 : i32
      %add3A_344 = arith.constant 61440 : i32
      %add3A_345 = arith.addi %add3A_344, %mul3A_343 : i32
      %get3A_346 = arith.index_cast %add3A_345 : i32 to index
      %get3A_347 = tpu.vector_load %arg7[%get3A_346] {strides = array<i32>} : memref<65536xi32, #tpu.memory_space<vmem>>, vector<16xi32>,
      %add3A_348 = arith.addi %add3A_341, %get3A_347 : vector<16xi32>
      %broadcast_in_dim3A_349 = arith.constant true
      %broadcast_in_dim3A_350 = vector.broadcast %broadcast_in_dim3A_349 : i1 to vector<16xi1>
      %masked_cumsum3A = tpu.scan <sum>, %add3A_348 masked %broadcast_in_dim3A_350 : vector<16xi32>, vector<16xi1> -> vector<16xi32>
      %add3A_351 = vector.broadcast %scan3A_232 : i32 to vector<16xi32>
      %add3A_352 = arith.addi %masked_cumsum3A, %add3A_351 : vector<16xi32>
      %lt3A = vector.broadcast %sub3A_39 : i32 to vector<16xi32>
      %lt3A_353 = arith.cmpi slt, %add3A_352, %lt3A : vector<16xi32>
      %ge3A = vector.broadcast %sub3A_39 : i32 to vector<16xi32>
      %ge3A_354 = arith.cmpi sge, %add3A_352, %ge3A : vector<16xi32>
      %sub3A_355 = arith.subi %add3A_352, %add3A_348 : vector<16xi32>
      %lt3A_356 = vector.broadcast %sub3A_39 : i32 to vector<16xi32>
      %lt3A_357 = arith.cmpi slt, %sub3A_355, %lt3A_356 : vector<16xi32>
      %and3A = arith.andi %ge3A_354, %lt3A_357 : vector<16xi1>
      %broadcast_in_dim3A_358 = arith.constant 1 : i32
      %broadcast_in_dim3A_359 = vector.broadcast %broadcast_in_dim3A_358 : i32 to vector<16xi32>
      %broadcast_in_dim3A_360 = arith.constant 0 : i32
      %broadcast_in_dim3A_361 = vector.broadcast %broadcast_in_dim3A_360 : i32 to vector<16xi32>
      %select_n3A_362 = arith.select %lt3A_353, %broadcast_in_dim3A_359, %broadcast_in_dim3A_361 : vector<16xi1>, vector<16xi32>
      %reduce_sum3A = arith.constant true
      %reduce_sum3A_363 = vector.broadcast %reduce_sum3A : i1 to vector<16xi1>
      %reduce_sum3A_364 = tpu.scan <sum>, %select_n3A_362 masked %reduce_sum3A_363 : vector<16xi32>, vector<16xi1> -> vector<16xi32>
      %reduce_sum3A_365 = vector.extract %reduce_sum3A_364[15] : i32 from vector<16xi32>
      %add3A_366 = arith.addi %scan3A_233, %reduce_sum3A_365 : i32
      %select_n3A_367 = arith.select %lt3A_353, %add3A_348, %broadcast_in_dim3A_361 : vector<16xi1>, vector<16xi32>
      %reduce_sum3A_368 = arith.constant true
      %reduce_sum3A_369 = vector.broadcast %reduce_sum3A_368 : i1 to vector<16xi1>
      %reduce_sum3A_370 = tpu.scan <sum>, %select_n3A_367 masked %reduce_sum3A_369 : vector<16xi32>, vector<16xi1> -> vector<16xi32>
      %reduce_sum3A_371 = vector.extract %reduce_sum3A_370[15] : i32 from vector<16xi32>
      %add3A_372 = arith.addi %scan3A_234, %reduce_sum3A_371 : i32
      %select_n3A_373 = arith.select %and3A, %add3A_348, %broadcast_in_dim3A_361 : vector<16xi1>, vector<16xi32>
      %reduce_sum3A_374 = arith.constant true
      %reduce_sum3A_375 = vector.broadcast %reduce_sum3A_374 : i1 to vector<16xi1>
      %reduce_sum3A_376 = tpu.scan <sum>, %select_n3A_373 masked %reduce_sum3A_375 : vector<16xi32>, vector<16xi1> -> vector<16xi32>
      %reduce_sum3A_377 = vector.extract %reduce_sum3A_376[15] : i32 from vector<16xi32>
      %add3A_378 = arith.addi %scan3A_235, %reduce_sum3A_377 : i32
      %reduce_sum3A_379 = arith.constant true
      %reduce_sum3A_380 = vector.broadcast %reduce_sum3A_379 : i1 to vector<16xi1>
      %reduce_sum3A_381 = tpu.scan <sum>, %add3A_348 masked %reduce_sum3A_380 : vector<16xi32>, vector<16xi1> -> vector<16xi32>
      %reduce_sum3A_382 = vector.extract %reduce_sum3A_381[15] : i32 from vector<16xi32>
      %add3A_383 = arith.addi %scan3A_232, %reduce_sum3A_382 : i32
      scf.yield %add3A_383, %add3A_366, %add3A_372, %add3A_378 : i32, i32, i32, i32
    }
    %scan3A_76 = arith.constant 256 : i32
    %sub3A_77 = arith.subi %sub3A_39, %scan3A_75#2 : i32
    %mul3A_78 = arith.constant 4096 : i32
    %mul3A_79 = arith.muli %scan3A_37#1, %mul3A_78 : i32
    %add3A_80 = arith.addi %mul3A_79, %scan3A_75#1 : i32
    %scan3A_81 = arith.constant 0 : i32
    %scan3A_82 = arith.constant 0 : i32
    %scan3A_83 = arith.constant 8 : i32
    %scan3A_84 = arith.addi %scan3A_82, %scan3A_83 : i32
    %scan3A_85 = arith.constant 1 : i32
    %scan3A_86 = scf.for %scan3A_231 = %scan3A_82 to %scan3A_84 step %scan3A_85 iter_args(%scan3A_232 = %scan3A_81) -> (i32)  : i32 {
      %broadcast_in_dim3A_233 = arith.constant 0 : i32
      %broadcast_in_dim3A_234 = vector.broadcast %broadcast_in_dim3A_233 : i32 to vector<16xi32>
      %mul3A_235 = arith.constant 16 : i32
      %mul3A_236 = arith.muli %scan3A_231, %mul3A_235 : i32
      %add3A_237 = arith.constant 0 : i32
      %add3A_238 = arith.addi %add3A_237, %mul3A_236 : i32
      %swap3A_239 = arith.index_cast %add3A_238 : i32 to index
      %swap3A_240 = tpu.vector_load %arg7[%swap3A_239] {strides = array<i32>} : memref<65536xi32, #tpu.memory_space<vmem>>, vector<16xi32>,
      tpu.vector_store %arg7[%swap3A_239], %broadcast_in_dim3A_234 {strides = array<i32>} : memref<65536xi32, #tpu.memory_space<vmem>>, vector<16xi32>,
      %broadcast_in_dim3A_241 = arith.constant 0 : i32
      %broadcast_in_dim3A_242 = vector.broadcast %broadcast_in_dim3A_241 : i32 to vector<16xi32>
      %mul3A_243 = arith.constant 16 : i32
      %mul3A_244 = arith.muli %scan3A_231, %mul3A_243 : i32
      %add3A_245 = arith.constant 4096 : i32
      %add3A_246 = arith.addi %add3A_245, %mul3A_244 : i32
      %swap3A_247 = arith.index_cast %add3A_246 : i32 to index
      %swap3A_248 = tpu.vector_load %arg7[%swap3A_247] {strides = array<i32>} : memref<65536xi32, #tpu.memory_space<vmem>>, vector<16xi32>,
      tpu.vector_store %arg7[%swap3A_247], %broadcast_in_dim3A_242 {strides = array<i32>} : memref<65536xi32, #tpu.memory_space<vmem>>, vector<16xi32>,
      %broadcast_in_dim3A_249 = arith.constant 0 : i32
      %broadcast_in_dim3A_250 = vector.broadcast %broadcast_in_dim3A_249 : i32 to vector<16xi32>
      %mul3A_251 = arith.constant 16 : i32
      %mul3A_252 = arith.muli %scan3A_231, %mul3A_251 : i32
      %add3A_253 = arith.constant 8192 : i32
      %add3A_254 = arith.addi %add3A_253, %mul3A_252 : i32
      %swap3A_255 = arith.index_cast %add3A_254 : i32 to index
      %swap3A_256 = tpu.vector_load %arg7[%swap3A_255] {strides = array<i32>} : memref<65536xi32, #tpu.memory_space<vmem>>, vector<16xi32>,
      tpu.vector_store %arg7[%swap3A_255], %broadcast_in_dim3A_250 {strides = array<i32>} : memref<65536xi32, #tpu.memory_space<vmem>>, vector<16xi32>,
      %broadcast_in_dim3A_257 = arith.constant 0 : i32
      %broadcast_in_dim3A_258 = vector.broadcast %broadcast_in_dim3A_257 : i32 to vector<16xi32>
      %mul3A_259 = arith.constant 16 : i32
      %mul3A_260 = arith.muli %scan3A_231, %mul3A_259 : i32
      %add3A_261 = arith.constant 12288 : i32
      %add3A_262 = arith.addi %add3A_261, %mul3A_260 : i32
      %swap3A_263 = arith.index_cast %add3A_262 : i32 to index
      %swap3A_264 = tpu.vector_load %arg7[%swap3A_263] {strides = array<i32>} : memref<65536xi32, #tpu.memory_space<vmem>>, vector<16xi32>,
      tpu.vector_store %arg7[%swap3A_263], %broadcast_in_dim3A_258 {strides = array<i32>} : memref<65536xi32, #tpu.memory_space<vmem>>, vector<16xi32>,
      %broadcast_in_dim3A_265 = arith.constant 0 : i32
      %broadcast_in_dim3A_266 = vector.broadcast %broadcast_in_dim3A_265 : i32 to vector<16xi32>
      %mul3A_267 = arith.constant 16 : i32
      %mul3A_268 = arith.muli %scan3A_231, %mul3A_267 : i32
      %add3A_269 = arith.constant 16384 : i32
      %add3A_270 = arith.addi %add3A_269, %mul3A_268 : i32
      %swap3A_271 = arith.index_cast %add3A_270 : i32 to index
      %swap3A_272 = tpu.vector_load %arg7[%swap3A_271] {strides = array<i32>} : memref<65536xi32, #tpu.memory_space<vmem>>, vector<16xi32>,
      tpu.vector_store %arg7[%swap3A_271], %broadcast_in_dim3A_266 {strides = array<i32>} : memref<65536xi32, #tpu.memory_space<vmem>>, vector<16xi32>,
      %broadcast_in_dim3A_273 = arith.constant 0 : i32
      %broadcast_in_dim3A_274 = vector.broadcast %broadcast_in_dim3A_273 : i32 to vector<16xi32>
      %mul3A_275 = arith.constant 16 : i32
      %mul3A_276 = arith.muli %scan3A_231, %mul3A_275 : i32
      %add3A_277 = arith.constant 20480 : i32
      %add3A_278 = arith.addi %add3A_277, %mul3A_276 : i32
      %swap3A_279 = arith.index_cast %add3A_278 : i32 to index
      %swap3A_280 = tpu.vector_load %arg7[%swap3A_279] {strides = array<i32>} : memref<65536xi32, #tpu.memory_space<vmem>>, vector<16xi32>,
      tpu.vector_store %arg7[%swap3A_279], %broadcast_in_dim3A_274 {strides = array<i32>} : memref<65536xi32, #tpu.memory_space<vmem>>, vector<16xi32>,
      %broadcast_in_dim3A_281 = arith.constant 0 : i32
      %broadcast_in_dim3A_282 = vector.broadcast %broadcast_in_dim3A_281 : i32 to vector<16xi32>
      %mul3A_283 = arith.constant 16 : i32
      %mul3A_284 = arith.muli %scan3A_231, %mul3A_283 : i32
      %add3A_285 = arith.constant 24576 : i32
      %add3A_286 = arith.addi %add3A_285, %mul3A_284 : i32
      %swap3A_287 = arith.index_cast %add3A_286 : i32 to index
      %swap3A_288 = tpu.vector_load %arg7[%swap3A_287] {strides = array<i32>} : memref<65536xi32, #tpu.memory_space<vmem>>, vector<16xi32>,
      tpu.vector_store %arg7[%swap3A_287], %broadcast_in_dim3A_282 {strides = array<i32>} : memref<65536xi32, #tpu.memory_space<vmem>>, vector<16xi32>,
      %broadcast_in_dim3A_289 = arith.constant 0 : i32
      %broadcast_in_dim3A_290 = vector.broadcast %broadcast_in_dim3A_289 : i32 to vector<16xi32>
      %mul3A_291 = arith.constant 16 : i32
      %mul3A_292 = arith.muli %scan3A_231, %mul3A_291 : i32
      %add3A_293 = arith.constant 28672 : i32
      %add3A_294 = arith.addi %add3A_293, %mul3A_292 : i32
      %swap3A_295 = arith.index_cast %add3A_294 : i32 to index
      %swap3A_296 = tpu.vector_load %arg7[%swap3A_295] {strides = array<i32>} : memref<65536xi32, #tpu.memory_space<vmem>>, vector<16xi32>,
      tpu.vector_store %arg7[%swap3A_295], %broadcast_in_dim3A_290 {strides = array<i32>} : memref<65536xi32, #tpu.memory_space<vmem>>, vector<16xi32>,
      %broadcast_in_dim3A_297 = arith.constant 0 : i32
      %broadcast_in_dim3A_298 = vector.broadcast %broadcast_in_dim3A_297 : i32 to vector<16xi32>
      %mul3A_299 = arith.constant 16 : i32
      %mul3A_300 = arith.muli %scan3A_231, %mul3A_299 : i32
      %add3A_301 = arith.constant 32768 : i32
      %add3A_302 = arith.addi %add3A_301, %mul3A_300 : i32
      %swap3A_303 = arith.index_cast %add3A_302 : i32 to index
      %swap3A_304 = tpu.vector_load %arg7[%swap3A_303] {strides = array<i32>} : memref<65536xi32, #tpu.memory_space<vmem>>, vector<16xi32>,
      tpu.vector_store %arg7[%swap3A_303], %broadcast_in_dim3A_298 {strides = array<i32>} : memref<65536xi32, #tpu.memory_space<vmem>>, vector<16xi32>,
      %broadcast_in_dim3A_305 = arith.constant 0 : i32
      %broadcast_in_dim3A_306 = vector.broadcast %broadcast_in_dim3A_305 : i32 to vector<16xi32>
      %mul3A_307 = arith.constant 16 : i32
      %mul3A_308 = arith.muli %scan3A_231, %mul3A_307 : i32
      %add3A_309 = arith.constant 36864 : i32
      %add3A_310 = arith.addi %add3A_309, %mul3A_308 : i32
      %swap3A_311 = arith.index_cast %add3A_310 : i32 to index
      %swap3A_312 = tpu.vector_load %arg7[%swap3A_311] {strides = array<i32>} : memref<65536xi32, #tpu.memory_space<vmem>>, vector<16xi32>,
      tpu.vector_store %arg7[%swap3A_311], %broadcast_in_dim3A_306 {strides = array<i32>} : memref<65536xi32, #tpu.memory_space<vmem>>, vector<16xi32>,
      %broadcast_in_dim3A_313 = arith.constant 0 : i32
      %broadcast_in_dim3A_314 = vector.broadcast %broadcast_in_dim3A_313 : i32 to vector<16xi32>
      %mul3A_315 = arith.constant 16 : i32
      %mul3A_316 = arith.muli %scan3A_231, %mul3A_315 : i32
      %add3A_317 = arith.constant 40960 : i32
      %add3A_318 = arith.addi %add3A_317, %mul3A_316 : i32
      %swap3A_319 = arith.index_cast %add3A_318 : i32 to index
      %swap3A_320 = tpu.vector_load %arg7[%swap3A_319] {strides = array<i32>} : memref<65536xi32, #tpu.memory_space<vmem>>, vector<16xi32>,
      tpu.vector_store %arg7[%swap3A_319], %broadcast_in_dim3A_314 {strides = array<i32>} : memref<65536xi32, #tpu.memory_space<vmem>>, vector<16xi32>,
      %broadcast_in_dim3A_321 = arith.constant 0 : i32
      %broadcast_in_dim3A_322 = vector.broadcast %broadcast_in_dim3A_321 : i32 to vector<16xi32>
      %mul3A_323 = arith.constant 16 : i32
      %mul3A_324 = arith.muli %scan3A_231, %mul3A_323 : i32
      %add3A_325 = arith.constant 45056 : i32
      %add3A_326 = arith.addi %add3A_325, %mul3A_324 : i32
      %swap3A_327 = arith.index_cast %add3A_326 : i32 to index
      %swap3A_328 = tpu.vector_load %arg7[%swap3A_327] {strides = array<i32>} : memref<65536xi32, #tpu.memory_space<vmem>>, vector<16xi32>,
      tpu.vector_store %arg7[%swap3A_327], %broadcast_in_dim3A_322 {strides = array<i32>} : memref<65536xi32, #tpu.memory_space<vmem>>, vector<16xi32>,
      %broadcast_in_dim3A_329 = arith.constant 0 : i32
      %broadcast_in_dim3A_330 = vector.broadcast %broadcast_in_dim3A_329 : i32 to vector<16xi32>
      %mul3A_331 = arith.constant 16 : i32
      %mul3A_332 = arith.muli %scan3A_231, %mul3A_331 : i32
      %add3A_333 = arith.constant 49152 : i32
      %add3A_334 = arith.addi %add3A_333, %mul3A_332 : i32
      %swap3A_335 = arith.index_cast %add3A_334 : i32 to index
      %swap3A_336 = tpu.vector_load %arg7[%swap3A_335] {strides = array<i32>} : memref<65536xi32, #tpu.memory_space<vmem>>, vector<16xi32>,
      tpu.vector_store %arg7[%swap3A_335], %broadcast_in_dim3A_330 {strides = array<i32>} : memref<65536xi32, #tpu.memory_space<vmem>>, vector<16xi32>,
      %broadcast_in_dim3A_337 = arith.constant 0 : i32
      %broadcast_in_dim3A_338 = vector.broadcast %broadcast_in_dim3A_337 : i32 to vector<16xi32>
      %mul3A_339 = arith.constant 16 : i32
      %mul3A_340 = arith.muli %scan3A_231, %mul3A_339 : i32
      %add3A_341 = arith.constant 53248 : i32
      %add3A_342 = arith.addi %add3A_341, %mul3A_340 : i32
      %swap3A_343 = arith.index_cast %add3A_342 : i32 to index
      %swap3A_344 = tpu.vector_load %arg7[%swap3A_343] {strides = array<i32>} : memref<65536xi32, #tpu.memory_space<vmem>>, vector<16xi32>,
      tpu.vector_store %arg7[%swap3A_343], %broadcast_in_dim3A_338 {strides = array<i32>} : memref<65536xi32, #tpu.memory_space<vmem>>, vector<16xi32>,
      %broadcast_in_dim3A_345 = arith.constant 0 : i32
      %broadcast_in_dim3A_346 = vector.broadcast %broadcast_in_dim3A_345 : i32 to vector<16xi32>
      %mul3A_347 = arith.constant 16 : i32
      %mul3A_348 = arith.muli %scan3A_231, %mul3A_347 : i32
      %add3A_349 = arith.constant 57344 : i32
      %add3A_350 = arith.addi %add3A_349, %mul3A_348 : i32
      %swap3A_351 = arith.index_cast %add3A_350 : i32 to index
      %swap3A_352 = tpu.vector_load %arg7[%swap3A_351] {strides = array<i32>} : memref<65536xi32, #tpu.memory_space<vmem>>, vector<16xi32>,
      tpu.vector_store %arg7[%swap3A_351], %broadcast_in_dim3A_346 {strides = array<i32>} : memref<65536xi32, #tpu.memory_space<vmem>>, vector<16xi32>,
      %broadcast_in_dim3A_353 = arith.constant 0 : i32
      %broadcast_in_dim3A_354 = vector.broadcast %broadcast_in_dim3A_353 : i32 to vector<16xi32>
      %mul3A_355 = arith.constant 16 : i32
      %mul3A_356 = arith.muli %scan3A_231, %mul3A_355 : i32
      %add3A_357 = arith.constant 61440 : i32
      %add3A_358 = arith.addi %add3A_357, %mul3A_356 : i32
      %swap3A_359 = arith.index_cast %add3A_358 : i32 to index
      %swap3A_360 = tpu.vector_load %arg7[%swap3A_359] {strides = array<i32>} : memref<65536xi32, #tpu.memory_space<vmem>>, vector<16xi32>,
      tpu.vector_store %arg7[%swap3A_359], %broadcast_in_dim3A_354 {strides = array<i32>} : memref<65536xi32, #tpu.memory_space<vmem>>, vector<16xi32>,
      %scan3A_361 = arith.constant 0 : i32
      scf.yield %scan3A_361 : i32
    }
    %scan3A_87 = arith.constant 8 : i32
    %convert_element_type3A = arith.extui %le3A_40 : i1 to i32
    %cond3A = arith.constant 0 : i32
    %cond3A_88 = arith.cmpi ne, %convert_element_type3A, %cond3A : i32
    scf.if %cond3A_88 {
      %add3A_231 = arith.constant 15 : i32
      %add3A_232 = arith.addi %scan3A_37#3, %add3A_231 : i32
      %jit3A = arith.constant 16 : i32
      %div3A = arith.divsi %add3A_232, %jit3A : i32
      %sign3A = arith.constant 0 : i32
      %sign3A_233 = arith.cmpi sgt, %add3A_232, %sign3A : i32
      %sign3A_234 = arith.extui %sign3A_233 : i1 to i32
      %sign3A_235 = arith.constant 0 : i32
      %sign3A_236 = arith.cmpi slt, %add3A_232, %sign3A_235 : i32
      %sign3A_237 = arith.extui %sign3A_236 : i1 to i32
      %sign3A_238 = arith.subi %sign3A_234, %sign3A_237 : i32
      %sign3A_239 = arith.constant 0 : i32
      %sign3A_240 = arith.cmpi sgt, %jit3A, %sign3A_239 : i32
      %sign3A_241 = arith.extui %sign3A_240 : i1 to i32
      %sign3A_242 = arith.constant 0 : i32
      %sign3A_243 = arith.cmpi slt, %jit3A, %sign3A_242 : i32
      %sign3A_244 = arith.extui %sign3A_243 : i1 to i32
      %sign3A_245 = arith.subi %sign3A_241, %sign3A_244 : i32
      %ne3A = arith.cmpi ne, %sign3A_238, %sign3A_245 : i32
      %rem3A = arith.remsi %add3A_232, %jit3A : i32
      %ne3A_246 = arith.constant 0 : i32
      %ne3A_247 = arith.cmpi ne, %rem3A, %ne3A_246 : i32
      %and3A = arith.andi %ne3A, %ne3A_247 : i1
      %sub3A_248 = arith.constant 1 : i32
      %sub3A_249 = arith.subi %div3A, %sub3A_248 : i32
      %select_n3A_250 = arith.select %and3A, %sub3A_249, %div3A : i32
      %while3A = arith.constant 0 : i32
      %while3A_251 = arith.constant 0 : i32
      %while3A_252 = arith.subi %select_n3A_250, %while3A : i32
      %while3A_253 = arith.addi %while3A, %while3A_252 : i32
      %while3A_254 = arith.constant 1 : i32
      %while3A_255 = arith.divsi %while3A_252, %while3A_254 : i32
      %while3A_256 = arith.muli %while3A_255, %while3A_254 : i32
      %while3A_257 = arith.addi %while3A, %while3A_256 : i32
      %while3A_258 = arith.constant 1 : i32
      %while3A_259 = scf.for %while3A_262 = %while3A to %while3A_257 step %while3A_258 iter_args(%while3A_263 = %while3A_251) -> (i32)  : i32 {
        %mul3A_264 = arith.constant 16 : i32
        %mul3A_265 = arith.muli %while3A_262, %mul3A_264 : i32
        %get3A = arith.index_cast %mul3A_265 : i32 to index
        %get3A_266 = tpu.vector_load %arg6[%get3A] {strides = array<i32>} : memref<32784xi32, #tpu.memory_space<vmem>>, vector<16xi32>,
        %mul3A_267 = arith.constant 16 : i32
        %mul3A_268 = arith.muli %while3A_262, %mul3A_267 : i32
        %add3A_269 = vector.broadcast %mul3A_268 : i32 to vector<16xi32>
        %add3A_270 = arith.addi %add3A_269, %iota3A : vector<16xi32>
        %lt3A = vector.broadcast %scan3A_37#3 : i32 to vector<16xi32>
        %lt3A_271 = arith.cmpi slt, %add3A_270, %lt3A : vector<16xi32>
        %shift_right_logical3A = arith.constant 7 : i32
        %shift_right_logical3A_272 = vector.broadcast %shift_right_logical3A : i32 to vector<16xi32>
        %shift_right_logical3A_273 = arith.shrui %get3A_266, %shift_right_logical3A_272 : vector<16xi32>
        %eq3A_274 = vector.broadcast %add3A_80 : i32 to vector<16xi32>
        %eq3A_275 = arith.cmpi eq, %shift_right_logical3A_273, %eq3A_274 : vector<16xi32>
        %and3A_276 = arith.andi %eq3A_275, %lt3A_271 : vector<16xi1>
        %and3A_277 = arith.constant 127 : i32
        %and3A_278 = vector.broadcast %and3A_277 : i32 to vector<16xi32>
        %and3A_279 = arith.andi %get3A_266, %and3A_278 : vector<16xi32>
        %mul3A_280 = arith.constant 4096 : i32
        %mul3A_281 = vector.broadcast %mul3A_280 : i32 to vector<16xi32>
        %mul3A_282 = arith.muli %iota3A, %mul3A_281 : vector<16xi32>
        %add3A_283 = arith.addi %mul3A_282, %and3A_279 : vector<16xi32>
        tpu.vector_store_idx %arg7[%add3A_283], %broadcast_in_dim3A_1 masked %and3A_276 {add = true} : memref<65536xi32, #tpu.memory_space<vmem>>[vector<16xi32>], vector<16xi32>, vector<16xi1>
        %while3A_284 = arith.constant 0 : i32
        scf.yield %while3A_284 : i32
      }
      %while3A_260 = arith.constant 1 : i32
      %while3A_261 = scf.for %while3A_262 = %while3A_257 to %while3A_253 step %while3A_260 iter_args(%while3A_263 = %while3A_259) -> (i32)  : i32 {
        %mul3A_264 = arith.constant 16 : i32
        %mul3A_265 = arith.muli %while3A_262, %mul3A_264 : i32
        %get3A = arith.index_cast %mul3A_265 : i32 to index
        %get3A_266 = tpu.vector_load %arg6[%get3A] {strides = array<i32>} : memref<32784xi32, #tpu.memory_space<vmem>>, vector<16xi32>,
        %mul3A_267 = arith.constant 16 : i32
        %mul3A_268 = arith.muli %while3A_262, %mul3A_267 : i32
        %add3A_269 = vector.broadcast %mul3A_268 : i32 to vector<16xi32>
        %add3A_270 = arith.addi %add3A_269, %iota3A : vector<16xi32>
        %lt3A = vector.broadcast %scan3A_37#3 : i32 to vector<16xi32>
        %lt3A_271 = arith.cmpi slt, %add3A_270, %lt3A : vector<16xi32>
        %shift_right_logical3A = arith.constant 7 : i32
        %shift_right_logical3A_272 = vector.broadcast %shift_right_logical3A : i32 to vector<16xi32>
        %shift_right_logical3A_273 = arith.shrui %get3A_266, %shift_right_logical3A_272 : vector<16xi32>
        %eq3A_274 = vector.broadcast %add3A_80 : i32 to vector<16xi32>
        %eq3A_275 = arith.cmpi eq, %shift_right_logical3A_273, %eq3A_274 : vector<16xi32>
        %and3A_276 = arith.andi %eq3A_275, %lt3A_271 : vector<16xi1>
        %and3A_277 = arith.constant 127 : i32
        %and3A_278 = vector.broadcast %and3A_277 : i32 to vector<16xi32>
        %and3A_279 = arith.andi %get3A_266, %and3A_278 : vector<16xi32>
        %mul3A_280 = arith.constant 4096 : i32
        %mul3A_281 = vector.broadcast %mul3A_280 : i32 to vector<16xi32>
        %mul3A_282 = arith.muli %iota3A, %mul3A_281 : vector<16xi32>
        %add3A_283 = arith.addi %mul3A_282, %and3A_279 : vector<16xi32>
        tpu.vector_store_idx %arg7[%add3A_283], %broadcast_in_dim3A_1 masked %and3A_276 {add = true} : memref<65536xi32, #tpu.memory_space<vmem>>[vector<16xi32>], vector<16xi32>, vector<16xi1>
        %while3A_284 = arith.constant 0 : i32
        scf.yield %while3A_284 : i32
      }
    } else {
    }
    %not3A = arith.constant true
    %not3A_89 = arith.xori %le3A_40, %not3A : i1
    %convert_element_type3A_90 = arith.extui %not3A_89 : i1 to i32
    %cond3A_91 = arith.constant 0 : i32
    %cond3A_92 = arith.cmpi ne, %convert_element_type3A_90, %cond3A_91 : i32
    scf.if %cond3A_92 {
      %multiple_of3A_231 = arith.constant 0 : i32
      %multiple_of3A_232 = tpu.assume_multiple %multiple_of3A_231, 8192 : i32
      %dma_start3A_233 = tpu.memref_slice %arg2[%add3A_5, %multiple_of3A_232] : memref<64x262144xf32, #tpu.memory_space<hbm>> -> memref<1x8192xf32, #tpu.memory_space<hbm>>
      %dma_start3A_234 = tpu.memref_squeeze %dma_start3A_233 : memref<1x8192xf32, #tpu.memory_space<hbm>> -> memref<8192xf32, #tpu.memory_space<hbm>>
      %dma_start3A_235 = tpu.memref_slice %arg2[%add3A_5, %multiple_of3A_232] : memref<64x262144xf32, #tpu.memory_space<hbm>> -> memref<1x8192xf32, #tpu.memory_space<hbm>>
      %dma_start3A_236 = tpu.memref_squeeze %dma_start3A_235 : memref<1x8192xf32, #tpu.memory_space<hbm>> -> memref<8192xf32, #tpu.memory_space<hbm>>
      tpu.enqueue_dma source(%dma_start3A_236 : memref<8192xf32, #tpu.memory_space<hbm>>) target(%arg4 : memref<8192xf32, #tpu.memory_space<vmem>>) target_semaphore(%arg9 : memref<!tpu.dma_semaphore, #tpu.memory_space<semaphore_mem>>)
      %multiple_of3A_237 = arith.constant 8192 : i32
      %multiple_of3A_238 = tpu.assume_multiple %multiple_of3A_237, 8192 : i32
      %dma_start3A_239 = tpu.memref_slice %arg2[%add3A_5, %multiple_of3A_238] : memref<64x262144xf32, #tpu.memory_space<hbm>> -> memref<1x8192xf32, #tpu.memory_space<hbm>>
      %dma_start3A_240 = tpu.memref_squeeze %dma_start3A_239 : memref<1x8192xf32, #tpu.memory_space<hbm>> -> memref<8192xf32, #tpu.memory_space<hbm>>
      %dma_start3A_241 = tpu.memref_slice %arg2[%add3A_5, %multiple_of3A_238] : memref<64x262144xf32, #tpu.memory_space<hbm>> -> memref<1x8192xf32, #tpu.memory_space<hbm>>
      %dma_start3A_242 = tpu.memref_squeeze %dma_start3A_241 : memref<1x8192xf32, #tpu.memory_space<hbm>> -> memref<8192xf32, #tpu.memory_space<hbm>>
      tpu.enqueue_dma source(%dma_start3A_242 : memref<8192xf32, #tpu.memory_space<hbm>>) target(%arg5 : memref<8192xf32, #tpu.memory_space<vmem>>) target_semaphore(%arg10 : memref<!tpu.dma_semaphore, #tpu.memory_space<semaphore_mem>>)
      %scan3A_243 = arith.constant 0 : i32
      %scan3A_244 = arith.constant 0 : i32
      %scan3A_245 = arith.constant 16 : i32
      %scan3A_246 = arith.addi %scan3A_244, %scan3A_245 : i32
      %scan3A_247 = arith.constant 1 : i32
      scf.for %scan3A_249 = %scan3A_244 to %scan3A_246 step %scan3A_247  : i32 {
        %mul3A_250 = arith.constant 2 : i32
        %mul3A_251 = arith.muli %scan3A_249, %mul3A_250 : i32
        %mul3A_252 = arith.constant 8192 : i32
        %mul3A_253 = arith.muli %mul3A_251, %mul3A_252 : i32
        %multiple_of3A_254 = tpu.assume_multiple %mul3A_253, 8192 : i32
        %dma_wait3A = tpu.memref_slice %arg2[%add3A_5, %multiple_of3A_254] : memref<64x262144xf32, #tpu.memory_space<hbm>> -> memref<1x8192xf32, #tpu.memory_space<hbm>>
        %dma_wait3A_255 = tpu.memref_squeeze %dma_wait3A : memref<1x8192xf32, #tpu.memory_space<hbm>> -> memref<8192xf32, #tpu.memory_space<hbm>>
        %dma_wait3A_256 = tpu.memref_slice %arg2[%add3A_5, %multiple_of3A_254] : memref<64x262144xf32, #tpu.memory_space<hbm>> -> memref<1x8192xf32, #tpu.memory_space<hbm>>
        %dma_wait3A_257 = tpu.memref_squeeze %dma_wait3A_256 : memref<1x8192xf32, #tpu.memory_space<hbm>> -> memref<8192xf32, #tpu.memory_space<hbm>>
        tpu.wait_dma2 semaphore(%arg9 : memref<!tpu.dma_semaphore, #tpu.memory_space<semaphore_mem>>) src(%dma_wait3A_257 : memref<8192xf32, #tpu.memory_space<hbm>>) dst(%arg4 : memref<8192xf32, #tpu.memory_space<vmem>>)
        %scan3A_258 = arith.constant 0 : i32
        %scan3A_259 = arith.constant 0 : i32
        %scan3A_260 = arith.constant 512 : i32
        %scan3A_261 = arith.addi %scan3A_259, %scan3A_260 : i32
        %scan3A_262 = arith.constant 1 : i32
        %scan3A_263 = scf.for %scan3A_296 = %scan3A_259 to %scan3A_261 step %scan3A_262 iter_args(%scan3A_297 = %scan3A_258) -> (i32)  : i32 {
          %mul3A_298 = arith.constant 16 : i32
          %mul3A_299 = arith.muli %scan3A_296, %mul3A_298 : i32
          %get3A = arith.index_cast %mul3A_299 : i32 to index
          %get3A_300 = tpu.vector_load %arg4[%get3A] {strides = array<i32>} : memref<8192xf32, #tpu.memory_space<vmem>>, vector<16xf32>,
          %bitcast_convert_type3A = tpu.bitcast %get3A_300 : vector<16xf32> -> vector<16xi32>
          %shift_right_logical3A = arith.constant 7 : i32
          %shift_right_logical3A_301 = vector.broadcast %shift_right_logical3A : i32 to vector<16xi32>
          %shift_right_logical3A_302 = arith.shrui %bitcast_convert_type3A, %shift_right_logical3A_301 : vector<16xi32>
          %eq3A_303 = vector.broadcast %add3A_80 : i32 to vector<16xi32>
          %eq3A_304 = arith.cmpi eq, %shift_right_logical3A_302, %eq3A_303 : vector<16xi32>
          %and3A = arith.constant 127 : i32
          %and3A_305 = vector.broadcast %and3A : i32 to vector<16xi32>
          %and3A_306 = arith.andi %bitcast_convert_type3A, %and3A_305 : vector<16xi32>
          %mul3A_307 = arith.constant 4096 : i32
          %mul3A_308 = vector.broadcast %mul3A_307 : i32 to vector<16xi32>
          %mul3A_309 = arith.muli %iota3A, %mul3A_308 : vector<16xi32>
          %add3A_310 = arith.addi %mul3A_309, %and3A_306 : vector<16xi32>
          tpu.vector_store_idx %arg7[%add3A_310], %broadcast_in_dim3A_1 masked %eq3A_304 {add = true} : memref<65536xi32, #tpu.memory_space<vmem>>[vector<16xi32>], vector<16xi32>, vector<16xi1>
          %scan3A_311 = arith.constant 0 : i32
          scf.yield %scan3A_311 : i32
        }
        %scan3A_264 = arith.constant 512 : i32
        %add3A_265 = arith.constant 2 : i32
        %add3A_266 = arith.addi %mul3A_251, %add3A_265 : i32
        %lt3A = arith.constant 32 : i32
        %lt3A_267 = arith.cmpi slt, %add3A_266, %lt3A : i32
        %convert_element_type3A_268 = arith.extui %lt3A_267 : i1 to i32
        %cond3A_269 = arith.constant 0 : i32
        %cond3A_270 = arith.cmpi ne, %convert_element_type3A_268, %cond3A_269 : i32
        scf.if %cond3A_270 {
          %add3A_296 = arith.constant 2 : i32
          %add3A_297 = arith.addi %mul3A_251, %add3A_296 : i32
          %mul3A_298 = arith.constant 8192 : i32
          %mul3A_299 = arith.muli %add3A_297, %mul3A_298 : i32
          %multiple_of3A_300 = tpu.assume_multiple %mul3A_299, 8192 : i32
          %dma_start3A_301 = tpu.memref_slice %arg2[%add3A_5, %multiple_of3A_300] : memref<64x262144xf32, #tpu.memory_space<hbm>> -> memref<1x8192xf32, #tpu.memory_space<hbm>>
          %dma_start3A_302 = tpu.memref_squeeze %dma_start3A_301 : memref<1x8192xf32, #tpu.memory_space<hbm>> -> memref<8192xf32, #tpu.memory_space<hbm>>
          %dma_start3A_303 = tpu.memref_slice %arg2[%add3A_5, %multiple_of3A_300] : memref<64x262144xf32, #tpu.memory_space<hbm>> -> memref<1x8192xf32, #tpu.memory_space<hbm>>
          %dma_start3A_304 = tpu.memref_squeeze %dma_start3A_303 : memref<1x8192xf32, #tpu.memory_space<hbm>> -> memref<8192xf32, #tpu.memory_space<hbm>>
          tpu.enqueue_dma source(%dma_start3A_304 : memref<8192xf32, #tpu.memory_space<hbm>>) target(%arg4 : memref<8192xf32, #tpu.memory_space<vmem>>) target_semaphore(%arg9 : memref<!tpu.dma_semaphore, #tpu.memory_space<semaphore_mem>>)
        } else {
        }
        %add3A_271 = arith.constant 1 : i32
        %add3A_272 = arith.addi %mul3A_251, %add3A_271 : i32
        %mul3A_273 = arith.constant 8192 : i32
        %mul3A_274 = arith.muli %add3A_272, %mul3A_273 : i32
        %multiple_of3A_275 = tpu.assume_multiple %mul3A_274, 8192 : i32
        %dma_wait3A_276 = tpu.memref_slice %arg2[%add3A_5, %multiple_of3A_275] : memref<64x262144xf32, #tpu.memory_space<hbm>> -> memref<1x8192xf32, #tpu.memory_space<hbm>>
        %dma_wait3A_277 = tpu.memref_squeeze %dma_wait3A_276 : memref<1x8192xf32, #tpu.memory_space<hbm>> -> memref<8192xf32, #tpu.memory_space<hbm>>
        %dma_wait3A_278 = tpu.memref_slice %arg2[%add3A_5, %multiple_of3A_275] : memref<64x262144xf32, #tpu.memory_space<hbm>> -> memref<1x8192xf32, #tpu.memory_space<hbm>>
        %dma_wait3A_279 = tpu.memref_squeeze %dma_wait3A_278 : memref<1x8192xf32, #tpu.memory_space<hbm>> -> memref<8192xf32, #tpu.memory_space<hbm>>
        tpu.wait_dma2 semaphore(%arg10 : memref<!tpu.dma_semaphore, #tpu.memory_space<semaphore_mem>>) src(%dma_wait3A_279 : memref<8192xf32, #tpu.memory_space<hbm>>) dst(%arg5 : memref<8192xf32, #tpu.memory_space<vmem>>)
        %add3A_280 = arith.constant 1 : i32
        %add3A_281 = arith.addi %mul3A_251, %add3A_280 : i32
        %scan3A_282 = arith.constant 0 : i32
        %scan3A_283 = arith.constant 0 : i32
        %scan3A_284 = arith.constant 512 : i32
        %scan3A_285 = arith.addi %scan3A_283, %scan3A_284 : i32
        %scan3A_286 = arith.constant 1 : i32
        %scan3A_287 = scf.for %scan3A_296 = %scan3A_283 to %scan3A_285 step %scan3A_286 iter_args(%scan3A_297 = %scan3A_282) -> (i32)  : i32 {
          %mul3A_298 = arith.constant 16 : i32
          %mul3A_299 = arith.muli %scan3A_296, %mul3A_298 : i32
          %get3A = arith.index_cast %mul3A_299 : i32 to index
          %get3A_300 = tpu.vector_load %arg5[%get3A] {strides = array<i32>} : memref<8192xf32, #tpu.memory_space<vmem>>, vector<16xf32>,
          %bitcast_convert_type3A = tpu.bitcast %get3A_300 : vector<16xf32> -> vector<16xi32>
          %shift_right_logical3A = arith.constant 7 : i32
          %shift_right_logical3A_301 = vector.broadcast %shift_right_logical3A : i32 to vector<16xi32>
          %shift_right_logical3A_302 = arith.shrui %bitcast_convert_type3A, %shift_right_logical3A_301 : vector<16xi32>
          %eq3A_303 = vector.broadcast %add3A_80 : i32 to vector<16xi32>
          %eq3A_304 = arith.cmpi eq, %shift_right_logical3A_302, %eq3A_303 : vector<16xi32>
          %and3A = arith.constant 127 : i32
          %and3A_305 = vector.broadcast %and3A : i32 to vector<16xi32>
          %and3A_306 = arith.andi %bitcast_convert_type3A, %and3A_305 : vector<16xi32>
          %mul3A_307 = arith.constant 4096 : i32
          %mul3A_308 = vector.broadcast %mul3A_307 : i32 to vector<16xi32>
          %mul3A_309 = arith.muli %iota3A, %mul3A_308 : vector<16xi32>
          %add3A_310 = arith.addi %mul3A_309, %and3A_306 : vector<16xi32>
          tpu.vector_store_idx %arg7[%add3A_310], %broadcast_in_dim3A_1 masked %eq3A_304 {add = true} : memref<65536xi32, #tpu.memory_space<vmem>>[vector<16xi32>], vector<16xi32>, vector<16xi1>
          %scan3A_311 = arith.constant 0 : i32
          scf.yield %scan3A_311 : i32
        }
        %scan3A_288 = arith.constant 512 : i32
        %add3A_289 = arith.constant 3 : i32
        %add3A_290 = arith.addi %mul3A_251, %add3A_289 : i32
        %lt3A_291 = arith.constant 32 : i32
        %lt3A_292 = arith.cmpi slt, %add3A_290, %lt3A_291 : i32
        %convert_element_type3A_293 = arith.extui %lt3A_292 : i1 to i32
        %cond3A_294 = arith.constant 0 : i32
        %cond3A_295 = arith.cmpi ne, %convert_element_type3A_293, %cond3A_294 : i32
        scf.if %cond3A_295 {
          %add3A_296 = arith.constant 3 : i32
          %add3A_297 = arith.addi %mul3A_251, %add3A_296 : i32
          %mul3A_298 = arith.constant 8192 : i32
          %mul3A_299 = arith.muli %add3A_297, %mul3A_298 : i32
          %multiple_of3A_300 = tpu.assume_multiple %mul3A_299, 8192 : i32
          %dma_start3A_301 = tpu.memref_slice %arg2[%add3A_5, %multiple_of3A_300] : memref<64x262144xf32, #tpu.memory_space<hbm>> -> memref<1x8192xf32, #tpu.memory_space<hbm>>
          %dma_start3A_302 = tpu.memref_squeeze %dma_start3A_301 : memref<1x8192xf32, #tpu.memory_space<hbm>> -> memref<8192xf32, #tpu.memory_space<hbm>>
          %dma_start3A_303 = tpu.memref_slice %arg2[%add3A_5, %multiple_of3A_300] : memref<64x262144xf32, #tpu.memory_space<hbm>> -> memref<1x8192xf32, #tpu.memory_space<hbm>>
          %dma_start3A_304 = tpu.memref_squeeze %dma_start3A_303 : memref<1x8192xf32, #tpu.memory_space<hbm>> -> memref<8192xf32, #tpu.memory_space<hbm>>
          tpu.enqueue_dma source(%dma_start3A_304 : memref<8192xf32, #tpu.memory_space<hbm>>) target(%arg5 : memref<8192xf32, #tpu.memory_space<vmem>>) target_semaphore(%arg10 : memref<!tpu.dma_semaphore, #tpu.memory_space<semaphore_mem>>)
        } else {
        }
      }
      %scan3A_248 = arith.constant 16 : i32
    } else {
    }
    %scan3A_93 = arith.constant 0 : i32
    %scan3A_94 = arith.constant 0 : i32
    %scan3A_95 = arith.constant 0 : i32
    %scan3A_96 = arith.constant 0 : i32
    %scan3A_97 = arith.constant 0 : i32
    %scan3A_98 = arith.constant 8 : i32
    %scan3A_99 = arith.addi %scan3A_97, %scan3A_98 : i32
    %scan3A_100 = arith.constant 1 : i32
    %scan3A_101:4 = scf.for %scan3A_231 = %scan3A_97 to %scan3A_99 step %scan3A_100 iter_args(%scan3A_232 = %scan3A_93, %scan3A_233 = %scan3A_94, %scan3A_234 = %scan3A_95, %scan3A_235 = %scan3A_96) -> (i32, i32, i32, i32)  : i32 {
      %broadcast_in_dim3A_236 = arith.constant 0 : i32
      %broadcast_in_dim3A_237 = vector.broadcast %broadcast_in_dim3A_236 : i32 to vector<16xi32>
      %mul3A_238 = arith.constant 16 : i32
      %mul3A_239 = arith.muli %scan3A_231, %mul3A_238 : i32
      %add3A_240 = arith.constant 0 : i32
      %add3A_241 = arith.addi %add3A_240, %mul3A_239 : i32
      %get3A = arith.index_cast %add3A_241 : i32 to index
      %get3A_242 = tpu.vector_load %arg7[%get3A] {strides = array<i32>} : memref<65536xi32, #tpu.memory_space<vmem>>, vector<16xi32>,
      %add3A_243 = arith.addi %broadcast_in_dim3A_237, %get3A_242 : vector<16xi32>
      %mul3A_244 = arith.constant 16 : i32
      %mul3A_245 = arith.muli %scan3A_231, %mul3A_244 : i32
      %add3A_246 = arith.constant 4096 : i32
      %add3A_247 = arith.addi %add3A_246, %mul3A_245 : i32
      %get3A_248 = arith.index_cast %add3A_247 : i32 to index
      %get3A_249 = tpu.vector_load %arg7[%get3A_248] {strides = array<i32>} : memref<65536xi32, #tpu.memory_space<vmem>>, vector<16xi32>,
      %add3A_250 = arith.addi %add3A_243, %get3A_249 : vector<16xi32>
      %mul3A_251 = arith.constant 16 : i32
      %mul3A_252 = arith.muli %scan3A_231, %mul3A_251 : i32
      %add3A_253 = arith.constant 8192 : i32
      %add3A_254 = arith.addi %add3A_253, %mul3A_252 : i32
      %get3A_255 = arith.index_cast %add3A_254 : i32 to index
      %get3A_256 = tpu.vector_load %arg7[%get3A_255] {strides = array<i32>} : memref<65536xi32, #tpu.memory_space<vmem>>, vector<16xi32>,
      %add3A_257 = arith.addi %add3A_250, %get3A_256 : vector<16xi32>
      %mul3A_258 = arith.constant 16 : i32
      %mul3A_259 = arith.muli %scan3A_231, %mul3A_258 : i32
      %add3A_260 = arith.constant 12288 : i32
      %add3A_261 = arith.addi %add3A_260, %mul3A_259 : i32
      %get3A_262 = arith.index_cast %add3A_261 : i32 to index
      %get3A_263 = tpu.vector_load %arg7[%get3A_262] {strides = array<i32>} : memref<65536xi32, #tpu.memory_space<vmem>>, vector<16xi32>,
      %add3A_264 = arith.addi %add3A_257, %get3A_263 : vector<16xi32>
      %mul3A_265 = arith.constant 16 : i32
      %mul3A_266 = arith.muli %scan3A_231, %mul3A_265 : i32
      %add3A_267 = arith.constant 16384 : i32
      %add3A_268 = arith.addi %add3A_267, %mul3A_266 : i32
      %get3A_269 = arith.index_cast %add3A_268 : i32 to index
      %get3A_270 = tpu.vector_load %arg7[%get3A_269] {strides = array<i32>} : memref<65536xi32, #tpu.memory_space<vmem>>, vector<16xi32>,
      %add3A_271 = arith.addi %add3A_264, %get3A_270 : vector<16xi32>
      %mul3A_272 = arith.constant 16 : i32
      %mul3A_273 = arith.muli %scan3A_231, %mul3A_272 : i32
      %add3A_274 = arith.constant 20480 : i32
      %add3A_275 = arith.addi %add3A_274, %mul3A_273 : i32
      %get3A_276 = arith.index_cast %add3A_275 : i32 to index
      %get3A_277 = tpu.vector_load %arg7[%get3A_276] {strides = array<i32>} : memref<65536xi32, #tpu.memory_space<vmem>>, vector<16xi32>,
      %add3A_278 = arith.addi %add3A_271, %get3A_277 : vector<16xi32>
      %mul3A_279 = arith.constant 16 : i32
      %mul3A_280 = arith.muli %scan3A_231, %mul3A_279 : i32
      %add3A_281 = arith.constant 24576 : i32
      %add3A_282 = arith.addi %add3A_281, %mul3A_280 : i32
      %get3A_283 = arith.index_cast %add3A_282 : i32 to index
      %get3A_284 = tpu.vector_load %arg7[%get3A_283] {strides = array<i32>} : memref<65536xi32, #tpu.memory_space<vmem>>, vector<16xi32>,
      %add3A_285 = arith.addi %add3A_278, %get3A_284 : vector<16xi32>
      %mul3A_286 = arith.constant 16 : i32
      %mul3A_287 = arith.muli %scan3A_231, %mul3A_286 : i32
      %add3A_288 = arith.constant 28672 : i32
      %add3A_289 = arith.addi %add3A_288, %mul3A_287 : i32
      %get3A_290 = arith.index_cast %add3A_289 : i32 to index
      %get3A_291 = tpu.vector_load %arg7[%get3A_290] {strides = array<i32>} : memref<65536xi32, #tpu.memory_space<vmem>>, vector<16xi32>,
      %add3A_292 = arith.addi %add3A_285, %get3A_291 : vector<16xi32>
      %mul3A_293 = arith.constant 16 : i32
      %mul3A_294 = arith.muli %scan3A_231, %mul3A_293 : i32
      %add3A_295 = arith.constant 32768 : i32
      %add3A_296 = arith.addi %add3A_295, %mul3A_294 : i32
      %get3A_297 = arith.index_cast %add3A_296 : i32 to index
      %get3A_298 = tpu.vector_load %arg7[%get3A_297] {strides = array<i32>} : memref<65536xi32, #tpu.memory_space<vmem>>, vector<16xi32>,
      %add3A_299 = arith.addi %add3A_292, %get3A_298 : vector<16xi32>
      %mul3A_300 = arith.constant 16 : i32
      %mul3A_301 = arith.muli %scan3A_231, %mul3A_300 : i32
      %add3A_302 = arith.constant 36864 : i32
      %add3A_303 = arith.addi %add3A_302, %mul3A_301 : i32
      %get3A_304 = arith.index_cast %add3A_303 : i32 to index
      %get3A_305 = tpu.vector_load %arg7[%get3A_304] {strides = array<i32>} : memref<65536xi32, #tpu.memory_space<vmem>>, vector<16xi32>,
      %add3A_306 = arith.addi %add3A_299, %get3A_305 : vector<16xi32>
      %mul3A_307 = arith.constant 16 : i32
      %mul3A_308 = arith.muli %scan3A_231, %mul3A_307 : i32
      %add3A_309 = arith.constant 40960 : i32
      %add3A_310 = arith.addi %add3A_309, %mul3A_308 : i32
      %get3A_311 = arith.index_cast %add3A_310 : i32 to index
      %get3A_312 = tpu.vector_load %arg7[%get3A_311] {strides = array<i32>} : memref<65536xi32, #tpu.memory_space<vmem>>, vector<16xi32>,
      %add3A_313 = arith.addi %add3A_306, %get3A_312 : vector<16xi32>
      %mul3A_314 = arith.constant 16 : i32
      %mul3A_315 = arith.muli %scan3A_231, %mul3A_314 : i32
      %add3A_316 = arith.constant 45056 : i32
      %add3A_317 = arith.addi %add3A_316, %mul3A_315 : i32
      %get3A_318 = arith.index_cast %add3A_317 : i32 to index
      %get3A_319 = tpu.vector_load %arg7[%get3A_318] {strides = array<i32>} : memref<65536xi32, #tpu.memory_space<vmem>>, vector<16xi32>,
      %add3A_320 = arith.addi %add3A_313, %get3A_319 : vector<16xi32>
      %mul3A_321 = arith.constant 16 : i32
      %mul3A_322 = arith.muli %scan3A_231, %mul3A_321 : i32
      %add3A_323 = arith.constant 49152 : i32
      %add3A_324 = arith.addi %add3A_323, %mul3A_322 : i32
      %get3A_325 = arith.index_cast %add3A_324 : i32 to index
      %get3A_326 = tpu.vector_load %arg7[%get3A_325] {strides = array<i32>} : memref<65536xi32, #tpu.memory_space<vmem>>, vector<16xi32>,
      %add3A_327 = arith.addi %add3A_320, %get3A_326 : vector<16xi32>
      %mul3A_328 = arith.constant 16 : i32
      %mul3A_329 = arith.muli %scan3A_231, %mul3A_328 : i32
      %add3A_330 = arith.constant 53248 : i32
      %add3A_331 = arith.addi %add3A_330, %mul3A_329 : i32
      %get3A_332 = arith.index_cast %add3A_331 : i32 to index
      %get3A_333 = tpu.vector_load %arg7[%get3A_332] {strides = array<i32>} : memref<65536xi32, #tpu.memory_space<vmem>>, vector<16xi32>,
      %add3A_334 = arith.addi %add3A_327, %get3A_333 : vector<16xi32>
      %mul3A_335 = arith.constant 16 : i32
      %mul3A_336 = arith.muli %scan3A_231, %mul3A_335 : i32
      %add3A_337 = arith.constant 57344 : i32
      %add3A_338 = arith.addi %add3A_337, %mul3A_336 : i32
      %get3A_339 = arith.index_cast %add3A_338 : i32 to index
      %get3A_340 = tpu.vector_load %arg7[%get3A_339] {strides = array<i32>} : memref<65536xi32, #tpu.memory_space<vmem>>, vector<16xi32>,
      %add3A_341 = arith.addi %add3A_334, %get3A_340 : vector<16xi32>
      %mul3A_342 = arith.constant 16 : i32
      %mul3A_343 = arith.muli %scan3A_231, %mul3A_342 : i32
      %add3A_344 = arith.constant 61440 : i32
      %add3A_345 = arith.addi %add3A_344, %mul3A_343 : i32
      %get3A_346 = arith.index_cast %add3A_345 : i32 to index
      %get3A_347 = tpu.vector_load %arg7[%get3A_346] {strides = array<i32>} : memref<65536xi32, #tpu.memory_space<vmem>>, vector<16xi32>,
      %add3A_348 = arith.addi %add3A_341, %get3A_347 : vector<16xi32>
      %broadcast_in_dim3A_349 = arith.constant true
      %broadcast_in_dim3A_350 = vector.broadcast %broadcast_in_dim3A_349 : i1 to vector<16xi1>
      %masked_cumsum3A = tpu.scan <sum>, %add3A_348 masked %broadcast_in_dim3A_350 : vector<16xi32>, vector<16xi1> -> vector<16xi32>
      %add3A_351 = vector.broadcast %scan3A_232 : i32 to vector<16xi32>
      %add3A_352 = arith.addi %masked_cumsum3A, %add3A_351 : vector<16xi32>
      %lt3A = vector.broadcast %sub3A_77 : i32 to vector<16xi32>
      %lt3A_353 = arith.cmpi slt, %add3A_352, %lt3A : vector<16xi32>
      %ge3A = vector.broadcast %sub3A_77 : i32 to vector<16xi32>
      %ge3A_354 = arith.cmpi sge, %add3A_352, %ge3A : vector<16xi32>
      %sub3A_355 = arith.subi %add3A_352, %add3A_348 : vector<16xi32>
      %lt3A_356 = vector.broadcast %sub3A_77 : i32 to vector<16xi32>
      %lt3A_357 = arith.cmpi slt, %sub3A_355, %lt3A_356 : vector<16xi32>
      %and3A = arith.andi %ge3A_354, %lt3A_357 : vector<16xi1>
      %broadcast_in_dim3A_358 = arith.constant 1 : i32
      %broadcast_in_dim3A_359 = vector.broadcast %broadcast_in_dim3A_358 : i32 to vector<16xi32>
      %broadcast_in_dim3A_360 = arith.constant 0 : i32
      %broadcast_in_dim3A_361 = vector.broadcast %broadcast_in_dim3A_360 : i32 to vector<16xi32>
      %select_n3A_362 = arith.select %lt3A_353, %broadcast_in_dim3A_359, %broadcast_in_dim3A_361 : vector<16xi1>, vector<16xi32>
      %reduce_sum3A = arith.constant true
      %reduce_sum3A_363 = vector.broadcast %reduce_sum3A : i1 to vector<16xi1>
      %reduce_sum3A_364 = tpu.scan <sum>, %select_n3A_362 masked %reduce_sum3A_363 : vector<16xi32>, vector<16xi1> -> vector<16xi32>
      %reduce_sum3A_365 = vector.extract %reduce_sum3A_364[15] : i32 from vector<16xi32>
      %add3A_366 = arith.addi %scan3A_233, %reduce_sum3A_365 : i32
      %select_n3A_367 = arith.select %lt3A_353, %add3A_348, %broadcast_in_dim3A_361 : vector<16xi1>, vector<16xi32>
      %reduce_sum3A_368 = arith.constant true
      %reduce_sum3A_369 = vector.broadcast %reduce_sum3A_368 : i1 to vector<16xi1>
      %reduce_sum3A_370 = tpu.scan <sum>, %select_n3A_367 masked %reduce_sum3A_369 : vector<16xi32>, vector<16xi1> -> vector<16xi32>
      %reduce_sum3A_371 = vector.extract %reduce_sum3A_370[15] : i32 from vector<16xi32>
      %add3A_372 = arith.addi %scan3A_234, %reduce_sum3A_371 : i32
      %select_n3A_373 = arith.select %and3A, %add3A_348, %broadcast_in_dim3A_361 : vector<16xi1>, vector<16xi32>
      %reduce_sum3A_374 = arith.constant true
      %reduce_sum3A_375 = vector.broadcast %reduce_sum3A_374 : i1 to vector<16xi1>
      %reduce_sum3A_376 = tpu.scan <sum>, %select_n3A_373 masked %reduce_sum3A_375 : vector<16xi32>, vector<16xi1> -> vector<16xi32>
      %reduce_sum3A_377 = vector.extract %reduce_sum3A_376[15] : i32 from vector<16xi32>
      %add3A_378 = arith.addi %scan3A_235, %reduce_sum3A_377 : i32
      %reduce_sum3A_379 = arith.constant true
      %reduce_sum3A_380 = vector.broadcast %reduce_sum3A_379 : i1 to vector<16xi1>
      %reduce_sum3A_381 = tpu.scan <sum>, %add3A_348 masked %reduce_sum3A_380 : vector<16xi32>, vector<16xi1> -> vector<16xi32>
      %reduce_sum3A_382 = vector.extract %reduce_sum3A_381[15] : i32 from vector<16xi32>
      %add3A_383 = arith.addi %scan3A_232, %reduce_sum3A_382 : i32
      scf.yield %add3A_383, %add3A_366, %add3A_372, %add3A_378 : i32, i32, i32, i32
    }
    %scan3A_102 = arith.constant 8 : i32
    %sub3A_103 = arith.subi %sub3A_77, %scan3A_101#2 : i32
    %mul3A_104 = arith.constant 128 : i32
    %mul3A_105 = arith.muli %add3A_80, %mul3A_104 : i32
    %add3A_106 = arith.addi %mul3A_105, %scan3A_101#1 : i32
    %mul3A_107 = arith.constant 2 : i32
    %mul3A_108 = arith.muli %add3A, %mul3A_107 : i32
    %add3A_109 = arith.constant 1 : i32
    %add3A_110 = arith.addi %mul3A_108, %add3A_109 : i32
    %scan3A_111 = arith.constant 0 : i32
    %scan3A_112 = arith.constant 0 : i32
    %scan3A_113 = arith.constant 256 : i32
    %scan3A_114 = arith.addi %scan3A_112, %scan3A_113 : i32
    %scan3A_115 = arith.constant 1 : i32
    %scan3A_116 = scf.for %scan3A_231 = %scan3A_112 to %scan3A_114 step %scan3A_115 iter_args(%scan3A_232 = %scan3A_111) -> (i32)  : i32 {
      %broadcast_in_dim3A_233 = arith.constant 0 : i32
      %broadcast_in_dim3A_234 = vector.broadcast %broadcast_in_dim3A_233 : i32 to vector<16xi32>
      %mul3A_235 = arith.constant 16 : i32
      %mul3A_236 = arith.muli %scan3A_231, %mul3A_235 : i32
      %add3A_237 = arith.constant 0 : i32
      %add3A_238 = arith.addi %add3A_237, %mul3A_236 : i32
      %swap3A_239 = arith.index_cast %add3A_238 : i32 to index
      %swap3A_240 = tpu.vector_load %arg7[%swap3A_239] {strides = array<i32>} : memref<65536xi32, #tpu.memory_space<vmem>>, vector<16xi32>,
      tpu.vector_store %arg7[%swap3A_239], %broadcast_in_dim3A_234 {strides = array<i32>} : memref<65536xi32, #tpu.memory_space<vmem>>, vector<16xi32>,
      %broadcast_in_dim3A_241 = arith.constant 0 : i32
      %broadcast_in_dim3A_242 = vector.broadcast %broadcast_in_dim3A_241 : i32 to vector<16xi32>
      %mul3A_243 = arith.constant 16 : i32
      %mul3A_244 = arith.muli %scan3A_231, %mul3A_243 : i32
      %add3A_245 = arith.constant 4096 : i32
      %add3A_246 = arith.addi %add3A_245, %mul3A_244 : i32
      %swap3A_247 = arith.index_cast %add3A_246 : i32 to index
      %swap3A_248 = tpu.vector_load %arg7[%swap3A_247] {strides = array<i32>} : memref<65536xi32, #tpu.memory_space<vmem>>, vector<16xi32>,
      tpu.vector_store %arg7[%swap3A_247], %broadcast_in_dim3A_242 {strides = array<i32>} : memref<65536xi32, #tpu.memory_space<vmem>>, vector<16xi32>,
      %broadcast_in_dim3A_249 = arith.constant 0 : i32
      %broadcast_in_dim3A_250 = vector.broadcast %broadcast_in_dim3A_249 : i32 to vector<16xi32>
      %mul3A_251 = arith.constant 16 : i32
      %mul3A_252 = arith.muli %scan3A_231, %mul3A_251 : i32
      %add3A_253 = arith.constant 8192 : i32
      %add3A_254 = arith.addi %add3A_253, %mul3A_252 : i32
      %swap3A_255 = arith.index_cast %add3A_254 : i32 to index
      %swap3A_256 = tpu.vector_load %arg7[%swap3A_255] {strides = array<i32>} : memref<65536xi32, #tpu.memory_space<vmem>>, vector<16xi32>,
      tpu.vector_store %arg7[%swap3A_255], %broadcast_in_dim3A_250 {strides = array<i32>} : memref<65536xi32, #tpu.memory_space<vmem>>, vector<16xi32>,
      %broadcast_in_dim3A_257 = arith.constant 0 : i32
      %broadcast_in_dim3A_258 = vector.broadcast %broadcast_in_dim3A_257 : i32 to vector<16xi32>
      %mul3A_259 = arith.constant 16 : i32
      %mul3A_260 = arith.muli %scan3A_231, %mul3A_259 : i32
      %add3A_261 = arith.constant 12288 : i32
      %add3A_262 = arith.addi %add3A_261, %mul3A_260 : i32
      %swap3A_263 = arith.index_cast %add3A_262 : i32 to index
      %swap3A_264 = tpu.vector_load %arg7[%swap3A_263] {strides = array<i32>} : memref<65536xi32, #tpu.memory_space<vmem>>, vector<16xi32>,
      tpu.vector_store %arg7[%swap3A_263], %broadcast_in_dim3A_258 {strides = array<i32>} : memref<65536xi32, #tpu.memory_space<vmem>>, vector<16xi32>,
      %broadcast_in_dim3A_265 = arith.constant 0 : i32
      %broadcast_in_dim3A_266 = vector.broadcast %broadcast_in_dim3A_265 : i32 to vector<16xi32>
      %mul3A_267 = arith.constant 16 : i32
      %mul3A_268 = arith.muli %scan3A_231, %mul3A_267 : i32
      %add3A_269 = arith.constant 16384 : i32
      %add3A_270 = arith.addi %add3A_269, %mul3A_268 : i32
      %swap3A_271 = arith.index_cast %add3A_270 : i32 to index
      %swap3A_272 = tpu.vector_load %arg7[%swap3A_271] {strides = array<i32>} : memref<65536xi32, #tpu.memory_space<vmem>>, vector<16xi32>,
      tpu.vector_store %arg7[%swap3A_271], %broadcast_in_dim3A_266 {strides = array<i32>} : memref<65536xi32, #tpu.memory_space<vmem>>, vector<16xi32>,
      %broadcast_in_dim3A_273 = arith.constant 0 : i32
      %broadcast_in_dim3A_274 = vector.broadcast %broadcast_in_dim3A_273 : i32 to vector<16xi32>
      %mul3A_275 = arith.constant 16 : i32
      %mul3A_276 = arith.muli %scan3A_231, %mul3A_275 : i32
      %add3A_277 = arith.constant 20480 : i32
      %add3A_278 = arith.addi %add3A_277, %mul3A_276 : i32
      %swap3A_279 = arith.index_cast %add3A_278 : i32 to index
      %swap3A_280 = tpu.vector_load %arg7[%swap3A_279] {strides = array<i32>} : memref<65536xi32, #tpu.memory_space<vmem>>, vector<16xi32>,
      tpu.vector_store %arg7[%swap3A_279], %broadcast_in_dim3A_274 {strides = array<i32>} : memref<65536xi32, #tpu.memory_space<vmem>>, vector<16xi32>,
      %broadcast_in_dim3A_281 = arith.constant 0 : i32
      %broadcast_in_dim3A_282 = vector.broadcast %broadcast_in_dim3A_281 : i32 to vector<16xi32>
      %mul3A_283 = arith.constant 16 : i32
      %mul3A_284 = arith.muli %scan3A_231, %mul3A_283 : i32
      %add3A_285 = arith.constant 24576 : i32
      %add3A_286 = arith.addi %add3A_285, %mul3A_284 : i32
      %swap3A_287 = arith.index_cast %add3A_286 : i32 to index
      %swap3A_288 = tpu.vector_load %arg7[%swap3A_287] {strides = array<i32>} : memref<65536xi32, #tpu.memory_space<vmem>>, vector<16xi32>,
      tpu.vector_store %arg7[%swap3A_287], %broadcast_in_dim3A_282 {strides = array<i32>} : memref<65536xi32, #tpu.memory_space<vmem>>, vector<16xi32>,
      %broadcast_in_dim3A_289 = arith.constant 0 : i32
      %broadcast_in_dim3A_290 = vector.broadcast %broadcast_in_dim3A_289 : i32 to vector<16xi32>
      %mul3A_291 = arith.constant 16 : i32
      %mul3A_292 = arith.muli %scan3A_231, %mul3A_291 : i32
      %add3A_293 = arith.constant 28672 : i32
      %add3A_294 = arith.addi %add3A_293, %mul3A_292 : i32
      %swap3A_295 = arith.index_cast %add3A_294 : i32 to index
      %swap3A_296 = tpu.vector_load %arg7[%swap3A_295] {strides = array<i32>} : memref<65536xi32, #tpu.memory_space<vmem>>, vector<16xi32>,
      tpu.vector_store %arg7[%swap3A_295], %broadcast_in_dim3A_290 {strides = array<i32>} : memref<65536xi32, #tpu.memory_space<vmem>>, vector<16xi32>,
      %broadcast_in_dim3A_297 = arith.constant 0 : i32
      %broadcast_in_dim3A_298 = vector.broadcast %broadcast_in_dim3A_297 : i32 to vector<16xi32>
      %mul3A_299 = arith.constant 16 : i32
      %mul3A_300 = arith.muli %scan3A_231, %mul3A_299 : i32
      %add3A_301 = arith.constant 32768 : i32
      %add3A_302 = arith.addi %add3A_301, %mul3A_300 : i32
      %swap3A_303 = arith.index_cast %add3A_302 : i32 to index
      %swap3A_304 = tpu.vector_load %arg7[%swap3A_303] {strides = array<i32>} : memref<65536xi32, #tpu.memory_space<vmem>>, vector<16xi32>,
      tpu.vector_store %arg7[%swap3A_303], %broadcast_in_dim3A_298 {strides = array<i32>} : memref<65536xi32, #tpu.memory_space<vmem>>, vector<16xi32>,
      %broadcast_in_dim3A_305 = arith.constant 0 : i32
      %broadcast_in_dim3A_306 = vector.broadcast %broadcast_in_dim3A_305 : i32 to vector<16xi32>
      %mul3A_307 = arith.constant 16 : i32
      %mul3A_308 = arith.muli %scan3A_231, %mul3A_307 : i32
      %add3A_309 = arith.constant 36864 : i32
      %add3A_310 = arith.addi %add3A_309, %mul3A_308 : i32
      %swap3A_311 = arith.index_cast %add3A_310 : i32 to index
      %swap3A_312 = tpu.vector_load %arg7[%swap3A_311] {strides = array<i32>} : memref<65536xi32, #tpu.memory_space<vmem>>, vector<16xi32>,
      tpu.vector_store %arg7[%swap3A_311], %broadcast_in_dim3A_306 {strides = array<i32>} : memref<65536xi32, #tpu.memory_space<vmem>>, vector<16xi32>,
      %broadcast_in_dim3A_313 = arith.constant 0 : i32
      %broadcast_in_dim3A_314 = vector.broadcast %broadcast_in_dim3A_313 : i32 to vector<16xi32>
      %mul3A_315 = arith.constant 16 : i32
      %mul3A_316 = arith.muli %scan3A_231, %mul3A_315 : i32
      %add3A_317 = arith.constant 40960 : i32
      %add3A_318 = arith.addi %add3A_317, %mul3A_316 : i32
      %swap3A_319 = arith.index_cast %add3A_318 : i32 to index
      %swap3A_320 = tpu.vector_load %arg7[%swap3A_319] {strides = array<i32>} : memref<65536xi32, #tpu.memory_space<vmem>>, vector<16xi32>,
      tpu.vector_store %arg7[%swap3A_319], %broadcast_in_dim3A_314 {strides = array<i32>} : memref<65536xi32, #tpu.memory_space<vmem>>, vector<16xi32>,
      %broadcast_in_dim3A_321 = arith.constant 0 : i32
      %broadcast_in_dim3A_322 = vector.broadcast %broadcast_in_dim3A_321 : i32 to vector<16xi32>
      %mul3A_323 = arith.constant 16 : i32
      %mul3A_324 = arith.muli %scan3A_231, %mul3A_323 : i32
      %add3A_325 = arith.constant 45056 : i32
      %add3A_326 = arith.addi %add3A_325, %mul3A_324 : i32
      %swap3A_327 = arith.index_cast %add3A_326 : i32 to index
      %swap3A_328 = tpu.vector_load %arg7[%swap3A_327] {strides = array<i32>} : memref<65536xi32, #tpu.memory_space<vmem>>, vector<16xi32>,
      tpu.vector_store %arg7[%swap3A_327], %broadcast_in_dim3A_322 {strides = array<i32>} : memref<65536xi32, #tpu.memory_space<vmem>>, vector<16xi32>,
      %broadcast_in_dim3A_329 = arith.constant 0 : i32
      %broadcast_in_dim3A_330 = vector.broadcast %broadcast_in_dim3A_329 : i32 to vector<16xi32>
      %mul3A_331 = arith.constant 16 : i32
      %mul3A_332 = arith.muli %scan3A_231, %mul3A_331 : i32
      %add3A_333 = arith.constant 49152 : i32
      %add3A_334 = arith.addi %add3A_333, %mul3A_332 : i32
      %swap3A_335 = arith.index_cast %add3A_334 : i32 to index
      %swap3A_336 = tpu.vector_load %arg7[%swap3A_335] {strides = array<i32>} : memref<65536xi32, #tpu.memory_space<vmem>>, vector<16xi32>,
      tpu.vector_store %arg7[%swap3A_335], %broadcast_in_dim3A_330 {strides = array<i32>} : memref<65536xi32, #tpu.memory_space<vmem>>, vector<16xi32>,
      %broadcast_in_dim3A_337 = arith.constant 0 : i32
      %broadcast_in_dim3A_338 = vector.broadcast %broadcast_in_dim3A_337 : i32 to vector<16xi32>
      %mul3A_339 = arith.constant 16 : i32
      %mul3A_340 = arith.muli %scan3A_231, %mul3A_339 : i32
      %add3A_341 = arith.constant 53248 : i32
      %add3A_342 = arith.addi %add3A_341, %mul3A_340 : i32
      %swap3A_343 = arith.index_cast %add3A_342 : i32 to index
      %swap3A_344 = tpu.vector_load %arg7[%swap3A_343] {strides = array<i32>} : memref<65536xi32, #tpu.memory_space<vmem>>, vector<16xi32>,
      tpu.vector_store %arg7[%swap3A_343], %broadcast_in_dim3A_338 {strides = array<i32>} : memref<65536xi32, #tpu.memory_space<vmem>>, vector<16xi32>,
      %broadcast_in_dim3A_345 = arith.constant 0 : i32
      %broadcast_in_dim3A_346 = vector.broadcast %broadcast_in_dim3A_345 : i32 to vector<16xi32>
      %mul3A_347 = arith.constant 16 : i32
      %mul3A_348 = arith.muli %scan3A_231, %mul3A_347 : i32
      %add3A_349 = arith.constant 57344 : i32
      %add3A_350 = arith.addi %add3A_349, %mul3A_348 : i32
      %swap3A_351 = arith.index_cast %add3A_350 : i32 to index
      %swap3A_352 = tpu.vector_load %arg7[%swap3A_351] {strides = array<i32>} : memref<65536xi32, #tpu.memory_space<vmem>>, vector<16xi32>,
      tpu.vector_store %arg7[%swap3A_351], %broadcast_in_dim3A_346 {strides = array<i32>} : memref<65536xi32, #tpu.memory_space<vmem>>, vector<16xi32>,
      %broadcast_in_dim3A_353 = arith.constant 0 : i32
      %broadcast_in_dim3A_354 = vector.broadcast %broadcast_in_dim3A_353 : i32 to vector<16xi32>
      %mul3A_355 = arith.constant 16 : i32
      %mul3A_356 = arith.muli %scan3A_231, %mul3A_355 : i32
      %add3A_357 = arith.constant 61440 : i32
      %add3A_358 = arith.addi %add3A_357, %mul3A_356 : i32
      %swap3A_359 = arith.index_cast %add3A_358 : i32 to index
      %swap3A_360 = tpu.vector_load %arg7[%swap3A_359] {strides = array<i32>} : memref<65536xi32, #tpu.memory_space<vmem>>, vector<16xi32>,
      tpu.vector_store %arg7[%swap3A_359], %broadcast_in_dim3A_354 {strides = array<i32>} : memref<65536xi32, #tpu.memory_space<vmem>>, vector<16xi32>,
      %scan3A_361 = arith.constant 0 : i32
      scf.yield %scan3A_361 : i32
    }
    %scan3A_117 = arith.constant 256 : i32
    %multiple_of3A_118 = arith.constant 0 : i32
    %multiple_of3A_119 = tpu.assume_multiple %multiple_of3A_118, 8192 : i32
    %dma_start3A_120 = tpu.memref_slice %arg2[%add3A_110, %multiple_of3A_119] : memref<64x262144xf32, #tpu.memory_space<hbm>> -> memref<1x8192xf32, #tpu.memory_space<hbm>>
    %dma_start3A_121 = tpu.memref_squeeze %dma_start3A_120 : memref<1x8192xf32, #tpu.memory_space<hbm>> -> memref<8192xf32, #tpu.memory_space<hbm>>
    %dma_start3A_122 = tpu.memref_slice %arg2[%add3A_110, %multiple_of3A_119] : memref<64x262144xf32, #tpu.memory_space<hbm>> -> memref<1x8192xf32, #tpu.memory_space<hbm>>
    %dma_start3A_123 = tpu.memref_squeeze %dma_start3A_122 : memref<1x8192xf32, #tpu.memory_space<hbm>> -> memref<8192xf32, #tpu.memory_space<hbm>>
    tpu.enqueue_dma source(%dma_start3A_123 : memref<8192xf32, #tpu.memory_space<hbm>>) target(%arg4 : memref<8192xf32, #tpu.memory_space<vmem>>) target_semaphore(%arg9 : memref<!tpu.dma_semaphore, #tpu.memory_space<semaphore_mem>>)
    %multiple_of3A_124 = arith.constant 8192 : i32
    %multiple_of3A_125 = tpu.assume_multiple %multiple_of3A_124, 8192 : i32
    %dma_start3A_126 = tpu.memref_slice %arg2[%add3A_110, %multiple_of3A_125] : memref<64x262144xf32, #tpu.memory_space<hbm>> -> memref<1x8192xf32, #tpu.memory_space<hbm>>
    %dma_start3A_127 = tpu.memref_squeeze %dma_start3A_126 : memref<1x8192xf32, #tpu.memory_space<hbm>> -> memref<8192xf32, #tpu.memory_space<hbm>>
    %dma_start3A_128 = tpu.memref_slice %arg2[%add3A_110, %multiple_of3A_125] : memref<64x262144xf32, #tpu.memory_space<hbm>> -> memref<1x8192xf32, #tpu.memory_space<hbm>>
    %dma_start3A_129 = tpu.memref_squeeze %dma_start3A_128 : memref<1x8192xf32, #tpu.memory_space<hbm>> -> memref<8192xf32, #tpu.memory_space<hbm>>
    tpu.enqueue_dma source(%dma_start3A_129 : memref<8192xf32, #tpu.memory_space<hbm>>) target(%arg5 : memref<8192xf32, #tpu.memory_space<vmem>>) target_semaphore(%arg10 : memref<!tpu.dma_semaphore, #tpu.memory_space<semaphore_mem>>)
    %scan3A_130 = arith.constant 0 : i32
    %scan3A_131 = arith.constant 0 : i32
    %scan3A_132 = arith.constant 16 : i32
    %scan3A_133 = arith.addi %scan3A_131, %scan3A_132 : i32
    %scan3A_134 = arith.constant 1 : i32
    scf.for %scan3A_231 = %scan3A_131 to %scan3A_133 step %scan3A_134  : i32 {
      %mul3A_232 = arith.constant 2 : i32
      %mul3A_233 = arith.muli %scan3A_231, %mul3A_232 : i32
      %mul3A_234 = arith.constant 8192 : i32
      %mul3A_235 = arith.muli %mul3A_233, %mul3A_234 : i32
      %multiple_of3A_236 = tpu.assume_multiple %mul3A_235, 8192 : i32
      %dma_wait3A = tpu.memref_slice %arg2[%add3A_110, %multiple_of3A_236] : memref<64x262144xf32, #tpu.memory_space<hbm>> -> memref<1x8192xf32, #tpu.memory_space<hbm>>
      %dma_wait3A_237 = tpu.memref_squeeze %dma_wait3A : memref<1x8192xf32, #tpu.memory_space<hbm>> -> memref<8192xf32, #tpu.memory_space<hbm>>
      %dma_wait3A_238 = tpu.memref_slice %arg2[%add3A_110, %multiple_of3A_236] : memref<64x262144xf32, #tpu.memory_space<hbm>> -> memref<1x8192xf32, #tpu.memory_space<hbm>>
      %dma_wait3A_239 = tpu.memref_squeeze %dma_wait3A_238 : memref<1x8192xf32, #tpu.memory_space<hbm>> -> memref<8192xf32, #tpu.memory_space<hbm>>
      tpu.wait_dma2 semaphore(%arg9 : memref<!tpu.dma_semaphore, #tpu.memory_space<semaphore_mem>>) src(%dma_wait3A_239 : memref<8192xf32, #tpu.memory_space<hbm>>) dst(%arg4 : memref<8192xf32, #tpu.memory_space<vmem>>)
      %scan3A_240 = arith.constant 0 : i32
      %scan3A_241 = arith.constant 0 : i32
      %scan3A_242 = arith.constant 512 : i32
      %scan3A_243 = arith.addi %scan3A_241, %scan3A_242 : i32
      %scan3A_244 = arith.constant 1 : i32
      %scan3A_245 = scf.for %scan3A_278 = %scan3A_241 to %scan3A_243 step %scan3A_244 iter_args(%scan3A_279 = %scan3A_240) -> (i32)  : i32 {
        %mul3A_280 = arith.constant 16 : i32
        %mul3A_281 = arith.muli %scan3A_278, %mul3A_280 : i32
        %get3A = arith.index_cast %mul3A_281 : i32 to index
        %get3A_282 = tpu.vector_load %arg4[%get3A] {strides = array<i32>} : memref<8192xf32, #tpu.memory_space<vmem>>, vector<16xf32>,
        %bitcast_convert_type3A = tpu.bitcast %get3A_282 : vector<16xf32> -> vector<16xi32>
        %shift_right_logical3A = arith.constant 19 : i32
        %shift_right_logical3A_283 = vector.broadcast %shift_right_logical3A : i32 to vector<16xi32>
        %shift_right_logical3A_284 = arith.shrui %bitcast_convert_type3A, %shift_right_logical3A_283 : vector<16xi32>
        %mul3A_285 = arith.constant 4096 : i32
        %mul3A_286 = vector.broadcast %mul3A_285 : i32 to vector<16xi32>
        %mul3A_287 = arith.muli %iota3A, %mul3A_286 : vector<16xi32>
        %add3A_288 = arith.addi %mul3A_287, %shift_right_logical3A_284 : vector<16xi32>
        tpu.vector_store_idx %arg7[%add3A_288], %broadcast_in_dim3A_1 {add = true} : memref<65536xi32, #tpu.memory_space<vmem>>[vector<16xi32>], vector<16xi32>,
        %scan3A_289 = arith.constant 0 : i32
        scf.yield %scan3A_289 : i32
      }
      %scan3A_246 = arith.constant 512 : i32
      %add3A_247 = arith.constant 2 : i32
      %add3A_248 = arith.addi %mul3A_233, %add3A_247 : i32
      %lt3A = arith.constant 32 : i32
      %lt3A_249 = arith.cmpi slt, %add3A_248, %lt3A : i32
      %convert_element_type3A_250 = arith.extui %lt3A_249 : i1 to i32
      %cond3A_251 = arith.constant 0 : i32
      %cond3A_252 = arith.cmpi ne, %convert_element_type3A_250, %cond3A_251 : i32
      scf.if %cond3A_252 {
        %add3A_278 = arith.constant 2 : i32
        %add3A_279 = arith.addi %mul3A_233, %add3A_278 : i32
        %mul3A_280 = arith.constant 8192 : i32
        %mul3A_281 = arith.muli %add3A_279, %mul3A_280 : i32
        %multiple_of3A_282 = tpu.assume_multiple %mul3A_281, 8192 : i32
        %dma_start3A_283 = tpu.memref_slice %arg2[%add3A_110, %multiple_of3A_282] : memref<64x262144xf32, #tpu.memory_space<hbm>> -> memref<1x8192xf32, #tpu.memory_space<hbm>>
        %dma_start3A_284 = tpu.memref_squeeze %dma_start3A_283 : memref<1x8192xf32, #tpu.memory_space<hbm>> -> memref<8192xf32, #tpu.memory_space<hbm>>
        %dma_start3A_285 = tpu.memref_slice %arg2[%add3A_110, %multiple_of3A_282] : memref<64x262144xf32, #tpu.memory_space<hbm>> -> memref<1x8192xf32, #tpu.memory_space<hbm>>
        %dma_start3A_286 = tpu.memref_squeeze %dma_start3A_285 : memref<1x8192xf32, #tpu.memory_space<hbm>> -> memref<8192xf32, #tpu.memory_space<hbm>>
        tpu.enqueue_dma source(%dma_start3A_286 : memref<8192xf32, #tpu.memory_space<hbm>>) target(%arg4 : memref<8192xf32, #tpu.memory_space<vmem>>) target_semaphore(%arg9 : memref<!tpu.dma_semaphore, #tpu.memory_space<semaphore_mem>>)
      } else {
      }
      %add3A_253 = arith.constant 1 : i32
      %add3A_254 = arith.addi %mul3A_233, %add3A_253 : i32
      %mul3A_255 = arith.constant 8192 : i32
      %mul3A_256 = arith.muli %add3A_254, %mul3A_255 : i32
      %multiple_of3A_257 = tpu.assume_multiple %mul3A_256, 8192 : i32
      %dma_wait3A_258 = tpu.memref_slice %arg2[%add3A_110, %multiple_of3A_257] : memref<64x262144xf32, #tpu.memory_space<hbm>> -> memref<1x8192xf32, #tpu.memory_space<hbm>>
      %dma_wait3A_259 = tpu.memref_squeeze %dma_wait3A_258 : memref<1x8192xf32, #tpu.memory_space<hbm>> -> memref<8192xf32, #tpu.memory_space<hbm>>
      %dma_wait3A_260 = tpu.memref_slice %arg2[%add3A_110, %multiple_of3A_257] : memref<64x262144xf32, #tpu.memory_space<hbm>> -> memref<1x8192xf32, #tpu.memory_space<hbm>>
      %dma_wait3A_261 = tpu.memref_squeeze %dma_wait3A_260 : memref<1x8192xf32, #tpu.memory_space<hbm>> -> memref<8192xf32, #tpu.memory_space<hbm>>
      tpu.wait_dma2 semaphore(%arg10 : memref<!tpu.dma_semaphore, #tpu.memory_space<semaphore_mem>>) src(%dma_wait3A_261 : memref<8192xf32, #tpu.memory_space<hbm>>) dst(%arg5 : memref<8192xf32, #tpu.memory_space<vmem>>)
      %add3A_262 = arith.constant 1 : i32
      %add3A_263 = arith.addi %mul3A_233, %add3A_262 : i32
      %scan3A_264 = arith.constant 0 : i32
      %scan3A_265 = arith.constant 0 : i32
      %scan3A_266 = arith.constant 512 : i32
      %scan3A_267 = arith.addi %scan3A_265, %scan3A_266 : i32
      %scan3A_268 = arith.constant 1 : i32
      %scan3A_269 = scf.for %scan3A_278 = %scan3A_265 to %scan3A_267 step %scan3A_268 iter_args(%scan3A_279 = %scan3A_264) -> (i32)  : i32 {
        %mul3A_280 = arith.constant 16 : i32
        %mul3A_281 = arith.muli %scan3A_278, %mul3A_280 : i32
        %get3A = arith.index_cast %mul3A_281 : i32 to index
        %get3A_282 = tpu.vector_load %arg5[%get3A] {strides = array<i32>} : memref<8192xf32, #tpu.memory_space<vmem>>, vector<16xf32>,
        %bitcast_convert_type3A = tpu.bitcast %get3A_282 : vector<16xf32> -> vector<16xi32>
        %shift_right_logical3A = arith.constant 19 : i32
        %shift_right_logical3A_283 = vector.broadcast %shift_right_logical3A : i32 to vector<16xi32>
        %shift_right_logical3A_284 = arith.shrui %bitcast_convert_type3A, %shift_right_logical3A_283 : vector<16xi32>
        %mul3A_285 = arith.constant 4096 : i32
        %mul3A_286 = vector.broadcast %mul3A_285 : i32 to vector<16xi32>
        %mul3A_287 = arith.muli %iota3A, %mul3A_286 : vector<16xi32>
        %add3A_288 = arith.addi %mul3A_287, %shift_right_logical3A_284 : vector<16xi32>
        tpu.vector_store_idx %arg7[%add3A_288], %broadcast_in_dim3A_1 {add = true} : memref<65536xi32, #tpu.memory_space<vmem>>[vector<16xi32>], vector<16xi32>,
        %scan3A_289 = arith.constant 0 : i32
        scf.yield %scan3A_289 : i32
      }
      %scan3A_270 = arith.constant 512 : i32
      %add3A_271 = arith.constant 3 : i32
      %add3A_272 = arith.addi %mul3A_233, %add3A_271 : i32
      %lt3A_273 = arith.constant 32 : i32
      %lt3A_274 = arith.cmpi slt, %add3A_272, %lt3A_273 : i32
      %convert_element_type3A_275 = arith.extui %lt3A_274 : i1 to i32
      %cond3A_276 = arith.constant 0 : i32
      %cond3A_277 = arith.cmpi ne, %convert_element_type3A_275, %cond3A_276 : i32
      scf.if %cond3A_277 {
        %add3A_278 = arith.constant 3 : i32
        %add3A_279 = arith.addi %mul3A_233, %add3A_278 : i32
        %mul3A_280 = arith.constant 8192 : i32
        %mul3A_281 = arith.muli %add3A_279, %mul3A_280 : i32
        %multiple_of3A_282 = tpu.assume_multiple %mul3A_281, 8192 : i32
        %dma_start3A_283 = tpu.memref_slice %arg2[%add3A_110, %multiple_of3A_282] : memref<64x262144xf32, #tpu.memory_space<hbm>> -> memref<1x8192xf32, #tpu.memory_space<hbm>>
        %dma_start3A_284 = tpu.memref_squeeze %dma_start3A_283 : memref<1x8192xf32, #tpu.memory_space<hbm>> -> memref<8192xf32, #tpu.memory_space<hbm>>
        %dma_start3A_285 = tpu.memref_slice %arg2[%add3A_110, %multiple_of3A_282] : memref<64x262144xf32, #tpu.memory_space<hbm>> -> memref<1x8192xf32, #tpu.memory_space<hbm>>
        %dma_start3A_286 = tpu.memref_squeeze %dma_start3A_285 : memref<1x8192xf32, #tpu.memory_space<hbm>> -> memref<8192xf32, #tpu.memory_space<hbm>>
        tpu.enqueue_dma source(%dma_start3A_286 : memref<8192xf32, #tpu.memory_space<hbm>>) target(%arg5 : memref<8192xf32, #tpu.memory_space<vmem>>) target_semaphore(%arg10 : memref<!tpu.dma_semaphore, #tpu.memory_space<semaphore_mem>>)
      } else {
      }
    }
    %scan3A_135 = arith.constant 16 : i32
    %scan3A_136 = arith.constant 259523 : i32
    %scan3A_137 = arith.constant 0 : i32
    %scan3A_138 = arith.constant 0 : i32
    %scan3A_139 = arith.constant 0 : i32
    %scan3A_140 = arith.constant 0 : i32
    %scan3A_141 = arith.constant 0 : i32
    %scan3A_142 = arith.constant 256 : i32
    %scan3A_143 = arith.addi %scan3A_141, %scan3A_142 : i32
    %scan3A_144 = arith.constant 1 : i32
    %scan3A_145:4 = scf.for %scan3A_231 = %scan3A_141 to %scan3A_143 step %scan3A_144 iter_args(%scan3A_232 = %scan3A_137, %scan3A_233 = %scan3A_138, %scan3A_234 = %scan3A_139, %scan3A_235 = %scan3A_140) -> (i32, i32, i32, i32)  : i32 {
      %broadcast_in_dim3A_236 = arith.constant 0 : i32
      %broadcast_in_dim3A_237 = vector.broadcast %broadcast_in_dim3A_236 : i32 to vector<16xi32>
      %mul3A_238 = arith.constant 16 : i32
      %mul3A_239 = arith.muli %scan3A_231, %mul3A_238 : i32
      %add3A_240 = arith.constant 0 : i32
      %add3A_241 = arith.addi %add3A_240, %mul3A_239 : i32
      %get3A = arith.index_cast %add3A_241 : i32 to index
      %get3A_242 = tpu.vector_load %arg7[%get3A] {strides = array<i32>} : memref<65536xi32, #tpu.memory_space<vmem>>, vector<16xi32>,
      %add3A_243 = arith.addi %broadcast_in_dim3A_237, %get3A_242 : vector<16xi32>
      %mul3A_244 = arith.constant 16 : i32
      %mul3A_245 = arith.muli %scan3A_231, %mul3A_244 : i32
      %add3A_246 = arith.constant 4096 : i32
      %add3A_247 = arith.addi %add3A_246, %mul3A_245 : i32
      %get3A_248 = arith.index_cast %add3A_247 : i32 to index
      %get3A_249 = tpu.vector_load %arg7[%get3A_248] {strides = array<i32>} : memref<65536xi32, #tpu.memory_space<vmem>>, vector<16xi32>,
      %add3A_250 = arith.addi %add3A_243, %get3A_249 : vector<16xi32>
      %mul3A_251 = arith.constant 16 : i32
      %mul3A_252 = arith.muli %scan3A_231, %mul3A_251 : i32
      %add3A_253 = arith.constant 8192 : i32
      %add3A_254 = arith.addi %add3A_253, %mul3A_252 : i32
      %get3A_255 = arith.index_cast %add3A_254 : i32 to index
      %get3A_256 = tpu.vector_load %arg7[%get3A_255] {strides = array<i32>} : memref<65536xi32, #tpu.memory_space<vmem>>, vector<16xi32>,
      %add3A_257 = arith.addi %add3A_250, %get3A_256 : vector<16xi32>
      %mul3A_258 = arith.constant 16 : i32
      %mul3A_259 = arith.muli %scan3A_231, %mul3A_258 : i32
      %add3A_260 = arith.constant 12288 : i32
      %add3A_261 = arith.addi %add3A_260, %mul3A_259 : i32
      %get3A_262 = arith.index_cast %add3A_261 : i32 to index
      %get3A_263 = tpu.vector_load %arg7[%get3A_262] {strides = array<i32>} : memref<65536xi32, #tpu.memory_space<vmem>>, vector<16xi32>,
      %add3A_264 = arith.addi %add3A_257, %get3A_263 : vector<16xi32>
      %mul3A_265 = arith.constant 16 : i32
      %mul3A_266 = arith.muli %scan3A_231, %mul3A_265 : i32
      %add3A_267 = arith.constant 16384 : i32
      %add3A_268 = arith.addi %add3A_267, %mul3A_266 : i32
      %get3A_269 = arith.index_cast %add3A_268 : i32 to index
      %get3A_270 = tpu.vector_load %arg7[%get3A_269] {strides = array<i32>} : memref<65536xi32, #tpu.memory_space<vmem>>, vector<16xi32>,
      %add3A_271 = arith.addi %add3A_264, %get3A_270 : vector<16xi32>
      %mul3A_272 = arith.constant 16 : i32
      %mul3A_273 = arith.muli %scan3A_231, %mul3A_272 : i32
      %add3A_274 = arith.constant 20480 : i32
      %add3A_275 = arith.addi %add3A_274, %mul3A_273 : i32
      %get3A_276 = arith.index_cast %add3A_275 : i32 to index
      %get3A_277 = tpu.vector_load %arg7[%get3A_276] {strides = array<i32>} : memref<65536xi32, #tpu.memory_space<vmem>>, vector<16xi32>,
      %add3A_278 = arith.addi %add3A_271, %get3A_277 : vector<16xi32>
      %mul3A_279 = arith.constant 16 : i32
      %mul3A_280 = arith.muli %scan3A_231, %mul3A_279 : i32
      %add3A_281 = arith.constant 24576 : i32
      %add3A_282 = arith.addi %add3A_281, %mul3A_280 : i32
      %get3A_283 = arith.index_cast %add3A_282 : i32 to index
      %get3A_284 = tpu.vector_load %arg7[%get3A_283] {strides = array<i32>} : memref<65536xi32, #tpu.memory_space<vmem>>, vector<16xi32>,
      %add3A_285 = arith.addi %add3A_278, %get3A_284 : vector<16xi32>
      %mul3A_286 = arith.constant 16 : i32
      %mul3A_287 = arith.muli %scan3A_231, %mul3A_286 : i32
      %add3A_288 = arith.constant 28672 : i32
      %add3A_289 = arith.addi %add3A_288, %mul3A_287 : i32
      %get3A_290 = arith.index_cast %add3A_289 : i32 to index
      %get3A_291 = tpu.vector_load %arg7[%get3A_290] {strides = array<i32>} : memref<65536xi32, #tpu.memory_space<vmem>>, vector<16xi32>,
      %add3A_292 = arith.addi %add3A_285, %get3A_291 : vector<16xi32>
      %mul3A_293 = arith.constant 16 : i32
      %mul3A_294 = arith.muli %scan3A_231, %mul3A_293 : i32
      %add3A_295 = arith.constant 32768 : i32
      %add3A_296 = arith.addi %add3A_295, %mul3A_294 : i32
      %get3A_297 = arith.index_cast %add3A_296 : i32 to index
      %get3A_298 = tpu.vector_load %arg7[%get3A_297] {strides = array<i32>} : memref<65536xi32, #tpu.memory_space<vmem>>, vector<16xi32>,
      %add3A_299 = arith.addi %add3A_292, %get3A_298 : vector<16xi32>
      %mul3A_300 = arith.constant 16 : i32
      %mul3A_301 = arith.muli %scan3A_231, %mul3A_300 : i32
      %add3A_302 = arith.constant 36864 : i32
      %add3A_303 = arith.addi %add3A_302, %mul3A_301 : i32
      %get3A_304 = arith.index_cast %add3A_303 : i32 to index
      %get3A_305 = tpu.vector_load %arg7[%get3A_304] {strides = array<i32>} : memref<65536xi32, #tpu.memory_space<vmem>>, vector<16xi32>,
      %add3A_306 = arith.addi %add3A_299, %get3A_305 : vector<16xi32>
      %mul3A_307 = arith.constant 16 : i32
      %mul3A_308 = arith.muli %scan3A_231, %mul3A_307 : i32
      %add3A_309 = arith.constant 40960 : i32
      %add3A_310 = arith.addi %add3A_309, %mul3A_308 : i32
      %get3A_311 = arith.index_cast %add3A_310 : i32 to index
      %get3A_312 = tpu.vector_load %arg7[%get3A_311] {strides = array<i32>} : memref<65536xi32, #tpu.memory_space<vmem>>, vector<16xi32>,
      %add3A_313 = arith.addi %add3A_306, %get3A_312 : vector<16xi32>
      %mul3A_314 = arith.constant 16 : i32
      %mul3A_315 = arith.muli %scan3A_231, %mul3A_314 : i32
      %add3A_316 = arith.constant 45056 : i32
      %add3A_317 = arith.addi %add3A_316, %mul3A_315 : i32
      %get3A_318 = arith.index_cast %add3A_317 : i32 to index
      %get3A_319 = tpu.vector_load %arg7[%get3A_318] {strides = array<i32>} : memref<65536xi32, #tpu.memory_space<vmem>>, vector<16xi32>,
      %add3A_320 = arith.addi %add3A_313, %get3A_319 : vector<16xi32>
      %mul3A_321 = arith.constant 16 : i32
      %mul3A_322 = arith.muli %scan3A_231, %mul3A_321 : i32
      %add3A_323 = arith.constant 49152 : i32
      %add3A_324 = arith.addi %add3A_323, %mul3A_322 : i32
      %get3A_325 = arith.index_cast %add3A_324 : i32 to index
      %get3A_326 = tpu.vector_load %arg7[%get3A_325] {strides = array<i32>} : memref<65536xi32, #tpu.memory_space<vmem>>, vector<16xi32>,
      %add3A_327 = arith.addi %add3A_320, %get3A_326 : vector<16xi32>
      %mul3A_328 = arith.constant 16 : i32
      %mul3A_329 = arith.muli %scan3A_231, %mul3A_328 : i32
      %add3A_330 = arith.constant 53248 : i32
      %add3A_331 = arith.addi %add3A_330, %mul3A_329 : i32
      %get3A_332 = arith.index_cast %add3A_331 : i32 to index
      %get3A_333 = tpu.vector_load %arg7[%get3A_332] {strides = array<i32>} : memref<65536xi32, #tpu.memory_space<vmem>>, vector<16xi32>,
      %add3A_334 = arith.addi %add3A_327, %get3A_333 : vector<16xi32>
      %mul3A_335 = arith.constant 16 : i32
      %mul3A_336 = arith.muli %scan3A_231, %mul3A_335 : i32
      %add3A_337 = arith.constant 57344 : i32
      %add3A_338 = arith.addi %add3A_337, %mul3A_336 : i32
      %get3A_339 = arith.index_cast %add3A_338 : i32 to index
      %get3A_340 = tpu.vector_load %arg7[%get3A_339] {strides = array<i32>} : memref<65536xi32, #tpu.memory_space<vmem>>, vector<16xi32>,
      %add3A_341 = arith.addi %add3A_334, %get3A_340 : vector<16xi32>
      %mul3A_342 = arith.constant 16 : i32
      %mul3A_343 = arith.muli %scan3A_231, %mul3A_342 : i32
      %add3A_344 = arith.constant 61440 : i32
      %add3A_345 = arith.addi %add3A_344, %mul3A_343 : i32
      %get3A_346 = arith.index_cast %add3A_345 : i32 to index
      %get3A_347 = tpu.vector_load %arg7[%get3A_346] {strides = array<i32>} : memref<65536xi32, #tpu.memory_space<vmem>>, vector<16xi32>,
      %add3A_348 = arith.addi %add3A_341, %get3A_347 : vector<16xi32>
      %broadcast_in_dim3A_349 = arith.constant true
      %broadcast_in_dim3A_350 = vector.broadcast %broadcast_in_dim3A_349 : i1 to vector<16xi1>
      %masked_cumsum3A = tpu.scan <sum>, %add3A_348 masked %broadcast_in_dim3A_350 : vector<16xi32>, vector<16xi1> -> vector<16xi32>
      %add3A_351 = vector.broadcast %scan3A_232 : i32 to vector<16xi32>
      %add3A_352 = arith.addi %masked_cumsum3A, %add3A_351 : vector<16xi32>
      %lt3A = vector.broadcast %scan3A_136 : i32 to vector<16xi32>
      %lt3A_353 = arith.cmpi slt, %add3A_352, %lt3A : vector<16xi32>
      %ge3A = vector.broadcast %scan3A_136 : i32 to vector<16xi32>
      %ge3A_354 = arith.cmpi sge, %add3A_352, %ge3A : vector<16xi32>
      %sub3A_355 = arith.subi %add3A_352, %add3A_348 : vector<16xi32>
      %lt3A_356 = vector.broadcast %scan3A_136 : i32 to vector<16xi32>
      %lt3A_357 = arith.cmpi slt, %sub3A_355, %lt3A_356 : vector<16xi32>
      %and3A = arith.andi %ge3A_354, %lt3A_357 : vector<16xi1>
      %broadcast_in_dim3A_358 = arith.constant 1 : i32
      %broadcast_in_dim3A_359 = vector.broadcast %broadcast_in_dim3A_358 : i32 to vector<16xi32>
      %broadcast_in_dim3A_360 = arith.constant 0 : i32
      %broadcast_in_dim3A_361 = vector.broadcast %broadcast_in_dim3A_360 : i32 to vector<16xi32>
      %select_n3A_362 = arith.select %lt3A_353, %broadcast_in_dim3A_359, %broadcast_in_dim3A_361 : vector<16xi1>, vector<16xi32>
      %reduce_sum3A = arith.constant true
      %reduce_sum3A_363 = vector.broadcast %reduce_sum3A : i1 to vector<16xi1>
      %reduce_sum3A_364 = tpu.scan <sum>, %select_n3A_362 masked %reduce_sum3A_363 : vector<16xi32>, vector<16xi1> -> vector<16xi32>
      %reduce_sum3A_365 = vector.extract %reduce_sum3A_364[15] : i32 from vector<16xi32>
      %add3A_366 = arith.addi %scan3A_233, %reduce_sum3A_365 : i32
      %select_n3A_367 = arith.select %lt3A_353, %add3A_348, %broadcast_in_dim3A_361 : vector<16xi1>, vector<16xi32>
      %reduce_sum3A_368 = arith.constant true
      %reduce_sum3A_369 = vector.broadcast %reduce_sum3A_368 : i1 to vector<16xi1>
      %reduce_sum3A_370 = tpu.scan <sum>, %select_n3A_367 masked %reduce_sum3A_369 : vector<16xi32>, vector<16xi1> -> vector<16xi32>
      %reduce_sum3A_371 = vector.extract %reduce_sum3A_370[15] : i32 from vector<16xi32>
      %add3A_372 = arith.addi %scan3A_234, %reduce_sum3A_371 : i32
      %select_n3A_373 = arith.select %and3A, %add3A_348, %broadcast_in_dim3A_361 : vector<16xi1>, vector<16xi32>
      %reduce_sum3A_374 = arith.constant true
      %reduce_sum3A_375 = vector.broadcast %reduce_sum3A_374 : i1 to vector<16xi1>
      %reduce_sum3A_376 = tpu.scan <sum>, %select_n3A_373 masked %reduce_sum3A_375 : vector<16xi32>, vector<16xi1> -> vector<16xi32>
      %reduce_sum3A_377 = vector.extract %reduce_sum3A_376[15] : i32 from vector<16xi32>
      %add3A_378 = arith.addi %scan3A_235, %reduce_sum3A_377 : i32
      %reduce_sum3A_379 = arith.constant true
      %reduce_sum3A_380 = vector.broadcast %reduce_sum3A_379 : i1 to vector<16xi1>
      %reduce_sum3A_381 = tpu.scan <sum>, %add3A_348 masked %reduce_sum3A_380 : vector<16xi32>, vector<16xi1> -> vector<16xi32>
      %reduce_sum3A_382 = vector.extract %reduce_sum3A_381[15] : i32 from vector<16xi32>
      %add3A_383 = arith.addi %scan3A_232, %reduce_sum3A_382 : i32
      scf.yield %add3A_383, %add3A_366, %add3A_372, %add3A_378 : i32, i32, i32, i32
    }
    %scan3A_146 = arith.constant 256 : i32
    %sub3A_147 = arith.constant 259523 : i32
    %sub3A_148 = arith.subi %sub3A_147, %scan3A_145#2 : i32
    %le3A_149 = arith.constant 32768 : i32
    %le3A_150 = arith.cmpi sle, %scan3A_145#3, %le3A_149 : i32
    %scan3A_151 = arith.constant 0 : i32
    %scan3A_152 = arith.constant 0 : i32
    %scan3A_153 = arith.constant 256 : i32
    %scan3A_154 = arith.addi %scan3A_152, %scan3A_153 : i32
    %scan3A_155 = arith.constant 1 : i32
    %scan3A_156 = scf.for %scan3A_231 = %scan3A_152 to %scan3A_154 step %scan3A_155 iter_args(%scan3A_232 = %scan3A_151) -> (i32)  : i32 {
      %broadcast_in_dim3A_233 = arith.constant 0 : i32
      %broadcast_in_dim3A_234 = vector.broadcast %broadcast_in_dim3A_233 : i32 to vector<16xi32>
      %mul3A_235 = arith.constant 16 : i32
      %mul3A_236 = arith.muli %scan3A_231, %mul3A_235 : i32
      %add3A_237 = arith.constant 0 : i32
      %add3A_238 = arith.addi %add3A_237, %mul3A_236 : i32
      %swap3A_239 = arith.index_cast %add3A_238 : i32 to index
      %swap3A_240 = tpu.vector_load %arg7[%swap3A_239] {strides = array<i32>} : memref<65536xi32, #tpu.memory_space<vmem>>, vector<16xi32>,
      tpu.vector_store %arg7[%swap3A_239], %broadcast_in_dim3A_234 {strides = array<i32>} : memref<65536xi32, #tpu.memory_space<vmem>>, vector<16xi32>,
      %broadcast_in_dim3A_241 = arith.constant 0 : i32
      %broadcast_in_dim3A_242 = vector.broadcast %broadcast_in_dim3A_241 : i32 to vector<16xi32>
      %mul3A_243 = arith.constant 16 : i32
      %mul3A_244 = arith.muli %scan3A_231, %mul3A_243 : i32
      %add3A_245 = arith.constant 4096 : i32
      %add3A_246 = arith.addi %add3A_245, %mul3A_244 : i32
      %swap3A_247 = arith.index_cast %add3A_246 : i32 to index
      %swap3A_248 = tpu.vector_load %arg7[%swap3A_247] {strides = array<i32>} : memref<65536xi32, #tpu.memory_space<vmem>>, vector<16xi32>,
      tpu.vector_store %arg7[%swap3A_247], %broadcast_in_dim3A_242 {strides = array<i32>} : memref<65536xi32, #tpu.memory_space<vmem>>, vector<16xi32>,
      %broadcast_in_dim3A_249 = arith.constant 0 : i32
      %broadcast_in_dim3A_250 = vector.broadcast %broadcast_in_dim3A_249 : i32 to vector<16xi32>
      %mul3A_251 = arith.constant 16 : i32
      %mul3A_252 = arith.muli %scan3A_231, %mul3A_251 : i32
      %add3A_253 = arith.constant 8192 : i32
      %add3A_254 = arith.addi %add3A_253, %mul3A_252 : i32
      %swap3A_255 = arith.index_cast %add3A_254 : i32 to index
      %swap3A_256 = tpu.vector_load %arg7[%swap3A_255] {strides = array<i32>} : memref<65536xi32, #tpu.memory_space<vmem>>, vector<16xi32>,
      tpu.vector_store %arg7[%swap3A_255], %broadcast_in_dim3A_250 {strides = array<i32>} : memref<65536xi32, #tpu.memory_space<vmem>>, vector<16xi32>,
      %broadcast_in_dim3A_257 = arith.constant 0 : i32
      %broadcast_in_dim3A_258 = vector.broadcast %broadcast_in_dim3A_257 : i32 to vector<16xi32>
      %mul3A_259 = arith.constant 16 : i32
      %mul3A_260 = arith.muli %scan3A_231, %mul3A_259 : i32
      %add3A_261 = arith.constant 12288 : i32
      %add3A_262 = arith.addi %add3A_261, %mul3A_260 : i32
      %swap3A_263 = arith.index_cast %add3A_262 : i32 to index
      %swap3A_264 = tpu.vector_load %arg7[%swap3A_263] {strides = array<i32>} : memref<65536xi32, #tpu.memory_space<vmem>>, vector<16xi32>,
      tpu.vector_store %arg7[%swap3A_263], %broadcast_in_dim3A_258 {strides = array<i32>} : memref<65536xi32, #tpu.memory_space<vmem>>, vector<16xi32>,
      %broadcast_in_dim3A_265 = arith.constant 0 : i32
      %broadcast_in_dim3A_266 = vector.broadcast %broadcast_in_dim3A_265 : i32 to vector<16xi32>
      %mul3A_267 = arith.constant 16 : i32
      %mul3A_268 = arith.muli %scan3A_231, %mul3A_267 : i32
      %add3A_269 = arith.constant 16384 : i32
      %add3A_270 = arith.addi %add3A_269, %mul3A_268 : i32
      %swap3A_271 = arith.index_cast %add3A_270 : i32 to index
      %swap3A_272 = tpu.vector_load %arg7[%swap3A_271] {strides = array<i32>} : memref<65536xi32, #tpu.memory_space<vmem>>, vector<16xi32>,
      tpu.vector_store %arg7[%swap3A_271], %broadcast_in_dim3A_266 {strides = array<i32>} : memref<65536xi32, #tpu.memory_space<vmem>>, vector<16xi32>,
      %broadcast_in_dim3A_273 = arith.constant 0 : i32
      %broadcast_in_dim3A_274 = vector.broadcast %broadcast_in_dim3A_273 : i32 to vector<16xi32>
      %mul3A_275 = arith.constant 16 : i32
      %mul3A_276 = arith.muli %scan3A_231, %mul3A_275 : i32
      %add3A_277 = arith.constant 20480 : i32
      %add3A_278 = arith.addi %add3A_277, %mul3A_276 : i32
      %swap3A_279 = arith.index_cast %add3A_278 : i32 to index
      %swap3A_280 = tpu.vector_load %arg7[%swap3A_279] {strides = array<i32>} : memref<65536xi32, #tpu.memory_space<vmem>>, vector<16xi32>,
      tpu.vector_store %arg7[%swap3A_279], %broadcast_in_dim3A_274 {strides = array<i32>} : memref<65536xi32, #tpu.memory_space<vmem>>, vector<16xi32>,
      %broadcast_in_dim3A_281 = arith.constant 0 : i32
      %broadcast_in_dim3A_282 = vector.broadcast %broadcast_in_dim3A_281 : i32 to vector<16xi32>
      %mul3A_283 = arith.constant 16 : i32
      %mul3A_284 = arith.muli %scan3A_231, %mul3A_283 : i32
      %add3A_285 = arith.constant 24576 : i32
      %add3A_286 = arith.addi %add3A_285, %mul3A_284 : i32
      %swap3A_287 = arith.index_cast %add3A_286 : i32 to index
      %swap3A_288 = tpu.vector_load %arg7[%swap3A_287] {strides = array<i32>} : memref<65536xi32, #tpu.memory_space<vmem>>, vector<16xi32>,
      tpu.vector_store %arg7[%swap3A_287], %broadcast_in_dim3A_282 {strides = array<i32>} : memref<65536xi32, #tpu.memory_space<vmem>>, vector<16xi32>,
      %broadcast_in_dim3A_289 = arith.constant 0 : i32
      %broadcast_in_dim3A_290 = vector.broadcast %broadcast_in_dim3A_289 : i32 to vector<16xi32>
      %mul3A_291 = arith.constant 16 : i32
      %mul3A_292 = arith.muli %scan3A_231, %mul3A_291 : i32
      %add3A_293 = arith.constant 28672 : i32
      %add3A_294 = arith.addi %add3A_293, %mul3A_292 : i32
      %swap3A_295 = arith.index_cast %add3A_294 : i32 to index
      %swap3A_296 = tpu.vector_load %arg7[%swap3A_295] {strides = array<i32>} : memref<65536xi32, #tpu.memory_space<vmem>>, vector<16xi32>,
      tpu.vector_store %arg7[%swap3A_295], %broadcast_in_dim3A_290 {strides = array<i32>} : memref<65536xi32, #tpu.memory_space<vmem>>, vector<16xi32>,
      %broadcast_in_dim3A_297 = arith.constant 0 : i32
      %broadcast_in_dim3A_298 = vector.broadcast %broadcast_in_dim3A_297 : i32 to vector<16xi32>
      %mul3A_299 = arith.constant 16 : i32
      %mul3A_300 = arith.muli %scan3A_231, %mul3A_299 : i32
      %add3A_301 = arith.constant 32768 : i32
      %add3A_302 = arith.addi %add3A_301, %mul3A_300 : i32
      %swap3A_303 = arith.index_cast %add3A_302 : i32 to index
      %swap3A_304 = tpu.vector_load %arg7[%swap3A_303] {strides = array<i32>} : memref<65536xi32, #tpu.memory_space<vmem>>, vector<16xi32>,
      tpu.vector_store %arg7[%swap3A_303], %broadcast_in_dim3A_298 {strides = array<i32>} : memref<65536xi32, #tpu.memory_space<vmem>>, vector<16xi32>,
      %broadcast_in_dim3A_305 = arith.constant 0 : i32
      %broadcast_in_dim3A_306 = vector.broadcast %broadcast_in_dim3A_305 : i32 to vector<16xi32>
      %mul3A_307 = arith.constant 16 : i32
      %mul3A_308 = arith.muli %scan3A_231, %mul3A_307 : i32
      %add3A_309 = arith.constant 36864 : i32
      %add3A_310 = arith.addi %add3A_309, %mul3A_308 : i32
      %swap3A_311 = arith.index_cast %add3A_310 : i32 to index
      %swap3A_312 = tpu.vector_load %arg7[%swap3A_311] {strides = array<i32>} : memref<65536xi32, #tpu.memory_space<vmem>>, vector<16xi32>,
      tpu.vector_store %arg7[%swap3A_311], %broadcast_in_dim3A_306 {strides = array<i32>} : memref<65536xi32, #tpu.memory_space<vmem>>, vector<16xi32>,
      %broadcast_in_dim3A_313 = arith.constant 0 : i32
      %broadcast_in_dim3A_314 = vector.broadcast %broadcast_in_dim3A_313 : i32 to vector<16xi32>
      %mul3A_315 = arith.constant 16 : i32
      %mul3A_316 = arith.muli %scan3A_231, %mul3A_315 : i32
      %add3A_317 = arith.constant 40960 : i32
      %add3A_318 = arith.addi %add3A_317, %mul3A_316 : i32
      %swap3A_319 = arith.index_cast %add3A_318 : i32 to index
      %swap3A_320 = tpu.vector_load %arg7[%swap3A_319] {strides = array<i32>} : memref<65536xi32, #tpu.memory_space<vmem>>, vector<16xi32>,
      tpu.vector_store %arg7[%swap3A_319], %broadcast_in_dim3A_314 {strides = array<i32>} : memref<65536xi32, #tpu.memory_space<vmem>>, vector<16xi32>,
      %broadcast_in_dim3A_321 = arith.constant 0 : i32
      %broadcast_in_dim3A_322 = vector.broadcast %broadcast_in_dim3A_321 : i32 to vector<16xi32>
      %mul3A_323 = arith.constant 16 : i32
      %mul3A_324 = arith.muli %scan3A_231, %mul3A_323 : i32
      %add3A_325 = arith.constant 45056 : i32
      %add3A_326 = arith.addi %add3A_325, %mul3A_324 : i32
      %swap3A_327 = arith.index_cast %add3A_326 : i32 to index
      %swap3A_328 = tpu.vector_load %arg7[%swap3A_327] {strides = array<i32>} : memref<65536xi32, #tpu.memory_space<vmem>>, vector<16xi32>,
      tpu.vector_store %arg7[%swap3A_327], %broadcast_in_dim3A_322 {strides = array<i32>} : memref<65536xi32, #tpu.memory_space<vmem>>, vector<16xi32>,
      %broadcast_in_dim3A_329 = arith.constant 0 : i32
      %broadcast_in_dim3A_330 = vector.broadcast %broadcast_in_dim3A_329 : i32 to vector<16xi32>
      %mul3A_331 = arith.constant 16 : i32
      %mul3A_332 = arith.muli %scan3A_231, %mul3A_331 : i32
      %add3A_333 = arith.constant 49152 : i32
      %add3A_334 = arith.addi %add3A_333, %mul3A_332 : i32
      %swap3A_335 = arith.index_cast %add3A_334 : i32 to index
      %swap3A_336 = tpu.vector_load %arg7[%swap3A_335] {strides = array<i32>} : memref<65536xi32, #tpu.memory_space<vmem>>, vector<16xi32>,
      tpu.vector_store %arg7[%swap3A_335], %broadcast_in_dim3A_330 {strides = array<i32>} : memref<65536xi32, #tpu.memory_space<vmem>>, vector<16xi32>,
      %broadcast_in_dim3A_337 = arith.constant 0 : i32
      %broadcast_in_dim3A_338 = vector.broadcast %broadcast_in_dim3A_337 : i32 to vector<16xi32>
      %mul3A_339 = arith.constant 16 : i32
      %mul3A_340 = arith.muli %scan3A_231, %mul3A_339 : i32
      %add3A_341 = arith.constant 53248 : i32
      %add3A_342 = arith.addi %add3A_341, %mul3A_340 : i32
      %swap3A_343 = arith.index_cast %add3A_342 : i32 to index
      %swap3A_344 = tpu.vector_load %arg7[%swap3A_343] {strides = array<i32>} : memref<65536xi32, #tpu.memory_space<vmem>>, vector<16xi32>,
      tpu.vector_store %arg7[%swap3A_343], %broadcast_in_dim3A_338 {strides = array<i32>} : memref<65536xi32, #tpu.memory_space<vmem>>, vector<16xi32>,
      %broadcast_in_dim3A_345 = arith.constant 0 : i32
      %broadcast_in_dim3A_346 = vector.broadcast %broadcast_in_dim3A_345 : i32 to vector<16xi32>
      %mul3A_347 = arith.constant 16 : i32
      %mul3A_348 = arith.muli %scan3A_231, %mul3A_347 : i32
      %add3A_349 = arith.constant 57344 : i32
      %add3A_350 = arith.addi %add3A_349, %mul3A_348 : i32
      %swap3A_351 = arith.index_cast %add3A_350 : i32 to index
      %swap3A_352 = tpu.vector_load %arg7[%swap3A_351] {strides = array<i32>} : memref<65536xi32, #tpu.memory_space<vmem>>, vector<16xi32>,
      tpu.vector_store %arg7[%swap3A_351], %broadcast_in_dim3A_346 {strides = array<i32>} : memref<65536xi32, #tpu.memory_space<vmem>>, vector<16xi32>,
      %broadcast_in_dim3A_353 = arith.constant 0 : i32
      %broadcast_in_dim3A_354 = vector.broadcast %broadcast_in_dim3A_353 : i32 to vector<16xi32>
      %mul3A_355 = arith.constant 16 : i32
      %mul3A_356 = arith.muli %scan3A_231, %mul3A_355 : i32
      %add3A_357 = arith.constant 61440 : i32
      %add3A_358 = arith.addi %add3A_357, %mul3A_356 : i32
      %swap3A_359 = arith.index_cast %add3A_358 : i32 to index
      %swap3A_360 = tpu.vector_load %arg7[%swap3A_359] {strides = array<i32>} : memref<65536xi32, #tpu.memory_space<vmem>>, vector<16xi32>,
      tpu.vector_store %arg7[%swap3A_359], %broadcast_in_dim3A_354 {strides = array<i32>} : memref<65536xi32, #tpu.memory_space<vmem>>, vector<16xi32>,
      %scan3A_361 = arith.constant 0 : i32
      scf.yield %scan3A_361 : i32
    }
    %scan3A_157 = arith.constant 256 : i32
    %multiple_of3A_158 = arith.constant 0 : i32
    %multiple_of3A_159 = tpu.assume_multiple %multiple_of3A_158, 8192 : i32
    %dma_start3A_160 = tpu.memref_slice %arg2[%add3A_110, %multiple_of3A_159] : memref<64x262144xf32, #tpu.memory_space<hbm>> -> memref<1x8192xf32, #tpu.memory_space<hbm>>
    %dma_start3A_161 = tpu.memref_squeeze %dma_start3A_160 : memref<1x8192xf32, #tpu.memory_space<hbm>> -> memref<8192xf32, #tpu.memory_space<hbm>>
    %dma_start3A_162 = tpu.memref_slice %arg2[%add3A_110, %multiple_of3A_159] : memref<64x262144xf32, #tpu.memory_space<hbm>> -> memref<1x8192xf32, #tpu.memory_space<hbm>>
    %dma_start3A_163 = tpu.memref_squeeze %dma_start3A_162 : memref<1x8192xf32, #tpu.memory_space<hbm>> -> memref<8192xf32, #tpu.memory_space<hbm>>
    tpu.enqueue_dma source(%dma_start3A_163 : memref<8192xf32, #tpu.memory_space<hbm>>) target(%arg4 : memref<8192xf32, #tpu.memory_space<vmem>>) target_semaphore(%arg9 : memref<!tpu.dma_semaphore, #tpu.memory_space<semaphore_mem>>)
    %multiple_of3A_164 = arith.constant 8192 : i32
    %multiple_of3A_165 = tpu.assume_multiple %multiple_of3A_164, 8192 : i32
    %dma_start3A_166 = tpu.memref_slice %arg2[%add3A_110, %multiple_of3A_165] : memref<64x262144xf32, #tpu.memory_space<hbm>> -> memref<1x8192xf32, #tpu.memory_space<hbm>>
    %dma_start3A_167 = tpu.memref_squeeze %dma_start3A_166 : memref<1x8192xf32, #tpu.memory_space<hbm>> -> memref<8192xf32, #tpu.memory_space<hbm>>
    %dma_start3A_168 = tpu.memref_slice %arg2[%add3A_110, %multiple_of3A_165] : memref<64x262144xf32, #tpu.memory_space<hbm>> -> memref<1x8192xf32, #tpu.memory_space<hbm>>
    %dma_start3A_169 = tpu.memref_squeeze %dma_start3A_168 : memref<1x8192xf32, #tpu.memory_space<hbm>> -> memref<8192xf32, #tpu.memory_space<hbm>>
    tpu.enqueue_dma source(%dma_start3A_169 : memref<8192xf32, #tpu.memory_space<hbm>>) target(%arg5 : memref<8192xf32, #tpu.memory_space<vmem>>) target_semaphore(%arg10 : memref<!tpu.dma_semaphore, #tpu.memory_space<semaphore_mem>>)
    %scan3A_170 = arith.constant 0 : i32
    %scan3A_171 = arith.constant 0 : i32
    %scan3A_172 = arith.constant 16 : i32
    %scan3A_173 = arith.addi %scan3A_171, %scan3A_172 : i32
    %scan3A_174 = arith.constant 1 : i32
    %scan3A_175 = scf.for %scan3A_231 = %scan3A_171 to %scan3A_173 step %scan3A_174 iter_args(%scan3A_232 = %scan3A_170) -> (i32)  : i32 {
      %mul3A_233 = arith.constant 2 : i32
      %mul3A_234 = arith.muli %scan3A_231, %mul3A_233 : i32
      %mul3A_235 = arith.constant 8192 : i32
      %mul3A_236 = arith.muli %mul3A_234, %mul3A_235 : i32
      %multiple_of3A_237 = tpu.assume_multiple %mul3A_236, 8192 : i32
      %dma_wait3A = tpu.memref_slice %arg2[%add3A_110, %multiple_of3A_237] : memref<64x262144xf32, #tpu.memory_space<hbm>> -> memref<1x8192xf32, #tpu.memory_space<hbm>>
      %dma_wait3A_238 = tpu.memref_squeeze %dma_wait3A : memref<1x8192xf32, #tpu.memory_space<hbm>> -> memref<8192xf32, #tpu.memory_space<hbm>>
      %dma_wait3A_239 = tpu.memref_slice %arg2[%add3A_110, %multiple_of3A_237] : memref<64x262144xf32, #tpu.memory_space<hbm>> -> memref<1x8192xf32, #tpu.memory_space<hbm>>
      %dma_wait3A_240 = tpu.memref_squeeze %dma_wait3A_239 : memref<1x8192xf32, #tpu.memory_space<hbm>> -> memref<8192xf32, #tpu.memory_space<hbm>>
      tpu.wait_dma2 semaphore(%arg9 : memref<!tpu.dma_semaphore, #tpu.memory_space<semaphore_mem>>) src(%dma_wait3A_240 : memref<8192xf32, #tpu.memory_space<hbm>>) dst(%arg4 : memref<8192xf32, #tpu.memory_space<vmem>>)
      %scan3A_241 = arith.constant 0 : i32
      %scan3A_242 = arith.constant 512 : i32
      %scan3A_243 = arith.addi %scan3A_241, %scan3A_242 : i32
      %scan3A_244 = arith.constant 1 : i32
      %scan3A_245 = scf.for %scan3A_277 = %scan3A_241 to %scan3A_243 step %scan3A_244 iter_args(%scan3A_278 = %scan3A_232) -> (i32)  : i32 {
        %mul3A_279 = arith.constant 16 : i32
        %mul3A_280 = arith.muli %scan3A_277, %mul3A_279 : i32
        %get3A = arith.index_cast %mul3A_280 : i32 to index
        %get3A_281 = tpu.vector_load %arg4[%get3A] {strides = array<i32>} : memref<8192xf32, #tpu.memory_space<vmem>>, vector<16xf32>,
        %bitcast_convert_type3A = tpu.bitcast %get3A_281 : vector<16xf32> -> vector<16xi32>
        %shift_right_logical3A = arith.constant 19 : i32
        %shift_right_logical3A_282 = vector.broadcast %shift_right_logical3A : i32 to vector<16xi32>
        %shift_right_logical3A_283 = arith.shrui %bitcast_convert_type3A, %shift_right_logical3A_282 : vector<16xi32>
        %eq3A_284 = vector.broadcast %scan3A_145#1 : i32 to vector<16xi32>
        %eq3A_285 = arith.cmpi eq, %shift_right_logical3A_283, %eq3A_284 : vector<16xi32>
        %shift_right_logical3A_286 = arith.constant 7 : i32
        %shift_right_logical3A_287 = vector.broadcast %shift_right_logical3A_286 : i32 to vector<16xi32>
        %shift_right_logical3A_288 = arith.shrui %bitcast_convert_type3A, %shift_right_logical3A_287 : vector<16xi32>
        %and3A = arith.constant 4095 : i32
        %and3A_289 = vector.broadcast %and3A : i32 to vector<16xi32>
        %and3A_290 = arith.andi %shift_right_logical3A_288, %and3A_289 : vector<16xi32>
        %mul3A_291 = arith.constant 4096 : i32
        %mul3A_292 = vector.broadcast %mul3A_291 : i32 to vector<16xi32>
        %mul3A_293 = arith.muli %iota3A, %mul3A_292 : vector<16xi32>
        %add3A_294 = arith.addi %mul3A_293, %and3A_290 : vector<16xi32>
        tpu.vector_store_idx %arg7[%add3A_294], %broadcast_in_dim3A_1 masked %eq3A_285 {add = true} : memref<65536xi32, #tpu.memory_space<vmem>>[vector<16xi32>], vector<16xi32>, vector<16xi1>
        %convert_element_type3A_295 = arith.extui %le3A_150 : i1 to i32
        %cond3A_296 = arith.constant 0 : i32
        %cond3A_297 = arith.cmpi ne, %convert_element_type3A_295, %cond3A_296 : i32
        scf.if %cond3A_297 {
          %swap3A_305 = arith.index_cast %scan3A_278 : i32 to index
          %swap3A_306 = tpu.vector_load %arg6[%swap3A_305] masked %eq3A_285 {strides = array<i32>} : memref<32784xi32, #tpu.memory_space<vmem>>, vector<16xi32>, vector<16xi1>
          tpu.vector_store %arg6[%swap3A_305], %bitcast_convert_type3A masked %eq3A_285 {strides = array<i32>} : memref<32784xi32, #tpu.memory_space<vmem>>, vector<16xi32>, vector<16xi1>
        } else {
        }
        %broadcast_in_dim3A_298 = arith.constant 0 : i32
        %broadcast_in_dim3A_299 = vector.broadcast %broadcast_in_dim3A_298 : i32 to vector<16xi32>
        %select_n3A_300 = arith.select %eq3A_285, %broadcast_in_dim3A_1, %broadcast_in_dim3A_299 : vector<16xi1>, vector<16xi32>
        %reduce_sum3A = arith.constant true
        %reduce_sum3A_301 = vector.broadcast %reduce_sum3A : i1 to vector<16xi1>
        %reduce_sum3A_302 = tpu.scan <sum>, %select_n3A_300 masked %reduce_sum3A_301 : vector<16xi32>, vector<16xi1> -> vector<16xi32>
        %reduce_sum3A_303 = vector.extract %reduce_sum3A_302[15] : i32 from vector<16xi32>
        %add3A_304 = arith.addi %scan3A_278, %reduce_sum3A_303 : i32
        scf.yield %add3A_304 : i32
      }
      %scan3A_246 = arith.constant 512 : i32
      %add3A_247 = arith.constant 2 : i32
      %add3A_248 = arith.addi %mul3A_234, %add3A_247 : i32
      %lt3A = arith.constant 32 : i32
      %lt3A_249 = arith.cmpi slt, %add3A_248, %lt3A : i32
      %convert_element_type3A_250 = arith.extui %lt3A_249 : i1 to i32
      %cond3A_251 = arith.constant 0 : i32
      %cond3A_252 = arith.cmpi ne, %convert_element_type3A_250, %cond3A_251 : i32
      scf.if %cond3A_252 {
        %add3A_277 = arith.constant 2 : i32
        %add3A_278 = arith.addi %mul3A_234, %add3A_277 : i32
        %mul3A_279 = arith.constant 8192 : i32
        %mul3A_280 = arith.muli %add3A_278, %mul3A_279 : i32
        %multiple_of3A_281 = tpu.assume_multiple %mul3A_280, 8192 : i32
        %dma_start3A_282 = tpu.memref_slice %arg2[%add3A_110, %multiple_of3A_281] : memref<64x262144xf32, #tpu.memory_space<hbm>> -> memref<1x8192xf32, #tpu.memory_space<hbm>>
        %dma_start3A_283 = tpu.memref_squeeze %dma_start3A_282 : memref<1x8192xf32, #tpu.memory_space<hbm>> -> memref<8192xf32, #tpu.memory_space<hbm>>
        %dma_start3A_284 = tpu.memref_slice %arg2[%add3A_110, %multiple_of3A_281] : memref<64x262144xf32, #tpu.memory_space<hbm>> -> memref<1x8192xf32, #tpu.memory_space<hbm>>
        %dma_start3A_285 = tpu.memref_squeeze %dma_start3A_284 : memref<1x8192xf32, #tpu.memory_space<hbm>> -> memref<8192xf32, #tpu.memory_space<hbm>>
        tpu.enqueue_dma source(%dma_start3A_285 : memref<8192xf32, #tpu.memory_space<hbm>>) target(%arg4 : memref<8192xf32, #tpu.memory_space<vmem>>) target_semaphore(%arg9 : memref<!tpu.dma_semaphore, #tpu.memory_space<semaphore_mem>>)
      } else {
      }
      %add3A_253 = arith.constant 1 : i32
      %add3A_254 = arith.addi %mul3A_234, %add3A_253 : i32
      %mul3A_255 = arith.constant 8192 : i32
      %mul3A_256 = arith.muli %add3A_254, %mul3A_255 : i32
      %multiple_of3A_257 = tpu.assume_multiple %mul3A_256, 8192 : i32
      %dma_wait3A_258 = tpu.memref_slice %arg2[%add3A_110, %multiple_of3A_257] : memref<64x262144xf32, #tpu.memory_space<hbm>> -> memref<1x8192xf32, #tpu.memory_space<hbm>>
      %dma_wait3A_259 = tpu.memref_squeeze %dma_wait3A_258 : memref<1x8192xf32, #tpu.memory_space<hbm>> -> memref<8192xf32, #tpu.memory_space<hbm>>
      %dma_wait3A_260 = tpu.memref_slice %arg2[%add3A_110, %multiple_of3A_257] : memref<64x262144xf32, #tpu.memory_space<hbm>> -> memref<1x8192xf32, #tpu.memory_space<hbm>>
      %dma_wait3A_261 = tpu.memref_squeeze %dma_wait3A_260 : memref<1x8192xf32, #tpu.memory_space<hbm>> -> memref<8192xf32, #tpu.memory_space<hbm>>
      tpu.wait_dma2 semaphore(%arg10 : memref<!tpu.dma_semaphore, #tpu.memory_space<semaphore_mem>>) src(%dma_wait3A_261 : memref<8192xf32, #tpu.memory_space<hbm>>) dst(%arg5 : memref<8192xf32, #tpu.memory_space<vmem>>)
      %add3A_262 = arith.constant 1 : i32
      %add3A_263 = arith.addi %mul3A_234, %add3A_262 : i32
      %scan3A_264 = arith.constant 0 : i32
      %scan3A_265 = arith.constant 512 : i32
      %scan3A_266 = arith.addi %scan3A_264, %scan3A_265 : i32
      %scan3A_267 = arith.constant 1 : i32
      %scan3A_268 = scf.for %scan3A_277 = %scan3A_264 to %scan3A_266 step %scan3A_267 iter_args(%scan3A_278 = %scan3A_245) -> (i32)  : i32 {
        %mul3A_279 = arith.constant 16 : i32
        %mul3A_280 = arith.muli %scan3A_277, %mul3A_279 : i32
        %get3A = arith.index_cast %mul3A_280 : i32 to index
        %get3A_281 = tpu.vector_load %arg5[%get3A] {strides = array<i32>} : memref<8192xf32, #tpu.memory_space<vmem>>, vector<16xf32>,
        %bitcast_convert_type3A = tpu.bitcast %get3A_281 : vector<16xf32> -> vector<16xi32>
        %shift_right_logical3A = arith.constant 19 : i32
        %shift_right_logical3A_282 = vector.broadcast %shift_right_logical3A : i32 to vector<16xi32>
        %shift_right_logical3A_283 = arith.shrui %bitcast_convert_type3A, %shift_right_logical3A_282 : vector<16xi32>
        %eq3A_284 = vector.broadcast %scan3A_145#1 : i32 to vector<16xi32>
        %eq3A_285 = arith.cmpi eq, %shift_right_logical3A_283, %eq3A_284 : vector<16xi32>
        %shift_right_logical3A_286 = arith.constant 7 : i32
        %shift_right_logical3A_287 = vector.broadcast %shift_right_logical3A_286 : i32 to vector<16xi32>
        %shift_right_logical3A_288 = arith.shrui %bitcast_convert_type3A, %shift_right_logical3A_287 : vector<16xi32>
        %and3A = arith.constant 4095 : i32
        %and3A_289 = vector.broadcast %and3A : i32 to vector<16xi32>
        %and3A_290 = arith.andi %shift_right_logical3A_288, %and3A_289 : vector<16xi32>
        %mul3A_291 = arith.constant 4096 : i32
        %mul3A_292 = vector.broadcast %mul3A_291 : i32 to vector<16xi32>
        %mul3A_293 = arith.muli %iota3A, %mul3A_292 : vector<16xi32>
        %add3A_294 = arith.addi %mul3A_293, %and3A_290 : vector<16xi32>
        tpu.vector_store_idx %arg7[%add3A_294], %broadcast_in_dim3A_1 masked %eq3A_285 {add = true} : memref<65536xi32, #tpu.memory_space<vmem>>[vector<16xi32>], vector<16xi32>, vector<16xi1>
        %convert_element_type3A_295 = arith.extui %le3A_150 : i1 to i32
        %cond3A_296 = arith.constant 0 : i32
        %cond3A_297 = arith.cmpi ne, %convert_element_type3A_295, %cond3A_296 : i32
        scf.if %cond3A_297 {
          %swap3A_305 = arith.index_cast %scan3A_278 : i32 to index
          %swap3A_306 = tpu.vector_load %arg6[%swap3A_305] masked %eq3A_285 {strides = array<i32>} : memref<32784xi32, #tpu.memory_space<vmem>>, vector<16xi32>, vector<16xi1>
          tpu.vector_store %arg6[%swap3A_305], %bitcast_convert_type3A masked %eq3A_285 {strides = array<i32>} : memref<32784xi32, #tpu.memory_space<vmem>>, vector<16xi32>, vector<16xi1>
        } else {
        }
        %broadcast_in_dim3A_298 = arith.constant 0 : i32
        %broadcast_in_dim3A_299 = vector.broadcast %broadcast_in_dim3A_298 : i32 to vector<16xi32>
        %select_n3A_300 = arith.select %eq3A_285, %broadcast_in_dim3A_1, %broadcast_in_dim3A_299 : vector<16xi1>, vector<16xi32>
        %reduce_sum3A = arith.constant true
        %reduce_sum3A_301 = vector.broadcast %reduce_sum3A : i1 to vector<16xi1>
        %reduce_sum3A_302 = tpu.scan <sum>, %select_n3A_300 masked %reduce_sum3A_301 : vector<16xi32>, vector<16xi1> -> vector<16xi32>
        %reduce_sum3A_303 = vector.extract %reduce_sum3A_302[15] : i32 from vector<16xi32>
        %add3A_304 = arith.addi %scan3A_278, %reduce_sum3A_303 : i32
        scf.yield %add3A_304 : i32
      }
      %scan3A_269 = arith.constant 512 : i32
      %add3A_270 = arith.constant 3 : i32
      %add3A_271 = arith.addi %mul3A_234, %add3A_270 : i32
      %lt3A_272 = arith.constant 32 : i32
      %lt3A_273 = arith.cmpi slt, %add3A_271, %lt3A_272 : i32
      %convert_element_type3A_274 = arith.extui %lt3A_273 : i1 to i32
      %cond3A_275 = arith.constant 0 : i32
      %cond3A_276 = arith.cmpi ne, %convert_element_type3A_274, %cond3A_275 : i32
      scf.if %cond3A_276 {
        %add3A_277 = arith.constant 3 : i32
        %add3A_278 = arith.addi %mul3A_234, %add3A_277 : i32
        %mul3A_279 = arith.constant 8192 : i32
        %mul3A_280 = arith.muli %add3A_278, %mul3A_279 : i32
        %multiple_of3A_281 = tpu.assume_multiple %mul3A_280, 8192 : i32
        %dma_start3A_282 = tpu.memref_slice %arg2[%add3A_110, %multiple_of3A_281] : memref<64x262144xf32, #tpu.memory_space<hbm>> -> memref<1x8192xf32, #tpu.memory_space<hbm>>
        %dma_start3A_283 = tpu.memref_squeeze %dma_start3A_282 : memref<1x8192xf32, #tpu.memory_space<hbm>> -> memref<8192xf32, #tpu.memory_space<hbm>>
        %dma_start3A_284 = tpu.memref_slice %arg2[%add3A_110, %multiple_of3A_281] : memref<64x262144xf32, #tpu.memory_space<hbm>> -> memref<1x8192xf32, #tpu.memory_space<hbm>>
        %dma_start3A_285 = tpu.memref_squeeze %dma_start3A_284 : memref<1x8192xf32, #tpu.memory_space<hbm>> -> memref<8192xf32, #tpu.memory_space<hbm>>
        tpu.enqueue_dma source(%dma_start3A_285 : memref<8192xf32, #tpu.memory_space<hbm>>) target(%arg5 : memref<8192xf32, #tpu.memory_space<vmem>>) target_semaphore(%arg10 : memref<!tpu.dma_semaphore, #tpu.memory_space<semaphore_mem>>)
      } else {
      }
      scf.yield %scan3A_268 : i32
    }
    %scan3A_176 = arith.constant 16 : i32
    %scan3A_177 = arith.constant 0 : i32
    %scan3A_178 = arith.constant 0 : i32
    %scan3A_179 = arith.constant 0 : i32
    %scan3A_180 = arith.constant 0 : i32
    %scan3A_181 = arith.constant 0 : i32
    %scan3A_182 = arith.constant 256 : i32
    %scan3A_183 = arith.addi %scan3A_181, %scan3A_182 : i32
    %scan3A_184 = arith.constant 1 : i32
    %scan3A_185:4 = scf.for %scan3A_231 = %scan3A_181 to %scan3A_183 step %scan3A_184 iter_args(%scan3A_232 = %scan3A_177, %scan3A_233 = %scan3A_178, %scan3A_234 = %scan3A_179, %scan3A_235 = %scan3A_180) -> (i32, i32, i32, i32)  : i32 {
      %broadcast_in_dim3A_236 = arith.constant 0 : i32
      %broadcast_in_dim3A_237 = vector.broadcast %broadcast_in_dim3A_236 : i32 to vector<16xi32>
      %mul3A_238 = arith.constant 16 : i32
      %mul3A_239 = arith.muli %scan3A_231, %mul3A_238 : i32
      %add3A_240 = arith.constant 0 : i32
      %add3A_241 = arith.addi %add3A_240, %mul3A_239 : i32
      %get3A = arith.index_cast %add3A_241 : i32 to index
      %get3A_242 = tpu.vector_load %arg7[%get3A] {strides = array<i32>} : memref<65536xi32, #tpu.memory_space<vmem>>, vector<16xi32>,
      %add3A_243 = arith.addi %broadcast_in_dim3A_237, %get3A_242 : vector<16xi32>
      %mul3A_244 = arith.constant 16 : i32
      %mul3A_245 = arith.muli %scan3A_231, %mul3A_244 : i32
      %add3A_246 = arith.constant 4096 : i32
      %add3A_247 = arith.addi %add3A_246, %mul3A_245 : i32
      %get3A_248 = arith.index_cast %add3A_247 : i32 to index
      %get3A_249 = tpu.vector_load %arg7[%get3A_248] {strides = array<i32>} : memref<65536xi32, #tpu.memory_space<vmem>>, vector<16xi32>,
      %add3A_250 = arith.addi %add3A_243, %get3A_249 : vector<16xi32>
      %mul3A_251 = arith.constant 16 : i32
      %mul3A_252 = arith.muli %scan3A_231, %mul3A_251 : i32
      %add3A_253 = arith.constant 8192 : i32
      %add3A_254 = arith.addi %add3A_253, %mul3A_252 : i32
      %get3A_255 = arith.index_cast %add3A_254 : i32 to index
      %get3A_256 = tpu.vector_load %arg7[%get3A_255] {strides = array<i32>} : memref<65536xi32, #tpu.memory_space<vmem>>, vector<16xi32>,
      %add3A_257 = arith.addi %add3A_250, %get3A_256 : vector<16xi32>
      %mul3A_258 = arith.constant 16 : i32
      %mul3A_259 = arith.muli %scan3A_231, %mul3A_258 : i32
      %add3A_260 = arith.constant 12288 : i32
      %add3A_261 = arith.addi %add3A_260, %mul3A_259 : i32
      %get3A_262 = arith.index_cast %add3A_261 : i32 to index
      %get3A_263 = tpu.vector_load %arg7[%get3A_262] {strides = array<i32>} : memref<65536xi32, #tpu.memory_space<vmem>>, vector<16xi32>,
      %add3A_264 = arith.addi %add3A_257, %get3A_263 : vector<16xi32>
      %mul3A_265 = arith.constant 16 : i32
      %mul3A_266 = arith.muli %scan3A_231, %mul3A_265 : i32
      %add3A_267 = arith.constant 16384 : i32
      %add3A_268 = arith.addi %add3A_267, %mul3A_266 : i32
      %get3A_269 = arith.index_cast %add3A_268 : i32 to index
      %get3A_270 = tpu.vector_load %arg7[%get3A_269] {strides = array<i32>} : memref<65536xi32, #tpu.memory_space<vmem>>, vector<16xi32>,
      %add3A_271 = arith.addi %add3A_264, %get3A_270 : vector<16xi32>
      %mul3A_272 = arith.constant 16 : i32
      %mul3A_273 = arith.muli %scan3A_231, %mul3A_272 : i32
      %add3A_274 = arith.constant 20480 : i32
      %add3A_275 = arith.addi %add3A_274, %mul3A_273 : i32
      %get3A_276 = arith.index_cast %add3A_275 : i32 to index
      %get3A_277 = tpu.vector_load %arg7[%get3A_276] {strides = array<i32>} : memref<65536xi32, #tpu.memory_space<vmem>>, vector<16xi32>,
      %add3A_278 = arith.addi %add3A_271, %get3A_277 : vector<16xi32>
      %mul3A_279 = arith.constant 16 : i32
      %mul3A_280 = arith.muli %scan3A_231, %mul3A_279 : i32
      %add3A_281 = arith.constant 24576 : i32
      %add3A_282 = arith.addi %add3A_281, %mul3A_280 : i32
      %get3A_283 = arith.index_cast %add3A_282 : i32 to index
      %get3A_284 = tpu.vector_load %arg7[%get3A_283] {strides = array<i32>} : memref<65536xi32, #tpu.memory_space<vmem>>, vector<16xi32>,
      %add3A_285 = arith.addi %add3A_278, %get3A_284 : vector<16xi32>
      %mul3A_286 = arith.constant 16 : i32
      %mul3A_287 = arith.muli %scan3A_231, %mul3A_286 : i32
      %add3A_288 = arith.constant 28672 : i32
      %add3A_289 = arith.addi %add3A_288, %mul3A_287 : i32
      %get3A_290 = arith.index_cast %add3A_289 : i32 to index
      %get3A_291 = tpu.vector_load %arg7[%get3A_290] {strides = array<i32>} : memref<65536xi32, #tpu.memory_space<vmem>>, vector<16xi32>,
      %add3A_292 = arith.addi %add3A_285, %get3A_291 : vector<16xi32>
      %mul3A_293 = arith.constant 16 : i32
      %mul3A_294 = arith.muli %scan3A_231, %mul3A_293 : i32
      %add3A_295 = arith.constant 32768 : i32
      %add3A_296 = arith.addi %add3A_295, %mul3A_294 : i32
      %get3A_297 = arith.index_cast %add3A_296 : i32 to index
      %get3A_298 = tpu.vector_load %arg7[%get3A_297] {strides = array<i32>} : memref<65536xi32, #tpu.memory_space<vmem>>, vector<16xi32>,
      %add3A_299 = arith.addi %add3A_292, %get3A_298 : vector<16xi32>
      %mul3A_300 = arith.constant 16 : i32
      %mul3A_301 = arith.muli %scan3A_231, %mul3A_300 : i32
      %add3A_302 = arith.constant 36864 : i32
      %add3A_303 = arith.addi %add3A_302, %mul3A_301 : i32
      %get3A_304 = arith.index_cast %add3A_303 : i32 to index
      %get3A_305 = tpu.vector_load %arg7[%get3A_304] {strides = array<i32>} : memref<65536xi32, #tpu.memory_space<vmem>>, vector<16xi32>,
      %add3A_306 = arith.addi %add3A_299, %get3A_305 : vector<16xi32>
      %mul3A_307 = arith.constant 16 : i32
      %mul3A_308 = arith.muli %scan3A_231, %mul3A_307 : i32
      %add3A_309 = arith.constant 40960 : i32
      %add3A_310 = arith.addi %add3A_309, %mul3A_308 : i32
      %get3A_311 = arith.index_cast %add3A_310 : i32 to index
      %get3A_312 = tpu.vector_load %arg7[%get3A_311] {strides = array<i32>} : memref<65536xi32, #tpu.memory_space<vmem>>, vector<16xi32>,
      %add3A_313 = arith.addi %add3A_306, %get3A_312 : vector<16xi32>
      %mul3A_314 = arith.constant 16 : i32
      %mul3A_315 = arith.muli %scan3A_231, %mul3A_314 : i32
      %add3A_316 = arith.constant 45056 : i32
      %add3A_317 = arith.addi %add3A_316, %mul3A_315 : i32
      %get3A_318 = arith.index_cast %add3A_317 : i32 to index
      %get3A_319 = tpu.vector_load %arg7[%get3A_318] {strides = array<i32>} : memref<65536xi32, #tpu.memory_space<vmem>>, vector<16xi32>,
      %add3A_320 = arith.addi %add3A_313, %get3A_319 : vector<16xi32>
      %mul3A_321 = arith.constant 16 : i32
      %mul3A_322 = arith.muli %scan3A_231, %mul3A_321 : i32
      %add3A_323 = arith.constant 49152 : i32
      %add3A_324 = arith.addi %add3A_323, %mul3A_322 : i32
      %get3A_325 = arith.index_cast %add3A_324 : i32 to index
      %get3A_326 = tpu.vector_load %arg7[%get3A_325] {strides = array<i32>} : memref<65536xi32, #tpu.memory_space<vmem>>, vector<16xi32>,
      %add3A_327 = arith.addi %add3A_320, %get3A_326 : vector<16xi32>
      %mul3A_328 = arith.constant 16 : i32
      %mul3A_329 = arith.muli %scan3A_231, %mul3A_328 : i32
      %add3A_330 = arith.constant 53248 : i32
      %add3A_331 = arith.addi %add3A_330, %mul3A_329 : i32
      %get3A_332 = arith.index_cast %add3A_331 : i32 to index
      %get3A_333 = tpu.vector_load %arg7[%get3A_332] {strides = array<i32>} : memref<65536xi32, #tpu.memory_space<vmem>>, vector<16xi32>,
      %add3A_334 = arith.addi %add3A_327, %get3A_333 : vector<16xi32>
      %mul3A_335 = arith.constant 16 : i32
      %mul3A_336 = arith.muli %scan3A_231, %mul3A_335 : i32
      %add3A_337 = arith.constant 57344 : i32
      %add3A_338 = arith.addi %add3A_337, %mul3A_336 : i32
      %get3A_339 = arith.index_cast %add3A_338 : i32 to index
      %get3A_340 = tpu.vector_load %arg7[%get3A_339] {strides = array<i32>} : memref<65536xi32, #tpu.memory_space<vmem>>, vector<16xi32>,
      %add3A_341 = arith.addi %add3A_334, %get3A_340 : vector<16xi32>
      %mul3A_342 = arith.constant 16 : i32
      %mul3A_343 = arith.muli %scan3A_231, %mul3A_342 : i32
      %add3A_344 = arith.constant 61440 : i32
      %add3A_345 = arith.addi %add3A_344, %mul3A_343 : i32
      %get3A_346 = arith.index_cast %add3A_345 : i32 to index
      %get3A_347 = tpu.vector_load %arg7[%get3A_346] {strides = array<i32>} : memref<65536xi32, #tpu.memory_space<vmem>>, vector<16xi32>,
      %add3A_348 = arith.addi %add3A_341, %get3A_347 : vector<16xi32>
      %broadcast_in_dim3A_349 = arith.constant true
      %broadcast_in_dim3A_350 = vector.broadcast %broadcast_in_dim3A_349 : i1 to vector<16xi1>
      %masked_cumsum3A = tpu.scan <sum>, %add3A_348 masked %broadcast_in_dim3A_350 : vector<16xi32>, vector<16xi1> -> vector<16xi32>
      %add3A_351 = vector.broadcast %scan3A_232 : i32 to vector<16xi32>
      %add3A_352 = arith.addi %masked_cumsum3A, %add3A_351 : vector<16xi32>
      %lt3A = vector.broadcast %sub3A_148 : i32 to vector<16xi32>
      %lt3A_353 = arith.cmpi slt, %add3A_352, %lt3A : vector<16xi32>
      %ge3A = vector.broadcast %sub3A_148 : i32 to vector<16xi32>
      %ge3A_354 = arith.cmpi sge, %add3A_352, %ge3A : vector<16xi32>
      %sub3A_355 = arith.subi %add3A_352, %add3A_348 : vector<16xi32>
      %lt3A_356 = vector.broadcast %sub3A_148 : i32 to vector<16xi32>
      %lt3A_357 = arith.cmpi slt, %sub3A_355, %lt3A_356 : vector<16xi32>
      %and3A = arith.andi %ge3A_354, %lt3A_357 : vector<16xi1>
      %broadcast_in_dim3A_358 = arith.constant 1 : i32
      %broadcast_in_dim3A_359 = vector.broadcast %broadcast_in_dim3A_358 : i32 to vector<16xi32>
      %broadcast_in_dim3A_360 = arith.constant 0 : i32
      %broadcast_in_dim3A_361 = vector.broadcast %broadcast_in_dim3A_360 : i32 to vector<16xi32>
      %select_n3A_362 = arith.select %lt3A_353, %broadcast_in_dim3A_359, %broadcast_in_dim3A_361 : vector<16xi1>, vector<16xi32>
      %reduce_sum3A = arith.constant true
      %reduce_sum3A_363 = vector.broadcast %reduce_sum3A : i1 to vector<16xi1>
      %reduce_sum3A_364 = tpu.scan <sum>, %select_n3A_362 masked %reduce_sum3A_363 : vector<16xi32>, vector<16xi1> -> vector<16xi32>
      %reduce_sum3A_365 = vector.extract %reduce_sum3A_364[15] : i32 from vector<16xi32>
      %add3A_366 = arith.addi %scan3A_233, %reduce_sum3A_365 : i32
      %select_n3A_367 = arith.select %lt3A_353, %add3A_348, %broadcast_in_dim3A_361 : vector<16xi1>, vector<16xi32>
      %reduce_sum3A_368 = arith.constant true
      %reduce_sum3A_369 = vector.broadcast %reduce_sum3A_368 : i1 to vector<16xi1>
      %reduce_sum3A_370 = tpu.scan <sum>, %select_n3A_367 masked %reduce_sum3A_369 : vector<16xi32>, vector<16xi1> -> vector<16xi32>
      %reduce_sum3A_371 = vector.extract %reduce_sum3A_370[15] : i32 from vector<16xi32>
      %add3A_372 = arith.addi %scan3A_234, %reduce_sum3A_371 : i32
      %select_n3A_373 = arith.select %and3A, %add3A_348, %broadcast_in_dim3A_361 : vector<16xi1>, vector<16xi32>
      %reduce_sum3A_374 = arith.constant true
      %reduce_sum3A_375 = vector.broadcast %reduce_sum3A_374 : i1 to vector<16xi1>
      %reduce_sum3A_376 = tpu.scan <sum>, %select_n3A_373 masked %reduce_sum3A_375 : vector<16xi32>, vector<16xi1> -> vector<16xi32>
      %reduce_sum3A_377 = vector.extract %reduce_sum3A_376[15] : i32 from vector<16xi32>
      %add3A_378 = arith.addi %scan3A_235, %reduce_sum3A_377 : i32
      %reduce_sum3A_379 = arith.constant true
      %reduce_sum3A_380 = vector.broadcast %reduce_sum3A_379 : i1 to vector<16xi1>
      %reduce_sum3A_381 = tpu.scan <sum>, %add3A_348 masked %reduce_sum3A_380 : vector<16xi32>, vector<16xi1> -> vector<16xi32>
      %reduce_sum3A_382 = vector.extract %reduce_sum3A_381[15] : i32 from vector<16xi32>
      %add3A_383 = arith.addi %scan3A_232, %reduce_sum3A_382 : i32
      scf.yield %add3A_383, %add3A_366, %add3A_372, %add3A_378 : i32, i32, i32, i32
    }
    %scan3A_186 = arith.constant 256 : i32
    %sub3A_187 = arith.subi %sub3A_148, %scan3A_185#2 : i32
    %mul3A_188 = arith.constant 4096 : i32
    %mul3A_189 = arith.muli %scan3A_145#1, %mul3A_188 : i32
    %add3A_190 = arith.addi %mul3A_189, %scan3A_185#1 : i32
    %scan3A_191 = arith.constant 0 : i32
    %scan3A_192 = arith.constant 0 : i32
    %scan3A_193 = arith.constant 8 : i32
    %scan3A_194 = arith.addi %scan3A_192, %scan3A_193 : i32
    %scan3A_195 = arith.constant 1 : i32
    %scan3A_196 = scf.for %scan3A_231 = %scan3A_192 to %scan3A_194 step %scan3A_195 iter_args(%scan3A_232 = %scan3A_191) -> (i32)  : i32 {
      %broadcast_in_dim3A_233 = arith.constant 0 : i32
      %broadcast_in_dim3A_234 = vector.broadcast %broadcast_in_dim3A_233 : i32 to vector<16xi32>
      %mul3A_235 = arith.constant 16 : i32
      %mul3A_236 = arith.muli %scan3A_231, %mul3A_235 : i32
      %add3A_237 = arith.constant 0 : i32
      %add3A_238 = arith.addi %add3A_237, %mul3A_236 : i32
      %swap3A_239 = arith.index_cast %add3A_238 : i32 to index
      %swap3A_240 = tpu.vector_load %arg7[%swap3A_239] {strides = array<i32>} : memref<65536xi32, #tpu.memory_space<vmem>>, vector<16xi32>,
      tpu.vector_store %arg7[%swap3A_239], %broadcast_in_dim3A_234 {strides = array<i32>} : memref<65536xi32, #tpu.memory_space<vmem>>, vector<16xi32>,
      %broadcast_in_dim3A_241 = arith.constant 0 : i32
      %broadcast_in_dim3A_242 = vector.broadcast %broadcast_in_dim3A_241 : i32 to vector<16xi32>
      %mul3A_243 = arith.constant 16 : i32
      %mul3A_244 = arith.muli %scan3A_231, %mul3A_243 : i32
      %add3A_245 = arith.constant 4096 : i32
      %add3A_246 = arith.addi %add3A_245, %mul3A_244 : i32
      %swap3A_247 = arith.index_cast %add3A_246 : i32 to index
      %swap3A_248 = tpu.vector_load %arg7[%swap3A_247] {strides = array<i32>} : memref<65536xi32, #tpu.memory_space<vmem>>, vector<16xi32>,
      tpu.vector_store %arg7[%swap3A_247], %broadcast_in_dim3A_242 {strides = array<i32>} : memref<65536xi32, #tpu.memory_space<vmem>>, vector<16xi32>,
      %broadcast_in_dim3A_249 = arith.constant 0 : i32
      %broadcast_in_dim3A_250 = vector.broadcast %broadcast_in_dim3A_249 : i32 to vector<16xi32>
      %mul3A_251 = arith.constant 16 : i32
      %mul3A_252 = arith.muli %scan3A_231, %mul3A_251 : i32
      %add3A_253 = arith.constant 8192 : i32
      %add3A_254 = arith.addi %add3A_253, %mul3A_252 : i32
      %swap3A_255 = arith.index_cast %add3A_254 : i32 to index
      %swap3A_256 = tpu.vector_load %arg7[%swap3A_255] {strides = array<i32>} : memref<65536xi32, #tpu.memory_space<vmem>>, vector<16xi32>,
      tpu.vector_store %arg7[%swap3A_255], %broadcast_in_dim3A_250 {strides = array<i32>} : memref<65536xi32, #tpu.memory_space<vmem>>, vector<16xi32>,
      %broadcast_in_dim3A_257 = arith.constant 0 : i32
      %broadcast_in_dim3A_258 = vector.broadcast %broadcast_in_dim3A_257 : i32 to vector<16xi32>
      %mul3A_259 = arith.constant 16 : i32
      %mul3A_260 = arith.muli %scan3A_231, %mul3A_259 : i32
      %add3A_261 = arith.constant 12288 : i32
      %add3A_262 = arith.addi %add3A_261, %mul3A_260 : i32
      %swap3A_263 = arith.index_cast %add3A_262 : i32 to index
      %swap3A_264 = tpu.vector_load %arg7[%swap3A_263] {strides = array<i32>} : memref<65536xi32, #tpu.memory_space<vmem>>, vector<16xi32>,
      tpu.vector_store %arg7[%swap3A_263], %broadcast_in_dim3A_258 {strides = array<i32>} : memref<65536xi32, #tpu.memory_space<vmem>>, vector<16xi32>,
      %broadcast_in_dim3A_265 = arith.constant 0 : i32
      %broadcast_in_dim3A_266 = vector.broadcast %broadcast_in_dim3A_265 : i32 to vector<16xi32>
      %mul3A_267 = arith.constant 16 : i32
      %mul3A_268 = arith.muli %scan3A_231, %mul3A_267 : i32
      %add3A_269 = arith.constant 16384 : i32
      %add3A_270 = arith.addi %add3A_269, %mul3A_268 : i32
      %swap3A_271 = arith.index_cast %add3A_270 : i32 to index
      %swap3A_272 = tpu.vector_load %arg7[%swap3A_271] {strides = array<i32>} : memref<65536xi32, #tpu.memory_space<vmem>>, vector<16xi32>,
      tpu.vector_store %arg7[%swap3A_271], %broadcast_in_dim3A_266 {strides = array<i32>} : memref<65536xi32, #tpu.memory_space<vmem>>, vector<16xi32>,
      %broadcast_in_dim3A_273 = arith.constant 0 : i32
      %broadcast_in_dim3A_274 = vector.broadcast %broadcast_in_dim3A_273 : i32 to vector<16xi32>
      %mul3A_275 = arith.constant 16 : i32
      %mul3A_276 = arith.muli %scan3A_231, %mul3A_275 : i32
      %add3A_277 = arith.constant 20480 : i32
      %add3A_278 = arith.addi %add3A_277, %mul3A_276 : i32
      %swap3A_279 = arith.index_cast %add3A_278 : i32 to index
      %swap3A_280 = tpu.vector_load %arg7[%swap3A_279] {strides = array<i32>} : memref<65536xi32, #tpu.memory_space<vmem>>, vector<16xi32>,
      tpu.vector_store %arg7[%swap3A_279], %broadcast_in_dim3A_274 {strides = array<i32>} : memref<65536xi32, #tpu.memory_space<vmem>>, vector<16xi32>,
      %broadcast_in_dim3A_281 = arith.constant 0 : i32
      %broadcast_in_dim3A_282 = vector.broadcast %broadcast_in_dim3A_281 : i32 to vector<16xi32>
      %mul3A_283 = arith.constant 16 : i32
      %mul3A_284 = arith.muli %scan3A_231, %mul3A_283 : i32
      %add3A_285 = arith.constant 24576 : i32
      %add3A_286 = arith.addi %add3A_285, %mul3A_284 : i32
      %swap3A_287 = arith.index_cast %add3A_286 : i32 to index
      %swap3A_288 = tpu.vector_load %arg7[%swap3A_287] {strides = array<i32>} : memref<65536xi32, #tpu.memory_space<vmem>>, vector<16xi32>,
      tpu.vector_store %arg7[%swap3A_287], %broadcast_in_dim3A_282 {strides = array<i32>} : memref<65536xi32, #tpu.memory_space<vmem>>, vector<16xi32>,
      %broadcast_in_dim3A_289 = arith.constant 0 : i32
      %broadcast_in_dim3A_290 = vector.broadcast %broadcast_in_dim3A_289 : i32 to vector<16xi32>
      %mul3A_291 = arith.constant 16 : i32
      %mul3A_292 = arith.muli %scan3A_231, %mul3A_291 : i32
      %add3A_293 = arith.constant 28672 : i32
      %add3A_294 = arith.addi %add3A_293, %mul3A_292 : i32
      %swap3A_295 = arith.index_cast %add3A_294 : i32 to index
      %swap3A_296 = tpu.vector_load %arg7[%swap3A_295] {strides = array<i32>} : memref<65536xi32, #tpu.memory_space<vmem>>, vector<16xi32>,
      tpu.vector_store %arg7[%swap3A_295], %broadcast_in_dim3A_290 {strides = array<i32>} : memref<65536xi32, #tpu.memory_space<vmem>>, vector<16xi32>,
      %broadcast_in_dim3A_297 = arith.constant 0 : i32
      %broadcast_in_dim3A_298 = vector.broadcast %broadcast_in_dim3A_297 : i32 to vector<16xi32>
      %mul3A_299 = arith.constant 16 : i32
      %mul3A_300 = arith.muli %scan3A_231, %mul3A_299 : i32
      %add3A_301 = arith.constant 32768 : i32
      %add3A_302 = arith.addi %add3A_301, %mul3A_300 : i32
      %swap3A_303 = arith.index_cast %add3A_302 : i32 to index
      %swap3A_304 = tpu.vector_load %arg7[%swap3A_303] {strides = array<i32>} : memref<65536xi32, #tpu.memory_space<vmem>>, vector<16xi32>,
      tpu.vector_store %arg7[%swap3A_303], %broadcast_in_dim3A_298 {strides = array<i32>} : memref<65536xi32, #tpu.memory_space<vmem>>, vector<16xi32>,
      %broadcast_in_dim3A_305 = arith.constant 0 : i32
      %broadcast_in_dim3A_306 = vector.broadcast %broadcast_in_dim3A_305 : i32 to vector<16xi32>
      %mul3A_307 = arith.constant 16 : i32
      %mul3A_308 = arith.muli %scan3A_231, %mul3A_307 : i32
      %add3A_309 = arith.constant 36864 : i32
      %add3A_310 = arith.addi %add3A_309, %mul3A_308 : i32
      %swap3A_311 = arith.index_cast %add3A_310 : i32 to index
      %swap3A_312 = tpu.vector_load %arg7[%swap3A_311] {strides = array<i32>} : memref<65536xi32, #tpu.memory_space<vmem>>, vector<16xi32>,
      tpu.vector_store %arg7[%swap3A_311], %broadcast_in_dim3A_306 {strides = array<i32>} : memref<65536xi32, #tpu.memory_space<vmem>>, vector<16xi32>,
      %broadcast_in_dim3A_313 = arith.constant 0 : i32
      %broadcast_in_dim3A_314 = vector.broadcast %broadcast_in_dim3A_313 : i32 to vector<16xi32>
      %mul3A_315 = arith.constant 16 : i32
      %mul3A_316 = arith.muli %scan3A_231, %mul3A_315 : i32
      %add3A_317 = arith.constant 40960 : i32
      %add3A_318 = arith.addi %add3A_317, %mul3A_316 : i32
      %swap3A_319 = arith.index_cast %add3A_318 : i32 to index
      %swap3A_320 = tpu.vector_load %arg7[%swap3A_319] {strides = array<i32>} : memref<65536xi32, #tpu.memory_space<vmem>>, vector<16xi32>,
      tpu.vector_store %arg7[%swap3A_319], %broadcast_in_dim3A_314 {strides = array<i32>} : memref<65536xi32, #tpu.memory_space<vmem>>, vector<16xi32>,
      %broadcast_in_dim3A_321 = arith.constant 0 : i32
      %broadcast_in_dim3A_322 = vector.broadcast %broadcast_in_dim3A_321 : i32 to vector<16xi32>
      %mul3A_323 = arith.constant 16 : i32
      %mul3A_324 = arith.muli %scan3A_231, %mul3A_323 : i32
      %add3A_325 = arith.constant 45056 : i32
      %add3A_326 = arith.addi %add3A_325, %mul3A_324 : i32
      %swap3A_327 = arith.index_cast %add3A_326 : i32 to index
      %swap3A_328 = tpu.vector_load %arg7[%swap3A_327] {strides = array<i32>} : memref<65536xi32, #tpu.memory_space<vmem>>, vector<16xi32>,
      tpu.vector_store %arg7[%swap3A_327], %broadcast_in_dim3A_322 {strides = array<i32>} : memref<65536xi32, #tpu.memory_space<vmem>>, vector<16xi32>,
      %broadcast_in_dim3A_329 = arith.constant 0 : i32
      %broadcast_in_dim3A_330 = vector.broadcast %broadcast_in_dim3A_329 : i32 to vector<16xi32>
      %mul3A_331 = arith.constant 16 : i32
      %mul3A_332 = arith.muli %scan3A_231, %mul3A_331 : i32
      %add3A_333 = arith.constant 49152 : i32
      %add3A_334 = arith.addi %add3A_333, %mul3A_332 : i32
      %swap3A_335 = arith.index_cast %add3A_334 : i32 to index
      %swap3A_336 = tpu.vector_load %arg7[%swap3A_335] {strides = array<i32>} : memref<65536xi32, #tpu.memory_space<vmem>>, vector<16xi32>,
      tpu.vector_store %arg7[%swap3A_335], %broadcast_in_dim3A_330 {strides = array<i32>} : memref<65536xi32, #tpu.memory_space<vmem>>, vector<16xi32>,
      %broadcast_in_dim3A_337 = arith.constant 0 : i32
      %broadcast_in_dim3A_338 = vector.broadcast %broadcast_in_dim3A_337 : i32 to vector<16xi32>
      %mul3A_339 = arith.constant 16 : i32
      %mul3A_340 = arith.muli %scan3A_231, %mul3A_339 : i32
      %add3A_341 = arith.constant 53248 : i32
      %add3A_342 = arith.addi %add3A_341, %mul3A_340 : i32
      %swap3A_343 = arith.index_cast %add3A_342 : i32 to index
      %swap3A_344 = tpu.vector_load %arg7[%swap3A_343] {strides = array<i32>} : memref<65536xi32, #tpu.memory_space<vmem>>, vector<16xi32>,
      tpu.vector_store %arg7[%swap3A_343], %broadcast_in_dim3A_338 {strides = array<i32>} : memref<65536xi32, #tpu.memory_space<vmem>>, vector<16xi32>,
      %broadcast_in_dim3A_345 = arith.constant 0 : i32
      %broadcast_in_dim3A_346 = vector.broadcast %broadcast_in_dim3A_345 : i32 to vector<16xi32>
      %mul3A_347 = arith.constant 16 : i32
      %mul3A_348 = arith.muli %scan3A_231, %mul3A_347 : i32
      %add3A_349 = arith.constant 57344 : i32
      %add3A_350 = arith.addi %add3A_349, %mul3A_348 : i32
      %swap3A_351 = arith.index_cast %add3A_350 : i32 to index
      %swap3A_352 = tpu.vector_load %arg7[%swap3A_351] {strides = array<i32>} : memref<65536xi32, #tpu.memory_space<vmem>>, vector<16xi32>,
      tpu.vector_store %arg7[%swap3A_351], %broadcast_in_dim3A_346 {strides = array<i32>} : memref<65536xi32, #tpu.memory_space<vmem>>, vector<16xi32>,
      %broadcast_in_dim3A_353 = arith.constant 0 : i32
      %broadcast_in_dim3A_354 = vector.broadcast %broadcast_in_dim3A_353 : i32 to vector<16xi32>
      %mul3A_355 = arith.constant 16 : i32
      %mul3A_356 = arith.muli %scan3A_231, %mul3A_355 : i32
      %add3A_357 = arith.constant 61440 : i32
      %add3A_358 = arith.addi %add3A_357, %mul3A_356 : i32
      %swap3A_359 = arith.index_cast %add3A_358 : i32 to index
      %swap3A_360 = tpu.vector_load %arg7[%swap3A_359] {strides = array<i32>} : memref<65536xi32, #tpu.memory_space<vmem>>, vector<16xi32>,
      tpu.vector_store %arg7[%swap3A_359], %broadcast_in_dim3A_354 {strides = array<i32>} : memref<65536xi32, #tpu.memory_space<vmem>>, vector<16xi32>,
      %scan3A_361 = arith.constant 0 : i32
      scf.yield %scan3A_361 : i32
    }
    %scan3A_197 = arith.constant 8 : i32
    %convert_element_type3A_198 = arith.extui %le3A_150 : i1 to i32
    %cond3A_199 = arith.constant 0 : i32
    %cond3A_200 = arith.cmpi ne, %convert_element_type3A_198, %cond3A_199 : i32
    scf.if %cond3A_200 {
      %add3A_231 = arith.constant 15 : i32
      %add3A_232 = arith.addi %scan3A_145#3, %add3A_231 : i32
      %jit3A = arith.constant 16 : i32
      %div3A = arith.divsi %add3A_232, %jit3A : i32
      %sign3A = arith.constant 0 : i32
      %sign3A_233 = arith.cmpi sgt, %add3A_232, %sign3A : i32
      %sign3A_234 = arith.extui %sign3A_233 : i1 to i32
      %sign3A_235 = arith.constant 0 : i32
      %sign3A_236 = arith.cmpi slt, %add3A_232, %sign3A_235 : i32
      %sign3A_237 = arith.extui %sign3A_236 : i1 to i32
      %sign3A_238 = arith.subi %sign3A_234, %sign3A_237 : i32
      %sign3A_239 = arith.constant 0 : i32
      %sign3A_240 = arith.cmpi sgt, %jit3A, %sign3A_239 : i32
      %sign3A_241 = arith.extui %sign3A_240 : i1 to i32
      %sign3A_242 = arith.constant 0 : i32
      %sign3A_243 = arith.cmpi slt, %jit3A, %sign3A_242 : i32
      %sign3A_244 = arith.extui %sign3A_243 : i1 to i32
      %sign3A_245 = arith.subi %sign3A_241, %sign3A_244 : i32
      %ne3A = arith.cmpi ne, %sign3A_238, %sign3A_245 : i32
      %rem3A = arith.remsi %add3A_232, %jit3A : i32
      %ne3A_246 = arith.constant 0 : i32
      %ne3A_247 = arith.cmpi ne, %rem3A, %ne3A_246 : i32
      %and3A = arith.andi %ne3A, %ne3A_247 : i1
      %sub3A_248 = arith.constant 1 : i32
      %sub3A_249 = arith.subi %div3A, %sub3A_248 : i32
      %select_n3A_250 = arith.select %and3A, %sub3A_249, %div3A : i32
      %while3A = arith.constant 0 : i32
      %while3A_251 = arith.constant 0 : i32
      %while3A_252 = arith.subi %select_n3A_250, %while3A : i32
      %while3A_253 = arith.addi %while3A, %while3A_252 : i32
      %while3A_254 = arith.constant 1 : i32
      %while3A_255 = arith.divsi %while3A_252, %while3A_254 : i32
      %while3A_256 = arith.muli %while3A_255, %while3A_254 : i32
      %while3A_257 = arith.addi %while3A, %while3A_256 : i32
      %while3A_258 = arith.constant 1 : i32
      %while3A_259 = scf.for %while3A_262 = %while3A to %while3A_257 step %while3A_258 iter_args(%while3A_263 = %while3A_251) -> (i32)  : i32 {
        %mul3A_264 = arith.constant 16 : i32
        %mul3A_265 = arith.muli %while3A_262, %mul3A_264 : i32
        %get3A = arith.index_cast %mul3A_265 : i32 to index
        %get3A_266 = tpu.vector_load %arg6[%get3A] {strides = array<i32>} : memref<32784xi32, #tpu.memory_space<vmem>>, vector<16xi32>,
        %mul3A_267 = arith.constant 16 : i32
        %mul3A_268 = arith.muli %while3A_262, %mul3A_267 : i32
        %add3A_269 = vector.broadcast %mul3A_268 : i32 to vector<16xi32>
        %add3A_270 = arith.addi %add3A_269, %iota3A : vector<16xi32>
        %lt3A = vector.broadcast %scan3A_145#3 : i32 to vector<16xi32>
        %lt3A_271 = arith.cmpi slt, %add3A_270, %lt3A : vector<16xi32>
        %shift_right_logical3A = arith.constant 7 : i32
        %shift_right_logical3A_272 = vector.broadcast %shift_right_logical3A : i32 to vector<16xi32>
        %shift_right_logical3A_273 = arith.shrui %get3A_266, %shift_right_logical3A_272 : vector<16xi32>
        %eq3A_274 = vector.broadcast %add3A_190 : i32 to vector<16xi32>
        %eq3A_275 = arith.cmpi eq, %shift_right_logical3A_273, %eq3A_274 : vector<16xi32>
        %and3A_276 = arith.andi %eq3A_275, %lt3A_271 : vector<16xi1>
        %and3A_277 = arith.constant 127 : i32
        %and3A_278 = vector.broadcast %and3A_277 : i32 to vector<16xi32>
        %and3A_279 = arith.andi %get3A_266, %and3A_278 : vector<16xi32>
        %mul3A_280 = arith.constant 4096 : i32
        %mul3A_281 = vector.broadcast %mul3A_280 : i32 to vector<16xi32>
        %mul3A_282 = arith.muli %iota3A, %mul3A_281 : vector<16xi32>
        %add3A_283 = arith.addi %mul3A_282, %and3A_279 : vector<16xi32>
        tpu.vector_store_idx %arg7[%add3A_283], %broadcast_in_dim3A_1 masked %and3A_276 {add = true} : memref<65536xi32, #tpu.memory_space<vmem>>[vector<16xi32>], vector<16xi32>, vector<16xi1>
        %while3A_284 = arith.constant 0 : i32
        scf.yield %while3A_284 : i32
      }
      %while3A_260 = arith.constant 1 : i32
      %while3A_261 = scf.for %while3A_262 = %while3A_257 to %while3A_253 step %while3A_260 iter_args(%while3A_263 = %while3A_259) -> (i32)  : i32 {
        %mul3A_264 = arith.constant 16 : i32
        %mul3A_265 = arith.muli %while3A_262, %mul3A_264 : i32
        %get3A = arith.index_cast %mul3A_265 : i32 to index
        %get3A_266 = tpu.vector_load %arg6[%get3A] {strides = array<i32>} : memref<32784xi32, #tpu.memory_space<vmem>>, vector<16xi32>,
        %mul3A_267 = arith.constant 16 : i32
        %mul3A_268 = arith.muli %while3A_262, %mul3A_267 : i32
        %add3A_269 = vector.broadcast %mul3A_268 : i32 to vector<16xi32>
        %add3A_270 = arith.addi %add3A_269, %iota3A : vector<16xi32>
        %lt3A = vector.broadcast %scan3A_145#3 : i32 to vector<16xi32>
        %lt3A_271 = arith.cmpi slt, %add3A_270, %lt3A : vector<16xi32>
        %shift_right_logical3A = arith.constant 7 : i32
        %shift_right_logical3A_272 = vector.broadcast %shift_right_logical3A : i32 to vector<16xi32>
        %shift_right_logical3A_273 = arith.shrui %get3A_266, %shift_right_logical3A_272 : vector<16xi32>
        %eq3A_274 = vector.broadcast %add3A_190 : i32 to vector<16xi32>
        %eq3A_275 = arith.cmpi eq, %shift_right_logical3A_273, %eq3A_274 : vector<16xi32>
        %and3A_276 = arith.andi %eq3A_275, %lt3A_271 : vector<16xi1>
        %and3A_277 = arith.constant 127 : i32
        %and3A_278 = vector.broadcast %and3A_277 : i32 to vector<16xi32>
        %and3A_279 = arith.andi %get3A_266, %and3A_278 : vector<16xi32>
        %mul3A_280 = arith.constant 4096 : i32
        %mul3A_281 = vector.broadcast %mul3A_280 : i32 to vector<16xi32>
        %mul3A_282 = arith.muli %iota3A, %mul3A_281 : vector<16xi32>
        %add3A_283 = arith.addi %mul3A_282, %and3A_279 : vector<16xi32>
        tpu.vector_store_idx %arg7[%add3A_283], %broadcast_in_dim3A_1 masked %and3A_276 {add = true} : memref<65536xi32, #tpu.memory_space<vmem>>[vector<16xi32>], vector<16xi32>, vector<16xi1>
        %while3A_284 = arith.constant 0 : i32
        scf.yield %while3A_284 : i32
      }
    } else {
    }
    %not3A_201 = arith.constant true
    %not3A_202 = arith.xori %le3A_150, %not3A_201 : i1
    %convert_element_type3A_203 = arith.extui %not3A_202 : i1 to i32
    %cond3A_204 = arith.constant 0 : i32
    %cond3A_205 = arith.cmpi ne, %convert_element_type3A_203, %cond3A_204 : i32
    scf.if %cond3A_205 {
      %multiple_of3A_231 = arith.constant 0 : i32
      %multiple_of3A_232 = tpu.assume_multiple %multiple_of3A_231, 8192 : i32
      %dma_start3A_233 = tpu.memref_slice %arg2[%add3A_110, %multiple_of3A_232] : memref<64x262144xf32, #tpu.memory_space<hbm>> -> memref<1x8192xf32, #tpu.memory_space<hbm>>
      %dma_start3A_234 = tpu.memref_squeeze %dma_start3A_233 : memref<1x8192xf32, #tpu.memory_space<hbm>> -> memref<8192xf32, #tpu.memory_space<hbm>>
      %dma_start3A_235 = tpu.memref_slice %arg2[%add3A_110, %multiple_of3A_232] : memref<64x262144xf32, #tpu.memory_space<hbm>> -> memref<1x8192xf32, #tpu.memory_space<hbm>>
      %dma_start3A_236 = tpu.memref_squeeze %dma_start3A_235 : memref<1x8192xf32, #tpu.memory_space<hbm>> -> memref<8192xf32, #tpu.memory_space<hbm>>
      tpu.enqueue_dma source(%dma_start3A_236 : memref<8192xf32, #tpu.memory_space<hbm>>) target(%arg4 : memref<8192xf32, #tpu.memory_space<vmem>>) target_semaphore(%arg9 : memref<!tpu.dma_semaphore, #tpu.memory_space<semaphore_mem>>)
      %multiple_of3A_237 = arith.constant 8192 : i32
      %multiple_of3A_238 = tpu.assume_multiple %multiple_of3A_237, 8192 : i32
      %dma_start3A_239 = tpu.memref_slice %arg2[%add3A_110, %multiple_of3A_238] : memref<64x262144xf32, #tpu.memory_space<hbm>> -> memref<1x8192xf32, #tpu.memory_space<hbm>>
      %dma_start3A_240 = tpu.memref_squeeze %dma_start3A_239 : memref<1x8192xf32, #tpu.memory_space<hbm>> -> memref<8192xf32, #tpu.memory_space<hbm>>
      %dma_start3A_241 = tpu.memref_slice %arg2[%add3A_110, %multiple_of3A_238] : memref<64x262144xf32, #tpu.memory_space<hbm>> -> memref<1x8192xf32, #tpu.memory_space<hbm>>
      %dma_start3A_242 = tpu.memref_squeeze %dma_start3A_241 : memref<1x8192xf32, #tpu.memory_space<hbm>> -> memref<8192xf32, #tpu.memory_space<hbm>>
      tpu.enqueue_dma source(%dma_start3A_242 : memref<8192xf32, #tpu.memory_space<hbm>>) target(%arg5 : memref<8192xf32, #tpu.memory_space<vmem>>) target_semaphore(%arg10 : memref<!tpu.dma_semaphore, #tpu.memory_space<semaphore_mem>>)
      %scan3A_243 = arith.constant 0 : i32
      %scan3A_244 = arith.constant 0 : i32
      %scan3A_245 = arith.constant 16 : i32
      %scan3A_246 = arith.addi %scan3A_244, %scan3A_245 : i32
      %scan3A_247 = arith.constant 1 : i32
      scf.for %scan3A_249 = %scan3A_244 to %scan3A_246 step %scan3A_247  : i32 {
        %mul3A_250 = arith.constant 2 : i32
        %mul3A_251 = arith.muli %scan3A_249, %mul3A_250 : i32
        %mul3A_252 = arith.constant 8192 : i32
        %mul3A_253 = arith.muli %mul3A_251, %mul3A_252 : i32
        %multiple_of3A_254 = tpu.assume_multiple %mul3A_253, 8192 : i32
        %dma_wait3A = tpu.memref_slice %arg2[%add3A_110, %multiple_of3A_254] : memref<64x262144xf32, #tpu.memory_space<hbm>> -> memref<1x8192xf32, #tpu.memory_space<hbm>>
        %dma_wait3A_255 = tpu.memref_squeeze %dma_wait3A : memref<1x8192xf32, #tpu.memory_space<hbm>> -> memref<8192xf32, #tpu.memory_space<hbm>>
        %dma_wait3A_256 = tpu.memref_slice %arg2[%add3A_110, %multiple_of3A_254] : memref<64x262144xf32, #tpu.memory_space<hbm>> -> memref<1x8192xf32, #tpu.memory_space<hbm>>
        %dma_wait3A_257 = tpu.memref_squeeze %dma_wait3A_256 : memref<1x8192xf32, #tpu.memory_space<hbm>> -> memref<8192xf32, #tpu.memory_space<hbm>>
        tpu.wait_dma2 semaphore(%arg9 : memref<!tpu.dma_semaphore, #tpu.memory_space<semaphore_mem>>) src(%dma_wait3A_257 : memref<8192xf32, #tpu.memory_space<hbm>>) dst(%arg4 : memref<8192xf32, #tpu.memory_space<vmem>>)
        %scan3A_258 = arith.constant 0 : i32
        %scan3A_259 = arith.constant 0 : i32
        %scan3A_260 = arith.constant 512 : i32
        %scan3A_261 = arith.addi %scan3A_259, %scan3A_260 : i32
        %scan3A_262 = arith.constant 1 : i32
        %scan3A_263 = scf.for %scan3A_296 = %scan3A_259 to %scan3A_261 step %scan3A_262 iter_args(%scan3A_297 = %scan3A_258) -> (i32)  : i32 {
          %mul3A_298 = arith.constant 16 : i32
          %mul3A_299 = arith.muli %scan3A_296, %mul3A_298 : i32
          %get3A = arith.index_cast %mul3A_299 : i32 to index
          %get3A_300 = tpu.vector_load %arg4[%get3A] {strides = array<i32>} : memref<8192xf32, #tpu.memory_space<vmem>>, vector<16xf32>,
          %bitcast_convert_type3A = tpu.bitcast %get3A_300 : vector<16xf32> -> vector<16xi32>
          %shift_right_logical3A = arith.constant 7 : i32
          %shift_right_logical3A_301 = vector.broadcast %shift_right_logical3A : i32 to vector<16xi32>
          %shift_right_logical3A_302 = arith.shrui %bitcast_convert_type3A, %shift_right_logical3A_301 : vector<16xi32>
          %eq3A_303 = vector.broadcast %add3A_190 : i32 to vector<16xi32>
          %eq3A_304 = arith.cmpi eq, %shift_right_logical3A_302, %eq3A_303 : vector<16xi32>
          %and3A = arith.constant 127 : i32
          %and3A_305 = vector.broadcast %and3A : i32 to vector<16xi32>
          %and3A_306 = arith.andi %bitcast_convert_type3A, %and3A_305 : vector<16xi32>
          %mul3A_307 = arith.constant 4096 : i32
          %mul3A_308 = vector.broadcast %mul3A_307 : i32 to vector<16xi32>
          %mul3A_309 = arith.muli %iota3A, %mul3A_308 : vector<16xi32>
          %add3A_310 = arith.addi %mul3A_309, %and3A_306 : vector<16xi32>
          tpu.vector_store_idx %arg7[%add3A_310], %broadcast_in_dim3A_1 masked %eq3A_304 {add = true} : memref<65536xi32, #tpu.memory_space<vmem>>[vector<16xi32>], vector<16xi32>, vector<16xi1>
          %scan3A_311 = arith.constant 0 : i32
          scf.yield %scan3A_311 : i32
        }
        %scan3A_264 = arith.constant 512 : i32
        %add3A_265 = arith.constant 2 : i32
        %add3A_266 = arith.addi %mul3A_251, %add3A_265 : i32
        %lt3A = arith.constant 32 : i32
        %lt3A_267 = arith.cmpi slt, %add3A_266, %lt3A : i32
        %convert_element_type3A_268 = arith.extui %lt3A_267 : i1 to i32
        %cond3A_269 = arith.constant 0 : i32
        %cond3A_270 = arith.cmpi ne, %convert_element_type3A_268, %cond3A_269 : i32
        scf.if %cond3A_270 {
          %add3A_296 = arith.constant 2 : i32
          %add3A_297 = arith.addi %mul3A_251, %add3A_296 : i32
          %mul3A_298 = arith.constant 8192 : i32
          %mul3A_299 = arith.muli %add3A_297, %mul3A_298 : i32
          %multiple_of3A_300 = tpu.assume_multiple %mul3A_299, 8192 : i32
          %dma_start3A_301 = tpu.memref_slice %arg2[%add3A_110, %multiple_of3A_300] : memref<64x262144xf32, #tpu.memory_space<hbm>> -> memref<1x8192xf32, #tpu.memory_space<hbm>>
          %dma_start3A_302 = tpu.memref_squeeze %dma_start3A_301 : memref<1x8192xf32, #tpu.memory_space<hbm>> -> memref<8192xf32, #tpu.memory_space<hbm>>
          %dma_start3A_303 = tpu.memref_slice %arg2[%add3A_110, %multiple_of3A_300] : memref<64x262144xf32, #tpu.memory_space<hbm>> -> memref<1x8192xf32, #tpu.memory_space<hbm>>
          %dma_start3A_304 = tpu.memref_squeeze %dma_start3A_303 : memref<1x8192xf32, #tpu.memory_space<hbm>> -> memref<8192xf32, #tpu.memory_space<hbm>>
          tpu.enqueue_dma source(%dma_start3A_304 : memref<8192xf32, #tpu.memory_space<hbm>>) target(%arg4 : memref<8192xf32, #tpu.memory_space<vmem>>) target_semaphore(%arg9 : memref<!tpu.dma_semaphore, #tpu.memory_space<semaphore_mem>>)
        } else {
        }
        %add3A_271 = arith.constant 1 : i32
        %add3A_272 = arith.addi %mul3A_251, %add3A_271 : i32
        %mul3A_273 = arith.constant 8192 : i32
        %mul3A_274 = arith.muli %add3A_272, %mul3A_273 : i32
        %multiple_of3A_275 = tpu.assume_multiple %mul3A_274, 8192 : i32
        %dma_wait3A_276 = tpu.memref_slice %arg2[%add3A_110, %multiple_of3A_275] : memref<64x262144xf32, #tpu.memory_space<hbm>> -> memref<1x8192xf32, #tpu.memory_space<hbm>>
        %dma_wait3A_277 = tpu.memref_squeeze %dma_wait3A_276 : memref<1x8192xf32, #tpu.memory_space<hbm>> -> memref<8192xf32, #tpu.memory_space<hbm>>
        %dma_wait3A_278 = tpu.memref_slice %arg2[%add3A_110, %multiple_of3A_275] : memref<64x262144xf32, #tpu.memory_space<hbm>> -> memref<1x8192xf32, #tpu.memory_space<hbm>>
        %dma_wait3A_279 = tpu.memref_squeeze %dma_wait3A_278 : memref<1x8192xf32, #tpu.memory_space<hbm>> -> memref<8192xf32, #tpu.memory_space<hbm>>
        tpu.wait_dma2 semaphore(%arg10 : memref<!tpu.dma_semaphore, #tpu.memory_space<semaphore_mem>>) src(%dma_wait3A_279 : memref<8192xf32, #tpu.memory_space<hbm>>) dst(%arg5 : memref<8192xf32, #tpu.memory_space<vmem>>)
        %add3A_280 = arith.constant 1 : i32
        %add3A_281 = arith.addi %mul3A_251, %add3A_280 : i32
        %scan3A_282 = arith.constant 0 : i32
        %scan3A_283 = arith.constant 0 : i32
        %scan3A_284 = arith.constant 512 : i32
        %scan3A_285 = arith.addi %scan3A_283, %scan3A_284 : i32
        %scan3A_286 = arith.constant 1 : i32
        %scan3A_287 = scf.for %scan3A_296 = %scan3A_283 to %scan3A_285 step %scan3A_286 iter_args(%scan3A_297 = %scan3A_282) -> (i32)  : i32 {
          %mul3A_298 = arith.constant 16 : i32
          %mul3A_299 = arith.muli %scan3A_296, %mul3A_298 : i32
          %get3A = arith.index_cast %mul3A_299 : i32 to index
          %get3A_300 = tpu.vector_load %arg5[%get3A] {strides = array<i32>} : memref<8192xf32, #tpu.memory_space<vmem>>, vector<16xf32>,
          %bitcast_convert_type3A = tpu.bitcast %get3A_300 : vector<16xf32> -> vector<16xi32>
          %shift_right_logical3A = arith.constant 7 : i32
          %shift_right_logical3A_301 = vector.broadcast %shift_right_logical3A : i32 to vector<16xi32>
          %shift_right_logical3A_302 = arith.shrui %bitcast_convert_type3A, %shift_right_logical3A_301 : vector<16xi32>
          %eq3A_303 = vector.broadcast %add3A_190 : i32 to vector<16xi32>
          %eq3A_304 = arith.cmpi eq, %shift_right_logical3A_302, %eq3A_303 : vector<16xi32>
          %and3A = arith.constant 127 : i32
          %and3A_305 = vector.broadcast %and3A : i32 to vector<16xi32>
          %and3A_306 = arith.andi %bitcast_convert_type3A, %and3A_305 : vector<16xi32>
          %mul3A_307 = arith.constant 4096 : i32
          %mul3A_308 = vector.broadcast %mul3A_307 : i32 to vector<16xi32>
          %mul3A_309 = arith.muli %iota3A, %mul3A_308 : vector<16xi32>
          %add3A_310 = arith.addi %mul3A_309, %and3A_306 : vector<16xi32>
          tpu.vector_store_idx %arg7[%add3A_310], %broadcast_in_dim3A_1 masked %eq3A_304 {add = true} : memref<65536xi32, #tpu.memory_space<vmem>>[vector<16xi32>], vector<16xi32>, vector<16xi1>
          %scan3A_311 = arith.constant 0 : i32
          scf.yield %scan3A_311 : i32
        }
        %scan3A_288 = arith.constant 512 : i32
        %add3A_289 = arith.constant 3 : i32
        %add3A_290 = arith.addi %mul3A_251, %add3A_289 : i32
        %lt3A_291 = arith.constant 32 : i32
        %lt3A_292 = arith.cmpi slt, %add3A_290, %lt3A_291 : i32
        %convert_element_type3A_293 = arith.extui %lt3A_292 : i1 to i32
        %cond3A_294 = arith.constant 0 : i32
        %cond3A_295 = arith.cmpi ne, %convert_element_type3A_293, %cond3A_294 : i32
        scf.if %cond3A_295 {
          %add3A_296 = arith.constant 3 : i32
          %add3A_297 = arith.addi %mul3A_251, %add3A_296 : i32
          %mul3A_298 = arith.constant 8192 : i32
          %mul3A_299 = arith.muli %add3A_297, %mul3A_298 : i32
          %multiple_of3A_300 = tpu.assume_multiple %mul3A_299, 8192 : i32
          %dma_start3A_301 = tpu.memref_slice %arg2[%add3A_110, %multiple_of3A_300] : memref<64x262144xf32, #tpu.memory_space<hbm>> -> memref<1x8192xf32, #tpu.memory_space<hbm>>
          %dma_start3A_302 = tpu.memref_squeeze %dma_start3A_301 : memref<1x8192xf32, #tpu.memory_space<hbm>> -> memref<8192xf32, #tpu.memory_space<hbm>>
          %dma_start3A_303 = tpu.memref_slice %arg2[%add3A_110, %multiple_of3A_300] : memref<64x262144xf32, #tpu.memory_space<hbm>> -> memref<1x8192xf32, #tpu.memory_space<hbm>>
          %dma_start3A_304 = tpu.memref_squeeze %dma_start3A_303 : memref<1x8192xf32, #tpu.memory_space<hbm>> -> memref<8192xf32, #tpu.memory_space<hbm>>
          tpu.enqueue_dma source(%dma_start3A_304 : memref<8192xf32, #tpu.memory_space<hbm>>) target(%arg5 : memref<8192xf32, #tpu.memory_space<vmem>>) target_semaphore(%arg10 : memref<!tpu.dma_semaphore, #tpu.memory_space<semaphore_mem>>)
        } else {
        }
      }
      %scan3A_248 = arith.constant 16 : i32
    } else {
    }
    %scan3A_206 = arith.constant 0 : i32
    %scan3A_207 = arith.constant 0 : i32
    %scan3A_208 = arith.constant 0 : i32
    %scan3A_209 = arith.constant 0 : i32
    %scan3A_210 = arith.constant 0 : i32
    %scan3A_211 = arith.constant 8 : i32
    %scan3A_212 = arith.addi %scan3A_210, %scan3A_211 : i32
    %scan3A_213 = arith.constant 1 : i32
    %scan3A_214:4 = scf.for %scan3A_231 = %scan3A_210 to %scan3A_212 step %scan3A_213 iter_args(%scan3A_232 = %scan3A_206, %scan3A_233 = %scan3A_207, %scan3A_234 = %scan3A_208, %scan3A_235 = %scan3A_209) -> (i32, i32, i32, i32)  : i32 {
      %broadcast_in_dim3A_236 = arith.constant 0 : i32
      %broadcast_in_dim3A_237 = vector.broadcast %broadcast_in_dim3A_236 : i32 to vector<16xi32>
      %mul3A_238 = arith.constant 16 : i32
      %mul3A_239 = arith.muli %scan3A_231, %mul3A_238 : i32
      %add3A_240 = arith.constant 0 : i32
      %add3A_241 = arith.addi %add3A_240, %mul3A_239 : i32
      %get3A = arith.index_cast %add3A_241 : i32 to index
      %get3A_242 = tpu.vector_load %arg7[%get3A] {strides = array<i32>} : memref<65536xi32, #tpu.memory_space<vmem>>, vector<16xi32>,
      %add3A_243 = arith.addi %broadcast_in_dim3A_237, %get3A_242 : vector<16xi32>
      %mul3A_244 = arith.constant 16 : i32
      %mul3A_245 = arith.muli %scan3A_231, %mul3A_244 : i32
      %add3A_246 = arith.constant 4096 : i32
      %add3A_247 = arith.addi %add3A_246, %mul3A_245 : i32
      %get3A_248 = arith.index_cast %add3A_247 : i32 to index
      %get3A_249 = tpu.vector_load %arg7[%get3A_248] {strides = array<i32>} : memref<65536xi32, #tpu.memory_space<vmem>>, vector<16xi32>,
      %add3A_250 = arith.addi %add3A_243, %get3A_249 : vector<16xi32>
      %mul3A_251 = arith.constant 16 : i32
      %mul3A_252 = arith.muli %scan3A_231, %mul3A_251 : i32
      %add3A_253 = arith.constant 8192 : i32
      %add3A_254 = arith.addi %add3A_253, %mul3A_252 : i32
      %get3A_255 = arith.index_cast %add3A_254 : i32 to index
      %get3A_256 = tpu.vector_load %arg7[%get3A_255] {strides = array<i32>} : memref<65536xi32, #tpu.memory_space<vmem>>, vector<16xi32>,
      %add3A_257 = arith.addi %add3A_250, %get3A_256 : vector<16xi32>
      %mul3A_258 = arith.constant 16 : i32
      %mul3A_259 = arith.muli %scan3A_231, %mul3A_258 : i32
      %add3A_260 = arith.constant 12288 : i32
      %add3A_261 = arith.addi %add3A_260, %mul3A_259 : i32
      %get3A_262 = arith.index_cast %add3A_261 : i32 to index
      %get3A_263 = tpu.vector_load %arg7[%get3A_262] {strides = array<i32>} : memref<65536xi32, #tpu.memory_space<vmem>>, vector<16xi32>,
      %add3A_264 = arith.addi %add3A_257, %get3A_263 : vector<16xi32>
      %mul3A_265 = arith.constant 16 : i32
      %mul3A_266 = arith.muli %scan3A_231, %mul3A_265 : i32
      %add3A_267 = arith.constant 16384 : i32
      %add3A_268 = arith.addi %add3A_267, %mul3A_266 : i32
      %get3A_269 = arith.index_cast %add3A_268 : i32 to index
      %get3A_270 = tpu.vector_load %arg7[%get3A_269] {strides = array<i32>} : memref<65536xi32, #tpu.memory_space<vmem>>, vector<16xi32>,
      %add3A_271 = arith.addi %add3A_264, %get3A_270 : vector<16xi32>
      %mul3A_272 = arith.constant 16 : i32
      %mul3A_273 = arith.muli %scan3A_231, %mul3A_272 : i32
      %add3A_274 = arith.constant 20480 : i32
      %add3A_275 = arith.addi %add3A_274, %mul3A_273 : i32
      %get3A_276 = arith.index_cast %add3A_275 : i32 to index
      %get3A_277 = tpu.vector_load %arg7[%get3A_276] {strides = array<i32>} : memref<65536xi32, #tpu.memory_space<vmem>>, vector<16xi32>,
      %add3A_278 = arith.addi %add3A_271, %get3A_277 : vector<16xi32>
      %mul3A_279 = arith.constant 16 : i32
      %mul3A_280 = arith.muli %scan3A_231, %mul3A_279 : i32
      %add3A_281 = arith.constant 24576 : i32
      %add3A_282 = arith.addi %add3A_281, %mul3A_280 : i32
      %get3A_283 = arith.index_cast %add3A_282 : i32 to index
      %get3A_284 = tpu.vector_load %arg7[%get3A_283] {strides = array<i32>} : memref<65536xi32, #tpu.memory_space<vmem>>, vector<16xi32>,
      %add3A_285 = arith.addi %add3A_278, %get3A_284 : vector<16xi32>
      %mul3A_286 = arith.constant 16 : i32
      %mul3A_287 = arith.muli %scan3A_231, %mul3A_286 : i32
      %add3A_288 = arith.constant 28672 : i32
      %add3A_289 = arith.addi %add3A_288, %mul3A_287 : i32
      %get3A_290 = arith.index_cast %add3A_289 : i32 to index
      %get3A_291 = tpu.vector_load %arg7[%get3A_290] {strides = array<i32>} : memref<65536xi32, #tpu.memory_space<vmem>>, vector<16xi32>,
      %add3A_292 = arith.addi %add3A_285, %get3A_291 : vector<16xi32>
      %mul3A_293 = arith.constant 16 : i32
      %mul3A_294 = arith.muli %scan3A_231, %mul3A_293 : i32
      %add3A_295 = arith.constant 32768 : i32
      %add3A_296 = arith.addi %add3A_295, %mul3A_294 : i32
      %get3A_297 = arith.index_cast %add3A_296 : i32 to index
      %get3A_298 = tpu.vector_load %arg7[%get3A_297] {strides = array<i32>} : memref<65536xi32, #tpu.memory_space<vmem>>, vector<16xi32>,
      %add3A_299 = arith.addi %add3A_292, %get3A_298 : vector<16xi32>
      %mul3A_300 = arith.constant 16 : i32
      %mul3A_301 = arith.muli %scan3A_231, %mul3A_300 : i32
      %add3A_302 = arith.constant 36864 : i32
      %add3A_303 = arith.addi %add3A_302, %mul3A_301 : i32
      %get3A_304 = arith.index_cast %add3A_303 : i32 to index
      %get3A_305 = tpu.vector_load %arg7[%get3A_304] {strides = array<i32>} : memref<65536xi32, #tpu.memory_space<vmem>>, vector<16xi32>,
      %add3A_306 = arith.addi %add3A_299, %get3A_305 : vector<16xi32>
      %mul3A_307 = arith.constant 16 : i32
      %mul3A_308 = arith.muli %scan3A_231, %mul3A_307 : i32
      %add3A_309 = arith.constant 40960 : i32
      %add3A_310 = arith.addi %add3A_309, %mul3A_308 : i32
      %get3A_311 = arith.index_cast %add3A_310 : i32 to index
      %get3A_312 = tpu.vector_load %arg7[%get3A_311] {strides = array<i32>} : memref<65536xi32, #tpu.memory_space<vmem>>, vector<16xi32>,
      %add3A_313 = arith.addi %add3A_306, %get3A_312 : vector<16xi32>
      %mul3A_314 = arith.constant 16 : i32
      %mul3A_315 = arith.muli %scan3A_231, %mul3A_314 : i32
      %add3A_316 = arith.constant 45056 : i32
      %add3A_317 = arith.addi %add3A_316, %mul3A_315 : i32
      %get3A_318 = arith.index_cast %add3A_317 : i32 to index
      %get3A_319 = tpu.vector_load %arg7[%get3A_318] {strides = array<i32>} : memref<65536xi32, #tpu.memory_space<vmem>>, vector<16xi32>,
      %add3A_320 = arith.addi %add3A_313, %get3A_319 : vector<16xi32>
      %mul3A_321 = arith.constant 16 : i32
      %mul3A_322 = arith.muli %scan3A_231, %mul3A_321 : i32
      %add3A_323 = arith.constant 49152 : i32
      %add3A_324 = arith.addi %add3A_323, %mul3A_322 : i32
      %get3A_325 = arith.index_cast %add3A_324 : i32 to index
      %get3A_326 = tpu.vector_load %arg7[%get3A_325] {strides = array<i32>} : memref<65536xi32, #tpu.memory_space<vmem>>, vector<16xi32>,
      %add3A_327 = arith.addi %add3A_320, %get3A_326 : vector<16xi32>
      %mul3A_328 = arith.constant 16 : i32
      %mul3A_329 = arith.muli %scan3A_231, %mul3A_328 : i32
      %add3A_330 = arith.constant 53248 : i32
      %add3A_331 = arith.addi %add3A_330, %mul3A_329 : i32
      %get3A_332 = arith.index_cast %add3A_331 : i32 to index
      %get3A_333 = tpu.vector_load %arg7[%get3A_332] {strides = array<i32>} : memref<65536xi32, #tpu.memory_space<vmem>>, vector<16xi32>,
      %add3A_334 = arith.addi %add3A_327, %get3A_333 : vector<16xi32>
      %mul3A_335 = arith.constant 16 : i32
      %mul3A_336 = arith.muli %scan3A_231, %mul3A_335 : i32
      %add3A_337 = arith.constant 57344 : i32
      %add3A_338 = arith.addi %add3A_337, %mul3A_336 : i32
      %get3A_339 = arith.index_cast %add3A_338 : i32 to index
      %get3A_340 = tpu.vector_load %arg7[%get3A_339] {strides = array<i32>} : memref<65536xi32, #tpu.memory_space<vmem>>, vector<16xi32>,
      %add3A_341 = arith.addi %add3A_334, %get3A_340 : vector<16xi32>
      %mul3A_342 = arith.constant 16 : i32
      %mul3A_343 = arith.muli %scan3A_231, %mul3A_342 : i32
      %add3A_344 = arith.constant 61440 : i32
      %add3A_345 = arith.addi %add3A_344, %mul3A_343 : i32
      %get3A_346 = arith.index_cast %add3A_345 : i32 to index
      %get3A_347 = tpu.vector_load %arg7[%get3A_346] {strides = array<i32>} : memref<65536xi32, #tpu.memory_space<vmem>>, vector<16xi32>,
      %add3A_348 = arith.addi %add3A_341, %get3A_347 : vector<16xi32>
      %broadcast_in_dim3A_349 = arith.constant true
      %broadcast_in_dim3A_350 = vector.broadcast %broadcast_in_dim3A_349 : i1 to vector<16xi1>
      %masked_cumsum3A = tpu.scan <sum>, %add3A_348 masked %broadcast_in_dim3A_350 : vector<16xi32>, vector<16xi1> -> vector<16xi32>
      %add3A_351 = vector.broadcast %scan3A_232 : i32 to vector<16xi32>
      %add3A_352 = arith.addi %masked_cumsum3A, %add3A_351 : vector<16xi32>
      %lt3A = vector.broadcast %sub3A_187 : i32 to vector<16xi32>
      %lt3A_353 = arith.cmpi slt, %add3A_352, %lt3A : vector<16xi32>
      %ge3A = vector.broadcast %sub3A_187 : i32 to vector<16xi32>
      %ge3A_354 = arith.cmpi sge, %add3A_352, %ge3A : vector<16xi32>
      %sub3A_355 = arith.subi %add3A_352, %add3A_348 : vector<16xi32>
      %lt3A_356 = vector.broadcast %sub3A_187 : i32 to vector<16xi32>
      %lt3A_357 = arith.cmpi slt, %sub3A_355, %lt3A_356 : vector<16xi32>
      %and3A = arith.andi %ge3A_354, %lt3A_357 : vector<16xi1>
      %broadcast_in_dim3A_358 = arith.constant 1 : i32
      %broadcast_in_dim3A_359 = vector.broadcast %broadcast_in_dim3A_358 : i32 to vector<16xi32>
      %broadcast_in_dim3A_360 = arith.constant 0 : i32
      %broadcast_in_dim3A_361 = vector.broadcast %broadcast_in_dim3A_360 : i32 to vector<16xi32>
      %select_n3A_362 = arith.select %lt3A_353, %broadcast_in_dim3A_359, %broadcast_in_dim3A_361 : vector<16xi1>, vector<16xi32>
      %reduce_sum3A = arith.constant true
      %reduce_sum3A_363 = vector.broadcast %reduce_sum3A : i1 to vector<16xi1>
      %reduce_sum3A_364 = tpu.scan <sum>, %select_n3A_362 masked %reduce_sum3A_363 : vector<16xi32>, vector<16xi1> -> vector<16xi32>
      %reduce_sum3A_365 = vector.extract %reduce_sum3A_364[15] : i32 from vector<16xi32>
      %add3A_366 = arith.addi %scan3A_233, %reduce_sum3A_365 : i32
      %select_n3A_367 = arith.select %lt3A_353, %add3A_348, %broadcast_in_dim3A_361 : vector<16xi1>, vector<16xi32>
      %reduce_sum3A_368 = arith.constant true
      %reduce_sum3A_369 = vector.broadcast %reduce_sum3A_368 : i1 to vector<16xi1>
      %reduce_sum3A_370 = tpu.scan <sum>, %select_n3A_367 masked %reduce_sum3A_369 : vector<16xi32>, vector<16xi1> -> vector<16xi32>
      %reduce_sum3A_371 = vector.extract %reduce_sum3A_370[15] : i32 from vector<16xi32>
      %add3A_372 = arith.addi %scan3A_234, %reduce_sum3A_371 : i32
      %select_n3A_373 = arith.select %and3A, %add3A_348, %broadcast_in_dim3A_361 : vector<16xi1>, vector<16xi32>
      %reduce_sum3A_374 = arith.constant true
      %reduce_sum3A_375 = vector.broadcast %reduce_sum3A_374 : i1 to vector<16xi1>
      %reduce_sum3A_376 = tpu.scan <sum>, %select_n3A_373 masked %reduce_sum3A_375 : vector<16xi32>, vector<16xi1> -> vector<16xi32>
      %reduce_sum3A_377 = vector.extract %reduce_sum3A_376[15] : i32 from vector<16xi32>
      %add3A_378 = arith.addi %scan3A_235, %reduce_sum3A_377 : i32
      %reduce_sum3A_379 = arith.constant true
      %reduce_sum3A_380 = vector.broadcast %reduce_sum3A_379 : i1 to vector<16xi1>
      %reduce_sum3A_381 = tpu.scan <sum>, %add3A_348 masked %reduce_sum3A_380 : vector<16xi32>, vector<16xi1> -> vector<16xi32>
      %reduce_sum3A_382 = vector.extract %reduce_sum3A_381[15] : i32 from vector<16xi32>
      %add3A_383 = arith.addi %scan3A_232, %reduce_sum3A_382 : i32
      scf.yield %add3A_383, %add3A_366, %add3A_372, %add3A_378 : i32, i32, i32, i32
    }
    %scan3A_215 = arith.constant 8 : i32
    %sub3A_216 = arith.subi %sub3A_187, %scan3A_214#2 : i32
    %mul3A_217 = arith.constant 128 : i32
    %mul3A_218 = arith.muli %add3A_190, %mul3A_217 : i32
    %add3A_219 = arith.addi %mul3A_218, %scan3A_214#1 : i32
    %eq3A = arith.constant 0 : i32
    %eq3A_220 = vector.broadcast %eq3A : i32 to vector<16xi32>
    %eq3A_221 = arith.cmpi eq, %iota3A, %eq3A_220 : vector<16xi32>
    %broadcast_in_dim3A_222 = vector.broadcast %add3A_106 : i32 to vector<16xi32>
    %eq3A_223 = arith.constant 1 : i32
    %eq3A_224 = vector.broadcast %eq3A_223 : i32 to vector<16xi32>
    %eq3A_225 = arith.cmpi eq, %iota3A, %eq3A_224 : vector<16xi32>
    %broadcast_in_dim3A_226 = vector.broadcast %add3A_219 : i32 to vector<16xi32>
    %broadcast_in_dim3A_227 = arith.constant 0 : i32
    %broadcast_in_dim3A_228 = vector.broadcast %broadcast_in_dim3A_227 : i32 to vector<16xi32>
    %select_n3A = arith.select %eq3A_225, %broadcast_in_dim3A_226, %broadcast_in_dim3A_228 : vector<16xi1>, vector<16xi32>
    %select_n3A_229 = arith.select %eq3A_221, %broadcast_in_dim3A_222, %select_n3A : vector<16xi1>, vector<16xi32>
    %swap3A = arith.constant 0 : index
    %swap3A_230 = tpu.vector_load %arg8[%swap3A] {strides = array<i32>} : memref<16xi32, #tpu.memory_space<vmem>>, vector<16xi32>,
    tpu.vector_store %arg8[%swap3A], %select_n3A_229 {strides = array<i32>} : memref<16xi32, #tpu.memory_space<vmem>>, vector<16xi32>,
    "tpu.region"() ({
      %run_scoped3A = tpu.sem_alloc : memref<!tpu.dma_semaphore, #tpu.memory_space<semaphore_mem>>
      %dma_start3A_231 = arith.constant 0 : i32
      %dma_start3A_232 = tpu.memref_slice %arg3[%add3A, %dma_start3A_231] : memref<32x16xi32, #tpu.memory_space<hbm>> -> memref<1x16xi32, #tpu.memory_space<hbm>>
      %dma_start3A_233 = tpu.memref_squeeze %dma_start3A_232 : memref<1x16xi32, #tpu.memory_space<hbm>> -> memref<16xi32, #tpu.memory_space<hbm>>
      %dma_start3A_234 = arith.constant 0 : i32
      %dma_start3A_235 = tpu.memref_slice %arg3[%add3A, %dma_start3A_234] : memref<32x16xi32, #tpu.memory_space<hbm>> -> memref<1x16xi32, #tpu.memory_space<hbm>>
      %dma_start3A_236 = tpu.memref_squeeze %dma_start3A_235 : memref<1x16xi32, #tpu.memory_space<hbm>> -> memref<16xi32, #tpu.memory_space<hbm>>
      tpu.enqueue_dma source(%arg8 : memref<16xi32, #tpu.memory_space<vmem>>) target(%dma_start3A_236 : memref<16xi32, #tpu.memory_space<hbm>>) target_semaphore(%run_scoped3A : memref<!tpu.dma_semaphore, #tpu.memory_space<semaphore_mem>>)
      %dma_wait3A = arith.constant 0 : i32
      %dma_wait3A_237 = tpu.memref_slice %arg3[%add3A, %dma_wait3A] : memref<32x16xi32, #tpu.memory_space<hbm>> -> memref<1x16xi32, #tpu.memory_space<hbm>>
      %dma_wait3A_238 = tpu.memref_squeeze %dma_wait3A_237 : memref<1x16xi32, #tpu.memory_space<hbm>> -> memref<16xi32, #tpu.memory_space<hbm>>
      %dma_wait3A_239 = arith.constant 0 : i32
      %dma_wait3A_240 = tpu.memref_slice %arg3[%add3A, %dma_wait3A_239] : memref<32x16xi32, #tpu.memory_space<hbm>> -> memref<1x16xi32, #tpu.memory_space<hbm>>
      %dma_wait3A_241 = tpu.memref_squeeze %dma_wait3A_240 : memref<1x16xi32, #tpu.memory_space<hbm>> -> memref<16xi32, #tpu.memory_space<hbm>>
      tpu.wait_dma2 semaphore(%run_scoped3A : memref<!tpu.dma_semaphore, #tpu.memory_space<semaphore_mem>>) src(%arg8 : memref<16xi32, #tpu.memory_space<vmem>>) dst(%dma_wait3A_241 : memref<16xi32, #tpu.memory_space<hbm>>)
      tpu.yield
    }) : () -> ()
    return
  }
}

module attributes {stable_mosaic.version = 14 : i64} {
  func.func @_tc_body(%arg0: i32, %arg1: memref<1x512x512xf32, #tpu.memory_space<vmem>>, %arg2: memref<1x512x512xf32, #tpu.memory_space<vmem>>, %arg3: memref<1x512x512xf32, #tpu.memory_space<vmem>>, %arg4: memref<1x512x512xf32, #tpu.memory_space<vmem>>, %arg5: memref<1x1x128xf32, #tpu.memory_space<vmem>>) attributes {dimension_semantics = [#tpu.dimension_semantics<arbitrary>], iteration_bounds = array<i64: 64>, scalar_prefetch = 0 : i64, scratch_operands = 0 : i64, tpu.core_type = #tpu.core_type<tc>, window_params = [{transform_indices = @transform_0, window_bounds = array<i64: 1, 512, 512>}, {transform_indices = @transform_1, window_bounds = array<i64: 1, 512, 512>}, {transform_indices = @transform_2, window_bounds = array<i64: 1, 512, 512>}, {transform_indices = @transform_3, window_bounds = array<i64: 1, 512, 512>}, {transform_indices = @transform_4, window_bounds = array<i64: 1, 1, 128>}]} {
    %get3A = arith.constant 0 : index
    %get3A_0 = arith.constant 0 : index
    %get3A_1 = arith.constant 0 : index
    %get3A_2 = vector.load %arg3[%get3A, %get3A_0, %get3A_1] : memref<1x512x512xf32, #tpu.memory_space<vmem>>, vector<1x512x512xf32>
    %get3A_3 = arith.constant 0 : index
    %get3A_4 = arith.constant 0 : index
    %get3A_5 = arith.constant 0 : index
    %get3A_6 = vector.load %arg1[%get3A_3, %get3A_4, %get3A_5] : memref<1x512x512xf32, #tpu.memory_space<vmem>>, vector<1x512x512xf32>
    %get3A_7 = arith.constant 0 : index
    %get3A_8 = arith.constant 0 : index
    %get3A_9 = arith.constant 0 : index
    %get3A_10 = vector.load %arg2[%get3A_7, %get3A_8, %get3A_9] : memref<1x512x512xf32, #tpu.memory_space<vmem>>, vector<1x512x512xf32>
    %sub3A = arith.subf %get3A_6, %get3A_10 : vector<1x512x512xf32>
    %abs3A = math.absf %sub3A : vector<1x512x512xf32>
    %mul3A = arith.mulf %get3A_2, %abs3A : vector<1x512x512xf32>
    %swap3A = arith.constant 0 : index
    %swap3A_11 = arith.constant 0 : index
    %swap3A_12 = arith.constant 0 : index
    %swap3A_13 = vector.load %arg4[%swap3A, %swap3A_11, %swap3A_12] : memref<1x512x512xf32, #tpu.memory_space<vmem>>, vector<1x512x512xf32>
    tpu.vector_store %arg4[%swap3A, %swap3A_11, %swap3A_12], %mul3A {strides = array<i32>} : memref<1x512x512xf32, #tpu.memory_space<vmem>>, vector<1x512x512xf32>,
    %reduce_sum3A = vector.shape_cast %mul3A : vector<1x512x512xf32> to vector<1x1x512x512xf32>
    %reduce_sum3A_14 = arith.constant dense<0.000000e+00> : vector<1xf32>
    %reduce_sum3A_15 = vector.multi_reduction <add>, %reduce_sum3A, %reduce_sum3A_14 [1, 2, 3] : vector<1x1x512x512xf32> to vector<1xf32>
    %reduce_sum3A_16 = vector.shape_cast %reduce_sum3A_15 : vector<1xf32> to vector<1x1x1x1xf32>
    %reduce_sum3A_17 = vector.extract %reduce_sum3A_16[0, 0, 0, 0] : f32 from vector<1x1x1x1xf32>
    %broadcast_in_dim3A = vector.broadcast %reduce_sum3A_17 : f32 to vector<1x1x128xf32>
    %swap3A_18 = arith.constant 0 : index
    %swap3A_19 = arith.constant 0 : index
    %swap3A_20 = arith.constant 0 : index
    %swap3A_21 = vector.load %arg5[%swap3A_18, %swap3A_19, %swap3A_20] : memref<1x1x128xf32, #tpu.memory_space<vmem>>, vector<1x1x128xf32>
    tpu.vector_store %arg5[%swap3A_18, %swap3A_19, %swap3A_20], %broadcast_in_dim3A {strides = array<i32>} : memref<1x1x128xf32, #tpu.memory_space<vmem>>, vector<1x1x128xf32>,
    return
  }
  func.func @transform_0(%arg0: i32) -> (i32, i32, i32) {
    %c0_i32 = arith.constant 0 : i32
    %c0_i32_0 = arith.constant 0 : i32
    %c0_i32_1 = arith.constant 0 : i32
    return %arg0, %c0_i32, %c0_i32_0 : i32, i32, i32
  }
  func.func @transform_1(%arg0: i32) -> (i32, i32, i32) {
    %c0_i32 = arith.constant 0 : i32
    %c0_i32_0 = arith.constant 0 : i32
    %c0_i32_1 = arith.constant 0 : i32
    return %arg0, %c0_i32, %c0_i32_0 : i32, i32, i32
  }
  func.func @transform_2(%arg0: i32) -> (i32, i32, i32) {
    %c0_i32 = arith.constant 0 : i32
    %c0_i32_0 = arith.constant 0 : i32
    %c0_i32_1 = arith.constant 0 : i32
    return %arg0, %c0_i32, %c0_i32_0 : i32, i32, i32
  }
  func.func @transform_3(%arg0: i32) -> (i32, i32, i32) {
    %c0_i32 = arith.constant 0 : i32
    %c0_i32_0 = arith.constant 0 : i32
    %c0_i32_1 = arith.constant 0 : i32
    return %arg0, %c0_i32, %c0_i32_0 : i32, i32, i32
  }
  func.func @transform_4(%arg0: i32) -> (i32, i32, i32) {
    %c0_i32 = arith.constant 0 : i32
    %c0_i32_0 = arith.constant 0 : i32
    %c0_i32_1 = arith.constant 0 : i32
    return %arg0, %c0_i32, %c0_i32_0 : i32, i32, i32
  }
}

</mosaic_0001>

<sc_bundles>
// kernel: kernel.4.cloned.1.call-start
scs
__scs_entry_jumppad:
0x0: {  	(pc) =	sbr.rel $0x88, $3  }
0x1: {  	(tag) =	ssettag $0x0;
	lr =	simm.s32 $0x1  }
0x2: {  	[smem:$0x3F9E] =	sst lr;
	_ =	strace $0xD0000000  }
0x3: {  	_ = 	snop  }
0x4: {  	_ = 	snop  }
0x5: {  	_ = 	snop  }
0x6: {  	_ = 	snop  }
0x7: {  	_ = 	snop  }
__scs_overlays_trampoline_lowered:
0x8: {  	[smem:$0x3FAD] =	sst s0  }
0x9: {  	[smem:$0x3FAE] =	sst s1  }
0xa: {  	[smem:$0x3FAF] =	sst s2  }
0xb: {  	[smem:$0x3FB0] =	sst s3  }
0xc: {  	[smem:$0x3FB1] =	sst s4  }
0xd: {  	[smem:$0x3FB2] =	sst s5  }
0xe: {  	[smem:$0x3FB3] =	sst s6  }
0xf: {  	[smem:$0x3FB4] =	sst s7  }
0x10: {  	[smem:$0x3FB5] =	sst s8  }
0x11: {  	[smem:$0x3FB6] =	sst s9;
	s0 =	simm.s32 @!p0 $0x0  }
0x12: {  	s1 =	sld [smem:$0x3F9C];
	s0 =	simm.s32 @p0 $0x1  }
0x13: {  	[smem:$0x3FB7] =	sst s0;
	s0 =	simm.s32 @!p1 $0x0  }
0x14: {  	s2 =	sld [smem:$0x3F9B];
	s0 =	simm.s32 @p1 $0x1  }
0x15: {  	[smem:$0x3FB8] =	sst s0;
	s0 =	simm.s32 @!p2 $0x0  }
0x16: {  	s3 =	sld [smem:$0x3FDB];
	s0 =	simm.s32 @p2 $0x1  }
0x17: {  	s4 =	simm.s32 $0x1BF5;
	[smem:$0x3FBA] =	sst s0  }
0x18: {  	s0 =	sld [smem:$0x3F9D];
	_ =	swait.ge [sflag:s4], $0x0  }
0x19: {  	s7 =	sld [smem:$0x3F9E]  }
0x1a: {  	s8 =	sadd.s32 $0xFFFFE003, lr  }
0x1b: {  	s9 =	sadd.s32 $0xFFFFFEF7, lr;
	s5 =	simm.s32 $0xFFFFFFFF;
	p2 =	slt.u32 s8, $0xFFFFF086  }
0x1c: {  	p1 =	slt.u32 s9, $0xF7A;
	s5 =	simm.s32 @!p2 $0x0  }
0x1d: {  	s5 =	simm.s32 @p1 $0x1;
	p0 =	seq.s32 s7, s2  }
0x1e: {  	s7 =	smul.u32 @!p0 $0xF7A, s2;
	p2 =	seq.s32 @!p0 s5, $0x0  }
0x1f: {  	s9 =	smul.u32 $0xF7A, s1;
	s8 =	simm.s32 @!p0 $0x1BF5;
	p2 =	por !p2, p0  }
0x20: {  	[sflag:s8] =	ssyncset.s32 @!p0 $0xFFFFF086;
	s6 =	sadd.s32 @!p0 s3, s7;
	s7 =	simm.s32 @!p0 $0x108  }
0x21: {  	s3 =	sadd.s32 s3, s9;
	s6 =	sadd.s32 @!p0 $0x88, s6;
	s7 =	simm.s32 @p2 $0x1082  }
0x22: {  	[simem:s7], [sflag:s8] =	dma.local @!p0 [hbm:s6], $0xF7A  }
0x23: {  	s9 =	sor.u32 $0xD0000000, s2;
	s6 =	simm.s32 $0x108;
	_ =	swait.ge @!p0 [sflag:s8], $0x0  }
0x24: {  	s3 =	sadd.s32 $0x88, s3;
	s6 =	simm.s32 @!p1 $0x1082;
	[sflag:s4] =	ssyncset.s32 $0xFFFFF086  }
0x25: {  	[simem:s6], [sflag:s4] =	dma.local [hbm:s3], $0xF7A  }
0x26: {  	[smem:$0x3F9E] =	sst s1;
	(tag) =	ssettag s2;
	_ =	strace s9  }
0x27: {  	s1 =	sld [smem:$0x3FAE]  }
0x28: {  	s2 =	sld [smem:$0x3FAF]  }
0x29: {  	s4 =	sld [smem:$0x3FB1]  }
0x2a: {  	p0 =	seq.s32 s5, $0x0;
	s5 =	sld [smem:$0x3FB2]  }
0x2b: {  	s6 =	sld [smem:$0x3FB3]  }
0x2c: {  	s7 =	sld [smem:$0x3FB4]  }
0x2d: {  	s3 =	simm.s32 $0x108;
	s8 =	sld [smem:$0x3FB5]  }
0x2e: {  	s3 =	simm.s32 @!p0 $0x1082;
	s9 =	sld [smem:$0x3FB6]  }
0x2f: {  	lr =	sadd.s32 s0, s3;
	s0 =	sld [smem:$0x3FAD]  }
0x30: {  	s3 =	sld [smem:$0x3FB0]  }
0x31: {  	[smem:$0x3FB9] =	sst s10  }
0x32: {  	s10 =	sld [smem:$0x3FB7];
	_ =	sdelay $0x3  }
0x33: {  	p0 =	seq.s32 s10, $0x1;
	s10 =	sld [smem:$0x3FB9];
	_ =	sdelay $0x3  }
0x34: {  	[smem:$0x3FB9] =	sst s10  }
0x35: {  	s10 =	sld [smem:$0x3FB8];
	_ =	sdelay $0x3  }
0x36: {  	p1 =	seq.s32 s10, $0x1;
	s10 =	sld [smem:$0x3FB9];
	_ =	sdelay $0x3  }
0x37: {  	[smem:$0x3FB9] =	sst s10  }
0x38: {  	s10 =	sld [smem:$0x3FBA]  }
0x39: {  	_ = 	snop;
	(pc) =	sbr.ind lr, $3  }
0x3a: {  	_ = 	snop  }
0x3b: {  	_ = 	snop  }
0x3c: {  	p2 =	seq.s32 s10, $0x1;
	s10 =	sld [smem:$0x3FB9]  }
0x3d: {  	_ =	shalt  }
0x3e: {  	_ =	shalt  }
0x3f: {  	_ =	shalt  }
0x40: {  	_ =	shalt  }
0x41: {  	_ =	shalt  }
0x42: {  	_ =	shalt  }
0x43: {  	_ =	shalt  }
0x44: {  	_ =	shalt  }
0x45: {  	_ =	shalt  }
0x46: {  	_ =	shalt  }
0x47: {  	_ =	shalt  }
0x48: {  	_ =	shalt  }
0x49: {  	_ =	shalt  }
0x4a: {  	_ =	shalt  }
0x4b: {  	_ =	shalt  }
0x4c: {  	_ =	shalt  }
0x4d: {  	_ =	shalt  }
0x4e: {  	_ =	shalt  }
0x4f: {  	_ =	shalt  }
0x50: {  	_ =	shalt  }
0x51: {  	_ =	shalt  }
0x52: {  	_ =	shalt  }
0x53: {  	_ =	shalt  }
0x54: {  	_ =	shalt  }
0x55: {  	_ =	shalt  }
0x56: {  	_ =	shalt  }
0x57: {  	_ =	shalt  }
0x58: {  	_ =	shalt  }
0x59: {  	_ =	shalt  }
0x5a: {  	_ =	shalt  }
0x5b: {  	_ =	shalt  }
0x5c: {  	_ =	shalt  }
0x5d: {  	_ =	shalt  }
0x5e: {  	_ =	shalt  }
0x5f: {  	_ =	shalt  }
0x60: {  	_ =	shalt  }
0x61: {  	_ =	shalt  }
0x62: {  	_ =	shalt  }
0x63: {  	_ =	shalt  }
0x64: {  	_ =	shalt  }
0x65: {  	_ =	shalt  }
0x66: {  	_ =	shalt  }
0x67: {  	_ =	shalt  }
0x68: {  	_ =	shalt  }
0x69: {  	_ =	shalt  }
0x6a: {  	_ =	shalt  }
0x6b: {  	_ =	shalt  }
0x6c: {  	_ =	shalt  }
0x6d: {  	_ =	shalt  }
0x6e: {  	_ =	shalt  }
0x6f: {  	_ =	shalt  }
0x70: {  	_ =	shalt  }
0x71: {  	_ =	shalt  }
0x72: {  	_ =	shalt  }
0x73: {  	_ =	shalt  }
0x74: {  	_ =	shalt  }
0x75: {  	_ =	shalt  }
0x76: {  	_ =	shalt  }
0x77: {  	_ =	shalt  }
0x78: {  	_ =	shalt  }
0x79: {  	_ =	shalt  }
0x7a: {  	_ =	shalt  }
0x7b: {  	_ =	shalt  }
0x7c: {  	_ =	shalt  }
0x7d: {  	_ =	shalt  }
0x7e: {  	_ =	shalt  }
0x7f: {  	_ =	shalt  }
0x80: {  	_ =	shalt  }
0x81: {  	_ =	shalt  }
0x82: {  	_ =	shalt  }
0x83: {  	_ =	shalt  }
0x84: {  	_ =	shalt  }
0x85: {  	_ =	shalt  }
0x86: {  	_ =	shalt  }
0x87: {  	_ =	shalt  }
.Lfunc_end0:
.L_simem_size_0:
called_computation.1_lowered:
.L_overlay_start_0:
0x88: {  	s2 =	sld [smem:$0x3FD9]  }
0x89: {  	s3 =	sld [smem:$0x3FFE];
	_ =	sdelay $0x1  }
0x8a: {  	s1 =	srdreg.scid  }
0x8b: {  	s0 =	sand.u32 $0x1, s1  }
0x8c: {  	s16 =	sshll.u32 s0, $0xA;
	s2 =	sadd.s32 s3, s2  }
0x8d: {  	s2 =	sadd.s32 s2, s16  }
0x8e: {  	[smem:$0x3FC5] =	sst s2  }
0x8f: {  	_ = 	snop  }
0x90: {  	(tm) =	ssettm $0x1  }
0x91: {  	s17 =	sld [smem:$0x3FFB];
	_ =	sdelay $0x3  }
0x92: {  	_ =	strace s17  }
0x93: {  	s2 =	sld [smem:$0x3FFC];
	_ =	sdelay $0x3  }
0x94: {  	_ =	strace s2  }
0x95: {  	s2 =	sld [smem:$0x3FFD];
	_ =	sdelay $0x3  }
0x96: {  	_ =	strace s2  }
0x97: {  	_ =	strace $0x8FFFFFFF  }
0x98: {  	s18 =	sld [smem:$0x3FDB];
	_ =	sdelay $0x1  }
0x99: {  	s19 =	simm.s32 $_scs_section_size  }
0x9a: {  	s4 =	simm.s32 $_size__tile_overlayer_lowered;
	s5 =	simm.s32 $_tile_overlayer_lowered  }
0x9b: {  	s22 =	simm.s32 $0x1BFF;
	s21 =	sshll.u32 s5, $0x1;
	s2 =	sadd.s32 s19, s18  }
0x9c: {  	s6 =	simm.s32 $0x0;
	s20 =	sshll.u32 s4, $0x1;
	s4 =	sadd.s32 s21, s2  }
0x9d: {  	[timem:s6], [sflag:s22] =	dma.local [hbm:s4], s20  }
0x9e: {  	_ =	swait.ge [sflag:s22], s20  }
0x9f: {  	s3 =	ssub.s32 $0x0, s20;
	[sflag:s22] =	ssyncset.done $0x0  }
0xa0: {  	[sflag:s22] =	ssyncadd.s32 s3;
	_ =	sdelay $0x1  }
0xa1: {  	s23 =	simm.s32 $0x1B8B  }
0xa2: {  	_ =	swait.ge [sflag:s23], $0x1  }
0xa3: {  	[sflag:s23] =	ssyncset.done $0x0  }
0xa4: {  	s25 =	simm.s32 $0x1B8E;
	s24 =	sld [smem:$0x3FFE];
	[sflag:s23] =	ssyncadd.s32 $0xFFFFFFFF  }
0xa5: {  	s26 =	simm.s32 $execute0_lowered;
	[smem:$0x3FD2] =	sst s25  }
0xa6: {  	s4 =	sshll.u32 s26, $0x1;
	_ =	strace $0x80000049;
	[dreg:$0x1] =	wrdreg $0xFFFFFFFF  }
0xa7: {  	s28 =	simm.s32 $_size_execute0_lowered;
	s2 =	sadd.s32 s2, s4;
	[dreg:$0x0] =	wrdreg $0x0  }
0xa8: {  	s4 =	sshll.u32 s28, $0x1;
	[dreg:$0x2] =	wrdreg s2  }
0xa9: {  	[dreg:$0x3] =	wrdreg s4  }
0xaa: {  	[dreg:$0x4] =	wrdreg $0xC0  }
0xab: {  	_ =	task [dreg:s6], $0x5FFFF  }
0xac: {  	[dreg:$0x1] =	wrdreg $0xFFFFFFFF  }
0xad: {  	[dreg:$0x0] =	wrdreg $0x60  }
0xae: {  	[dreg:$0x2] =	wrdreg s24  }
0xaf: {  	[dreg:$0x3] =	wrdreg $0x9  }
0xb0: {  	_ =	task.clear_ibuf [dreg:s6], $0x4FFFF;
	_ =	strace $0x90000049  }
0xb1: {  	s29 =	simm.s32 $0x9;
	_ =	strace $0x8000004B  }
0xb2: {  	_ =	swait.ge [sflag:s29], $0x1  }
0xb3: {  	[sflag:s29] =	ssyncadd.s32 $0xFFFFFFFF  }
0xb4: {  	_ =	strace $0x9000004B  }
0xb5: {  	_ =	sfence  }
0xb6: {  	s30 =	sld [smem:$0x0];
	_ =	sdelay $0x2  }
0xb7: {  	s31 =	sshll.u32 s1, $0xD;
	s1 =	sshrl.u32 s1, $0x2  }
0xb8: {  	s3 =	sand.u32 $0x4000, s31;
	s1 =	sadd.s32 s1, s30  }
0xb9: {  	s0 =	sor.u32 s3, s0;
	s1 =	sshll.u32 s1, $0x11  }
0xba: {  	s0 =	sor.u32 s1, s0  }
0xbb: {  	s0 =	sadd.s32 $0x8F2B, s0  }
0xbc: {  	[sflag:s0] =	ssyncadd.remote.s32 $0x1  }
0xbd: {  	_ =	sfence.sel $0xFFFF  }
0xbe: {  	[dreg:$0x0] =	wrdreg $0xFFFFFFFF;
	(pc) =	sbr.abs _section_cstart, $3  }
0xbf: {  	[dreg:$0x1] =	wrdreg $0xFFFFFFFF  }
0xc0: {  	_ =	task.clear_ibuf [dreg:s6], $0x2FFFF;
	_ =	strace $0x9FFFFFFF  }
0xc1: {  	(tm) =	ssettm $0x7FFFFFFF  }
tec
execute0_lowered:
.L_overlay_start_1:
0x0: {  	(tag) =	ssettag $0x1  }
0x1: {  	s0 =	rddreg [dreg:$0x0];
	s1 =	srdreg.scid  }
0x2: {  	s3 =	stileid.u32;
	s12 =	simm.s32 $0x0;
	s14 =	simm.s32 $0x80  }
0x3: {  	s15 =	simm.s32 $0x400;
	s16 =	simm.s32 $0x2000;
	s17 =	simm.s32 $0x1  }
0x4: {  	s18 =	simm.s32 $0xC080;
	s19 =	simm.s32 $0x2;
	s22 =	simm.s32 $0x0  }
0x5: {  	s1 =	sand.u32 $0x1, s1;
	s2 =	sshll.u32 s3, $0x1;
	[smem:$0x7FF] =	sst s12  }
0x6: {  	s5 =	sshll.u32 s3, $0x14;
	s3 =	sadd.s32 $0x200E00, s0;
	s2 =	sor.u32 s1, s2  }
0x7: {  	_ =	strace $0x8000004A;
	s1 =	ssub.s32 $0x2, s1;
	s4 =	sshll.u32 s2, $0x8  }
0x8: {  	s2 =	sshll.u32 s2, $0x4;
	s29 =	sshrl.u32 s1, $0x1;
	s4 =	sor.u32 s5, s4  }
0x9: {  	s2 =	sadd.s32 s2, s0;
	s0 =	sadd.s32 $0x202E00, s0;
	s1 =	ssub.s32 s1, s29  }
0xa: {  	s11 =	sand.u32 $0xE00300, s4;
	s30 =	sadd.s32 $0xA00, s2;
	s31 =	smax.u32 s1, $0x1  }
0xb: {  	s8 =	sshrl.u32 s11, $0x3;
	s6 =	sor.u32 $0x20000, s11;
	s7 =	sor.u32 $0x30000, s11  }
0xc: {  	s10 =	sor.u32 $0x20080, s11;
	s11 =	sor.u32 $0x30080, s11;
	[dreg:$0x2] =	wrdreg s30  }
0xd: {  	v0 =	vlaneseq.u32;
	v1 =	vimm.s32 $0x0;
	v3 =	vimm.s32 $0x1;
	[dreg:$0x3] =	wrdreg s31;
	s4 =	sadd.s32 s3, s8;
	s9 =	sor.u32 $0x10, s8  }
0xe: {  	vm0 =	vcmask $0x300;
	vm1 =	vcmask $0x704;
	v2 =	vmul.u32 $0x1000, v0;
	s5 =	sadd.s32 s8, s0;
	s8 =	sadd.s32 s3, s9;
	s9 =	sadd.s32 s9, s0  }
.LBB2_1:
0xf: {  	[tilespmem:s18+$0x0] =	vst v1;
	s0 =	sand.u32 $0xFF0, s12;
	s1 =	simm.s32 $0x10;
	s2 =	simm.s32 $0xC080  }
.LBB2_2:
0x10: {  	p0 =	sne.s32 s1, $0xFF0;
	[tilespmem:s0+$0xD080] =	vst v1  }
0x11: {  	[tilespmem:s0+$0xE080] =	vst v1  }
0x12: {  	[tilespmem:s0+$0xF080] =	vst v1  }
0x13: {  	[tilespmem:s0+$0x10080] =	vst v1  }
0x14: {  	[tilespmem:s0+$0x11080] =	vst v1  }
0x15: {  	[tilespmem:s0+$0x12080] =	vst v1  }
0x16: {  	[tilespmem:s0+$0x13080] =	vst v1  }
0x17: {  	[tilespmem:s0+$0x14080] =	vst v1  }
0x18: {  	[tilespmem:s0+$0x15080] =	vst v1  }
0x19: {  	[tilespmem:s0+$0x16080] =	vst v1  }
0x1a: {  	[tilespmem:s0+$0x17080] =	vst v1  }
.Ltmp0:
0x1b: {  	[tilespmem:s0+$0x18080] =	vst v1;
	(pc) =	sbr.rel @p0 .LBB2_2-.Ltmp0, $4  }
0x1c: {  	[tilespmem:s0+$0x19080] =	vst v1  }
0x1d: {  	[tilespmem:s0+$0x1A080] =	vst v1  }
0x1e: {  	s2 =	sadd.s32 $0x10, s2;
	[tilespmem:s0+$0x1B080] =	vst v1  }
0x1f: {  	s0 =	sand.u32 $0xFF0, s1;
	s1 =	sadd.s32 $0x10, s1;
	[tilespmem:s2+$0x0] =	vst v1  }
0x20: {  	[tilespmem:s0+$0xD080] =	vst v1  }
0x21: {  	[tilespmem:s0+$0xE080] =	vst v1  }
0x22: {  	[tilespmem:s0+$0xF080] =	vst v1  }
0x23: {  	[tilespmem:s0+$0x10080] =	vst v1  }
0x24: {  	[tilespmem:s0+$0x11080] =	vst v1  }
0x25: {  	[tilespmem:s0+$0x12080] =	vst v1  }
0x26: {  	[tilespmem:s0+$0x13080] =	vst v1  }
0x27: {  	[tilespmem:s0+$0x14080] =	vst v1  }
0x28: {  	[tilespmem:s0+$0x15080] =	vst v1  }
0x29: {  	[tilespmem:s0+$0x16080] =	vst v1  }
0x2a: {  	[tilespmem:s0+$0x17080] =	vst v1  }
0x2b: {  	[tilespmem:s0+$0x18080] =	vst v1  }
0x2c: {  	[tilespmem:s0+$0x19080] =	vst v1  }
0x2d: {  	[tilespmem:s0+$0x1A080] =	vst v1  }
0x2e: {  	[tilespmem:s0+$0x1B080] =	vst v1;
	s0 =	simm.s32 $0x0  }
0x2f: {  	[tilespmem:s0], [sflag:$0x1] =	stream.strided.gather [hbm4b:s4+s14], $0x2000, s15, s14, $0x38;
	[tilespmem:$0x1C100] =	vst v63  }
0x30: {  	_ = 	snop  }
0x31: {  	[tilespmem:s16], [sflag:$0x2] =	stream.strided.gather [hbm4b:s5+s14], $0x2000, s15, s14, $0x38;
	[tilespmem:$0x1C100] =	vst v63  }
.LBB2_4:
0x32: {  	_ =	swait.ge [sflag:s17], $0x2000  }
0x33: {  	[sflag:s17] =	ssyncset.done $0x0  }
0x34: {  	s2 =	simm.s32 $0x0;
	s1 =	simm.s32 $0x40;
	[sflag:s17] =	ssyncadd.s32 $0xFFFFE000  }
.LBB2_5:
0x35: {  	p0 =	sne.s32 s1, $0x7FC0;
	v4 =	vld [tilespmem:s2+$0x0];
	_ =	sdelay $0x4  }
0x36: {  	v4 =	vshrl.u32 v4, $0x13  }
0x37: {  	v5 =	vadd.s32 v2, v4  }
0x38: {  	v4 =	vand.u32 $0x7F, v4;
	v5 =	vand.u32 $0x1FF80, v5  }
0x39: {  	v4 =	vor.u32 v4, v5  }
.Ltmp1:
0x3a: {  	(pc) =	sbr.rel @p0 .LBB2_5-.Ltmp1, $2  }
0x3b: {  	_ =	sdelay $0x2  }
0x3c: {  	s2 =	sshra.s32 s1, $0x2;
	s1 =	sadd.s32 $0x40, s1;
	[tilespmem:v4+s18+$0x0] =	vst.idx.add.s32.msk $0xffff, v3  }
0x3d: {  	v4 =	vld [tilespmem:s2+$0x0];
	_ =	sdelay $0x4  }
0x3e: {  	v4 =	vshrl.u32 v4, $0x13  }
0x3f: {  	v5 =	vadd.s32 v2, v4  }
0x40: {  	v4 =	vand.u32 $0x7F, v4;
	v5 =	vand.u32 $0x1FF80, v5  }
0x41: {  	v4 =	vor.u32 v4, v5;
	_ =	sdelay $0x1  }
0x42: {  	s1 =	sshll.u32 s0, $0x11;
	p0 =	seq.s32 s0, $0xF  }
0x43: {  	s2 =	sadd.s32 @!p0 s1, s6  }
0x44: {  	s20 =	simm.s32 @!p0 $0x80;
	s2 =	sshrl.u32 @!p0 s2, $0x3  }
0x45: {  	s23 =	simm.s32 @!p0 $0x400;
	s24 =	simm.s32 @!p0 $0x0;
	s2 =	sadd.s32 @!p0 s3, s2;
	[tilespmem:v4+s18+$0x0] =	vst.idx.add.s32.msk $0xffff, v3  }
0x46: {  	[tilespmem:s24], [sflag:$0x1] =	stream.strided.gather @!p0 [hbm4b:s2+s20], $0x2000, s23, s20, $0x38;
	[tilespmem:$0x1C100] =	vst v63  }
0x47: {  	_ =	swait.ge [sflag:s19], $0x2000  }
0x48: {  	[sflag:s19] =	ssyncset.done $0x0  }
0x49: {  	s20 =	simm.s32 $0x0;
	s2 =	simm.s32 $0x40;
	[sflag:s19] =	ssyncadd.s32 $0xFFFFE000  }
.LBB2_7:
0x4a: {  	p1 =	sne.s32 s2, $0x7FC0;
	v4 =	vld [tilespmem:s20+$0x2000];
	_ =	sdelay $0x4  }
0x4b: {  	v4 =	vshrl.u32 v4, $0x13  }
0x4c: {  	v5 =	vadd.s32 v2, v4  }
0x4d: {  	v4 =	vand.u32 $0x7F, v4;
	v5 =	vand.u32 $0x1FF80, v5  }
0x4e: {  	v4 =	vor.u32 v4, v5  }
.Ltmp2:
0x4f: {  	(pc) =	sbr.rel @p1 .LBB2_7-.Ltmp2, $2  }
0x50: {  	_ =	sdelay $0x2  }
0x51: {  	s20 =	sshra.s32 s2, $0x2;
	s2 =	sadd.s32 $0x40, s2;
	[tilespmem:v4+s18+$0x0] =	vst.idx.add.s32.msk $0xffff, v3  }
0x52: {  	v4 =	vld [tilespmem:s20+$0x2000];
	_ =	sdelay $0x4  }
0x53: {  	v4 =	vshrl.u32 v4, $0x13  }
0x54: {  	v5 =	vadd.s32 v2, v4  }
0x55: {  	v4 =	vand.u32 $0x7F, v4;
	v5 =	vand.u32 $0x1FF80, v5  }
0x56: {  	v4 =	vor.u32 v4, v5  }
.Ltmp3:
0x57: {  	_ = 	snop;
	(pc) =	sbr.rel @p0 .LBB2_10-.Ltmp3, $2  }
0x58: {  	_ =	sdelay $0x2  }
0x59: {  	s26 =	simm.s32 $0x0;
	s25 =	simm.s32 $0xC080;
	[tilespmem:v4+s18+$0x0] =	vst.idx.add.s32.msk $0xffff, v3  }
.Ltmp4:
0x5a: {  	(pc) =	sbr.rel .LBB2_4-.Ltmp4, $4  }
0x5b: {  	s1 =	sadd.s32 s1, s7  }
0x5c: {  	s1 =	sshrl.u32 s1, $0x3  }
0x5d: {  	s0 =	sadd.s32 $0x1, s0;
	s1 =	sadd.s32 s3, s1  }
0x5e: {  	[tilespmem:s16], [sflag:$0x2] =	stream.strided.gather [hbm4b:s1+s14], $0x2000, s15, s14, $0x38;
	[tilespmem:$0x1C100] =	vst v63  }
.LBB2_10:
0x5f: {  	v4 =	vld [tilespmem:s25+$0x0];
	s0 =	sand.u32 $0xFF0, s26  }
0x60: {  	v5 =	vld [tilespmem:s0+$0xD080]  }
0x61: {  	v6 =	vld [tilespmem:s0+$0xE080]  }
0x62: {  	v7 =	vld [tilespmem:s0+$0xF080]  }
0x63: {  	v8 =	vld [tilespmem:s0+$0x10080]  }
0x64: {  	s1 =	sadd.s32 $0x10, s26;
	s24 =	sadd.s32 $0x10, s25;
	v9 =	vld [tilespmem:s0+$0x11080]  }
0x65: {  	v10 =	vld [tilespmem:s24+$0x0];
	s2 =	sand.u32 $0xFF0, s1  }
0x66: {  	v11 =	vld [tilespmem:s2+$0x12080]  }
0x67: {  	v4 =	vadd.s32 v4, v5;
	v5 =	vld [tilespmem:s0+$0x12080]  }
0x68: {  	v4 =	vadd.s32 v6, v4;
	v6 =	vld [tilespmem:s0+$0x13080]  }
0x69: {  	v4 =	vadd.s32 v7, v4;
	v7 =	vld [tilespmem:s0+$0x14080]  }
0x6a: {  	v4 =	vadd.s32 v8, v4;
	v8 =	vld [tilespmem:s0+$0x15080]  }
0x6b: {  	v4 =	vadd.s32 v9, v4;
	v9 =	vld [tilespmem:s0+$0x16080]  }
0x6c: {  	v4 =	vadd.s32 v5, v4;
	v5 =	vld [tilespmem:s0+$0x17080]  }
0x6d: {  	v4 =	vadd.s32 v6, v4;
	v6 =	vld [tilespmem:s0+$0x18080]  }
0x6e: {  	v4 =	vadd.s32 v7, v4;
	v7 =	vld [tilespmem:s0+$0x19080]  }
0x6f: {  	v4 =	vadd.s32 v8, v4;
	v8 =	vld [tilespmem:s0+$0x1A080]  }
0x70: {  	v4 =	vadd.s32 v9, v4;
	v9 =	vld [tilespmem:s0+$0x1B080]  }
0x71: {  	v4 =	vadd.s32 v5, v4;
	v5 =	vld [tilespmem:s2+$0xD080]  }
0x72: {  	v4 =	vadd.s32 v6, v4;
	v6 =	vld [tilespmem:s2+$0xE080]  }
0x73: {  	v4 =	vadd.s32 v7, v4;
	v7 =	vld [tilespmem:s2+$0xF080]  }
0x74: {  	v4 =	vadd.s32 v8, v4;
	v8 =	vld [tilespmem:s2+$0x10080]  }
0x75: {  	v4 =	vadd.s32 v9, v4;
	v9 =	vld [tilespmem:s2+$0x11080]  }
0x76: {  	(xrf0) =	vadd.scan.msk.s32 $0xffff, v4;
	v5 =	vadd.s32 v10, v5;
	v10 =	vld [tilespmem:s2+$0x13080]  }
0x77: {  	v5 =	vadd.s32 v6, v5;
	v6 =	vld [tilespmem:s2+$0x14080]  }
0x78: {  	v5 =	vadd.s32 v7, v5;
	v7 =	vld [tilespmem:s2+$0x15080]  }
0x79: {  	v5 =	vadd.s32 v8, v5;
	v8 =	vld [tilespmem:s2+$0x16080]  }
0x7a: {  	v5 =	vadd.s32 v9, v5;
	v9 =	vld [tilespmem:s2+$0x17080]  }
0x7b: {  	v5 =	vadd.s32 v11, v5;
	v11 =	vld [tilespmem:s2+$0x18080]  }
0x7c: {  	v12, _, _ =	vpop (xrf0);
	v5 =	vadd.s32 v10, v5;
	v10 =	vld [tilespmem:s2+$0x19080]  }
0x7d: {  	(v2sf) =	vpush v12, $0xF;
	v5 =	vadd.s32 v6, v5;
	v6 =	vld [tilespmem:s2+$0x1A080]  }
0x7e: {  	s1 =	sadd.s32 $0x10, s1;
	s0 =	sadd.s32 $0x10, s24;
	v5 =	vadd.s32 v7, v5;
	v7 =	vld [tilespmem:s2+$0x1B080]  }
0x7f: {  	s31 =	sand.u32 $0xFF0, s1;
	v12 =	vadd.s32 s26, v12;
	v5 =	vadd.s32 v8, v5;
	v8 =	vld [tilespmem:s0+$0x0]  }
0x80: {  	vm2 =	vlt.s32 v12, $0x3F5C3;
	v13 =	vsub.s32 v12, v4;
	v5 =	vadd.s32 v9, v5;
	v9 =	vld [tilespmem:s31+$0xD080]  }
0x81: {  	vm3 =	vgt.s32 v12, $0x3F5C2;
	vm4 =	vlt.s32 v13, $0x3F5C3;
	v5 =	vadd.s32 v11, v5;
	v11 =	vld [tilespmem:s31+$0xE080]  }
0x82: {  	v60 =	vsel vm2, $0x1, v1;
	vm3 =	vmand vm3, vm4;
	v5 =	vadd.s32 v10, v5;
	v10 =	vld [tilespmem:s31+$0xF080]  }
0x83: {  	(xrf0) =	vadd.scan.msk.s32 $0xffff, v60;
	v61 =	vnsel vm3, $0x0, v4;
	v5 =	vadd.s32 v6, v5;
	v6 =	vld [tilespmem:s31+$0x10080]  }
0x84: {  	v4 =	vnsel vm2, $0x0, v4;
	(xrf0) =	vadd.scan.msk.s32 $0xffff, v61  }
0x85: {  	(xrf0) =	vadd.scan.msk.s32 $0xffff, v4;
	v62 =	vadd.s32 v7, v5;
	v5 =	vadd.s32 v8, v9  }
0x86: {  	v4 =	vld [tilespmem:s31+$0x11080];
	v5 =	vadd.s32 v11, v5  }
0x87: {  	v7 =	vld [tilespmem:s31+$0x12080];
	(xrf0) =	vadd.scan.msk.s32 $0xffff, v62;
	v5 =	vadd.s32 v10, v5  }
0x88: {  	v8 =	vld [tilespmem:s31+$0x13080];
	v5 =	vadd.s32 v6, v5  }
0x89: {  	v9 =	vld [tilespmem:s31+$0x14080];
	v10, _, _ =	vpop (xrf0)  }
0x8a: {  	v6 =	vld [tilespmem:s31+$0x15080];
	(v2sf) =	vpush v10, $0xF;
	v10, _, _ =	vpop (xrf0)  }
0x8b: {  	v11 =	vld [tilespmem:s31+$0x16080];
	v4 =	vadd.s32 v4, v5;
	(v2sf) =	vpush v10, $0xF;
	v5, _, _ =	vpop (xrf0)  }
0x8c: {  	v4 =	vadd.s32 v7, v4;
	s20 =	spop (v2sf);
	(v2sf) =	vpush v5, $0xF  }
0x8d: {  	v10 =	vld [tilespmem:s31+$0x17080];
	v4 =	vadd.s32 v8, v4;
	v5, _, _ =	vpop (xrf0)  }
0x8e: {  	v63 =	vld [tilespmem:s31+$0x18080];
	v7 =	vadd.s32 v9, v4;
	s29 =	sadd.s32 s26, s20;
	(v2sf) =	vpush v5, $0xF  }
0x8f: {  	v4 =	vld [tilespmem:s31+$0x19080];
	v6 =	vadd.s32 v6, v7;
	v8 =	vadd.s32 s29, v5  }
0x90: {  	s1 =	sadd.s32 $0x10, s1;
	v5 =	vld [tilespmem:s31+$0x1A080];
	v9 =	vadd.s32 v11, v6;
	v7 =	vsub.s32 v8, v62  }
0x91: {  	s30 =	sand.u32 $0xFF0, s1;
	v6 =	vld [tilespmem:s31+$0x1B080];
	vm2 =	vlt.s32 v8, $0x3F5C3;
	vm3 =	vgt.s32 v8, $0x3F5C2;
	vm15 =	vlt.s32 v7, $0x3F5C3  }
0x92: {  	s28 =	simm.s32 $0x0;
	s0 =	sadd.s32 $0x10, s0;
	v9 =	vadd.s32 v10, v9;
	v8 =	vld [tilespmem:s30+$0xD080];
	v14 =	vsel vm2, $0x1, v1;
	vm3 =	vmand vm3, vm15  }
0x93: {  	s23 =	simm.s32 $0x0;
	s1 =	sadd.s32 $0x10, s1;
	s24 =	simm.s32 $0x0;
	v7 =	vld [tilespmem:s0+$0x0];
	v10 =	vadd.s32 v63, v9;
	v9 =	vnsel vm2, $0x0, v62;
	(xrf0) =	vadd.scan.msk.s32 $0xffff, v14;
	v11 =	vnsel vm3, $0x0, v62  }
.LBB2_11:
0x94: {  	p0 =	sne.s32 s1, $0xFF0;
	v12 =	vld [tilespmem:s30+$0xE080];
	v4 =	vadd.s32 v4, v10;
	(xrf0) =	vadd.scan.msk.s32 $0xffff, v11  }
0x95: {  	v10 =	vld [tilespmem:s30+$0xF080];
	v4 =	vadd.s32 v5, v4;
	(xrf0) =	vadd.scan.msk.s32 $0xffff, v9  }
0x96: {  	v5 =	vld [tilespmem:s30+$0x10080];
	v11 =	vadd.s32 v6, v4  }
0x97: {  	v4 =	vld [tilespmem:s30+$0x11080];
	(xrf0) =	vadd.scan.msk.s32 $0xffff, v11  }
0x98: {  	v6 =	vadd.s32 v7, v8;
	v7 =	vld [tilespmem:s30+$0x12080]  }
0x99: {  	v6 =	vadd.s32 v12, v6;
	v8 =	vld [tilespmem:s30+$0x13080];
	v9, _, _ =	vpop (xrf0);
	s2 =	spop (v2sf)  }
0x9a: {  	v6 =	vadd.s32 v10, v6;
	v10 =	vld [tilespmem:s30+$0x14080];
	(v2sf) =	vpush v9, $0xF;
	v9, _, _ =	vpop (xrf0);
	s28 =	sadd.s32 s28, s2;
	s2 =	spop (v2sf)  }
0x9b: {  	v13 =	vadd.s32 v5, v6;
	v6 =	vld [tilespmem:s30+$0x15080];
	v12, _, _ =	vpop (xrf0);
	(v2sf) =	vpush v9, $0xF;
	s23 =	sadd.s32 s23, s2;
	s2 =	spop (v2sf)  }
0x9c: {  	v4 =	vadd.s32 v4, v13;
	v9 =	vld [tilespmem:s30+$0x16080];
	(v2sf) =	vpush v12, $0xF;
	s24 =	sadd.s32 s24, s2  }
0x9d: {  	v4 =	vadd.s32 v7, v4;
	v12 =	vld [tilespmem:s30+$0x17080];
	v5, _, _ =	vpop (xrf0);
	s2 =	spop (v2sf)  }
0x9e: {  	v4 =	vadd.s32 v8, v4;
	v13 =	vld [tilespmem:s30+$0x18080];
	(v2sf) =	vpush v5, $0xF;
	s29 =	sadd.s32 s29, s2  }
.Ltmp5:
0x9f: {  	v7 =	vadd.s32 v10, v4;
	v4 =	vld [tilespmem:s30+$0x19080];
	v8 =	vadd.s32 s29, v5;
	(pc) =	sbr.rel @p0 .LBB2_11-.Ltmp5, $4  }
0xa0: {  	v6 =	vadd.s32 v6, v7;
	v5 =	vld [tilespmem:s30+$0x1A080];
	vm2 =	vlt.s32 v8, $0x3F5C3;
	v7 =	vsub.s32 v8, v11  }
0xa1: {  	s0 =	sadd.s32 $0x10, s0;
	vm3 =	vgt.s32 v8, $0x3F5C2;
	v9 =	vadd.s32 v9, v6;
	v6 =	vld [tilespmem:s30+$0x1B080];
	vm4 =	vlt.s32 v7, $0x3F5C3  }
0xa2: {  	s30 =	sand.u32 $0xFF0, s1;
	v7 =	vld [tilespmem:s0+$0x0];
	v9 =	vadd.s32 v12, v9;
	vm3 =	vmand vm3, vm4;
	v12 =	vsel vm2, $0x1, v1  }
0xa3: {  	s1 =	sadd.s32 $0x10, s1;
	v8 =	vld [tilespmem:s30+$0xD080];
	v10 =	vadd.s32 v13, v9;
	v9 =	vnsel vm2, $0x0, v11;
	v11 =	vnsel vm3, $0x0, v11;
	(xrf0) =	vadd.scan.msk.s32 $0xffff, v12  }
0xa4: {  	v4 =	vadd.s32 v4, v10  }
0xa5: {  	v38 =	vld [tilespmem:s30+$0xE080];
	(xrf0) =	vadd.scan.msk.s32 $0xffff, v11;
	v4 =	vadd.s32 v5, v4  }
0xa6: {  	v5 =	vld [tilespmem:s30+$0xF080];
	(xrf0) =	vadd.scan.msk.s32 $0xffff, v9;
	v4 =	vadd.s32 v6, v4  }
0xa7: {  	v39 =	vld [tilespmem:s30+$0x10080];
	(xrf0) =	vadd.scan.msk.s32 $0xffff, v4  }
0xa8: {  	v40 =	vld [tilespmem:s30+$0x11080]  }
0xa9: {  	v41 =	vld [tilespmem:s30+$0x12080];
	v7 =	vadd.s32 v7, v8  }
0xaa: {  	v42 =	vld [tilespmem:s30+$0x13080];
	v7 =	vadd.s32 v38, v7;
	v43, _, _ =	vpop (xrf0)  }
0xab: {  	v44 =	vld [tilespmem:s30+$0x14080];
	v5 =	vadd.s32 v5, v7;
	(v2sf) =	vpush v43, $0xF;
	v45, _, _ =	vpop (xrf0)  }
0xac: {  	v46 =	vld [tilespmem:s30+$0x15080];
	s0 =	spop (v2sf);
	v5 =	vadd.s32 v39, v5;
	v12, _, _ =	vpop (xrf0);
	(v2sf) =	vpush v45, $0xF  }
0xad: {  	v47 =	vld [tilespmem:s30+$0x16080];
	s1 =	spop (v2sf);
	v5 =	vadd.s32 v40, v5;
	(v2sf) =	vpush v12, $0xF;
	v48, _, _ =	vpop (xrf0)  }
0xae: {  	v49 =	vld [tilespmem:s30+$0x17080];
	s20 =	spop (v2sf);
	v5 =	vadd.s32 v41, v5;
	(v2sf) =	vpush v48, $0xF  }
0xaf: {  	v50 =	vld [tilespmem:s30+$0x18080];
	s2 =	spop (v2sf);
	v5 =	vadd.s32 v42, v5  }
0xb0: {  	v51 =	vld [tilespmem:s30+$0x19080];
	s2 =	sadd.s32 s29, s2;
	v5 =	vadd.s32 v44, v5  }
0xb1: {  	v52 =	vld [tilespmem:s30+$0x1A080];
	v11 =	vadd.s32 s2, v48;
	v5 =	vadd.s32 v46, v5  }
0xb2: {  	v54 =	vld [tilespmem:s30+$0x1B080];
	vm2 =	vlt.s32 v11, $0x3F5C3;
	v53 =	vsub.s32 v11, v4;
	v5 =	vadd.s32 v47, v5  }
0xb3: {  	vm3 =	vgt.s32 v11, $0x3F5C2;
	vm4 =	vlt.s32 v53, $0x3F5C3;
	v5 =	vadd.s32 v49, v5  }
0xb4: {  	v55 =	vsel vm2, $0x1, v1;
	vm3 =	vmand vm3, vm4;
	v5 =	vadd.s32 v50, v5  }
0xb5: {  	(xrf0) =	vadd.scan.msk.s32 $0xffff, v55;
	v56 =	vnsel vm3, $0x0, v4;
	v5 =	vadd.s32 v51, v5  }
0xb6: {  	v4 =	vnsel vm2, $0x0, v4;
	(xrf0) =	vadd.scan.msk.s32 $0xffff, v56;
	v5 =	vadd.s32 v52, v5  }
0xb7: {  	(xrf0) =	vadd.scan.msk.s32 $0xffff, v4;
	v4 =	vadd.s32 v54, v5  }
0xb8: {  	(xrf0) =	vadd.scan.msk.s32 $0xffff, v4;
	_ =	sdelay $0x1  }
0xb9: {  	s29 =	spop (v2sf)  }
0xba: {  	v5, _, _ =	vpop (xrf0);
	s21 =	spop (v2sf)  }
0xbb: {  	v57, _, _ =	vpop (xrf0);
	s31 =	spop (v2sf)  }
0xbc: {  	v58, _, _ =	vpop (xrf0);
	s12 =	spop (v2sf)  }
0xbd: {  	v59, _, _ =	vpop (xrf0);
	s2 =	sadd.s32 s2, s12  }
0xbe: {  	v60 =	vadd.s32 s2, v59  }
0xbf: {  	v61 =	vsub.s32 v60, v4  }
0xc0: {  	vm2 =	vlt.s32 v60, $0x3F5C3;
	vm3 =	vgt.s32 v60, $0x3F5C2;
	vm15 =	vlt.s32 v61, $0x3F5C3  }
0xc1: {  	v62 =	vsel vm2, $0x1, v1;
	vm3 =	vmand vm3, vm15  }
0xc2: {  	(xrf0) =	vadd.scan.msk.s32 $0xffff, v62;
	v63 =	vnsel vm3, $0x0, v4  }
0xc3: {  	v4 =	vnsel vm2, $0x0, v4;
	(xrf0) =	vadd.scan.msk.s32 $0xffff, v63  }
0xc4: {  	(xrf0) =	vadd.scan.msk.s32 $0xffff, v4  }
0xc5: {  	(v2sf) =	vpush v5, $0xF  }
0xc6: {  	(v2sf) =	vpush v57, $0xF  }
0xc7: {  	(v2sf) =	vpush v58, $0xF  }
0xc8: {  	(v2sf) =	vpush v59, $0xF;
	v4, _, _ =	vpop (xrf0)  }
0xc9: {  	(v2sf) =	vpush v4, $0xF;
	v4, _, _ =	vpop (xrf0)  }
0xca: {  	v5, _, _ =	vpop (xrf0);
	(v2sf) =	vpush v4, $0xF  }
0xcb: {  	(v2sf) =	vpush v5, $0xF;
	_ =	sdelay $0x8  }
0xcc: {  	s2 =	spop (v2sf)  }
0xcd: {  	s0 =	sadd.s32 s28, s0;
	s12 =	spop (v2sf)  }
0xce: {  	s1 =	sadd.s32 s23, s1;
	s20 =	sadd.s32 s24, s20;
	s13 =	spop (v2sf)  }
0xcf: {  	s0 =	sadd.s32 s0, s29;
	s1 =	sadd.s32 s1, s21;
	s21 =	spop (v2sf)  }
0xd0: {  	s20 =	sadd.s32 s20, s31;
	s0 =	sadd.s32 s0, s2;
	s24 =	spop (v2sf)  }
0xd1: {  	s1 =	sadd.s32 s1, s12;
	s29 =	sadd.s32 s20, s13;
	s30 =	spop (v2sf)  }
0xd2: {  	s23 =	sadd.s32 s0, s24;
	s0 =	sand.u32 $0xFF0, s26;
	s31 =	spop (v2sf)  }
0xd3: {  	[tilespmem:s25+$0x0] =	vst v1;
	s24 =	sadd.s32 s1, s30;
	s1 =	simm.s32 $0x10;
	s28 =	sadd.s32 s29, s31  }
.LBB2_13:
0xd4: {  	p0 =	sne.s32 s1, $0xFF0;
	[tilespmem:s0+$0xD080] =	vst v1  }
0xd5: {  	[tilespmem:s0+$0xE080] =	vst v1  }
0xd6: {  	[tilespmem:s0+$0xF080] =	vst v1  }
0xd7: {  	[tilespmem:s0+$0x10080] =	vst v1  }
0xd8: {  	[tilespmem:s0+$0x11080] =	vst v1  }
0xd9: {  	[tilespmem:s0+$0x12080] =	vst v1  }
0xda: {  	[tilespmem:s0+$0x13080] =	vst v1  }
0xdb: {  	[tilespmem:s0+$0x14080] =	vst v1  }
0xdc: {  	[tilespmem:s0+$0x15080] =	vst v1  }
0xdd: {  	[tilespmem:s0+$0x16080] =	vst v1  }
0xde: {  	[tilespmem:s0+$0x17080] =	vst v1  }
.Ltmp6:
0xdf: {  	[tilespmem:s0+$0x18080] =	vst v1;
	(pc) =	sbr.rel @p0 .LBB2_13-.Ltmp6, $4  }
0xe0: {  	[tilespmem:s0+$0x19080] =	vst v1  }
0xe1: {  	[tilespmem:s0+$0x1A080] =	vst v1  }
0xe2: {  	s25 =	sadd.s32 $0x10, s25;
	[tilespmem:s0+$0x1B080] =	vst v1  }
0xe3: {  	s0 =	sand.u32 $0xFF0, s1;
	s1 =	sadd.s32 $0x10, s1;
	[tilespmem:s25+$0x0] =	vst v1  }
0xe4: {  	[tilespmem:s0+$0xD080] =	vst v1  }
0xe5: {  	[tilespmem:s0+$0xE080] =	vst v1  }
0xe6: {  	[tilespmem:s0+$0xF080] =	vst v1  }
0xe7: {  	[tilespmem:s0+$0x10080] =	vst v1  }
0xe8: {  	[tilespmem:s0+$0x11080] =	vst v1  }
0xe9: {  	[tilespmem:s0+$0x12080] =	vst v1  }
0xea: {  	[tilespmem:s0+$0x13080] =	vst v1  }
0xeb: {  	[tilespmem:s0+$0x14080] =	vst v1  }
0xec: {  	[tilespmem:s0+$0x15080] =	vst v1  }
0xed: {  	[tilespmem:s0+$0x16080] =	vst v1  }
0xee: {  	[tilespmem:s0+$0x17080] =	vst v1  }
0xef: {  	[tilespmem:s0+$0x18080] =	vst v1  }
0xf0: {  	[tilespmem:s0+$0x19080] =	vst v1  }
0xf1: {  	[tilespmem:s0+$0x1A080] =	vst v1  }
0xf2: {  	[tilespmem:s0+$0x1B080] =	vst v1;
	s0 =	simm.s32 $0x0  }
0xf3: {  	[tilespmem:s0], [sflag:$0x1] =	stream.strided.gather [hbm4b:s4+s14], $0x2000, s15, s14, $0x38;
	[tilespmem:$0x1C100] =	vst v63  }
0xf4: {  	p0 =	sgt.s32 s24, $0x8000;
	s25 =	simm.s32 $0x0  }
0xf5: {  	v4 =	vmov s23;
	[tilespmem:s16], [sflag:$0x2] =	stream.strided.gather [hbm4b:s5+s14], $0x2000, s15, s14, $0x38;
	[tilespmem:$0x1C100] =	vst v63  }
.LBB2_15:
0xf6: {  	_ =	swait.ge [sflag:s17], $0x2000  }
0xf7: {  	[sflag:s17] =	ssyncset.done $0x0  }
0xf8: {  	s1 =	simm.s32 $0x0;
	[sflag:s17] =	ssyncadd.s32 $0xFFFFE000  }
0xf9: {  	v5 =	vld [tilespmem:s1+$0x0];
	_ =	sdelay $0x4  }
0xfa: {  	v6 =	vshrl.u32 v5, $0x13  }
0xfb: {  	vm2 =	veq.s32 v6, v4  }
0xfc: {  	v7 =	vsel vm2, $0x1, v1  }
0xfd: {  	(xrf0) =	vadd.scan.msk.s32 $0xffff, v7;
	v7 =	vshrl.u32 v5, $0x7  }
0xfe: {  	v7 =	vand.u32 $0xFFF, v7  }
0xff: {  	v7 =	vor.u32 v2, v7;
	_ =	sdelay $0x3  }
0x100: {  	v8, _, _ =	vpop (xrf0)  }
0x101: {  	vm3 =	veq.s32 @!p0 v6, v4;
	(v2sf) =	vpush v8, $0xF;
	[tilespmem:v7+s18+$0x0] =	vst.idx.add.s32.msk vm2, v3  }
0x102: {  	s31 =	simm.s32 $0x10;
	[tilespmem:s0+$0x4000] =	vst.msk @!p0 vm3, v5  }
0x103: {  	v5 =	vld [tilespmem:s31+$0x0];
	_ =	sdelay $0x4  }
0x104: {  	v6 =	vshrl.u32 v5, $0x13  }
0x105: {  	v7 =	vshrl.u32 v5, $0x7;
	vm3 =	veq.s32 v6, v4  }
0x106: {  	v7 =	vand.u32 $0xFFF, v7;
	v63 =	vsel vm3, $0x1, v1  }
0x107: {  	v7 =	vor.u32 v2, v7;
	(xrf0) =	vadd.scan.msk.s32 $0xffff, v63;
	_ =	sdelay $0x4  }
0x108: {  	s1 =	simm.s32 $0x80;
	vm2 =	veq.s32 @!p0 v6, v4;
	[tilespmem:v7+s18+$0x0] =	vst.idx.add.s32.msk vm3, v3;
	s2 =	spop (v2sf)  }
.LBB2_16:
0x109: {  	v6, _, _ =	vpop (xrf0);
	s0 =	sadd.s32 s0, s2;
	s2 =	smov.u32 s1;
	s1 =	sadd.s32 $0x40, s1  }
0x10a: {  	p1 =	sne.s32 s1, $0x8000;
	[tilespmem:s0+$0x4000] =	vst.msk @!p0 vm2, v5;
	(v2sf) =	vpush v6, $0xF  }
0x10b: {  	s2 =	sshra.s32 s2, $0x2  }
0x10c: {  	v5 =	vld [tilespmem:s2+$0x0];
	_ =	sdelay $0x4  }
0x10d: {  	v6 =	vshrl.u32 v5, $0x13;
	v7 =	vshrl.u32 v5, $0x7  }
0x10e: {  	vm3 =	veq.s32 v6, v4;
	v7 =	vand.u32 $0xFFF, v7;
	vm2 =	veq.s32 @!p0 v6, v4  }
0x10f: {  	v6 =	vor.u32 v2, v7;
	v7 =	vsel vm3, $0x1, v1  }
0x110: {  	(xrf0) =	vadd.scan.msk.s32 $0xffff, v7  }
.Ltmp7:
0x111: {  	(pc) =	sbr.rel @p1 .LBB2_16-.Ltmp7, $3  }
0x112: {  	_ =	sdelay $0x1  }
0x113: {  	[tilespmem:v6+s18+$0x0] =	vst.idx.add.s32.msk vm3, v3  }
0x114: {  	s2 =	spop (v2sf)  }
0x115: {  	v6, _, _ =	vpop (xrf0)  }
0x116: {  	(v2sf) =	vpush v6, $0xF;
	_ =	sdelay $0x9  }
0x117: {  	s1 =	sshll.u32 s25, $0x11;
	p1 =	seq.s32 s25, $0xF  }
0x118: {  	s12 =	sadd.s32 @!p1 s1, s6  }
0x119: {  	s0 =	sadd.s32 s0, s2;
	s20 =	simm.s32 @!p1 $0x400;
	s12 =	sshrl.u32 @!p1 s12, $0x3  }
0x11a: {  	[tilespmem:s0+$0x4000] =	vst.msk @!p0 vm2, v5;
	s26 =	simm.s32 @!p1 $0x0;
	s2 =	sadd.s32 @!p1 s3, s12;
	s12 =	simm.s32 @!p1 $0x80  }
0x11b: {  	[tilespmem:s26], [sflag:$0x1] =	stream.strided.gather @!p1 [hbm4b:s2+s12], $0x2000, s20, s12, $0x38;
	[tilespmem:$0x1C100] =	vst v63  }
0x11c: {  	s29 =	spop (v2sf)  }
0x11d: {  	_ =	swait.ge [sflag:s19], $0x2000  }
0x11e: {  	[sflag:s19] =	ssyncset.done $0x0  }
0x11f: {  	s30 =	simm.s32 $0x0;
	[sflag:s19] =	ssyncadd.s32 $0xFFFFE000  }
0x120: {  	v5 =	vld [tilespmem:s30+$0x2000];
	_ =	sdelay $0x4  }
0x121: {  	v6 =	vshrl.u32 v5, $0x13  }
0x122: {  	vm2 =	veq.s32 v6, v4  }
0x123: {  	v7 =	vsel vm2, $0x1, v1  }
0x124: {  	(xrf0) =	vadd.scan.msk.s32 $0xffff, v7;
	v7 =	vshrl.u32 v5, $0x7  }
0x125: {  	v7 =	vand.u32 $0xFFF, v7  }
0x126: {  	v7 =	vor.u32 v2, v7;
	_ =	sdelay $0x3  }
0x127: {  	v8, _, _ =	vpop (xrf0)  }
0x128: {  	s0 =	sadd.s32 s0, s29;
	vm3 =	veq.s32 @!p0 v6, v4;
	(v2sf) =	vpush v8, $0xF;
	[tilespmem:v7+s18+$0x0] =	vst.idx.add.s32.msk vm2, v3  }
0x129: {  	s31 =	simm.s32 $0x10;
	[tilespmem:s0+$0x4000] =	vst.msk @!p0 vm3, v5  }
0x12a: {  	v5 =	vld [tilespmem:s31+$0x2000];
	_ =	sdelay $0x4  }
0x12b: {  	v6 =	vshrl.u32 v5, $0x13  }
0x12c: {  	v7 =	vshrl.u32 v5, $0x7;
	vm3 =	veq.s32 v6, v4  }
0x12d: {  	v7 =	vand.u32 $0xFFF, v7;
	v63 =	vsel vm3, $0x1, v1  }
0x12e: {  	v7 =	vor.u32 v2, v7;
	(xrf0) =	vadd.scan.msk.s32 $0xffff, v63;
	_ =	sdelay $0x4  }
0x12f: {  	s2 =	simm.s32 $0x80;
	vm2 =	veq.s32 @!p0 v6, v4;
	[tilespmem:v7+s18+$0x0] =	vst.idx.add.s32.msk vm3, v3;
	s20 =	spop (v2sf)  }
.LBB2_18:
0x130: {  	v6, _, _ =	vpop (xrf0);
	s0 =	sadd.s32 s0, s20;
	s12 =	smov.u32 s2;
	s2 =	sadd.s32 $0x40, s2  }
0x131: {  	p2 =	sne.s32 s2, $0x8000;
	[tilespmem:s0+$0x4000] =	vst.msk @!p0 vm2, v5;
	(v2sf) =	vpush v6, $0xF  }
0x132: {  	s12 =	sshra.s32 s12, $0x2  }
0x133: {  	v5 =	vld [tilespmem:s12+$0x2000];
	_ =	sdelay $0x4  }
0x134: {  	v6 =	vshrl.u32 v5, $0x13;
	v7 =	vshrl.u32 v5, $0x7  }
0x135: {  	vm3 =	veq.s32 v6, v4;
	v7 =	vand.u32 $0xFFF, v7;
	vm2 =	veq.s32 @!p0 v6, v4  }
0x136: {  	v6 =	vor.u32 v2, v7;
	v7 =	vsel vm3, $0x1, v1  }
0x137: {  	(xrf0) =	vadd.scan.msk.s32 $0xffff, v7  }
.Ltmp8:
0x138: {  	(pc) =	sbr.rel @p2 .LBB2_18-.Ltmp8, $3  }
0x139: {  	_ =	sdelay $0x1  }
0x13a: {  	[tilespmem:v6+s18+$0x0] =	vst.idx.add.s32.msk vm3, v3  }
0x13b: {  	s20 =	spop (v2sf)  }
0x13c: {  	v6, _, _ =	vpop (xrf0)  }
0x13d: {  	(v2sf) =	vpush v6, $0xF;
	_ =	sdelay $0xb  }
.Ltmp9:
0x13e: {  	_ = 	snop;
	(pc) =	sbr.rel @p1 .LBB2_21-.Ltmp9, $3  }
0x13f: {  	_ =	sdelay $0x1  }
0x140: {  	s0 =	sadd.s32 s0, s20;
	s2 =	spop (v2sf)  }
0x141: {  	[tilespmem:s0+$0x4000] =	vst.msk @!p0 vm2, v5;
	s0 =	sadd.s32 s0, s2  }
.Ltmp10:
0x142: {  	(pc) =	sbr.rel .LBB2_15-.Ltmp10, $4  }
0x143: {  	s1 =	sadd.s32 s1, s7  }
0x144: {  	s1 =	sshrl.u32 s1, $0x3  }
0x145: {  	s25 =	sadd.s32 $0x1, s25;
	s1 =	sadd.s32 s3, s1  }
0x146: {  	[tilespmem:s16], [sflag:$0x2] =	stream.strided.gather [hbm4b:s1+s14], $0x2000, s15, s14, $0x38;
	[tilespmem:$0x1C100] =	vst v63  }
.LBB2_21:
0x147: {  	s26 =	simm.s32 $0x0;
	s0 =	simm.s32 $0xC080  }
0x148: {  	v5 =	vld [tilespmem:s0+$0x0];
	s2 =	sand.u32 $0xFF0, s26  }
0x149: {  	v6 =	vld [tilespmem:s2+$0xD080]  }
0x14a: {  	v7 =	vld [tilespmem:s2+$0xE080]  }
0x14b: {  	v8 =	vld [tilespmem:s2+$0xF080]  }
0x14c: {  	v9 =	vld [tilespmem:s2+$0x10080]  }
0x14d: {  	v10 =	vld [tilespmem:s2+$0x11080]  }
0x14e: {  	v5 =	vadd.s32 v5, v6;
	v6 =	vld [tilespmem:s2+$0x12080]  }
0x14f: {  	v5 =	vadd.s32 v7, v5;
	v7 =	vld [tilespmem:s2+$0x13080]  }
0x150: {  	v5 =	vadd.s32 v8, v5;
	v8 =	vld [tilespmem:s2+$0x14080]  }
0x151: {  	v5 =	vadd.s32 v9, v5;
	v9 =	vld [tilespmem:s2+$0x15080]  }
0x152: {  	v5 =	vadd.s32 v10, v5;
	v10 =	vld [tilespmem:s2+$0x16080]  }
0x153: {  	v5 =	vadd.s32 v6, v5;
	v6 =	vld [tilespmem:s2+$0x17080]  }
0x154: {  	v5 =	vadd.s32 v7, v5;
	v7 =	vld [tilespmem:s2+$0x18080]  }
0x155: {  	v5 =	vadd.s32 v8, v5;
	v8 =	vld [tilespmem:s2+$0x19080]  }
0x156: {  	v5 =	vadd.s32 v9, v5;
	v9 =	vld [tilespmem:s2+$0x1A080]  }
0x157: {  	v5 =	vadd.s32 v10, v5;
	v10 =	vld [tilespmem:s2+$0x1B080]  }
0x158: {  	v5 =	vadd.s32 v6, v5  }
0x159: {  	v5 =	vadd.s32 v7, v5  }
0x15a: {  	v5 =	vadd.s32 v8, v5  }
0x15b: {  	s1 =	simm.s32 $0x10;
	s12 =	simm.s32 $0xC090;
	v5 =	vadd.s32 v9, v5  }
0x15c: {  	v11 =	vld [tilespmem:s12+$0x0];
	s13 =	sand.u32 $0xFF0, s1;
	v5 =	vadd.s32 v10, v5  }
0x15d: {  	v6 =	vld [tilespmem:s13+$0xD080];
	(xrf0) =	vadd.scan.msk.s32 $0xffff, v5  }
0x15e: {  	v7 =	vld [tilespmem:s13+$0xE080]  }
0x15f: {  	v8 =	vld [tilespmem:s13+$0xF080]  }
0x160: {  	v9 =	vld [tilespmem:s13+$0x10080]  }
0x161: {  	v10 =	vld [tilespmem:s13+$0x11080]  }
0x162: {  	v12 =	vld [tilespmem:s13+$0x12080];
	v6 =	vadd.s32 v11, v6  }
0x163: {  	v11 =	vld [tilespmem:s13+$0x13080];
	v6 =	vadd.s32 v7, v6;
	v13, _, _ =	vpop (xrf0)  }
0x164: {  	v7 =	vld [tilespmem:s13+$0x14080];
	v6 =	vadd.s32 v8, v6;
	(v2sf) =	vpush v13, $0xF  }
0x165: {  	v8 =	vld [tilespmem:s13+$0x15080];
	v6 =	vadd.s32 v9, v6  }
0x166: {  	v9 =	vld [tilespmem:s13+$0x16080];
	v6 =	vadd.s32 v10, v6  }
0x167: {  	v10 =	vld [tilespmem:s13+$0x17080];
	v6 =	vadd.s32 v12, v6  }
0x168: {  	s25 =	ssub.s32 $0x3F5C3, s28;
	v58 =	vld [tilespmem:s13+$0x18080];
	v6 =	vadd.s32 v11, v6  }
0x169: {  	v4 =	vmov s25;
	v11 =	vld [tilespmem:s13+$0x19080];
	v6 =	vadd.s32 v7, v6;
	v13 =	vadd.s32 s26, v13  }
0x16a: {  	v7 =	vld [tilespmem:s13+$0x1A080];
	v6 =	vadd.s32 v8, v6;
	vm2 =	vlt.s32 v13, v4  }
0x16b: {  	s20 =	simm.s32 $0x20;
	s21 =	simm.s32 $0xC0A0;
	v8 =	vld [tilespmem:s13+$0x1B080];
	v6 =	vadd.s32 v9, v6;
	v5 =	vnsel vm2, $0x0, v5  }
0x16c: {  	s30 =	sand.u32 $0xFF0, s20;
	v9 =	vld [tilespmem:s21+$0x0];
	v13 =	vsel vm2, $0x1, v1;
	v6 =	vadd.s32 v10, v6;
	(xrf0) =	vadd.scan.msk.s32 $0xffff, v5  }
0x16d: {  	v10 =	vld [tilespmem:s30+$0xD080];
	v6 =	vadd.s32 v58, v6;
	(xrf0) =	vadd.scan.msk.s32 $0xffff, v13  }
0x16e: {  	v59 =	vld [tilespmem:s30+$0xE080];
	v6 =	vadd.s32 v11, v6  }
0x16f: {  	v11 =	vld [tilespmem:s30+$0xF080];
	v5 =	vadd.s32 v7, v6  }
0x170: {  	v6 =	vld [tilespmem:s30+$0x10080];
	v8 =	vadd.s32 v8, v5  }
0x171: {  	v5 =	vld [tilespmem:s30+$0x11080];
	(xrf0) =	vadd.scan.msk.s32 $0xffff, v8  }
0x172: {  	v7 =	vadd.s32 v9, v10;
	v9 =	vld [tilespmem:s30+$0x12080];
	v60, _, _ =	vpop (xrf0)  }
0x173: {  	v10 =	vld [tilespmem:s30+$0x13080];
	v7 =	vadd.s32 v59, v7;
	v14, _, _ =	vpop (xrf0);
	s31 =	spop (v2sf);
	(v2sf) =	vpush v60, $0xF  }
0x174: {  	v7 =	vadd.s32 v11, v7;
	v11 =	vld [tilespmem:s30+$0x14080];
	(v2sf) =	vpush v14, $0xF  }
0x175: {  	v6 =	vadd.s32 v6, v7;
	v7 =	vld [tilespmem:s30+$0x15080]  }
0x176: {  	v61 =	vld [tilespmem:s30+$0x16080];
	v5 =	vadd.s32 v5, v6  }
0x177: {  	v5 =	vadd.s32 v9, v5;
	v9 =	vld [tilespmem:s30+$0x17080];
	v15, _, _ =	vpop (xrf0)  }
0x178: {  	v5 =	vadd.s32 v10, v5;
	v10 =	vld [tilespmem:s30+$0x18080];
	s29 =	sadd.s32 $0x0, s31;
	(v2sf) =	vpush v15, $0xF  }
0x179: {  	v6 =	vadd.s32 v11, v5;
	v5 =	vld [tilespmem:s30+$0x19080];
	v11 =	vadd.s32 s29, v15  }
0x17a: {  	v7 =	vadd.s32 v7, v6;
	v6 =	vld [tilespmem:s30+$0x1A080];
	vm2 =	vlt.s32 v11, v4  }
0x17b: {  	s1 =	simm.s32 $0xC0B0;
	s2 =	simm.s32 $0x30;
	v11 =	vadd.s32 v61, v7;
	v7 =	vld [tilespmem:s30+$0x1B080];
	v62 =	vnsel vm2, $0x0, v8  }
0x17c: {  	s0 =	sand.u32 $0xFF0, s2;
	v63 =	vsel vm2, $0x1, v1;
	v11 =	vadd.s32 v9, v11;
	v8 =	vld [tilespmem:s1+$0x0];
	(xrf0) =	vadd.scan.msk.s32 $0xffff, v62  }
0x17d: {  	s28 =	simm.s32 $0x0;
	s20 =	simm.s32 $0x40;
	v9 =	vld [tilespmem:s0+$0xD080];
	v10 =	vadd.s32 v10, v11;
	(xrf0) =	vadd.scan.msk.s32 $0xffff, v63  }
.LBB2_22:
0x17e: {  	p1 =	sne.s32 s20, $0xFF0;
	v11 =	vld [tilespmem:s0+$0xE080];
	v5 =	vadd.s32 v5, v10  }
0x17f: {  	v10 =	vld [tilespmem:s0+$0xF080];
	v5 =	vadd.s32 v6, v5  }
0x180: {  	v6 =	vld [tilespmem:s0+$0x10080];
	v12 =	vadd.s32 v7, v5  }
0x181: {  	v5 =	vld [tilespmem:s0+$0x11080];
	(xrf0) =	vadd.scan.msk.s32 $0xffff, v12  }
0x182: {  	v7 =	vadd.s32 v8, v9;
	v8 =	vld [tilespmem:s0+$0x12080];
	v9, _, _ =	vpop (xrf0);
	s2 =	spop (v2sf)  }
0x183: {  	v7 =	vadd.s32 v11, v7;
	v11 =	vld [tilespmem:s0+$0x13080];
	v13, _, _ =	vpop (xrf0);
	(v2sf) =	vpush v9, $0xF;
	s26 =	sadd.s32 s26, s2;
	s2 =	spop (v2sf)  }
0x184: {  	v7 =	vadd.s32 v10, v7;
	v9 =	vld [tilespmem:s0+$0x14080];
	(v2sf) =	vpush v13, $0xF;
	s28 =	sadd.s32 s28, s2  }
0x185: {  	v14 =	vadd.s32 v6, v7;
	v7 =	vld [tilespmem:s0+$0x15080]  }
0x186: {  	v5 =	vadd.s32 v5, v14;
	v10 =	vld [tilespmem:s0+$0x16080]  }
0x187: {  	v5 =	vadd.s32 v8, v5;
	v13 =	vld [tilespmem:s0+$0x17080];
	v6, _, _ =	vpop (xrf0);
	s2 =	spop (v2sf)  }
0x188: {  	v5 =	vadd.s32 v11, v5;
	v11 =	vld [tilespmem:s0+$0x18080];
	(v2sf) =	vpush v6, $0xF;
	s29 =	sadd.s32 s29, s2  }
.Ltmp11:
0x189: {  	v8 =	vadd.s32 v9, v5;
	v5 =	vld [tilespmem:s0+$0x19080];
	v9 =	vadd.s32 s29, v6;
	(pc) =	sbr.rel @p1 .LBB2_22-.Ltmp11, $4  }
0x18a: {  	v7 =	vadd.s32 v7, v8;
	v6 =	vld [tilespmem:s0+$0x1A080];
	vm2 =	vlt.s32 v9, v4  }
0x18b: {  	s1 =	sadd.s32 $0x10, s1;
	v9 =	vadd.s32 v10, v7;
	v7 =	vld [tilespmem:s0+$0x1B080];
	v14 =	vsel vm2, $0x1, v1;
	v10 =	vnsel vm2, $0x0, v12  }
0x18c: {  	s0 =	sand.u32 $0xFF0, s20;
	v8 =	vld [tilespmem:s1+$0x0];
	v12 =	vadd.s32 v13, v9;
	(xrf0) =	vadd.scan.msk.s32 $0xffff, v10  }
0x18d: {  	s20 =	sadd.s32 $0x10, s20;
	v9 =	vld [tilespmem:s0+$0xD080];
	v10 =	vadd.s32 v11, v12;
	(xrf0) =	vadd.scan.msk.s32 $0xffff, v14  }
0x18e: {  	v11 =	vld [tilespmem:s0+$0xE080]  }
0x18f: {  	v12 =	vld [tilespmem:s0+$0xF080]  }
0x190: {  	v13 =	vld [tilespmem:s0+$0x10080]  }
0x191: {  	v14 =	vld [tilespmem:s0+$0x11080]  }
0x192: {  	v15 =	vld [tilespmem:s0+$0x12080]  }
0x193: {  	v16 =	vld [tilespmem:s0+$0x13080]  }
0x194: {  	v17 =	vld [tilespmem:s0+$0x14080]  }
0x195: {  	v18 =	vld [tilespmem:s0+$0x15080]  }
0x196: {  	v19 =	vld [tilespmem:s0+$0x16080]  }
0x197: {  	v20 =	vld [tilespmem:s0+$0x17080]  }
0x198: {  	v21 =	vld [tilespmem:s0+$0x18080]  }
0x199: {  	v22 =	vld [tilespmem:s0+$0x19080]  }
0x19a: {  	v23 =	vld [tilespmem:s0+$0x1A080]  }
0x19b: {  	v24 =	vld [tilespmem:s0+$0x1B080];
	[tilespmem:$0xC080] =	vst v1  }
0x19c: {  	[tilespmem:$0xD080] =	vst v1  }
0x19d: {  	[tilespmem:$0xE080] =	vst v1  }
0x19e: {  	[tilespmem:$0xF080] =	vst v1  }
0x19f: {  	[tilespmem:$0x10080] =	vst v1  }
0x1a0: {  	[tilespmem:$0x11080] =	vst v1  }
0x1a1: {  	[tilespmem:$0x12080] =	vst v1  }
0x1a2: {  	[tilespmem:$0x13080] =	vst v1  }
0x1a3: {  	[tilespmem:$0x14080] =	vst v1  }
0x1a4: {  	[tilespmem:$0x15080] =	vst v1  }
0x1a5: {  	[tilespmem:$0x16080] =	vst v1  }
0x1a6: {  	[tilespmem:$0x17080] =	vst v1  }
0x1a7: {  	[tilespmem:$0x18080] =	vst v1  }
0x1a8: {  	[tilespmem:$0x19080] =	vst v1  }
0x1a9: {  	[tilespmem:$0x1A080] =	vst v1  }
0x1aa: {  	[tilespmem:$0x1B080] =	vst v1  }
0x1ab: {  	[tilespmem:$0xC090] =	vst v1  }
0x1ac: {  	[tilespmem:$0xD090] =	vst v1  }
0x1ad: {  	[tilespmem:$0xE090] =	vst v1  }
0x1ae: {  	[tilespmem:$0xF090] =	vst v1  }
0x1af: {  	[tilespmem:$0x10090] =	vst v1  }
0x1b0: {  	[tilespmem:$0x11090] =	vst v1  }
0x1b1: {  	[tilespmem:$0x12090] =	vst v1  }
0x1b2: {  	[tilespmem:$0x13090] =	vst v1  }
0x1b3: {  	[tilespmem:$0x14090] =	vst v1  }
0x1b4: {  	[tilespmem:$0x15090] =	vst v1  }
0x1b5: {  	[tilespmem:$0x16090] =	vst v1  }
0x1b6: {  	[tilespmem:$0x17090] =	vst v1  }
0x1b7: {  	[tilespmem:$0x18090] =	vst v1  }
0x1b8: {  	[tilespmem:$0x19090] =	vst v1  }
0x1b9: {  	[tilespmem:$0x1A090] =	vst v1  }
0x1ba: {  	[tilespmem:$0x1B090] =	vst v1  }
0x1bb: {  	[tilespmem:$0xC0A0] =	vst v1  }
0x1bc: {  	[tilespmem:$0xD0A0] =	vst v1  }
0x1bd: {  	[tilespmem:$0xE0A0] =	vst v1  }
0x1be: {  	[tilespmem:$0xF0A0] =	vst v1  }
0x1bf: {  	[tilespmem:$0x100A0] =	vst v1  }
0x1c0: {  	[tilespmem:$0x110A0] =	vst v1  }
0x1c1: {  	[tilespmem:$0x120A0] =	vst v1  }
0x1c2: {  	[tilespmem:$0x130A0] =	vst v1  }
0x1c3: {  	[tilespmem:$0x140A0] =	vst v1  }
0x1c4: {  	[tilespmem:$0x150A0] =	vst v1  }
0x1c5: {  	[tilespmem:$0x160A0] =	vst v1  }
0x1c6: {  	[tilespmem:$0x170A0] =	vst v1  }
0x1c7: {  	[tilespmem:$0x180A0] =	vst v1  }
0x1c8: {  	[tilespmem:$0x190A0] =	vst v1  }
0x1c9: {  	[tilespmem:$0x1A0A0] =	vst v1  }
0x1ca: {  	[tilespmem:$0x1B0A0] =	vst v1  }
0x1cb: {  	[tilespmem:$0xC0B0] =	vst v1  }
0x1cc: {  	[tilespmem:$0xD0B0] =	vst v1  }
0x1cd: {  	[tilespmem:$0xE0B0] =	vst v1  }
0x1ce: {  	[tilespmem:$0xF0B0] =	vst v1  }
0x1cf: {  	[tilespmem:$0x100B0] =	vst v1  }
0x1d0: {  	[tilespmem:$0x110B0] =	vst v1  }
0x1d1: {  	[tilespmem:$0x120B0] =	vst v1  }
0x1d2: {  	[tilespmem:$0x130B0] =	vst v1  }
0x1d3: {  	[tilespmem:$0x140B0] =	vst v1  }
0x1d4: {  	[tilespmem:$0x150B0] =	vst v1  }
0x1d5: {  	[tilespmem:$0x160B0] =	vst v1  }
0x1d6: {  	[tilespmem:$0x170B0] =	vst v1  }
0x1d7: {  	[tilespmem:$0x180B0] =	vst v1  }
0x1d8: {  	[tilespmem:$0x190B0] =	vst v1  }
0x1d9: {  	[tilespmem:$0x1A0B0] =	vst v1  }
0x1da: {  	[tilespmem:$0x1B0B0] =	vst v1  }
0x1db: {  	[tilespmem:$0xC0C0] =	vst v1  }
0x1dc: {  	[tilespmem:$0xD0C0] =	vst v1  }
0x1dd: {  	[tilespmem:$0xE0C0] =	vst v1  }
0x1de: {  	[tilespmem:$0xF0C0] =	vst v1  }
0x1df: {  	[tilespmem:$0x100C0] =	vst v1  }
0x1e0: {  	[tilespmem:$0x110C0] =	vst v1  }
0x1e1: {  	[tilespmem:$0x120C0] =	vst v1  }
0x1e2: {  	[tilespmem:$0x130C0] =	vst v1  }
0x1e3: {  	v5 =	vadd.s32 v5, v10;
	[tilespmem:$0x140C0] =	vst v1  }
0x1e4: {  	[tilespmem:$0x150C0] =	vst v1;
	v5 =	vadd.s32 v6, v5  }
0x1e5: {  	[tilespmem:$0x160C0] =	vst v1;
	v5 =	vadd.s32 v7, v5  }
0x1e6: {  	[tilespmem:$0x170C0] =	vst v1;
	(xrf0) =	vadd.scan.msk.s32 $0xffff, v5  }
0x1e7: {  	[tilespmem:$0x180C0] =	vst v1  }
0x1e8: {  	[tilespmem:$0x190C0] =	vst v1;
	v57 =	vadd.s32 v8, v9  }
0x1e9: {  	[tilespmem:$0x1A0C0] =	vst v1;
	v6 =	vadd.s32 v11, v57  }
0x1ea: {  	[tilespmem:$0x1B0C0] =	vst v1;
	v58, _, _ =	vpop (xrf0);
	v6 =	vadd.s32 v12, v6  }
0x1eb: {  	[tilespmem:$0xC0D0] =	vst v1;
	(v2sf) =	vpush v58, $0xF;
	v59, _, _ =	vpop (xrf0);
	v6 =	vadd.s32 v13, v6  }
0x1ec: {  	[tilespmem:$0xD0D0] =	vst v1;
	(v2sf) =	vpush v59, $0xF;
	v6 =	vadd.s32 v14, v6;
	v60, _, _ =	vpop (xrf0)  }
0x1ed: {  	[tilespmem:$0xE0D0] =	vst v1;
	v6 =	vadd.s32 v15, v6;
	(v2sf) =	vpush v60, $0xF  }
0x1ee: {  	[tilespmem:$0xF0D0] =	vst v1;
	s0 =	spop (v2sf);
	v6 =	vadd.s32 v16, v6  }
0x1ef: {  	[tilespmem:$0x100D0] =	vst v1;
	s1 =	spop (v2sf);
	v6 =	vadd.s32 v17, v6  }
0x1f0: {  	[tilespmem:$0x110D0] =	vst v1;
	s2 =	spop (v2sf);
	v6 =	vadd.s32 v18, v6  }
0x1f1: {  	[tilespmem:$0x120D0] =	vst v1;
	s2 =	sadd.s32 s29, s2;
	v6 =	vadd.s32 v19, v6  }
0x1f2: {  	[tilespmem:$0x130D0] =	vst v1;
	v7 =	vadd.s32 s2, v60;
	v6 =	vadd.s32 v20, v6  }
0x1f3: {  	[tilespmem:$0x140D0] =	vst v1;
	vm2 =	vlt.s32 v7, v4;
	v6 =	vadd.s32 v21, v6  }
0x1f4: {  	[tilespmem:$0x150D0] =	vst v1;
	v5 =	vnsel vm2, $0x0, v5;
	v6 =	vadd.s32 v22, v6  }
0x1f5: {  	[tilespmem:$0x160D0] =	vst v1;
	v7 =	vsel vm2, $0x1, v1;
	(xrf0) =	vadd.scan.msk.s32 $0xffff, v5;
	v5 =	vadd.s32 v23, v6  }
0x1f6: {  	[tilespmem:$0x170D0] =	vst v1;
	(xrf0) =	vadd.scan.msk.s32 $0xffff, v7;
	v5 =	vadd.s32 v24, v5  }
0x1f7: {  	[tilespmem:$0x180D0] =	vst v1;
	(xrf0) =	vadd.scan.msk.s32 $0xffff, v5  }
0x1f8: {  	[tilespmem:$0x190D0] =	vst v1  }
0x1f9: {  	[tilespmem:$0x1A0D0] =	vst v1  }
0x1fa: {  	[tilespmem:$0x1B0D0] =	vst v1;
	s12 =	spop (v2sf)  }
0x1fb: {  	[tilespmem:$0xC0E0] =	vst v1;
	v61, _, _ =	vpop (xrf0);
	s20 =	spop (v2sf)  }
0x1fc: {  	[tilespmem:$0xD0E0] =	vst v1;
	v7, _, _ =	vpop (xrf0);
	s30 =	spop (v2sf)  }
0x1fd: {  	[tilespmem:$0xE0E0] =	vst v1;
	v62, _, _ =	vpop (xrf0);
	s2 =	sadd.s32 s2, s30  }
0x1fe: {  	[tilespmem:$0xF0E0] =	vst v1;
	v63 =	vadd.s32 s2, v62  }
0x1ff: {  	[tilespmem:$0x100E0] =	vst v1;
	vm2 =	vlt.s32 v63, v4  }
0x200: {  	[tilespmem:$0x110E0] =	vst v1;
	v4 =	vnsel vm2, $0x0, v5  }
0x201: {  	[tilespmem:$0x120E0] =	vst v1;
	v5 =	vsel vm2, $0x1, v1;
	(xrf0) =	vadd.scan.msk.s32 $0xffff, v4  }
0x202: {  	[tilespmem:$0x130E0] =	vst v1;
	(xrf0) =	vadd.scan.msk.s32 $0xffff, v5  }
0x203: {  	[tilespmem:$0x140E0] =	vst v1  }
0x204: {  	[tilespmem:$0x150E0] =	vst v1  }
0x205: {  	[tilespmem:$0x160E0] =	vst v1;
	(v2sf) =	vpush v61, $0xF  }
0x206: {  	[tilespmem:$0x170E0] =	vst v1;
	(v2sf) =	vpush v7, $0xF  }
0x207: {  	[tilespmem:$0x180E0] =	vst v1;
	(v2sf) =	vpush v62, $0xF;
	v4, _, _ =	vpop (xrf0)  }
0x208: {  	[tilespmem:$0x190E0] =	vst v1;
	v5, _, _ =	vpop (xrf0);
	(v2sf) =	vpush v4, $0xF  }
0x209: {  	[tilespmem:$0x1A0E0] =	vst v1;
	(v2sf) =	vpush v5, $0xF  }
0x20a: {  	[tilespmem:$0x1B0E0] =	vst v1  }
0x20b: {  	[tilespmem:$0xC0F0] =	vst v1  }
0x20c: {  	[tilespmem:$0xD0F0] =	vst v1  }
0x20d: {  	[tilespmem:$0xE0F0] =	vst v1  }
0x20e: {  	[tilespmem:$0xF0F0] =	vst v1  }
0x20f: {  	[tilespmem:$0x100F0] =	vst v1  }
0x210: {  	[tilespmem:$0x110F0] =	vst v1  }
0x211: {  	[tilespmem:$0x120F0] =	vst v1  }
0x212: {  	[tilespmem:$0x130F0] =	vst v1  }
0x213: {  	[tilespmem:$0x140F0] =	vst v1  }
0x214: {  	[tilespmem:$0x150F0] =	vst v1;
	s31 =	spop (v2sf)  }
0x215: {  	[tilespmem:$0x160F0] =	vst v1;
	s13 =	spop (v2sf)  }
.Ltmp12:
0x216: {  	[tilespmem:$0x170F0] =	vst v1;
	s1 =	sadd.s32 s28, s1;
	s21 =	spop (v2sf);
	(pc) =	sbr.rel @p0 .LBB2_42-.Ltmp12, $4  }
0x217: {  	[tilespmem:$0x180F0] =	vst v1;
	s0 =	sadd.s32 s26, s0;
	s1 =	sadd.s32 s1, s20;
	s28 =	spop (v2sf)  }
0x218: {  	[tilespmem:$0x190F0] =	vst v1;
	s0 =	sadd.s32 s0, s12;
	s1 =	sadd.s32 s1, s13;
	s30 =	spop (v2sf)  }
0x219: {  	[tilespmem:$0x1A0F0] =	vst v1;
	s0 =	sadd.s32 s0, s31;
	s31 =	sshll.u32 s23, $0xC;
	s1 =	sadd.s32 s1, s30  }
0x21a: {  	[tilespmem:$0x1B0F0] =	vst v1;
	s26 =	sadd.s32 s0, s28;
	s23 =	sadd.s32 s31, s1  }
0x21b: {  	s0 =	sadd.s32 $0xF, s24  }
0x21c: {  	s1 =	sand.u32 $0xF, s0  }
0x21d: {  	p0 =	slt.s32 s24, $0xFFFFFFF2;
	s2 =	sshra.s32 s0, $0x1F;
	p1 =	sne.s32 s1, $0x0  }
0x21e: {  	s31 =	sshrl.u32 s2, $0x1C;
	p0 =	por !p0, !p1  }
0x21f: {  	s1 =	simm.s32 $0x1;
	s0 =	sadd.s32 s31, s0;
	p0 =	por !p0, !p0  }
0x220: {  	s0 =	sshra.s32 s0, $0x4;
	s1 =	simm.s32 @!p0 $0x0  }
0x221: {  	s1 =	ssub.s32 s0, s1  }
0x222: {  	p0 =	slt.s32 s1, $0x1  }
.Ltmp13:
0x223: {  	_ = 	snop;
	(pc) =	sbr.rel @p0 .LBB2_31-.Ltmp13, $1  }
0x224: {  	_ =	sdelay $0x3  }
0x225: {  	p1 =	seq.s32 s1, $0x1  }
.Ltmp14:
0x226: {  	_ = 	snop;
	(pc) =	sbr.rel @p1 .LBB2_26-.Ltmp14, $3  }
0x227: {  	_ =	sdelay $0x1  }
0x228: {  	s2 =	simm.s32 $0x4000  }
0x229: {  	v4 =	vmov s24;
	v5 =	vmov s23;
	s0 =	simm.s32 $0x0;
	s1 =	sadd.s32 $0xFFFFFFFF, s1;
	p0 =	por $0x0, $0x0;
	v6 =	vld [tilespmem:s2+$0x0]  }
0x22a: {  	_ =	sdelay $0x3  }
0x22b: {  	v7 =	vor.u32 s0, v0;
	v8 =	vshrl.u32 v6, $0x7  }
0x22c: {  	vm2 =	vlt.s32 v7, v4;
	vm3 =	veq.s32 v8, v5  }
0x22d: {  	v6 =	vand.u32 $0x7F, v6;
	vm2 =	vmand vm2, vm3  }
0x22e: {  	v6 =	vor.u32 v2, v6  }
0x22f: {  	p1 =	seq.s32 s1, $0x1  }
.Ltmp15:
0x230: {  	_ = 	snop;
	(pc) =	sbr.rel @p1 .LBB2_28-.Ltmp15, $3  }
0x231: {  	_ =	sdelay $0x1  }
0x232: {  	s2 =	simm.s32 $0x4010;
	[tilespmem:v6+s18+$0x0] =	vst.idx.add.s32.msk vm2, v3  }
0x233: {  	s20 =	sadd.s32 $0xFFFFFFFF, s1;
	p0 =	por $0x1, $0x1;
	s1 =	simm.s32 $0x0;
	v6 =	vld [tilespmem:s2+$0x0]  }
.LBB2_29:
0x234: {  	p1 =	seq.s32 s20, $0x1;
	_ =	sdelay $0x2  }
0x235: {  	s1 =	sadd.s32 $0x10, s1  }
0x236: {  	v7 =	vor.u32 s1, v0;
	v8 =	vshrl.u32 v6, $0x7  }
0x237: {  	vm2 =	vlt.s32 v7, v4;
	vm3 =	veq.s32 v8, v5  }
0x238: {  	v6 =	vand.u32 $0x7F, v6;
	vm2 =	vmand vm2, vm3  }
0x239: {  	v6 =	vor.u32 v2, v6;
	_ =	sdelay $0x1  }
.Ltmp16:
0x23a: {  	(pc) =	sbr.rel @!p1 .LBB2_29-.Ltmp16, $3  }
0x23b: {  	_ =	sdelay $0x1  }
0x23c: {  	s2 =	sadd.s32 $0x10, s2;
	[tilespmem:v6+s18+$0x0] =	vst.idx.add.s32.msk vm2, v3  }
0x23d: {  	s20 =	sadd.s32 $0xFFFFFFFF, s20;
	v6 =	vld [tilespmem:s2+$0x0]  }
.LBB2_30:
0x23e: {  	_ =	sdelay $0x1  }
0x23f: {  	s1 =	sadd.s32 @p0 $0x10, s1  }
0x240: {  	s0 =	smov.u32 @p0 s1  }
0x241: {  	v7 =	vor.u32 s0, v0;
	v8 =	vshrl.u32 v6, $0x7  }
0x242: {  	vm2 =	vlt.s32 v7, v4;
	vm3 =	veq.s32 v8, v5  }
0x243: {  	v4 =	vand.u32 $0x7F, v6;
	vm2 =	vmand vm2, vm3  }
0x244: {  	v4 =	vor.u32 v2, v4;
	_ =	sdelay $0x4  }
0x245: {  	[tilespmem:v4+s18+$0x0] =	vst.idx.add.s32.msk vm2, v3  }
.LBB2_31:
0x246: {  	s0 =	simm.s32 $0x0  }
0x247: {  	v4 =	vld [tilespmem:s0+$0xC080]  }
0x248: {  	v5 =	vld [tilespmem:s0+$0xD080]  }
0x249: {  	v6 =	vld [tilespmem:s0+$0xE080]  }
0x24a: {  	v7 =	vld [tilespmem:s0+$0xF080]  }
0x24b: {  	v8 =	vld [tilespmem:s0+$0x10080]  }
0x24c: {  	v9 =	vld [tilespmem:s0+$0x11080]  }
0x24d: {  	v10 =	vld [tilespmem:s0+$0x12080];
	v4 =	vadd.s32 v4, v5  }
0x24e: {  	v5 =	vld [tilespmem:s0+$0x13080];
	v4 =	vadd.s32 v6, v4  }
0x24f: {  	v6 =	vld [tilespmem:s0+$0x14080];
	v4 =	vadd.s32 v7, v4  }
0x250: {  	v7 =	vld [tilespmem:s0+$0x15080];
	v4 =	vadd.s32 v8, v4  }
0x251: {  	v8 =	vld [tilespmem:s0+$0x16080];
	v4 =	vadd.s32 v9, v4  }
0x252: {  	v9 =	vld [tilespmem:s0+$0x17080];
	v4 =	vadd.s32 v10, v4  }
0x253: {  	v10 =	vld [tilespmem:s0+$0x18080];
	v4 =	vadd.s32 v5, v4  }
0x254: {  	v5 =	vld [tilespmem:s0+$0x19080];
	v4 =	vadd.s32 v6, v4  }
0x255: {  	v6 =	vld [tilespmem:s0+$0x1A080];
	v4 =	vadd.s32 v7, v4  }
0x256: {  	v7 =	vld [tilespmem:s0+$0x1B080];
	v4 =	vadd.s32 v8, v4  }
0x257: {  	s1 =	simm.s32 $0x10;
	v4 =	vadd.s32 v9, v4  }
0x258: {  	v8 =	vld [tilespmem:s1+$0xC080];
	v4 =	vadd.s32 v10, v4  }
0x259: {  	v9 =	vld [tilespmem:s1+$0xD080];
	v4 =	vadd.s32 v5, v4  }
0x25a: {  	v10 =	vld [tilespmem:s1+$0xE080];
	v4 =	vadd.s32 v6, v4  }
0x25b: {  	v5 =	vld [tilespmem:s1+$0xF080];
	v4 =	vadd.s32 v7, v4  }
0x25c: {  	v6 =	vld [tilespmem:s1+$0x10080];
	(xrf0) =	vadd.scan.msk.s32 $0xffff, v4  }
0x25d: {  	v7 =	vld [tilespmem:s1+$0x11080]  }
0x25e: {  	v4 =	vld [tilespmem:s1+$0x12080];
	v8 =	vadd.s32 v8, v9  }
0x25f: {  	v11 =	vld [tilespmem:s1+$0x13080];
	v8 =	vadd.s32 v10, v8  }
0x260: {  	v9 =	vld [tilespmem:s1+$0x14080];
	v5 =	vadd.s32 v5, v8  }
0x261: {  	v10 =	vld [tilespmem:s1+$0x15080];
	v5 =	vadd.s32 v6, v5  }
0x262: {  	v8 =	vld [tilespmem:s1+$0x16080];
	v5 =	vadd.s32 v7, v5;
	v7, _, _ =	vpop (xrf0)  }
0x263: {  	v6 =	vld [tilespmem:s1+$0x17080];
	v4 =	vadd.s32 v4, v5;
	(v2sf) =	vpush v7, $0xF  }
0x264: {  	v4 =	vadd.s32 v11, v4  }
0x265: {  	v4 =	vadd.s32 v9, v4  }
0x266: {  	v4 =	vadd.s32 v10, v4  }
0x267: {  	s30 =	ssub.s32 s25, s26;
	s25 =	simm.s32 $0x0;
	v12 =	vld [tilespmem:s1+$0x18080];
	v4 =	vadd.s32 v8, v4  }
0x268: {  	v5 =	vld [tilespmem:s1+$0x19080];
	v7 =	vadd.s32 s25, v7;
	v6 =	vadd.s32 v6, v4;
	v4 =	vmov s30  }
0x269: {  	v11 =	vld [tilespmem:s1+$0x1A080];
	vm2 =	vlt.s32 v7, v4  }
0x26a: {  	s29 =	simm.s32 $0x20;
	v9 =	vld [tilespmem:s1+$0x1B080];
	v7 =	vsel vm2, $0x1, v1  }
0x26b: {  	v10 =	vld [tilespmem:s29+$0xC080];
	(xrf0) =	vadd.scan.msk.s32 $0xffff, v7  }
0x26c: {  	v8 =	vld [tilespmem:s29+$0xD080];
	v6 =	vadd.s32 v12, v6  }
0x26d: {  	v13 =	vld [tilespmem:s29+$0xE080];
	v5 =	vadd.s32 v5, v6  }
0x26e: {  	v61 =	vld [tilespmem:s29+$0xF080];
	v5 =	vadd.s32 v11, v5  }
0x26f: {  	v6 =	vld [tilespmem:s29+$0x10080];
	v5 =	vadd.s32 v9, v5  }
0x270: {  	v11 =	vld [tilespmem:s29+$0x11080];
	(xrf0) =	vadd.scan.msk.s32 $0xffff, v5  }
0x271: {  	v7 =	vadd.s32 v10, v8;
	v8 =	vld [tilespmem:s29+$0x12080];
	v62, _, _ =	vpop (xrf0)  }
0x272: {  	v5 =	vadd.s32 v13, v7;
	v7 =	vld [tilespmem:s29+$0x13080];
	s31 =	spop (v2sf);
	(v2sf) =	vpush v62, $0xF  }
0x273: {  	v9 =	vld [tilespmem:s29+$0x14080];
	v5 =	vadd.s32 v61, v5  }
0x274: {  	v5 =	vadd.s32 v6, v5;
	v6 =	vld [tilespmem:s29+$0x15080]  }
0x275: {  	v10 =	vld [tilespmem:s29+$0x16080];
	v5 =	vadd.s32 v11, v5  }
0x276: {  	v11 =	vld [tilespmem:s29+$0x17080];
	v5 =	vadd.s32 v8, v5;
	v14, _, _ =	vpop (xrf0)  }
0x277: {  	v63 =	vld [tilespmem:s29+$0x18080];
	v5 =	vadd.s32 v7, v5;
	s24 =	sadd.s32 $0x0, s31;
	(v2sf) =	vpush v14, $0xF  }
0x278: {  	v7 =	vadd.s32 v9, v5;
	v5 =	vld [tilespmem:s29+$0x19080];
	v8 =	vadd.s32 s24, v14  }
0x279: {  	v7 =	vadd.s32 v6, v7;
	v6 =	vld [tilespmem:s29+$0x1A080];
	vm2 =	vlt.s32 v8, v4  }
0x27a: {  	s26 =	simm.s32 $0x30;
	v7 =	vadd.s32 v10, v7;
	v8 =	vld [tilespmem:s29+$0x1B080];
	v9 =	vsel vm2, $0x1, v1  }
0x27b: {  	v10 =	vadd.s32 v11, v7;
	v7 =	vld [tilespmem:s26+$0xC080];
	(xrf0) =	vadd.scan.msk.s32 $0xffff, v9  }
0x27c: {  	s0 =	simm.s32 $0x0;
	s1 =	simm.s32 $0x100;
	v10 =	vadd.s32 v63, v10;
	v9 =	vld [tilespmem:s26+$0xD080]  }
.LBB2_32:
0x27d: {  	p0 =	sne.s32 s1, $0x1C0;
	v11 =	vld [tilespmem:s26+$0xE080];
	v5 =	vadd.s32 v5, v10  }
0x27e: {  	v10 =	vld [tilespmem:s26+$0xF080];
	v5 =	vadd.s32 v6, v5  }
0x27f: {  	v6 =	vld [tilespmem:s26+$0x10080];
	v5 =	vadd.s32 v8, v5  }
0x280: {  	v8 =	vld [tilespmem:s26+$0x11080];
	(xrf0) =	vadd.scan.msk.s32 $0xffff, v5  }
0x281: {  	v5 =	vadd.s32 v7, v9;
	v7 =	vld [tilespmem:s26+$0x12080];
	v9, _, _ =	vpop (xrf0);
	s2 =	spop (v2sf)  }
0x282: {  	v5 =	vadd.s32 v11, v5;
	v11 =	vld [tilespmem:s26+$0x13080];
	(v2sf) =	vpush v9, $0xF;
	s0 =	sadd.s32 s0, s2  }
0x283: {  	v5 =	vadd.s32 v10, v5;
	v9 =	vld [tilespmem:s26+$0x14080]  }
0x284: {  	v5 =	vadd.s32 v6, v5;
	v6 =	vld [tilespmem:s26+$0x15080]  }
0x285: {  	v5 =	vadd.s32 v8, v5;
	v8 =	vld [tilespmem:s26+$0x16080]  }
0x286: {  	v5 =	vadd.s32 v7, v5;
	v10 =	vld [tilespmem:s26+$0x17080];
	v7, _, _ =	vpop (xrf0);
	s2 =	spop (v2sf)  }
0x287: {  	v5 =	vadd.s32 v11, v5;
	v11 =	vld [tilespmem:s26+$0x18080];
	(v2sf) =	vpush v7, $0xF;
	s24 =	sadd.s32 s24, s2  }
.Ltmp17:
0x288: {  	v9 =	vadd.s32 v9, v5;
	v5 =	vld [tilespmem:s26+$0x19080];
	v7 =	vadd.s32 s24, v7;
	(pc) =	sbr.rel @p0 .LBB2_32-.Ltmp17, $4  }
0x289: {  	v9 =	vadd.s32 v6, v9;
	v6 =	vld [tilespmem:s26+$0x1A080];
	vm2 =	vlt.s32 v7, v4  }
0x28a: {  	v9 =	vadd.s32 v8, v9;
	v8 =	vld [tilespmem:s26+$0x1B080];
	s26 =	sshra.s32 s1, $0x2;
	v12 =	vsel vm2, $0x1, v1  }
0x28b: {  	v7 =	vld [tilespmem:s26+$0xC080];
	v10 =	vadd.s32 v10, v9;
	(xrf0) =	vadd.scan.msk.s32 $0xffff, v12  }
0x28c: {  	s1 =	sadd.s32 $0x40, s1;
	v9 =	vld [tilespmem:s26+$0xD080];
	v10 =	vadd.s32 v11, v10  }
0x28d: {  	v5 =	vadd.s32 v5, v10  }
0x28e: {  	v46 =	vld [tilespmem:s26+$0xE080];
	v5 =	vadd.s32 v6, v5  }
0x28f: {  	v47 =	vld [tilespmem:s26+$0xF080];
	v5 =	vadd.s32 v8, v5  }
0x290: {  	v48 =	vld [tilespmem:s26+$0x10080];
	(xrf0) =	vadd.scan.msk.s32 $0xffff, v5  }
0x291: {  	v5 =	vld [tilespmem:s26+$0x11080]  }
0x292: {  	v49 =	vld [tilespmem:s26+$0x12080];
	v7 =	vadd.s32 v7, v9  }
0x293: {  	v50 =	vld [tilespmem:s26+$0x13080];
	v7 =	vadd.s32 v46, v7  }
0x294: {  	v51 =	vld [tilespmem:s26+$0x14080];
	v6 =	vadd.s32 v47, v7  }
0x295: {  	v52 =	vld [tilespmem:s26+$0x15080];
	v11, _, _ =	vpop (xrf0);
	v6 =	vadd.s32 v48, v6  }
0x296: {  	v53 =	vld [tilespmem:s26+$0x16080];
	(v2sf) =	vpush v11, $0xF;
	v5 =	vadd.s32 v5, v6;
	v54, _, _ =	vpop (xrf0)  }
0x297: {  	v55 =	vld [tilespmem:s26+$0x17080];
	v5 =	vadd.s32 v49, v5;
	(v2sf) =	vpush v54, $0xF  }
0x298: {  	v56 =	vld [tilespmem:s26+$0x18080];
	v5 =	vadd.s32 v50, v5  }
0x299: {  	v57 =	vld [tilespmem:s26+$0x19080];
	v5 =	vadd.s32 v51, v5  }
0x29a: {  	v58 =	vld [tilespmem:s26+$0x1A080];
	s1 =	spop (v2sf);
	v5 =	vadd.s32 v52, v5  }
0x29b: {  	v59 =	vld [tilespmem:s26+$0x1B080];
	s2 =	spop (v2sf);
	v5 =	vadd.s32 v53, v5  }
0x29c: {  	s2 =	sadd.s32 s24, s2;
	v5 =	vadd.s32 v55, v5  }
0x29d: {  	v60 =	vadd.s32 s2, v54;
	v5 =	vadd.s32 v56, v5  }
0x29e: {  	vm2 =	vlt.s32 v60, v4;
	v5 =	vadd.s32 v57, v5  }
0x29f: {  	v61 =	vsel vm2, $0x1, v1;
	v5 =	vadd.s32 v58, v5  }
0x2a0: {  	(xrf0) =	vadd.scan.msk.s32 $0xffff, v61;
	v5 =	vadd.s32 v59, v5  }
0x2a1: {  	(xrf0) =	vadd.scan.msk.s32 $0xffff, v5;
	_ =	sdelay $0x3  }
0x2a2: {  	s12 =	spop (v2sf)  }
0x2a3: {  	v5, _, _ =	vpop (xrf0);
	s20 =	spop (v2sf)  }
0x2a4: {  	v62, _, _ =	vpop (xrf0);
	s2 =	sadd.s32 s2, s20  }
0x2a5: {  	v63 =	vadd.s32 s2, v62  }
0x2a6: {  	vm2 =	vlt.s32 v63, v4  }
0x2a7: {  	v4 =	vsel vm2, $0x1, v1  }
0x2a8: {  	(xrf0) =	vadd.scan.msk.s32 $0xffff, v4;
	_ =	sdelay $0x4  }
0x2a9: {  	(v2sf) =	vpush v5, $0xF  }
0x2aa: {  	(v2sf) =	vpush v62, $0xF;
	v4, _, _ =	vpop (xrf0)  }
0x2ab: {  	(v2sf) =	vpush v4, $0xF;
	_ =	sdelay $0xc  }
0x2ac: {  	s0 =	sadd.s32 s0, s1;
	s29 =	spop (v2sf)  }
0x2ad: {  	s0 =	sadd.s32 s0, s12;
	s30 =	spop (v2sf)  }
0x2ae: {  	s1 =	simm.s32 $0xC080;
	s0 =	sadd.s32 s0, s29;
	s31 =	spop (v2sf)  }
0x2af: {  	[tilespmem:s1+$0x0] =	vst v1;
	s2 =	simm.s32 $0x10;
	s24 =	sadd.s32 s0, s31;
	s0 =	sand.u32 $0xFF0, s25  }
.LBB2_34:
0x2b0: {  	p0 =	sne.s32 s2, $0xFF0;
	[tilespmem:s0+$0xD080] =	vst v1  }
0x2b1: {  	[tilespmem:s0+$0xE080] =	vst v1  }
0x2b2: {  	[tilespmem:s0+$0xF080] =	vst v1  }
0x2b3: {  	[tilespmem:s0+$0x10080] =	vst v1  }
0x2b4: {  	[tilespmem:s0+$0x11080] =	vst v1  }
0x2b5: {  	[tilespmem:s0+$0x12080] =	vst v1  }
0x2b6: {  	[tilespmem:s0+$0x13080] =	vst v1  }
0x2b7: {  	[tilespmem:s0+$0x14080] =	vst v1  }
0x2b8: {  	[tilespmem:s0+$0x15080] =	vst v1  }
0x2b9: {  	[tilespmem:s0+$0x16080] =	vst v1  }
0x2ba: {  	[tilespmem:s0+$0x17080] =	vst v1  }
.Ltmp18:
0x2bb: {  	[tilespmem:s0+$0x18080] =	vst v1;
	(pc) =	sbr.rel @p0 .LBB2_34-.Ltmp18, $4  }
0x2bc: {  	[tilespmem:s0+$0x19080] =	vst v1  }
0x2bd: {  	[tilespmem:s0+$0x1A080] =	vst v1  }
0x2be: {  	s1 =	sadd.s32 $0x10, s1;
	[tilespmem:s0+$0x1B080] =	vst v1  }
0x2bf: {  	s0 =	sand.u32 $0xFF0, s2;
	s2 =	sadd.s32 $0x10, s2;
	[tilespmem:s1+$0x0] =	vst v1  }
0x2c0: {  	[tilespmem:s0+$0xD080] =	vst v1  }
0x2c1: {  	[tilespmem:s0+$0xE080] =	vst v1  }
0x2c2: {  	[tilespmem:s0+$0xF080] =	vst v1  }
0x2c3: {  	[tilespmem:s0+$0x10080] =	vst v1  }
0x2c4: {  	[tilespmem:s0+$0x11080] =	vst v1  }
0x2c5: {  	[tilespmem:s0+$0x12080] =	vst v1  }
0x2c6: {  	[tilespmem:s0+$0x13080] =	vst v1  }
0x2c7: {  	[tilespmem:s0+$0x14080] =	vst v1  }
0x2c8: {  	[tilespmem:s0+$0x15080] =	vst v1  }
0x2c9: {  	[tilespmem:s0+$0x16080] =	vst v1  }
0x2ca: {  	[tilespmem:s0+$0x17080] =	vst v1  }
0x2cb: {  	[tilespmem:s0+$0x18080] =	vst v1  }
0x2cc: {  	[tilespmem:s0+$0x19080] =	vst v1  }
0x2cd: {  	[tilespmem:s0+$0x1A080] =	vst v1  }
0x2ce: {  	[tilespmem:s0+$0x1B080] =	vst v1;
	s0 =	simm.s32 $0x0  }
0x2cf: {  	[tilespmem:s0], [sflag:$0x1] =	stream.strided.gather [hbm4b:s8+s14], $0x2000, s15, s14, $0x38;
	[tilespmem:$0x1C100] =	vst v63  }
0x2d0: {  	_ = 	snop  }
0x2d1: {  	[tilespmem:s16], [sflag:$0x2] =	stream.strided.gather [hbm4b:s9+s14], $0x2000, s15, s14, $0x38;
	[tilespmem:$0x1C100] =	vst v63  }
.LBB2_36:
0x2d2: {  	_ =	swait.ge [sflag:s17], $0x2000  }
0x2d3: {  	[sflag:s17] =	ssyncset.done $0x0  }
0x2d4: {  	s2 =	simm.s32 $0x0;
	s1 =	simm.s32 $0x40;
	[sflag:s17] =	ssyncadd.s32 $0xFFFFE000  }
.LBB2_37:
0x2d5: {  	p0 =	sne.s32 s1, $0x7FC0;
	v4 =	vld [tilespmem:s2+$0x0];
	_ =	sdelay $0x4  }
0x2d6: {  	v4 =	vshrl.u32 v4, $0x13  }
0x2d7: {  	v5 =	vadd.s32 v2, v4  }
0x2d8: {  	v4 =	vand.u32 $0x7F, v4;
	v5 =	vand.u32 $0x1FF80, v5  }
0x2d9: {  	v4 =	vor.u32 v4, v5  }
.Ltmp19:
0x2da: {  	(pc) =	sbr.rel @p0 .LBB2_37-.Ltmp19, $2  }
0x2db: {  	_ =	sdelay $0x2  }
0x2dc: {  	s2 =	sshra.s32 s1, $0x2;
	s1 =	sadd.s32 $0x40, s1;
	[tilespmem:v4+s18+$0x0] =	vst.idx.add.s32.msk $0xffff, v3  }
0x2dd: {  	v4 =	vld [tilespmem:s2+$0x0];
	_ =	sdelay $0x4  }
0x2de: {  	v4 =	vshrl.u32 v4, $0x13  }
0x2df: {  	v5 =	vadd.s32 v2, v4  }
0x2e0: {  	v4 =	vand.u32 $0x7F, v4;
	v5 =	vand.u32 $0x1FF80, v5  }
0x2e1: {  	v4 =	vor.u32 v4, v5;
	_ =	sdelay $0x1  }
0x2e2: {  	s1 =	sshll.u32 s0, $0x11;
	p0 =	seq.s32 s0, $0xF  }
0x2e3: {  	s2 =	sadd.s32 @!p0 s1, s10  }
0x2e4: {  	s12 =	simm.s32 @!p0 $0x80;
	s2 =	sshrl.u32 @!p0 s2, $0x3  }
0x2e5: {  	s20 =	simm.s32 @!p0 $0x400;
	s25 =	simm.s32 @!p0 $0x0;
	s2 =	sadd.s32 @!p0 s3, s2;
	[tilespmem:v4+s18+$0x0] =	vst.idx.add.s32.msk $0xffff, v3  }
0x2e6: {  	[tilespmem:s25], [sflag:$0x1] =	stream.strided.gather @!p0 [hbm4b:s2+s12], $0x2000, s20, s12, $0x38;
	[tilespmem:$0x1C100] =	vst v63  }
0x2e7: {  	_ =	swait.ge [sflag:s19], $0x2000  }
0x2e8: {  	[sflag:s19] =	ssyncset.done $0x0  }
0x2e9: {  	s20 =	simm.s32 $0x0;
	s2 =	simm.s32 $0x40;
	[sflag:s19] =	ssyncadd.s32 $0xFFFFE000  }
.LBB2_39:
0x2ea: {  	p1 =	sne.s32 s2, $0x7FC0;
	v4 =	vld [tilespmem:s20+$0x2000];
	_ =	sdelay $0x4  }
0x2eb: {  	v4 =	vshrl.u32 v4, $0x13  }
0x2ec: {  	v5 =	vadd.s32 v2, v4  }
0x2ed: {  	v4 =	vand.u32 $0x7F, v4;
	v5 =	vand.u32 $0x1FF80, v5  }
0x2ee: {  	v4 =	vor.u32 v4, v5  }
.Ltmp20:
0x2ef: {  	(pc) =	sbr.rel @p1 .LBB2_39-.Ltmp20, $2  }
0x2f0: {  	_ =	sdelay $0x2  }
0x2f1: {  	s20 =	sshra.s32 s2, $0x2;
	s2 =	sadd.s32 $0x40, s2;
	[tilespmem:v4+s18+$0x0] =	vst.idx.add.s32.msk $0xffff, v3  }
0x2f2: {  	v4 =	vld [tilespmem:s20+$0x2000];
	_ =	sdelay $0x4  }
0x2f3: {  	v4 =	vshrl.u32 v4, $0x13  }
0x2f4: {  	v5 =	vadd.s32 v2, v4  }
0x2f5: {  	v4 =	vand.u32 $0x7F, v4;
	v5 =	vand.u32 $0x1FF80, v5  }
0x2f6: {  	v4 =	vor.u32 v4, v5  }
.Ltmp21:
0x2f7: {  	_ = 	snop;
	(pc) =	sbr.rel @p0 .LBB2_49-.Ltmp21, $2  }
0x2f8: {  	_ =	sdelay $0x2  }
0x2f9: {  	s29 =	simm.s32 $0x0;
	s26 =	simm.s32 $0xC080;
	[tilespmem:v4+s18+$0x0] =	vst.idx.add.s32.msk $0xffff, v3  }
.Ltmp22:
0x2fa: {  	(pc) =	sbr.rel .LBB2_36-.Ltmp22, $4  }
0x2fb: {  	s1 =	sadd.s32 s1, s11  }
0x2fc: {  	s1 =	sshrl.u32 s1, $0x3  }
0x2fd: {  	s0 =	sadd.s32 $0x1, s0;
	s1 =	sadd.s32 s3, s1  }
0x2fe: {  	[tilespmem:s16], [sflag:$0x2] =	stream.strided.gather [hbm4b:s1+s14], $0x2000, s15, s14, $0x38;
	[tilespmem:$0x1C100] =	vst v63  }
.LBB2_49:
0x2ff: {  	v4 =	vld [tilespmem:s26+$0x0];
	s0 =	sand.u32 $0xFF0, s29  }
0x300: {  	v5 =	vld [tilespmem:s0+$0xD080]  }
0x301: {  	v6 =	vld [tilespmem:s0+$0xE080]  }
0x302: {  	v7 =	vld [tilespmem:s0+$0xF080]  }
0x303: {  	v8 =	vld [tilespmem:s0+$0x10080]  }
0x304: {  	s1 =	sadd.s32 $0x10, s29;
	s20 =	sadd.s32 $0x10, s26;
	v9 =	vld [tilespmem:s0+$0x11080]  }
0x305: {  	v10 =	vld [tilespmem:s20+$0x0];
	s2 =	sand.u32 $0xFF0, s1  }
0x306: {  	v11 =	vld [tilespmem:s2+$0x12080]  }
0x307: {  	v4 =	vadd.s32 v4, v5;
	v5 =	vld [tilespmem:s0+$0x12080]  }
0x308: {  	v4 =	vadd.s32 v6, v4;
	v6 =	vld [tilespmem:s0+$0x13080]  }
0x309: {  	v4 =	vadd.s32 v7, v4;
	v7 =	vld [tilespmem:s0+$0x14080]  }
0x30a: {  	v4 =	vadd.s32 v8, v4;
	v8 =	vld [tilespmem:s0+$0x15080]  }
0x30b: {  	v4 =	vadd.s32 v9, v4;
	v9 =	vld [tilespmem:s0+$0x16080]  }
0x30c: {  	v4 =	vadd.s32 v5, v4;
	v5 =	vld [tilespmem:s0+$0x17080]  }
0x30d: {  	v4 =	vadd.s32 v6, v4;
	v6 =	vld [tilespmem:s0+$0x18080]  }
0x30e: {  	v4 =	vadd.s32 v7, v4;
	v7 =	vld [tilespmem:s0+$0x19080]  }
0x30f: {  	v4 =	vadd.s32 v8, v4;
	v8 =	vld [tilespmem:s0+$0x1A080]  }
0x310: {  	v4 =	vadd.s32 v9, v4;
	v9 =	vld [tilespmem:s0+$0x1B080]  }
0x311: {  	v4 =	vadd.s32 v5, v4;
	v5 =	vld [tilespmem:s2+$0xD080]  }
0x312: {  	v4 =	vadd.s32 v6, v4;
	v6 =	vld [tilespmem:s2+$0xE080]  }
0x313: {  	v4 =	vadd.s32 v7, v4;
	v7 =	vld [tilespmem:s2+$0xF080]  }
0x314: {  	v4 =	vadd.s32 v8, v4;
	v8 =	vld [tilespmem:s2+$0x10080]  }
0x315: {  	v4 =	vadd.s32 v9, v4;
	v9 =	vld [tilespmem:s2+$0x11080]  }
0x316: {  	(xrf0) =	vadd.scan.msk.s32 $0xffff, v4;
	v5 =	vadd.s32 v10, v5;
	v10 =	vld [tilespmem:s2+$0x13080]  }
0x317: {  	v5 =	vadd.s32 v6, v5;
	v6 =	vld [tilespmem:s2+$0x14080]  }
0x318: {  	v5 =	vadd.s32 v7, v5;
	v7 =	vld [tilespmem:s2+$0x15080]  }
0x319: {  	v5 =	vadd.s32 v8, v5;
	v8 =	vld [tilespmem:s2+$0x16080]  }
0x31a: {  	v5 =	vadd.s32 v9, v5;
	v9 =	vld [tilespmem:s2+$0x17080]  }
0x31b: {  	v5 =	vadd.s32 v11, v5;
	v11 =	vld [tilespmem:s2+$0x18080]  }
0x31c: {  	v12, _, _ =	vpop (xrf0);
	v5 =	vadd.s32 v10, v5;
	v10 =	vld [tilespmem:s2+$0x19080]  }
0x31d: {  	(v2sf) =	vpush v12, $0xF;
	v5 =	vadd.s32 v6, v5;
	v6 =	vld [tilespmem:s2+$0x1A080]  }
0x31e: {  	s1 =	sadd.s32 $0x10, s1;
	s0 =	sadd.s32 $0x10, s20;
	v5 =	vadd.s32 v7, v5;
	v7 =	vld [tilespmem:s2+$0x1B080]  }
0x31f: {  	s21 =	sand.u32 $0xFF0, s1;
	v12 =	vadd.s32 s29, v12;
	v5 =	vadd.s32 v8, v5;
	v8 =	vld [tilespmem:s0+$0x0]  }
0x320: {  	vm2 =	vlt.s32 v12, $0x3F5C3;
	v13 =	vsub.s32 v12, v4;
	v5 =	vadd.s32 v9, v5;
	v9 =	vld [tilespmem:s21+$0xD080]  }
0x321: {  	vm3 =	vgt.s32 v12, $0x3F5C2;
	vm4 =	vlt.s32 v13, $0x3F5C3;
	v5 =	vadd.s32 v11, v5;
	v11 =	vld [tilespmem:s21+$0xE080]  }
0x322: {  	v60 =	vsel vm2, $0x1, v1;
	vm3 =	vmand vm3, vm4;
	v5 =	vadd.s32 v10, v5;
	v10 =	vld [tilespmem:s21+$0xF080]  }
0x323: {  	(xrf0) =	vadd.scan.msk.s32 $0xffff, v60;
	v61 =	vnsel vm3, $0x0, v4;
	v5 =	vadd.s32 v6, v5;
	v6 =	vld [tilespmem:s21+$0x10080]  }
0x324: {  	v4 =	vnsel vm2, $0x0, v4;
	(xrf0) =	vadd.scan.msk.s32 $0xffff, v61  }
0x325: {  	(xrf0) =	vadd.scan.msk.s32 $0xffff, v4;
	v62 =	vadd.s32 v7, v5;
	v5 =	vadd.s32 v8, v9  }
0x326: {  	v4 =	vld [tilespmem:s21+$0x11080];
	v5 =	vadd.s32 v11, v5  }
0x327: {  	v7 =	vld [tilespmem:s21+$0x12080];
	(xrf0) =	vadd.scan.msk.s32 $0xffff, v62;
	v5 =	vadd.s32 v10, v5  }
0x328: {  	v8 =	vld [tilespmem:s21+$0x13080];
	v5 =	vadd.s32 v6, v5  }
0x329: {  	v9 =	vld [tilespmem:s21+$0x14080];
	v10, _, _ =	vpop (xrf0)  }
0x32a: {  	v6 =	vld [tilespmem:s21+$0x15080];
	(v2sf) =	vpush v10, $0xF;
	v10, _, _ =	vpop (xrf0)  }
0x32b: {  	v11 =	vld [tilespmem:s21+$0x16080];
	v4 =	vadd.s32 v4, v5;
	(v2sf) =	vpush v10, $0xF;
	v5, _, _ =	vpop (xrf0)  }
0x32c: {  	v4 =	vadd.s32 v7, v4;
	s12 =	spop (v2sf);
	(v2sf) =	vpush v5, $0xF  }
0x32d: {  	v10 =	vld [tilespmem:s21+$0x17080];
	v4 =	vadd.s32 v8, v4;
	v5, _, _ =	vpop (xrf0)  }
0x32e: {  	v63 =	vld [tilespmem:s21+$0x18080];
	v7 =	vadd.s32 v9, v4;
	s31 =	sadd.s32 s29, s12;
	(v2sf) =	vpush v5, $0xF  }
0x32f: {  	v4 =	vld [tilespmem:s21+$0x19080];
	v6 =	vadd.s32 v6, v7;
	v8 =	vadd.s32 s31, v5  }
0x330: {  	s25 =	sadd.s32 $0x10, s1;
	v5 =	vld [tilespmem:s21+$0x1A080];
	v9 =	vadd.s32 v11, v6;
	v7 =	vsub.s32 v8, v62  }
0x331: {  	s1 =	sadd.s32 $0x10, s0;
	s0 =	sand.u32 $0xFF0, s25;
	v6 =	vld [tilespmem:s21+$0x1B080];
	vm2 =	vlt.s32 v8, $0x3F5C3;
	vm3 =	vgt.s32 v8, $0x3F5C2;
	vm15 =	vlt.s32 v7, $0x3F5C3  }
0x332: {  	s30 =	simm.s32 $0x0;
	v9 =	vadd.s32 v10, v9;
	v8 =	vld [tilespmem:s0+$0xD080];
	v14 =	vsel vm2, $0x1, v1;
	vm3 =	vmand vm3, vm15  }
0x333: {  	s28 =	simm.s32 $0x0;
	s20 =	sadd.s32 $0x10, s25;
	s25 =	simm.s32 $0x0;
	v7 =	vld [tilespmem:s1+$0x0];
	v10 =	vadd.s32 v63, v9;
	v9 =	vnsel vm2, $0x0, v62;
	(xrf0) =	vadd.scan.msk.s32 $0xffff, v14;
	v11 =	vnsel vm3, $0x0, v62  }
.LBB2_50:
0x334: {  	p0 =	sne.s32 s20, $0xFF0;
	v12 =	vld [tilespmem:s0+$0xE080];
	v4 =	vadd.s32 v4, v10;
	(xrf0) =	vadd.scan.msk.s32 $0xffff, v11  }
0x335: {  	v10 =	vld [tilespmem:s0+$0xF080];
	v4 =	vadd.s32 v5, v4;
	(xrf0) =	vadd.scan.msk.s32 $0xffff, v9  }
0x336: {  	v5 =	vld [tilespmem:s0+$0x10080];
	v11 =	vadd.s32 v6, v4  }
0x337: {  	v4 =	vld [tilespmem:s0+$0x11080];
	(xrf0) =	vadd.scan.msk.s32 $0xffff, v11  }
0x338: {  	v6 =	vadd.s32 v7, v8;
	v7 =	vld [tilespmem:s0+$0x12080]  }
0x339: {  	v6 =	vadd.s32 v12, v6;
	v8 =	vld [tilespmem:s0+$0x13080];
	v9, _, _ =	vpop (xrf0);
	s2 =	spop (v2sf)  }
0x33a: {  	v6 =	vadd.s32 v10, v6;
	v10 =	vld [tilespmem:s0+$0x14080];
	(v2sf) =	vpush v9, $0xF;
	v9, _, _ =	vpop (xrf0);
	s30 =	sadd.s32 s30, s2;
	s2 =	spop (v2sf)  }
0x33b: {  	v13 =	vadd.s32 v5, v6;
	v6 =	vld [tilespmem:s0+$0x15080];
	v12, _, _ =	vpop (xrf0);
	(v2sf) =	vpush v9, $0xF;
	s25 =	sadd.s32 s25, s2;
	s2 =	spop (v2sf)  }
0x33c: {  	v4 =	vadd.s32 v4, v13;
	v9 =	vld [tilespmem:s0+$0x16080];
	(v2sf) =	vpush v12, $0xF;
	s28 =	sadd.s32 s28, s2  }
0x33d: {  	v4 =	vadd.s32 v7, v4;
	v12 =	vld [tilespmem:s0+$0x17080];
	v5, _, _ =	vpop (xrf0);
	s2 =	spop (v2sf)  }
0x33e: {  	v4 =	vadd.s32 v8, v4;
	v13 =	vld [tilespmem:s0+$0x18080];
	(v2sf) =	vpush v5, $0xF;
	s31 =	sadd.s32 s31, s2  }
.Ltmp23:
0x33f: {  	v7 =	vadd.s32 v10, v4;
	v4 =	vld [tilespmem:s0+$0x19080];
	v8 =	vadd.s32 s31, v5;
	(pc) =	sbr.rel @p0 .LBB2_50-.Ltmp23, $4  }
0x340: {  	v6 =	vadd.s32 v6, v7;
	v5 =	vld [tilespmem:s0+$0x1A080];
	vm2 =	vlt.s32 v8, $0x3F5C3;
	v7 =	vsub.s32 v8, v11  }
0x341: {  	s1 =	sadd.s32 $0x10, s1;
	vm3 =	vgt.s32 v8, $0x3F5C2;
	v9 =	vadd.s32 v9, v6;
	v6 =	vld [tilespmem:s0+$0x1B080];
	vm4 =	vlt.s32 v7, $0x3F5C3  }
0x342: {  	s0 =	sand.u32 $0xFF0, s20;
	v7 =	vld [tilespmem:s1+$0x0];
	v9 =	vadd.s32 v12, v9;
	vm3 =	vmand vm3, vm4;
	v12 =	vsel vm2, $0x1, v1  }
0x343: {  	s20 =	sadd.s32 $0x10, s20;
	v8 =	vld [tilespmem:s0+$0xD080];
	v10 =	vadd.s32 v13, v9;
	v9 =	vnsel vm2, $0x0, v11;
	v11 =	vnsel vm3, $0x0, v11;
	(xrf0) =	vadd.scan.msk.s32 $0xffff, v12  }
0x344: {  	v4 =	vadd.s32 v4, v10  }
0x345: {  	v38 =	vld [tilespmem:s0+$0xE080];
	(xrf0) =	vadd.scan.msk.s32 $0xffff, v11;
	v4 =	vadd.s32 v5, v4  }
0x346: {  	v5 =	vld [tilespmem:s0+$0xF080];
	(xrf0) =	vadd.scan.msk.s32 $0xffff, v9;
	v4 =	vadd.s32 v6, v4  }
0x347: {  	v39 =	vld [tilespmem:s0+$0x10080];
	(xrf0) =	vadd.scan.msk.s32 $0xffff, v4  }
0x348: {  	v40 =	vld [tilespmem:s0+$0x11080]  }
0x349: {  	v41 =	vld [tilespmem:s0+$0x12080];
	v7 =	vadd.s32 v7, v8  }
0x34a: {  	v42 =	vld [tilespmem:s0+$0x13080];
	v7 =	vadd.s32 v38, v7;
	v43, _, _ =	vpop (xrf0)  }
0x34b: {  	v44 =	vld [tilespmem:s0+$0x14080];
	v5 =	vadd.s32 v5, v7;
	(v2sf) =	vpush v43, $0xF;
	v45, _, _ =	vpop (xrf0)  }
0x34c: {  	v46 =	vld [tilespmem:s0+$0x15080];
	s1 =	spop (v2sf);
	v5 =	vadd.s32 v39, v5;
	v12, _, _ =	vpop (xrf0);
	(v2sf) =	vpush v45, $0xF  }
0x34d: {  	v47 =	vld [tilespmem:s0+$0x16080];
	s20 =	spop (v2sf);
	v5 =	vadd.s32 v40, v5;
	(v2sf) =	vpush v12, $0xF;
	v48, _, _ =	vpop (xrf0)  }
0x34e: {  	v49 =	vld [tilespmem:s0+$0x17080];
	s2 =	spop (v2sf);
	v5 =	vadd.s32 v41, v5;
	(v2sf) =	vpush v48, $0xF  }
0x34f: {  	v50 =	vld [tilespmem:s0+$0x18080];
	s12 =	spop (v2sf);
	v5 =	vadd.s32 v42, v5  }
0x350: {  	v51 =	vld [tilespmem:s0+$0x19080];
	s12 =	sadd.s32 s31, s12;
	v5 =	vadd.s32 v44, v5  }
0x351: {  	v52 =	vld [tilespmem:s0+$0x1A080];
	v11 =	vadd.s32 s12, v48;
	v5 =	vadd.s32 v46, v5  }
0x352: {  	v54 =	vld [tilespmem:s0+$0x1B080];
	vm2 =	vlt.s32 v11, $0x3F5C3;
	v53 =	vsub.s32 v11, v4;
	v5 =	vadd.s32 v47, v5  }
0x353: {  	vm3 =	vgt.s32 v11, $0x3F5C2;
	vm4 =	vlt.s32 v53, $0x3F5C3;
	v5 =	vadd.s32 v49, v5  }
0x354: {  	v55 =	vsel vm2, $0x1, v1;
	vm3 =	vmand vm3, vm4;
	v5 =	vadd.s32 v50, v5  }
0x355: {  	(xrf0) =	vadd.scan.msk.s32 $0xffff, v55;
	v56 =	vnsel vm3, $0x0, v4;
	v5 =	vadd.s32 v51, v5  }
0x356: {  	v4 =	vnsel vm2, $0x0, v4;
	(xrf0) =	vadd.scan.msk.s32 $0xffff, v56;
	v5 =	vadd.s32 v52, v5  }
0x357: {  	(xrf0) =	vadd.scan.msk.s32 $0xffff, v4;
	v4 =	vadd.s32 v54, v5  }
0x358: {  	(xrf0) =	vadd.scan.msk.s32 $0xffff, v4;
	_ =	sdelay $0x1  }
0x359: {  	s0 =	spop (v2sf)  }
0x35a: {  	v5, _, _ =	vpop (xrf0);
	s31 =	spop (v2sf)  }
0x35b: {  	v57, _, _ =	vpop (xrf0);
	s13 =	spop (v2sf)  }
0x35c: {  	v58, _, _ =	vpop (xrf0);
	s21 =	spop (v2sf)  }
0x35d: {  	v59, _, _ =	vpop (xrf0);
	s12 =	sadd.s32 s12, s21  }
0x35e: {  	v60 =	vadd.s32 s12, v59  }
0x35f: {  	v61 =	vsub.s32 v60, v4  }
0x360: {  	vm2 =	vlt.s32 v60, $0x3F5C3;
	vm3 =	vgt.s32 v60, $0x3F5C2;
	vm15 =	vlt.s32 v61, $0x3F5C3  }
0x361: {  	v62 =	vsel vm2, $0x1, v1;
	vm3 =	vmand vm3, vm15  }
0x362: {  	(xrf0) =	vadd.scan.msk.s32 $0xffff, v62;
	v63 =	vnsel vm3, $0x0, v4  }
0x363: {  	v4 =	vnsel vm2, $0x0, v4;
	(xrf0) =	vadd.scan.msk.s32 $0xffff, v63  }
0x364: {  	(xrf0) =	vadd.scan.msk.s32 $0xffff, v4  }
0x365: {  	(v2sf) =	vpush v5, $0xF  }
0x366: {  	(v2sf) =	vpush v57, $0xF  }
0x367: {  	(v2sf) =	vpush v58, $0xF  }
0x368: {  	(v2sf) =	vpush v59, $0xF;
	v4, _, _ =	vpop (xrf0)  }
0x369: {  	(v2sf) =	vpush v4, $0xF;
	v4, _, _ =	vpop (xrf0)  }
0x36a: {  	v5, _, _ =	vpop (xrf0);
	(v2sf) =	vpush v4, $0xF  }
0x36b: {  	(v2sf) =	vpush v5, $0xF;
	_ =	sdelay $0x8  }
0x36c: {  	s12 =	spop (v2sf)  }
0x36d: {  	s1 =	sadd.s32 s30, s1;
	s21 =	spop (v2sf)  }
0x36e: {  	s20 =	sadd.s32 s25, s20;
	s2 =	sadd.s32 s28, s2;
	s25 =	spop (v2sf)  }
0x36f: {  	s0 =	sadd.s32 s1, s0;
	s1 =	sadd.s32 s20, s31;
	s31 =	spop (v2sf)  }
0x370: {  	s2 =	sadd.s32 s2, s13;
	s0 =	sadd.s32 s0, s12;
	s20 =	spop (v2sf)  }
0x371: {  	s1 =	sadd.s32 s1, s21;
	s2 =	sadd.s32 s2, s25;
	s25 =	spop (v2sf)  }
0x372: {  	s28 =	sadd.s32 s0, s20;
	s0 =	sand.u32 $0xFF0, s29;
	s31 =	spop (v2sf)  }
0x373: {  	[tilespmem:s26+$0x0] =	vst v1;
	s25 =	sadd.s32 s1, s25;
	s1 =	simm.s32 $0x10;
	s30 =	sadd.s32 s2, s31  }
.LBB2_52:
0x374: {  	p0 =	sne.s32 s1, $0xFF0;
	[tilespmem:s0+$0xD080] =	vst v1  }
0x375: {  	[tilespmem:s0+$0xE080] =	vst v1  }
0x376: {  	[tilespmem:s0+$0xF080] =	vst v1  }
0x377: {  	[tilespmem:s0+$0x10080] =	vst v1  }
0x378: {  	[tilespmem:s0+$0x11080] =	vst v1  }
0x379: {  	[tilespmem:s0+$0x12080] =	vst v1  }
0x37a: {  	[tilespmem:s0+$0x13080] =	vst v1  }
0x37b: {  	[tilespmem:s0+$0x14080] =	vst v1  }
0x37c: {  	[tilespmem:s0+$0x15080] =	vst v1  }
0x37d: {  	[tilespmem:s0+$0x16080] =	vst v1  }
0x37e: {  	[tilespmem:s0+$0x17080] =	vst v1  }
.Ltmp24:
0x37f: {  	[tilespmem:s0+$0x18080] =	vst v1;
	(pc) =	sbr.rel @p0 .LBB2_52-.Ltmp24, $4  }
0x380: {  	[tilespmem:s0+$0x19080] =	vst v1  }
0x381: {  	[tilespmem:s0+$0x1A080] =	vst v1  }
0x382: {  	s26 =	sadd.s32 $0x10, s26;
	[tilespmem:s0+$0x1B080] =	vst v1  }
0x383: {  	s0 =	sand.u32 $0xFF0, s1;
	s1 =	sadd.s32 $0x10, s1;
	[tilespmem:s26+$0x0] =	vst v1  }
0x384: {  	[tilespmem:s0+$0xD080] =	vst v1  }
0x385: {  	[tilespmem:s0+$0xE080] =	vst v1  }
0x386: {  	[tilespmem:s0+$0xF080] =	vst v1  }
0x387: {  	[tilespmem:s0+$0x10080] =	vst v1  }
0x388: {  	[tilespmem:s0+$0x11080] =	vst v1  }
0x389: {  	[tilespmem:s0+$0x12080] =	vst v1  }
0x38a: {  	[tilespmem:s0+$0x13080] =	vst v1  }
0x38b: {  	[tilespmem:s0+$0x14080] =	vst v1  }
0x38c: {  	[tilespmem:s0+$0x15080] =	vst v1  }
0x38d: {  	[tilespmem:s0+$0x16080] =	vst v1  }
0x38e: {  	[tilespmem:s0+$0x17080] =	vst v1  }
0x38f: {  	[tilespmem:s0+$0x18080] =	vst v1  }
0x390: {  	[tilespmem:s0+$0x19080] =	vst v1  }
0x391: {  	[tilespmem:s0+$0x1A080] =	vst v1  }
0x392: {  	[tilespmem:s0+$0x1B080] =	vst v1;
	s0 =	simm.s32 $0x0  }
0x393: {  	[tilespmem:s0], [sflag:$0x1] =	stream.strided.gather [hbm4b:s8+s14], $0x2000, s15, s14, $0x38;
	[tilespmem:$0x1C100] =	vst v63  }
0x394: {  	p0 =	sgt.s32 s25, $0x8000;
	s26 =	simm.s32 $0x0  }
0x395: {  	v4 =	vmov s28;
	[tilespmem:s16], [sflag:$0x2] =	stream.strided.gather [hbm4b:s9+s14], $0x2000, s15, s14, $0x38;
	[tilespmem:$0x1C100] =	vst v63  }
.LBB2_54:
0x396: {  	_ =	swait.ge [sflag:s17], $0x2000  }
0x397: {  	[sflag:s17] =	ssyncset.done $0x0  }
0x398: {  	s1 =	simm.s32 $0x0;
	[sflag:s17] =	ssyncadd.s32 $0xFFFFE000  }
0x399: {  	v5 =	vld [tilespmem:s1+$0x0];
	_ =	sdelay $0x4  }
0x39a: {  	v6 =	vshrl.u32 v5, $0x13  }
0x39b: {  	vm2 =	veq.s32 v6, v4  }
0x39c: {  	v7 =	vsel vm2, $0x1, v1  }
0x39d: {  	(xrf0) =	vadd.scan.msk.s32 $0xffff, v7;
	v7 =	vshrl.u32 v5, $0x7  }
0x39e: {  	v7 =	vand.u32 $0xFFF, v7  }
0x39f: {  	v7 =	vor.u32 v2, v7;
	_ =	sdelay $0x3  }
0x3a0: {  	v8, _, _ =	vpop (xrf0)  }
0x3a1: {  	vm3 =	veq.s32 @!p0 v6, v4;
	(v2sf) =	vpush v8, $0xF;
	[tilespmem:v7+s18+$0x0] =	vst.idx.add.s32.msk vm2, v3  }
0x3a2: {  	s31 =	simm.s32 $0x10;
	[tilespmem:s0+$0x4000] =	vst.msk @!p0 vm3, v5  }
0x3a3: {  	v5 =	vld [tilespmem:s31+$0x0];
	_ =	sdelay $0x4  }
0x3a4: {  	v6 =	vshrl.u32 v5, $0x13  }
0x3a5: {  	v7 =	vshrl.u32 v5, $0x7;
	vm3 =	veq.s32 v6, v4  }
0x3a6: {  	v7 =	vand.u32 $0xFFF, v7;
	v63 =	vsel vm3, $0x1, v1  }
0x3a7: {  	v7 =	vor.u32 v2, v7;
	(xrf0) =	vadd.scan.msk.s32 $0xffff, v63;
	_ =	sdelay $0x4  }
0x3a8: {  	s1 =	simm.s32 $0x80;
	vm2 =	veq.s32 @!p0 v6, v4;
	[tilespmem:v7+s18+$0x0] =	vst.idx.add.s32.msk vm3, v3;
	s2 =	spop (v2sf)  }
.LBB2_55:
0x3a9: {  	v6, _, _ =	vpop (xrf0);
	s0 =	sadd.s32 s0, s2;
	s2 =	smov.u32 s1;
	s1 =	sadd.s32 $0x40, s1  }
0x3aa: {  	p1 =	sne.s32 s1, $0x8000;
	[tilespmem:s0+$0x4000] =	vst.msk @!p0 vm2, v5;
	(v2sf) =	vpush v6, $0xF  }
0x3ab: {  	s2 =	sshra.s32 s2, $0x2  }
0x3ac: {  	v5 =	vld [tilespmem:s2+$0x0];
	_ =	sdelay $0x4  }
0x3ad: {  	v6 =	vshrl.u32 v5, $0x13;
	v7 =	vshrl.u32 v5, $0x7  }
0x3ae: {  	vm3 =	veq.s32 v6, v4;
	v7 =	vand.u32 $0xFFF, v7;
	vm2 =	veq.s32 @!p0 v6, v4  }
0x3af: {  	v6 =	vor.u32 v2, v7;
	v7 =	vsel vm3, $0x1, v1  }
0x3b0: {  	(xrf0) =	vadd.scan.msk.s32 $0xffff, v7  }
.Ltmp25:
0x3b1: {  	(pc) =	sbr.rel @p1 .LBB2_55-.Ltmp25, $3  }
0x3b2: {  	_ =	sdelay $0x1  }
0x3b3: {  	[tilespmem:v6+s18+$0x0] =	vst.idx.add.s32.msk vm3, v3  }
0x3b4: {  	s2 =	spop (v2sf)  }
0x3b5: {  	v6, _, _ =	vpop (xrf0)  }
0x3b6: {  	(v2sf) =	vpush v6, $0xF;
	_ =	sdelay $0x9  }
0x3b7: {  	s1 =	sshll.u32 s26, $0x11;
	p1 =	seq.s32 s26, $0xF  }
0x3b8: {  	s12 =	sadd.s32 @!p1 s1, s10  }
0x3b9: {  	s0 =	sadd.s32 s0, s2;
	s13 =	simm.s32 @!p1 $0x400;
	s12 =	sshrl.u32 @!p1 s12, $0x3  }
0x3ba: {  	[tilespmem:s0+$0x4000] =	vst.msk @!p0 vm2, v5;
	s20 =	simm.s32 @!p1 $0x0;
	s2 =	sadd.s32 @!p1 s3, s12;
	s12 =	simm.s32 @!p1 $0x80  }
0x3bb: {  	[tilespmem:s20], [sflag:$0x1] =	stream.strided.gather @!p1 [hbm4b:s2+s12], $0x2000, s13, s12, $0x38;
	[tilespmem:$0x1C100] =	vst v63  }
0x3bc: {  	s21 =	spop (v2sf)  }
0x3bd: {  	_ =	swait.ge [sflag:s19], $0x2000  }
0x3be: {  	[sflag:s19] =	ssyncset.done $0x0  }
0x3bf: {  	s29 =	simm.s32 $0x0;
	[sflag:s19] =	ssyncadd.s32 $0xFFFFE000  }
0x3c0: {  	v5 =	vld [tilespmem:s29+$0x2000];
	_ =	sdelay $0x4  }
0x3c1: {  	v6 =	vshrl.u32 v5, $0x13  }
0x3c2: {  	vm2 =	veq.s32 v6, v4  }
0x3c3: {  	v7 =	vsel vm2, $0x1, v1  }
0x3c4: {  	(xrf0) =	vadd.scan.msk.s32 $0xffff, v7;
	v7 =	vshrl.u32 v5, $0x7  }
0x3c5: {  	v7 =	vand.u32 $0xFFF, v7  }
0x3c6: {  	v7 =	vor.u32 v2, v7;
	_ =	sdelay $0x3  }
0x3c7: {  	v8, _, _ =	vpop (xrf0)  }
0x3c8: {  	s0 =	sadd.s32 s0, s21;
	vm3 =	veq.s32 @!p0 v6, v4;
	(v2sf) =	vpush v8, $0xF;
	[tilespmem:v7+s18+$0x0] =	vst.idx.add.s32.msk vm2, v3  }
0x3c9: {  	s31 =	simm.s32 $0x10;
	[tilespmem:s0+$0x4000] =	vst.msk @!p0 vm3, v5  }
0x3ca: {  	v5 =	vld [tilespmem:s31+$0x2000];
	_ =	sdelay $0x4  }
0x3cb: {  	v6 =	vshrl.u32 v5, $0x13  }
0x3cc: {  	v7 =	vshrl.u32 v5, $0x7;
	vm3 =	veq.s32 v6, v4  }
0x3cd: {  	v7 =	vand.u32 $0xFFF, v7;
	v63 =	vsel vm3, $0x1, v1  }
0x3ce: {  	v7 =	vor.u32 v2, v7;
	(xrf0) =	vadd.scan.msk.s32 $0xffff, v63;
	_ =	sdelay $0x4  }
0x3cf: {  	s2 =	simm.s32 $0x80;
	vm2 =	veq.s32 @!p0 v6, v4;
	[tilespmem:v7+s18+$0x0] =	vst.idx.add.s32.msk vm3, v3;
	s20 =	spop (v2sf)  }
.LBB2_57:
0x3d0: {  	v6, _, _ =	vpop (xrf0);
	s0 =	sadd.s32 s0, s20;
	s12 =	smov.u32 s2;
	s2 =	sadd.s32 $0x40, s2  }
0x3d1: {  	p2 =	sne.s32 s2, $0x8000;
	[tilespmem:s0+$0x4000] =	vst.msk @!p0 vm2, v5;
	(v2sf) =	vpush v6, $0xF  }
0x3d2: {  	s12 =	sshra.s32 s12, $0x2  }
0x3d3: {  	v5 =	vld [tilespmem:s12+$0x2000];
	_ =	sdelay $0x4  }
0x3d4: {  	v6 =	vshrl.u32 v5, $0x13;
	v7 =	vshrl.u32 v5, $0x7  }
0x3d5: {  	vm3 =	veq.s32 v6, v4;
	v7 =	vand.u32 $0xFFF, v7;
	vm2 =	veq.s32 @!p0 v6, v4  }
0x3d6: {  	v6 =	vor.u32 v2, v7;
	v7 =	vsel vm3, $0x1, v1  }
0x3d7: {  	(xrf0) =	vadd.scan.msk.s32 $0xffff, v7  }
.Ltmp26:
0x3d8: {  	(pc) =	sbr.rel @p2 .LBB2_57-.Ltmp26, $3  }
0x3d9: {  	_ =	sdelay $0x1  }
0x3da: {  	[tilespmem:v6+s18+$0x0] =	vst.idx.add.s32.msk vm3, v3  }
0x3db: {  	s20 =	spop (v2sf)  }
0x3dc: {  	v6, _, _ =	vpop (xrf0)  }
0x3dd: {  	(v2sf) =	vpush v6, $0xF;
	_ =	sdelay $0xb  }
.Ltmp27:
0x3de: {  	_ = 	snop;
	(pc) =	sbr.rel @p1 .LBB2_60-.Ltmp27, $3  }
0x3df: {  	_ =	sdelay $0x1  }
0x3e0: {  	s0 =	sadd.s32 s0, s20;
	s2 =	spop (v2sf)  }
0x3e1: {  	[tilespmem:s0+$0x4000] =	vst.msk @!p0 vm2, v5;
	s0 =	sadd.s32 s0, s2  }
.Ltmp28:
0x3e2: {  	(pc) =	sbr.rel .LBB2_54-.Ltmp28, $4  }
0x3e3: {  	s1 =	sadd.s32 s1, s11  }
0x3e4: {  	s1 =	sshrl.u32 s1, $0x3  }
0x3e5: {  	s26 =	sadd.s32 $0x1, s26;
	s1 =	sadd.s32 s3, s1  }
0x3e6: {  	[tilespmem:s16], [sflag:$0x2] =	stream.strided.gather [hbm4b:s1+s14], $0x2000, s15, s14, $0x38;
	[tilespmem:$0x1C100] =	vst v63  }
.LBB2_60:
0x3e7: {  	s29 =	simm.s32 $0x0;
	s0 =	simm.s32 $0xC080  }
0x3e8: {  	v5 =	vld [tilespmem:s0+$0x0];
	s20 =	sand.u32 $0xFF0, s29  }
0x3e9: {  	v6 =	vld [tilespmem:s20+$0xD080]  }
0x3ea: {  	v7 =	vld [tilespmem:s20+$0xE080]  }
0x3eb: {  	v8 =	vld [tilespmem:s20+$0xF080]  }
0x3ec: {  	v9 =	vld [tilespmem:s20+$0x10080]  }
0x3ed: {  	v10 =	vld [tilespmem:s20+$0x11080]  }
0x3ee: {  	v5 =	vadd.s32 v5, v6;
	v6 =	vld [tilespmem:s20+$0x12080]  }
0x3ef: {  	v5 =	vadd.s32 v7, v5;
	v7 =	vld [tilespmem:s20+$0x13080]  }
0x3f0: {  	v5 =	vadd.s32 v8, v5;
	v8 =	vld [tilespmem:s20+$0x14080]  }
0x3f1: {  	v5 =	vadd.s32 v9, v5;
	v9 =	vld [tilespmem:s20+$0x15080]  }
0x3f2: {  	v5 =	vadd.s32 v10, v5;
	v10 =	vld [tilespmem:s20+$0x16080]  }
0x3f3: {  	v5 =	vadd.s32 v6, v5;
	v6 =	vld [tilespmem:s20+$0x17080]  }
0x3f4: {  	v5 =	vadd.s32 v7, v5;
	v7 =	vld [tilespmem:s20+$0x18080]  }
0x3f5: {  	v5 =	vadd.s32 v8, v5;
	v8 =	vld [tilespmem:s20+$0x19080]  }
0x3f6: {  	v5 =	vadd.s32 v9, v5;
	v9 =	vld [tilespmem:s20+$0x1A080]  }
0x3f7: {  	v5 =	vadd.s32 v10, v5;
	v10 =	vld [tilespmem:s20+$0x1B080]  }
0x3f8: {  	v5 =	vadd.s32 v6, v5  }
0x3f9: {  	v5 =	vadd.s32 v7, v5  }
0x3fa: {  	v5 =	vadd.s32 v8, v5  }
0x3fb: {  	s1 =	simm.s32 $0x10;
	s21 =	simm.s32 $0xC090;
	v5 =	vadd.s32 v9, v5  }
0x3fc: {  	v11 =	vld [tilespmem:s21+$0x0];
	s2 =	sand.u32 $0xFF0, s1;
	v5 =	vadd.s32 v10, v5  }
0x3fd: {  	v6 =	vld [tilespmem:s2+$0xD080];
	(xrf0) =	vadd.scan.msk.s32 $0xffff, v5  }
0x3fe: {  	v7 =	vld [tilespmem:s2+$0xE080]  }
0x3ff: {  	v8 =	vld [tilespmem:s2+$0xF080]  }
0x400: {  	v9 =	vld [tilespmem:s2+$0x10080]  }
0x401: {  	v10 =	vld [tilespmem:s2+$0x11080]  }
0x402: {  	v12 =	vld [tilespmem:s2+$0x12080];
	v6 =	vadd.s32 v11, v6  }
0x403: {  	v11 =	vld [tilespmem:s2+$0x13080];
	v6 =	vadd.s32 v7, v6;
	v13, _, _ =	vpop (xrf0)  }
0x404: {  	v7 =	vld [tilespmem:s2+$0x14080];
	v6 =	vadd.s32 v8, v6;
	(v2sf) =	vpush v13, $0xF  }
0x405: {  	v8 =	vld [tilespmem:s2+$0x15080];
	v6 =	vadd.s32 v9, v6  }
0x406: {  	v9 =	vld [tilespmem:s2+$0x16080];
	v6 =	vadd.s32 v10, v6  }
0x407: {  	v10 =	vld [tilespmem:s2+$0x17080];
	v6 =	vadd.s32 v12, v6  }
0x408: {  	s26 =	ssub.s32 $0x3F5C3, s30;
	v58 =	vld [tilespmem:s2+$0x18080];
	v6 =	vadd.s32 v11, v6  }
0x409: {  	v4 =	vmov s26;
	v11 =	vld [tilespmem:s2+$0x19080];
	v6 =	vadd.s32 v7, v6;
	v13 =	vadd.s32 s29, v13  }
0x40a: {  	v7 =	vld [tilespmem:s2+$0x1A080];
	v6 =	vadd.s32 v8, v6;
	vm2 =	vlt.s32 v13, v4  }
0x40b: {  	s12 =	simm.s32 $0x20;
	s13 =	simm.s32 $0xC0A0;
	v8 =	vld [tilespmem:s2+$0x1B080];
	v6 =	vadd.s32 v9, v6;
	v5 =	vnsel vm2, $0x0, v5  }
0x40c: {  	s20 =	sand.u32 $0xFF0, s12;
	v9 =	vld [tilespmem:s13+$0x0];
	v13 =	vsel vm2, $0x1, v1;
	v6 =	vadd.s32 v10, v6;
	(xrf0) =	vadd.scan.msk.s32 $0xffff, v5  }
0x40d: {  	v10 =	vld [tilespmem:s20+$0xD080];
	v6 =	vadd.s32 v58, v6;
	(xrf0) =	vadd.scan.msk.s32 $0xffff, v13  }
0x40e: {  	v59 =	vld [tilespmem:s20+$0xE080];
	v6 =	vadd.s32 v11, v6  }
0x40f: {  	v11 =	vld [tilespmem:s20+$0xF080];
	v5 =	vadd.s32 v7, v6  }
0x410: {  	v6 =	vld [tilespmem:s20+$0x10080];
	v8 =	vadd.s32 v8, v5  }
0x411: {  	v5 =	vld [tilespmem:s20+$0x11080];
	(xrf0) =	vadd.scan.msk.s32 $0xffff, v8  }
0x412: {  	v7 =	vadd.s32 v9, v10;
	v9 =	vld [tilespmem:s20+$0x12080];
	v60, _, _ =	vpop (xrf0)  }
0x413: {  	v10 =	vld [tilespmem:s20+$0x13080];
	v7 =	vadd.s32 v59, v7;
	v14, _, _ =	vpop (xrf0);
	s21 =	spop (v2sf);
	(v2sf) =	vpush v60, $0xF  }
0x414: {  	v7 =	vadd.s32 v11, v7;
	v11 =	vld [tilespmem:s20+$0x14080];
	(v2sf) =	vpush v14, $0xF  }
0x415: {  	v6 =	vadd.s32 v6, v7;
	v7 =	vld [tilespmem:s20+$0x15080]  }
0x416: {  	v61 =	vld [tilespmem:s20+$0x16080];
	v5 =	vadd.s32 v5, v6  }
0x417: {  	v5 =	vadd.s32 v9, v5;
	v9 =	vld [tilespmem:s20+$0x17080];
	v15, _, _ =	vpop (xrf0)  }
0x418: {  	v5 =	vadd.s32 v10, v5;
	v10 =	vld [tilespmem:s20+$0x18080];
	s31 =	sadd.s32 $0x0, s21;
	(v2sf) =	vpush v15, $0xF  }
0x419: {  	v6 =	vadd.s32 v11, v5;
	v5 =	vld [tilespmem:s20+$0x19080];
	v11 =	vadd.s32 s31, v15  }
0x41a: {  	v7 =	vadd.s32 v7, v6;
	v6 =	vld [tilespmem:s20+$0x1A080];
	vm2 =	vlt.s32 v11, v4  }
0x41b: {  	s1 =	simm.s32 $0xC0B0;
	s2 =	simm.s32 $0x30;
	v11 =	vadd.s32 v61, v7;
	v7 =	vld [tilespmem:s20+$0x1B080];
	v62 =	vnsel vm2, $0x0, v8  }
0x41c: {  	s0 =	sand.u32 $0xFF0, s2;
	v63 =	vsel vm2, $0x1, v1;
	v11 =	vadd.s32 v9, v11;
	v8 =	vld [tilespmem:s1+$0x0];
	(xrf0) =	vadd.scan.msk.s32 $0xffff, v62  }
0x41d: {  	s30 =	simm.s32 $0x0;
	s20 =	simm.s32 $0x40;
	v9 =	vld [tilespmem:s0+$0xD080];
	v10 =	vadd.s32 v10, v11;
	(xrf0) =	vadd.scan.msk.s32 $0xffff, v63  }
.LBB2_61:
0x41e: {  	p1 =	sne.s32 s20, $0xFF0;
	v11 =	vld [tilespmem:s0+$0xE080];
	v5 =	vadd.s32 v5, v10  }
0x41f: {  	v10 =	vld [tilespmem:s0+$0xF080];
	v5 =	vadd.s32 v6, v5  }
0x420: {  	v6 =	vld [tilespmem:s0+$0x10080];
	v12 =	vadd.s32 v7, v5  }
0x421: {  	v5 =	vld [tilespmem:s0+$0x11080];
	(xrf0) =	vadd.scan.msk.s32 $0xffff, v12  }
0x422: {  	v7 =	vadd.s32 v8, v9;
	v8 =	vld [tilespmem:s0+$0x12080];
	v9, _, _ =	vpop (xrf0);
	s2 =	spop (v2sf)  }
0x423: {  	v7 =	vadd.s32 v11, v7;
	v11 =	vld [tilespmem:s0+$0x13080];
	v13, _, _ =	vpop (xrf0);
	(v2sf) =	vpush v9, $0xF;
	s29 =	sadd.s32 s29, s2;
	s2 =	spop (v2sf)  }
0x424: {  	v7 =	vadd.s32 v10, v7;
	v9 =	vld [tilespmem:s0+$0x14080];
	(v2sf) =	vpush v13, $0xF;
	s30 =	sadd.s32 s30, s2  }
0x425: {  	v14 =	vadd.s32 v6, v7;
	v7 =	vld [tilespmem:s0+$0x15080]  }
0x426: {  	v5 =	vadd.s32 v5, v14;
	v10 =	vld [tilespmem:s0+$0x16080]  }
0x427: {  	v5 =	vadd.s32 v8, v5;
	v13 =	vld [tilespmem:s0+$0x17080];
	v6, _, _ =	vpop (xrf0);
	s2 =	spop (v2sf)  }
0x428: {  	v5 =	vadd.s32 v11, v5;
	v11 =	vld [tilespmem:s0+$0x18080];
	(v2sf) =	vpush v6, $0xF;
	s31 =	sadd.s32 s31, s2  }
.Ltmp29:
0x429: {  	v8 =	vadd.s32 v9, v5;
	v5 =	vld [tilespmem:s0+$0x19080];
	v9 =	vadd.s32 s31, v6;
	(pc) =	sbr.rel @p1 .LBB2_61-.Ltmp29, $4  }
0x42a: {  	v7 =	vadd.s32 v7, v8;
	v6 =	vld [tilespmem:s0+$0x1A080];
	vm2 =	vlt.s32 v9, v4  }
0x42b: {  	s1 =	sadd.s32 $0x10, s1;
	v9 =	vadd.s32 v10, v7;
	v7 =	vld [tilespmem:s0+$0x1B080];
	v14 =	vsel vm2, $0x1, v1;
	v10 =	vnsel vm2, $0x0, v12  }
0x42c: {  	s0 =	sand.u32 $0xFF0, s20;
	v8 =	vld [tilespmem:s1+$0x0];
	v12 =	vadd.s32 v13, v9;
	(xrf0) =	vadd.scan.msk.s32 $0xffff, v10  }
0x42d: {  	s20 =	sadd.s32 $0x10, s20;
	v9 =	vld [tilespmem:s0+$0xD080];
	v10 =	vadd.s32 v11, v12;
	(xrf0) =	vadd.scan.msk.s32 $0xffff, v14  }
0x42e: {  	v11 =	vld [tilespmem:s0+$0xE080]  }
0x42f: {  	v12 =	vld [tilespmem:s0+$0xF080]  }
0x430: {  	v13 =	vld [tilespmem:s0+$0x10080]  }
0x431: {  	v14 =	vld [tilespmem:s0+$0x11080]  }
0x432: {  	v15 =	vld [tilespmem:s0+$0x12080]  }
0x433: {  	v16 =	vld [tilespmem:s0+$0x13080]  }
0x434: {  	v17 =	vld [tilespmem:s0+$0x14080]  }
0x435: {  	v18 =	vld [tilespmem:s0+$0x15080]  }
0x436: {  	v19 =	vld [tilespmem:s0+$0x16080]  }
0x437: {  	v20 =	vld [tilespmem:s0+$0x17080]  }
0x438: {  	v21 =	vld [tilespmem:s0+$0x18080]  }
0x439: {  	v22 =	vld [tilespmem:s0+$0x19080]  }
0x43a: {  	v23 =	vld [tilespmem:s0+$0x1A080]  }
0x43b: {  	v24 =	vld [tilespmem:s0+$0x1B080];
	[tilespmem:$0xC080] =	vst v1  }
0x43c: {  	[tilespmem:$0xD080] =	vst v1  }
0x43d: {  	[tilespmem:$0xE080] =	vst v1  }
0x43e: {  	[tilespmem:$0xF080] =	vst v1  }
0x43f: {  	[tilespmem:$0x10080] =	vst v1  }
0x440: {  	[tilespmem:$0x11080] =	vst v1  }
0x441: {  	[tilespmem:$0x12080] =	vst v1  }
0x442: {  	[tilespmem:$0x13080] =	vst v1  }
0x443: {  	[tilespmem:$0x14080] =	vst v1  }
0x444: {  	[tilespmem:$0x15080] =	vst v1  }
0x445: {  	[tilespmem:$0x16080] =	vst v1  }
0x446: {  	[tilespmem:$0x17080] =	vst v1  }
0x447: {  	[tilespmem:$0x18080] =	vst v1  }
0x448: {  	[tilespmem:$0x19080] =	vst v1  }
0x449: {  	[tilespmem:$0x1A080] =	vst v1  }
0x44a: {  	[tilespmem:$0x1B080] =	vst v1  }
0x44b: {  	[tilespmem:$0xC090] =	vst v1  }
0x44c: {  	[tilespmem:$0xD090] =	vst v1  }
0x44d: {  	[tilespmem:$0xE090] =	vst v1  }
0x44e: {  	[tilespmem:$0xF090] =	vst v1  }
0x44f: {  	[tilespmem:$0x10090] =	vst v1  }
0x450: {  	[tilespmem:$0x11090] =	vst v1  }
0x451: {  	[tilespmem:$0x12090] =	vst v1  }
0x452: {  	[tilespmem:$0x13090] =	vst v1  }
0x453: {  	[tilespmem:$0x14090] =	vst v1  }
0x454: {  	[tilespmem:$0x15090] =	vst v1  }
0x455: {  	[tilespmem:$0x16090] =	vst v1  }
0x456: {  	[tilespmem:$0x17090] =	vst v1  }
0x457: {  	[tilespmem:$0x18090] =	vst v1  }
0x458: {  	[tilespmem:$0x19090] =	vst v1  }
0x459: {  	[tilespmem:$0x1A090] =	vst v1  }
0x45a: {  	[tilespmem:$0x1B090] =	vst v1  }
0x45b: {  	[tilespmem:$0xC0A0] =	vst v1  }
0x45c: {  	[tilespmem:$0xD0A0] =	vst v1  }
0x45d: {  	[tilespmem:$0xE0A0] =	vst v1  }
0x45e: {  	[tilespmem:$0xF0A0] =	vst v1  }
0x45f: {  	[tilespmem:$0x100A0] =	vst v1  }
0x460: {  	[tilespmem:$0x110A0] =	vst v1  }
0x461: {  	[tilespmem:$0x120A0] =	vst v1  }
0x462: {  	[tilespmem:$0x130A0] =	vst v1  }
0x463: {  	[tilespmem:$0x140A0] =	vst v1  }
0x464: {  	[tilespmem:$0x150A0] =	vst v1  }
0x465: {  	[tilespmem:$0x160A0] =	vst v1  }
0x466: {  	[tilespmem:$0x170A0] =	vst v1  }
0x467: {  	[tilespmem:$0x180A0] =	vst v1  }
0x468: {  	[tilespmem:$0x190A0] =	vst v1  }
0x469: {  	[tilespmem:$0x1A0A0] =	vst v1  }
0x46a: {  	[tilespmem:$0x1B0A0] =	vst v1  }
0x46b: {  	[tilespmem:$0xC0B0] =	vst v1  }
0x46c: {  	[tilespmem:$0xD0B0] =	vst v1  }
0x46d: {  	[tilespmem:$0xE0B0] =	vst v1  }
0x46e: {  	[tilespmem:$0xF0B0] =	vst v1  }
0x46f: {  	[tilespmem:$0x100B0] =	vst v1  }
0x470: {  	[tilespmem:$0x110B0] =	vst v1  }
0x471: {  	[tilespmem:$0x120B0] =	vst v1  }
0x472: {  	[tilespmem:$0x130B0] =	vst v1  }
0x473: {  	[tilespmem:$0x140B0] =	vst v1  }
0x474: {  	[tilespmem:$0x150B0] =	vst v1  }
0x475: {  	[tilespmem:$0x160B0] =	vst v1  }
0x476: {  	[tilespmem:$0x170B0] =	vst v1  }
0x477: {  	[tilespmem:$0x180B0] =	vst v1  }
0x478: {  	[tilespmem:$0x190B0] =	vst v1  }
0x479: {  	[tilespmem:$0x1A0B0] =	vst v1  }
0x47a: {  	[tilespmem:$0x1B0B0] =	vst v1  }
0x47b: {  	[tilespmem:$0xC0C0] =	vst v1  }
0x47c: {  	[tilespmem:$0xD0C0] =	vst v1  }
0x47d: {  	[tilespmem:$0xE0C0] =	vst v1  }
0x47e: {  	[tilespmem:$0xF0C0] =	vst v1  }
0x47f: {  	[tilespmem:$0x100C0] =	vst v1  }
0x480: {  	[tilespmem:$0x110C0] =	vst v1  }
0x481: {  	[tilespmem:$0x120C0] =	vst v1  }
0x482: {  	[tilespmem:$0x130C0] =	vst v1  }
0x483: {  	v5 =	vadd.s32 v5, v10;
	[tilespmem:$0x140C0] =	vst v1  }
0x484: {  	[tilespmem:$0x150C0] =	vst v1;
	v5 =	vadd.s32 v6, v5  }
0x485: {  	[tilespmem:$0x160C0] =	vst v1;
	v5 =	vadd.s32 v7, v5  }
0x486: {  	[tilespmem:$0x170C0] =	vst v1;
	(xrf0) =	vadd.scan.msk.s32 $0xffff, v5  }
0x487: {  	[tilespmem:$0x180C0] =	vst v1  }
0x488: {  	[tilespmem:$0x190C0] =	vst v1;
	v57 =	vadd.s32 v8, v9  }
0x489: {  	[tilespmem:$0x1A0C0] =	vst v1;
	v6 =	vadd.s32 v11, v57  }
0x48a: {  	[tilespmem:$0x1B0C0] =	vst v1;
	v58, _, _ =	vpop (xrf0);
	v6 =	vadd.s32 v12, v6  }
0x48b: {  	[tilespmem:$0xC0D0] =	vst v1;
	(v2sf) =	vpush v58, $0xF;
	v59, _, _ =	vpop (xrf0);
	v6 =	vadd.s32 v13, v6  }
0x48c: {  	[tilespmem:$0xD0D0] =	vst v1;
	(v2sf) =	vpush v59, $0xF;
	v6 =	vadd.s32 v14, v6;
	v60, _, _ =	vpop (xrf0)  }
0x48d: {  	[tilespmem:$0xE0D0] =	vst v1;
	v6 =	vadd.s32 v15, v6;
	(v2sf) =	vpush v60, $0xF  }
0x48e: {  	[tilespmem:$0xF0D0] =	vst v1;
	s0 =	spop (v2sf);
	v6 =	vadd.s32 v16, v6  }
0x48f: {  	[tilespmem:$0x100D0] =	vst v1;
	s1 =	spop (v2sf);
	v6 =	vadd.s32 v17, v6  }
0x490: {  	[tilespmem:$0x110D0] =	vst v1;
	s2 =	spop (v2sf);
	v6 =	vadd.s32 v18, v6  }
0x491: {  	[tilespmem:$0x120D0] =	vst v1;
	s2 =	sadd.s32 s31, s2;
	v6 =	vadd.s32 v19, v6  }
0x492: {  	[tilespmem:$0x130D0] =	vst v1;
	v7 =	vadd.s32 s2, v60;
	v6 =	vadd.s32 v20, v6  }
0x493: {  	[tilespmem:$0x140D0] =	vst v1;
	vm2 =	vlt.s32 v7, v4;
	v6 =	vadd.s32 v21, v6  }
0x494: {  	[tilespmem:$0x150D0] =	vst v1;
	v5 =	vnsel vm2, $0x0, v5;
	v6 =	vadd.s32 v22, v6  }
0x495: {  	[tilespmem:$0x160D0] =	vst v1;
	v7 =	vsel vm2, $0x1, v1;
	(xrf0) =	vadd.scan.msk.s32 $0xffff, v5;
	v5 =	vadd.s32 v23, v6  }
0x496: {  	[tilespmem:$0x170D0] =	vst v1;
	(xrf0) =	vadd.scan.msk.s32 $0xffff, v7;
	v5 =	vadd.s32 v24, v5  }
0x497: {  	[tilespmem:$0x180D0] =	vst v1;
	(xrf0) =	vadd.scan.msk.s32 $0xffff, v5  }
0x498: {  	[tilespmem:$0x190D0] =	vst v1  }
0x499: {  	[tilespmem:$0x1A0D0] =	vst v1  }
0x49a: {  	[tilespmem:$0x1B0D0] =	vst v1;
	s12 =	spop (v2sf)  }
0x49b: {  	[tilespmem:$0xC0E0] =	vst v1;
	v61, _, _ =	vpop (xrf0);
	s13 =	spop (v2sf)  }
0x49c: {  	[tilespmem:$0xD0E0] =	vst v1;
	v7, _, _ =	vpop (xrf0);
	s20 =	spop (v2sf)  }
0x49d: {  	[tilespmem:$0xE0E0] =	vst v1;
	v62, _, _ =	vpop (xrf0);
	s2 =	sadd.s32 s2, s20  }
0x49e: {  	[tilespmem:$0xF0E0] =	vst v1;
	v63 =	vadd.s32 s2, v62  }
0x49f: {  	[tilespmem:$0x100E0] =	vst v1;
	vm2 =	vlt.s32 v63, v4  }
0x4a0: {  	[tilespmem:$0x110E0] =	vst v1;
	v4 =	vnsel vm2, $0x0, v5  }
0x4a1: {  	[tilespmem:$0x120E0] =	vst v1;
	v5 =	vsel vm2, $0x1, v1;
	(xrf0) =	vadd.scan.msk.s32 $0xffff, v4  }
0x4a2: {  	[tilespmem:$0x130E0] =	vst v1;
	(xrf0) =	vadd.scan.msk.s32 $0xffff, v5  }
0x4a3: {  	[tilespmem:$0x140E0] =	vst v1  }
0x4a4: {  	[tilespmem:$0x150E0] =	vst v1  }
0x4a5: {  	[tilespmem:$0x160E0] =	vst v1;
	(v2sf) =	vpush v61, $0xF  }
0x4a6: {  	[tilespmem:$0x170E0] =	vst v1;
	(v2sf) =	vpush v7, $0xF  }
0x4a7: {  	[tilespmem:$0x180E0] =	vst v1;
	(v2sf) =	vpush v62, $0xF;
	v4, _, _ =	vpop (xrf0)  }
0x4a8: {  	[tilespmem:$0x190E0] =	vst v1;
	v5, _, _ =	vpop (xrf0);
	(v2sf) =	vpush v4, $0xF  }
0x4a9: {  	[tilespmem:$0x1A0E0] =	vst v1;
	(v2sf) =	vpush v5, $0xF  }
0x4aa: {  	[tilespmem:$0x1B0E0] =	vst v1  }
0x4ab: {  	[tilespmem:$0xC0F0] =	vst v1  }
0x4ac: {  	[tilespmem:$0xD0F0] =	vst v1  }
0x4ad: {  	[tilespmem:$0xE0F0] =	vst v1  }
0x4ae: {  	[tilespmem:$0xF0F0] =	vst v1  }
0x4af: {  	[tilespmem:$0x100F0] =	vst v1  }
0x4b0: {  	[tilespmem:$0x110F0] =	vst v1  }
0x4b1: {  	[tilespmem:$0x120F0] =	vst v1  }
0x4b2: {  	[tilespmem:$0x130F0] =	vst v1  }
0x4b3: {  	[tilespmem:$0x140F0] =	vst v1  }
0x4b4: {  	[tilespmem:$0x150F0] =	vst v1;
	s2 =	spop (v2sf)  }
0x4b5: {  	[tilespmem:$0x160F0] =	vst v1;
	s31 =	spop (v2sf)  }
.Ltmp30:
0x4b6: {  	[tilespmem:$0x170F0] =	vst v1;
	s1 =	sadd.s32 s30, s1;
	s21 =	spop (v2sf);
	(pc) =	sbr.rel @p0 .LBB2_74-.Ltmp30, $4  }
0x4b7: {  	[tilespmem:$0x180F0] =	vst v1;
	s0 =	sadd.s32 s29, s0;
	s1 =	sadd.s32 s1, s13;
	s21 =	spop (v2sf)  }
0x4b8: {  	[tilespmem:$0x190F0] =	vst v1;
	s0 =	sadd.s32 s0, s12;
	s1 =	sadd.s32 s1, s31;
	s30 =	spop (v2sf)  }
0x4b9: {  	[tilespmem:$0x1A0F0] =	vst v1;
	s0 =	sadd.s32 s0, s2;
	s31 =	sshll.u32 s28, $0xC;
	s1 =	sadd.s32 s1, s30  }
0x4ba: {  	[tilespmem:$0x1B0F0] =	vst v1;
	s29 =	sadd.s32 s0, s21;
	s28 =	sadd.s32 s31, s1  }
0x4bb: {  	s0 =	sadd.s32 $0xF, s25  }
0x4bc: {  	s1 =	sand.u32 $0xF, s0  }
0x4bd: {  	p0 =	slt.s32 s25, $0xFFFFFFF2;
	s2 =	sshra.s32 s0, $0x1F;
	p1 =	sne.s32 s1, $0x0  }
0x4be: {  	s31 =	sshrl.u32 s2, $0x1C;
	p0 =	por !p0, !p1  }
0x4bf: {  	s1 =	simm.s32 $0x1;
	s0 =	sadd.s32 s31, s0;
	p0 =	por !p0, !p0  }
0x4c0: {  	s0 =	sshra.s32 s0, $0x4;
	s1 =	simm.s32 @!p0 $0x0  }
0x4c1: {  	s1 =	ssub.s32 s0, s1  }
0x4c2: {  	p0 =	slt.s32 s1, $0x1  }
.Ltmp31:
0x4c3: {  	_ = 	snop;
	(pc) =	sbr.rel @p0 .LBB2_70-.Ltmp31, $1  }
0x4c4: {  	_ =	sdelay $0x3  }
0x4c5: {  	p1 =	seq.s32 s1, $0x1  }
.Ltmp32:
0x4c6: {  	_ = 	snop;
	(pc) =	sbr.rel @p1 .LBB2_65-.Ltmp32, $3  }
0x4c7: {  	_ =	sdelay $0x1  }
0x4c8: {  	s2 =	simm.s32 $0x4000  }
0x4c9: {  	v4 =	vmov s25;
	v5 =	vmov s28;
	s0 =	simm.s32 $0x0;
	s1 =	sadd.s32 $0xFFFFFFFF, s1;
	p0 =	por $0x0, $0x0;
	v6 =	vld [tilespmem:s2+$0x0]  }
0x4ca: {  	_ =	sdelay $0x3  }
0x4cb: {  	v7 =	vor.u32 s0, v0;
	v8 =	vshrl.u32 v6, $0x7  }
0x4cc: {  	vm2 =	vlt.s32 v7, v4;
	vm3 =	veq.s32 v8, v5  }
0x4cd: {  	v6 =	vand.u32 $0x7F, v6;
	vm2 =	vmand vm2, vm3  }
0x4ce: {  	v6 =	vor.u32 v2, v6  }
0x4cf: {  	p1 =	seq.s32 s1, $0x1  }
.Ltmp33:
0x4d0: {  	_ = 	snop;
	(pc) =	sbr.rel @p1 .LBB2_67-.Ltmp33, $3  }
0x4d1: {  	_ =	sdelay $0x1  }
0x4d2: {  	s2 =	simm.s32 $0x4010;
	[tilespmem:v6+s18+$0x0] =	vst.idx.add.s32.msk vm2, v3  }
0x4d3: {  	s20 =	sadd.s32 $0xFFFFFFFF, s1;
	p0 =	por $0x1, $0x1;
	s1 =	simm.s32 $0x0;
	v6 =	vld [tilespmem:s2+$0x0]  }
.LBB2_68:
0x4d4: {  	p1 =	seq.s32 s20, $0x1;
	_ =	sdelay $0x2  }
0x4d5: {  	s1 =	sadd.s32 $0x10, s1  }
0x4d6: {  	v7 =	vor.u32 s1, v0;
	v8 =	vshrl.u32 v6, $0x7  }
0x4d7: {  	vm2 =	vlt.s32 v7, v4;
	vm3 =	veq.s32 v8, v5  }
0x4d8: {  	v6 =	vand.u32 $0x7F, v6;
	vm2 =	vmand vm2, vm3  }
0x4d9: {  	v6 =	vor.u32 v2, v6;
	_ =	sdelay $0x1  }
.Ltmp34:
0x4da: {  	(pc) =	sbr.rel @!p1 .LBB2_68-.Ltmp34, $3  }
0x4db: {  	_ =	sdelay $0x1  }
0x4dc: {  	s2 =	sadd.s32 $0x10, s2;
	[tilespmem:v6+s18+$0x0] =	vst.idx.add.s32.msk vm2, v3  }
0x4dd: {  	s20 =	sadd.s32 $0xFFFFFFFF, s20;
	v6 =	vld [tilespmem:s2+$0x0]  }
.LBB2_69:
0x4de: {  	_ =	sdelay $0x1  }
0x4df: {  	s1 =	sadd.s32 @p0 $0x10, s1  }
0x4e0: {  	s0 =	smov.u32 @p0 s1  }
0x4e1: {  	v7 =	vor.u32 s0, v0;
	v8 =	vshrl.u32 v6, $0x7  }
0x4e2: {  	vm2 =	vlt.s32 v7, v4;
	vm3 =	veq.s32 v8, v5  }
0x4e3: {  	v4 =	vand.u32 $0x7F, v6;
	vm2 =	vmand vm2, vm3  }
0x4e4: {  	v4 =	vor.u32 v2, v4;
	_ =	sdelay $0x4  }
0x4e5: {  	[tilespmem:v4+s18+$0x0] =	vst.idx.add.s32.msk vm2, v3  }
.LBB2_70:
0x4e6: {  	s0 =	simm.s32 $0x0  }
0x4e7: {  	v4 =	vld [tilespmem:s0+$0xC080]  }
0x4e8: {  	v5 =	vld [tilespmem:s0+$0xD080]  }
0x4e9: {  	v6 =	vld [tilespmem:s0+$0xE080]  }
0x4ea: {  	v7 =	vld [tilespmem:s0+$0xF080]  }
0x4eb: {  	v8 =	vld [tilespmem:s0+$0x10080]  }
0x4ec: {  	v9 =	vld [tilespmem:s0+$0x11080]  }
0x4ed: {  	v10 =	vld [tilespmem:s0+$0x12080];
	v4 =	vadd.s32 v4, v5  }
0x4ee: {  	v5 =	vld [tilespmem:s0+$0x13080];
	v4 =	vadd.s32 v6, v4  }
0x4ef: {  	v6 =	vld [tilespmem:s0+$0x14080];
	v4 =	vadd.s32 v7, v4  }
0x4f0: {  	v7 =	vld [tilespmem:s0+$0x15080];
	v4 =	vadd.s32 v8, v4  }
0x4f1: {  	v8 =	vld [tilespmem:s0+$0x16080];
	v4 =	vadd.s32 v9, v4  }
0x4f2: {  	v9 =	vld [tilespmem:s0+$0x17080];
	v4 =	vadd.s32 v10, v4  }
0x4f3: {  	v10 =	vld [tilespmem:s0+$0x18080];
	v4 =	vadd.s32 v5, v4  }
0x4f4: {  	v5 =	vld [tilespmem:s0+$0x19080];
	v4 =	vadd.s32 v6, v4  }
0x4f5: {  	v6 =	vld [tilespmem:s0+$0x1A080];
	v4 =	vadd.s32 v7, v4  }
0x4f6: {  	s25 =	simm.s32 $0x10;
	v7 =	vld [tilespmem:s0+$0x1B080];
	v4 =	vadd.s32 v8, v4  }
0x4f7: {  	v11 =	vld [tilespmem:s25+$0x13080];
	v4 =	vadd.s32 v9, v4  }
0x4f8: {  	v8 =	vld [tilespmem:s25+$0xC080];
	v4 =	vadd.s32 v10, v4  }
0x4f9: {  	v9 =	vld [tilespmem:s25+$0xD080];
	v4 =	vadd.s32 v5, v4  }
0x4fa: {  	v10 =	vld [tilespmem:s25+$0xE080];
	v4 =	vadd.s32 v6, v4  }
0x4fb: {  	v5 =	vld [tilespmem:s25+$0xF080];
	v4 =	vadd.s32 v7, v4  }
0x4fc: {  	v6 =	vld [tilespmem:s25+$0x10080];
	(xrf0) =	vadd.scan.msk.s32 $0xffff, v4  }
0x4fd: {  	v7 =	vld [tilespmem:s25+$0x11080]  }
0x4fe: {  	v4 =	vld [tilespmem:s25+$0x12080];
	v8 =	vadd.s32 v8, v9  }
0x4ff: {  	v12 =	vld [tilespmem:s25+$0x18080];
	v8 =	vadd.s32 v10, v8  }
0x500: {  	v9 =	vld [tilespmem:s25+$0x14080];
	v5 =	vadd.s32 v5, v8  }
0x501: {  	v10 =	vld [tilespmem:s25+$0x15080];
	v5 =	vadd.s32 v6, v5  }
0x502: {  	v8 =	vld [tilespmem:s25+$0x16080];
	v5 =	vadd.s32 v7, v5;
	v7, _, _ =	vpop (xrf0)  }
0x503: {  	v6 =	vld [tilespmem:s25+$0x17080];
	v4 =	vadd.s32 v4, v5;
	(v2sf) =	vpush v7, $0xF  }
0x504: {  	v5 =	vld [tilespmem:s25+$0x19080];
	v4 =	vadd.s32 v11, v4  }
0x505: {  	v11 =	vld [tilespmem:s25+$0x1A080];
	v4 =	vadd.s32 v9, v4  }
0x506: {  	s1 =	simm.s32 $0x20;
	v9 =	vld [tilespmem:s25+$0x1B080];
	v4 =	vadd.s32 v10, v4  }
0x507: {  	s29 =	ssub.s32 s26, s29;
	s25 =	simm.s32 $0x0;
	v10 =	vld [tilespmem:s1+$0xC080];
	v4 =	vadd.s32 v8, v4  }
0x508: {  	v7 =	vadd.s32 s25, v7;
	v8 =	vld [tilespmem:s1+$0xD080];
	v6 =	vadd.s32 v6, v4;
	v4 =	vmov s29  }
0x509: {  	v13 =	vld [tilespmem:s1+$0xE080];
	vm2 =	vlt.s32 v7, v4  }
0x50a: {  	v61 =	vld [tilespmem:s1+$0xF080];
	v6 =	vadd.s32 v12, v6;
	v7 =	vsel vm2, $0x1, v1  }
0x50b: {  	v5 =	vadd.s32 v5, v6;
	v6 =	vld [tilespmem:s1+$0x10080];
	(xrf0) =	vadd.scan.msk.s32 $0xffff, v7  }
0x50c: {  	v5 =	vadd.s32 v11, v5;
	v11 =	vld [tilespmem:s1+$0x11080]  }
0x50d: {  	v5 =	vadd.s32 v9, v5;
	v7 =	vadd.s32 v10, v8  }
0x50e: {  	(xrf0) =	vadd.scan.msk.s32 $0xffff, v5;
	v5 =	vadd.s32 v13, v7  }
0x50f: {  	v5 =	vadd.s32 v61, v5  }
0x510: {  	v5 =	vadd.s32 v6, v5  }
0x511: {  	v8 =	vld [tilespmem:s1+$0x12080];
	v5 =	vadd.s32 v11, v5;
	v11, _, _ =	vpop (xrf0)  }
0x512: {  	v7 =	vld [tilespmem:s1+$0x13080];
	s30 =	spop (v2sf);
	(v2sf) =	vpush v11, $0xF  }
0x513: {  	v9 =	vld [tilespmem:s1+$0x14080]  }
0x514: {  	v6 =	vld [tilespmem:s1+$0x15080]  }
0x515: {  	v10 =	vld [tilespmem:s1+$0x16080]  }
0x516: {  	v5 =	vadd.s32 v8, v5;
	v8 =	vld [tilespmem:s1+$0x17080];
	v63, _, _ =	vpop (xrf0)  }
0x517: {  	v62 =	vld [tilespmem:s1+$0x18080];
	v5 =	vadd.s32 v7, v5;
	s0 =	sadd.s32 $0x0, s30;
	(v2sf) =	vpush v63, $0xF  }
0x518: {  	v7 =	vadd.s32 v9, v5;
	v5 =	vld [tilespmem:s1+$0x19080];
	v9 =	vadd.s32 s0, v63  }
0x519: {  	v7 =	vadd.s32 v6, v7;
	v6 =	vld [tilespmem:s1+$0x1A080];
	vm2 =	vlt.s32 v9, v4  }
0x51a: {  	s26 =	simm.s32 $0x30;
	v9 =	vadd.s32 v10, v7;
	v7 =	vld [tilespmem:s1+$0x1B080];
	v10 =	vsel vm2, $0x1, v1  }
0x51b: {  	s31 =	sshll.u32 s23, $0x7;
	v11 =	vadd.s32 v8, v9;
	v8 =	vld [tilespmem:s26+$0xC080];
	(xrf0) =	vadd.scan.msk.s32 $0xffff, v10  }
0x51c: {  	s23 =	sadd.s32 s31, s24;
	s1 =	simm.s32 $0x100;
	v9 =	vld [tilespmem:s26+$0xD080];
	v10 =	vadd.s32 v62, v11  }
.LBB2_71:
0x51d: {  	p0 =	sne.s32 s1, $0x1C0;
	v11 =	vld [tilespmem:s26+$0xE080];
	v5 =	vadd.s32 v5, v10  }
0x51e: {  	v10 =	vld [tilespmem:s26+$0xF080];
	v5 =	vadd.s32 v6, v5  }
0x51f: {  	v6 =	vld [tilespmem:s26+$0x10080];
	v5 =	vadd.s32 v7, v5  }
0x520: {  	v7 =	vld [tilespmem:s26+$0x11080];
	(xrf0) =	vadd.scan.msk.s32 $0xffff, v5  }
0x521: {  	v5 =	vadd.s32 v8, v9;
	v8 =	vld [tilespmem:s26+$0x12080];
	v9, _, _ =	vpop (xrf0);
	s2 =	spop (v2sf)  }
0x522: {  	v5 =	vadd.s32 v11, v5;
	v11 =	vld [tilespmem:s26+$0x13080];
	(v2sf) =	vpush v9, $0xF;
	s25 =	sadd.s32 s25, s2  }
0x523: {  	v5 =	vadd.s32 v10, v5;
	v9 =	vld [tilespmem:s26+$0x14080]  }
0x524: {  	v5 =	vadd.s32 v6, v5;
	v6 =	vld [tilespmem:s26+$0x15080]  }
0x525: {  	v5 =	vadd.s32 v7, v5;
	v7 =	vld [tilespmem:s26+$0x16080]  }
0x526: {  	v5 =	vadd.s32 v8, v5;
	v10 =	vld [tilespmem:s26+$0x17080];
	v8, _, _ =	vpop (xrf0);
	s2 =	spop (v2sf)  }
0x527: {  	v5 =	vadd.s32 v11, v5;
	v11 =	vld [tilespmem:s26+$0x18080];
	(v2sf) =	vpush v8, $0xF;
	s0 =	sadd.s32 s0, s2  }
.Ltmp35:
0x528: {  	v9 =	vadd.s32 v9, v5;
	v5 =	vld [tilespmem:s26+$0x19080];
	v8 =	vadd.s32 s0, v8;
	(pc) =	sbr.rel @p0 .LBB2_71-.Ltmp35, $4  }
0x529: {  	v9 =	vadd.s32 v6, v9;
	v6 =	vld [tilespmem:s26+$0x1A080];
	vm2 =	vlt.s32 v8, v4  }
0x52a: {  	v9 =	vadd.s32 v7, v9;
	v7 =	vld [tilespmem:s26+$0x1B080];
	s26 =	sshra.s32 s1, $0x2;
	v12 =	vsel vm2, $0x1, v1  }
0x52b: {  	v8 =	vld [tilespmem:s26+$0xC080];
	v10 =	vadd.s32 v10, v9;
	(xrf0) =	vadd.scan.msk.s32 $0xffff, v12  }
0x52c: {  	s1 =	sadd.s32 $0x40, s1;
	v9 =	vld [tilespmem:s26+$0xD080];
	v10 =	vadd.s32 v11, v10  }
0x52d: {  	v5 =	vadd.s32 v5, v10  }
0x52e: {  	v46 =	vld [tilespmem:s26+$0xE080];
	v5 =	vadd.s32 v6, v5  }
0x52f: {  	v47 =	vld [tilespmem:s26+$0xF080];
	v5 =	vadd.s32 v7, v5  }
0x530: {  	v48 =	vld [tilespmem:s26+$0x10080];
	(xrf0) =	vadd.scan.msk.s32 $0xffff, v5  }
0x531: {  	v5 =	vld [tilespmem:s26+$0x11080]  }
0x532: {  	v49 =	vld [tilespmem:s26+$0x12080];
	v8 =	vadd.s32 v8, v9  }
0x533: {  	v50 =	vld [tilespmem:s26+$0x13080];
	v8 =	vadd.s32 v46, v8  }
0x534: {  	v51 =	vld [tilespmem:s26+$0x14080];
	v6 =	vadd.s32 v47, v8  }
0x535: {  	v52 =	vld [tilespmem:s26+$0x15080];
	v11, _, _ =	vpop (xrf0);
	v6 =	vadd.s32 v48, v6  }
0x536: {  	v53 =	vld [tilespmem:s26+$0x16080];
	(v2sf) =	vpush v11, $0xF;
	v5 =	vadd.s32 v5, v6;
	v54, _, _ =	vpop (xrf0)  }
0x537: {  	v55 =	vld [tilespmem:s26+$0x17080];
	v5 =	vadd.s32 v49, v5;
	(v2sf) =	vpush v54, $0xF  }
0x538: {  	v56 =	vld [tilespmem:s26+$0x18080];
	v5 =	vadd.s32 v50, v5  }
0x539: {  	v57 =	vld [tilespmem:s26+$0x19080];
	v5 =	vadd.s32 v51, v5  }
0x53a: {  	v58 =	vld [tilespmem:s26+$0x1A080];
	s1 =	spop (v2sf);
	v5 =	vadd.s32 v52, v5  }
0x53b: {  	v59 =	vld [tilespmem:s26+$0x1B080];
	s2 =	spop (v2sf);
	v5 =	vadd.s32 v53, v5  }
0x53c: {  	s0 =	sadd.s32 s0, s2;
	v5 =	vadd.s32 v55, v5  }
0x53d: {  	v60 =	vadd.s32 s0, v54;
	v5 =	vadd.s32 v56, v5  }
0x53e: {  	vm2 =	vlt.s32 v60, v4;
	v5 =	vadd.s32 v57, v5  }
0x53f: {  	v61 =	vsel vm2, $0x1, v1;
	v5 =	vadd.s32 v58, v5  }
0x540: {  	(xrf0) =	vadd.scan.msk.s32 $0xffff, v61;
	v5 =	vadd.s32 v59, v5  }
0x541: {  	(xrf0) =	vadd.scan.msk.s32 $0xffff, v5;
	_ =	sdelay $0x3  }
0x542: {  	s20 =	spop (v2sf)  }
0x543: {  	v5, _, _ =	vpop (xrf0);
	s12 =	spop (v2sf)  }
0x544: {  	v62, _, _ =	vpop (xrf0);
	s0 =	sadd.s32 s0, s12  }
0x545: {  	v63 =	vadd.s32 s0, v62  }
0x546: {  	vm2 =	vlt.s32 v63, v4  }
0x547: {  	v4 =	vsel vm2, $0x1, v1  }
0x548: {  	(xrf0) =	vadd.scan.msk.s32 $0xffff, v4;
	_ =	sdelay $0x4  }
0x549: {  	(v2sf) =	vpush v5, $0xF  }
0x54a: {  	(v2sf) =	vpush v62, $0xF;
	v4, _, _ =	vpop (xrf0)  }
0x54b: {  	(v2sf) =	vpush v4, $0xF;
	_ =	sdelay $0xc  }
0x54c: {  	s1 =	sadd.s32 s25, s1;
	s21 =	spop (v2sf)  }
0x54d: {  	s1 =	sadd.s32 s1, s20;
	s24 =	spop (v2sf)  }
0x54e: {  	s0 =	sadd.s32 s1, s21;
	s25 =	spop (v2sf)  }
0x54f: {  	s26 =	sshll.u32 s28, $0x7;
	v4 =	vmov s23;
	s0 =	sadd.s32 s0, s25  }
0x550: {  	v4 =	vnsel vm0, $0x0, v4;
	s0 =	sadd.s32 s26, s0  }
0x551: {  	s29 =	simm.s32 $0x1C080;
	v4 =	vsel vm1, s0, v4  }
0x552: {  	s30 =	simm.s32 $0x3;
	s28 =	rddreg [dreg:$0x2];
	s12 =	simm.s32 $0x0;
	[tilespmem:$0x1C080] =	vst v4  }
0x553: {  	[hbm4b:s28+s12] =	stream.linear.scatter [tilespmem:s29], [sflag:$0x3], $0x80, $0x38;
	[tilespmem:$0x1C100] =	vst v63  }
0x554: {  	_ =	swait.ge [sflag:s30], $0x80  }
0x555: {  	s22 =	sadd.s32 $0x1, s22;
	s31 =	rddreg [dreg:$0x3]  }
0x556: {  	p0 =	sne.s32 s22, s31  }
.Ltmp36:
0x557: {  	_ = 	snop;
	(pc) =	sbr.rel @p0 .LBB2_1-.Ltmp36, $4  }
.Ltmp37:
0x558: {  	_ = 	snop;
	(pc) =	sbr.rel @!p0 .LBB2_73-.Ltmp37, $4  }
0x559: {  	_ = 	snop  }
0x55a: {  	[sflag:s30] =	ssyncset.done $0x0  }
0x55b: {  	[sflag:s30] =	ssyncadd.s32 $0xFFFFFF80  }
0x55c: {  	_ = 	snop  }
.LBB2_42:
0x55d: {  	s0 =	simm.s32 $0x0  }
0x55e: {  	[tilespmem:s0], [sflag:$0x1] =	stream.strided.gather [hbm4b:s4+s14], $0x2000, s15, s14, $0x38;
	[tilespmem:$0x1C100] =	vst v63  }
0x55f: {  	_ = 	snop  }
0x560: {  	v4 =	vmov s23;
	[tilespmem:s16], [sflag:$0x2] =	stream.strided.gather [hbm4b:s5+s14], $0x2000, s15, s14, $0x38;
	[tilespmem:$0x1C100] =	vst v63  }
.LBB2_43:
0x561: {  	_ =	swait.ge [sflag:s17], $0x2000  }
0x562: {  	[sflag:s17] =	ssyncset.done $0x0  }
0x563: {  	s2 =	simm.s32 $0x0;
	s1 =	simm.s32 $0x40;
	[sflag:s17] =	ssyncadd.s32 $0xFFFFE000  }
.LBB2_44:
0x564: {  	p0 =	sne.s32 s1, $0x7FC0;
	v5 =	vld [tilespmem:s2+$0x0];
	_ =	sdelay $0x4  }
0x565: {  	v6 =	vshrl.u32 v5, $0x7  }
0x566: {  	v5 =	vand.u32 $0x7F, v5;
	vm2 =	veq.s32 v6, v4  }
0x567: {  	v5 =	vor.u32 v2, v5  }
.Ltmp38:
0x568: {  	(pc) =	sbr.rel @p0 .LBB2_44-.Ltmp38, $2  }
0x569: {  	_ =	sdelay $0x2  }
0x56a: {  	s2 =	sshra.s32 s1, $0x2;
	s1 =	sadd.s32 $0x40, s1;
	[tilespmem:v5+s18+$0x0] =	vst.idx.add.s32.msk vm2, v3  }
0x56b: {  	v5 =	vld [tilespmem:s2+$0x0];
	_ =	sdelay $0x4  }
0x56c: {  	v6 =	vshrl.u32 v5, $0x7  }
0x56d: {  	v5 =	vand.u32 $0x7F, v5;
	vm2 =	veq.s32 v6, v4  }
0x56e: {  	v5 =	vor.u32 v2, v5;
	_ =	sdelay $0x1  }
0x56f: {  	s1 =	sshll.u32 s0, $0x11;
	p0 =	seq.s32 s0, $0xF  }
0x570: {  	s2 =	sadd.s32 @!p0 s1, s6  }
0x571: {  	s12 =	simm.s32 @!p0 $0x80;
	s2 =	sshrl.u32 @!p0 s2, $0x3  }
0x572: {  	s20 =	simm.s32 @!p0 $0x400;
	s24 =	simm.s32 @!p0 $0x0;
	s2 =	sadd.s32 @!p0 s3, s2;
	[tilespmem:v5+s18+$0x0] =	vst.idx.add.s32.msk vm2, v3  }
0x573: {  	[tilespmem:s24], [sflag:$0x1] =	stream.strided.gather @!p0 [hbm4b:s2+s12], $0x2000, s20, s12, $0x38;
	[tilespmem:$0x1C100] =	vst v63  }
0x574: {  	_ =	swait.ge [sflag:s19], $0x2000  }
0x575: {  	[sflag:s19] =	ssyncset.done $0x0  }
0x576: {  	s20 =	simm.s32 $0x0;
	s2 =	simm.s32 $0x40;
	[sflag:s19] =	ssyncadd.s32 $0xFFFFE000  }
.LBB2_46:
0x577: {  	p1 =	sne.s32 s2, $0x7FC0;
	v5 =	vld [tilespmem:s20+$0x2000];
	_ =	sdelay $0x4  }
0x578: {  	v6 =	vshrl.u32 v5, $0x7  }
0x579: {  	v5 =	vand.u32 $0x7F, v5;
	vm2 =	veq.s32 v6, v4  }
0x57a: {  	v5 =	vor.u32 v2, v5  }
.Ltmp39:
0x57b: {  	(pc) =	sbr.rel @p1 .LBB2_46-.Ltmp39, $2  }
0x57c: {  	_ =	sdelay $0x2  }
0x57d: {  	s20 =	sshra.s32 s2, $0x2;
	s2 =	sadd.s32 $0x40, s2;
	[tilespmem:v5+s18+$0x0] =	vst.idx.add.s32.msk vm2, v3  }
0x57e: {  	v5 =	vld [tilespmem:s20+$0x2000];
	_ =	sdelay $0x4  }
0x57f: {  	v6 =	vshrl.u32 v5, $0x7  }
0x580: {  	v5 =	vand.u32 $0x7F, v5;
	vm2 =	veq.s32 v6, v4  }
0x581: {  	v5 =	vor.u32 v2, v5  }
.Ltmp40:
0x582: {  	_ = 	snop;
	(pc) =	sbr.rel @p0 .LBB2_31-.Ltmp40, $2  }
0x583: {  	_ =	sdelay $0x2  }
0x584: {  	[tilespmem:v5+s18+$0x0] =	vst.idx.add.s32.msk vm2, v3  }
.Ltmp41:
0x585: {  	(pc) =	sbr.rel .LBB2_43-.Ltmp41, $4  }
0x586: {  	s1 =	sadd.s32 s1, s7  }
0x587: {  	s1 =	sshrl.u32 s1, $0x3  }
0x588: {  	s0 =	sadd.s32 $0x1, s0;
	s1 =	sadd.s32 s3, s1  }
0x589: {  	[tilespmem:s16], [sflag:$0x2] =	stream.strided.gather [hbm4b:s1+s14], $0x2000, s15, s14, $0x38;
	[tilespmem:$0x1C100] =	vst v63  }
.LBB2_74:
0x58a: {  	s0 =	simm.s32 $0x0  }
0x58b: {  	[tilespmem:s0], [sflag:$0x1] =	stream.strided.gather [hbm4b:s8+s14], $0x2000, s15, s14, $0x38;
	[tilespmem:$0x1C100] =	vst v63  }
0x58c: {  	_ = 	snop  }
0x58d: {  	v4 =	vmov s28;
	[tilespmem:s16], [sflag:$0x2] =	stream.strided.gather [hbm4b:s9+s14], $0x2000, s15, s14, $0x38;
	[tilespmem:$0x1C100] =	vst v63  }
.LBB2_75:
0x58e: {  	_ =	swait.ge [sflag:s17], $0x2000  }
0x58f: {  	[sflag:s17] =	ssyncset.done $0x0  }
0x590: {  	s2 =	simm.s32 $0x0;
	s1 =	simm.s32 $0x40;
	[sflag:s17] =	ssyncadd.s32 $0xFFFFE000  }
.LBB2_76:
0x591: {  	p0 =	sne.s32 s1, $0x7FC0;
	v5 =	vld [tilespmem:s2+$0x0];
	_ =	sdelay $0x4  }
0x592: {  	v6 =	vshrl.u32 v5, $0x7  }
0x593: {  	v5 =	vand.u32 $0x7F, v5;
	vm2 =	veq.s32 v6, v4  }
0x594: {  	v5 =	vor.u32 v2, v5  }
.Ltmp42:
0x595: {  	(pc) =	sbr.rel @p0 .LBB2_76-.Ltmp42, $2  }
0x596: {  	_ =	sdelay $0x2  }
0x597: {  	s2 =	sshra.s32 s1, $0x2;
	s1 =	sadd.s32 $0x40, s1;
	[tilespmem:v5+s18+$0x0] =	vst.idx.add.s32.msk vm2, v3  }
0x598: {  	v5 =	vld [tilespmem:s2+$0x0];
	_ =	sdelay $0x4  }
0x599: {  	v6 =	vshrl.u32 v5, $0x7  }
0x59a: {  	v5 =	vand.u32 $0x7F, v5;
	vm2 =	veq.s32 v6, v4  }
0x59b: {  	v5 =	vor.u32 v2, v5;
	_ =	sdelay $0x1  }
0x59c: {  	s1 =	sshll.u32 s0, $0x11;
	p0 =	seq.s32 s0, $0xF  }
0x59d: {  	s2 =	sadd.s32 @!p0 s1, s10  }
0x59e: {  	s12 =	simm.s32 @!p0 $0x80;
	s2 =	sshrl.u32 @!p0 s2, $0x3  }
0x59f: {  	s13 =	simm.s32 @!p0 $0x400;
	s20 =	simm.s32 @!p0 $0x0;
	s2 =	sadd.s32 @!p0 s3, s2;
	[tilespmem:v5+s18+$0x0] =	vst.idx.add.s32.msk vm2, v3  }
0x5a0: {  	[tilespmem:s20], [sflag:$0x1] =	stream.strided.gather @!p0 [hbm4b:s2+s12], $0x2000, s13, s12, $0x38;
	[tilespmem:$0x1C100] =	vst v63  }
0x5a1: {  	_ =	swait.ge [sflag:s19], $0x2000  }
0x5a2: {  	[sflag:s19] =	ssyncset.done $0x0  }
0x5a3: {  	s20 =	simm.s32 $0x0;
	s2 =	simm.s32 $0x40;
	[sflag:s19] =	ssyncadd.s32 $0xFFFFE000  }
.LBB2_78:
0x5a4: {  	p1 =	sne.s32 s2, $0x7FC0;
	v5 =	vld [tilespmem:s20+$0x2000];
	_ =	sdelay $0x4  }
0x5a5: {  	v6 =	vshrl.u32 v5, $0x7  }
0x5a6: {  	v5 =	vand.u32 $0x7F, v5;
	vm2 =	veq.s32 v6, v4  }
0x5a7: {  	v5 =	vor.u32 v2, v5  }
.Ltmp43:
0x5a8: {  	(pc) =	sbr.rel @p1 .LBB2_78-.Ltmp43, $2  }
0x5a9: {  	_ =	sdelay $0x2  }
0x5aa: {  	s20 =	sshra.s32 s2, $0x2;
	s2 =	sadd.s32 $0x40, s2;
	[tilespmem:v5+s18+$0x0] =	vst.idx.add.s32.msk vm2, v3  }
0x5ab: {  	v5 =	vld [tilespmem:s20+$0x2000];
	_ =	sdelay $0x4  }
0x5ac: {  	v6 =	vshrl.u32 v5, $0x7  }
0x5ad: {  	v5 =	vand.u32 $0x7F, v5;
	vm2 =	veq.s32 v6, v4  }
0x5ae: {  	v5 =	vor.u32 v2, v5  }
.Ltmp44:
0x5af: {  	_ = 	snop;
	(pc) =	sbr.rel @p0 .LBB2_70-.Ltmp44, $2  }
0x5b0: {  	_ =	sdelay $0x2  }
0x5b1: {  	[tilespmem:v5+s18+$0x0] =	vst.idx.add.s32.msk vm2, v3  }
.Ltmp45:
0x5b2: {  	(pc) =	sbr.rel .LBB2_75-.Ltmp45, $4  }
0x5b3: {  	s1 =	sadd.s32 s1, s11  }
0x5b4: {  	s1 =	sshrl.u32 s1, $0x3  }
0x5b5: {  	s0 =	sadd.s32 $0x1, s0;
	s1 =	sadd.s32 s3, s1  }
0x5b6: {  	[tilespmem:s16], [sflag:$0x2] =	stream.strided.gather [hbm4b:s1+s14], $0x2000, s15, s14, $0x38;
	[tilespmem:$0x1C100] =	vst v63  }
.LBB2_26:
.Ltmp46:
0x5b7: {  	(pc) =	sbr.rel .LBB2_30-.Ltmp46, $2  }
0x5b8: {  	_ =	sdelay $0x2  }
0x5b9: {  	s1 =	simm.s32 $0x0  }
.LBB2_65:
.Ltmp47:
0x5ba: {  	(pc) =	sbr.rel .LBB2_69-.Ltmp47, $2  }
0x5bb: {  	_ =	sdelay $0x2  }
0x5bc: {  	s1 =	simm.s32 $0x0  }
.LBB2_28:
.Ltmp48:
0x5bd: {  	(pc) =	sbr.rel .LBB2_30-.Ltmp48, $2  }
0x5be: {  	_ =	sdelay $0x2  }
0x5bf: {  	s1 =	simm.s32 $0x0  }
.LBB2_67:
.Ltmp49:
0x5c0: {  	(pc) =	sbr.rel .LBB2_69-.Ltmp49, $2  }
0x5c1: {  	_ =	sdelay $0x2  }
0x5c2: {  	s1 =	simm.s32 $0x0  }
.LBB2_73:
0x5c3: {  	_ =	sfence.sel $0x180000  }
0x5c4: {  	[bflag:$0x0] =	sbarrier.arrive $0xFFFF  }
0x5c5: {  	_ =	strace $0x9000004A  }
0x5c6: {  	s0 =	stileid.u32;
	[bflag:$0x2] =	sbarrier.arrive $0xFFFF  }
0x5c7: {  	p0 =	sne.s32 s0, $0x0;
	s0 =	rddreg [dreg:$0x1]  }
0x5c8: {  	s0 =	sadd.s32 @!p0 $0x100000, s0  }
0x5c9: {  	[sflag:s0] =	ssyncadd.tile.s32 @!p0 $0x1;
	_ =	shalt  }
.Lfunc_end2:
_tile_overlayer_lowered:
.L_overlay_start_2:
0x5ca: {  	(tag) =	ssettag $0x2  }
0x5cb: {  	s0 =	rddreg [dreg:$0x0];
	s2 =	stileid.u32  }
0x5cc: {  	s1 =	rddreg [dreg:$0x1];
	p0 =	sne.s32 s2, $0x0  }
0x5cd: {  	s3 =	rddreg [dreg:$0x2];
	[bflag:$0x3] =	sbarrier.arrive $0xFFFF;
	s2 =	simm.s32 @!p0 $0x1C03  }
0x5ce: {  	[timem:s3], [sflag:s2] =	dma.local @!p0 [hbm:s0], s1  }
0x5cf: {  	s0 =	simm.s32 @!p0 $0x3  }
0x5d0: {  	_ =	swait.ge @!p0 [sflag:s0], s1  }
0x5d1: {  	s1 =	ssub.s32 @!p0 $0x0, s1;
	[sflag:s0] =	ssyncset.done @!p0 $0x0  }
0x5d2: {  	[sflag:s0] =	ssyncadd.s32 @!p0 s1  }
0x5d3: {  	[bflag:$0x3] =	sbarrier.arrive $0xFFFF  }
0x5d4: {  	_ =	shalt  }

// kernel: sparse-core-data-format-call.cloned.1.call-start
scs
called_computation_lowered:
.L_overlay_start_0:
0x0: {  	s1 =	sld [smem:$0x3FD9]  }
0x1: {  	s2 =	sld [smem:$0x3FFE];
	_ =	sdelay $0x1  }
0x2: {  	s3 =	srdreg.scid  }
0x3: {  	s0 =	sand.u32 $0x1, s3  }
0x4: {  	s17 =	sshll.u32 s0, $0xA;
	s1 =	sadd.s32 s2, s1  }
0x5: {  	s1 =	sadd.s32 s1, s17  }
0x6: {  	[smem:$0x3FC5] =	sst s1  }
0x7: {  	_ = 	snop  }
0x8: {  	(tm) =	ssettm $0x1  }
0x9: {  	s18 =	sld [smem:$0x3FFB];
	_ =	sdelay $0x3  }
0xa: {  	_ =	strace s18  }
0xb: {  	s1 =	sld [smem:$0x3FFC];
	_ =	sdelay $0x3  }
0xc: {  	_ =	strace s1  }
0xd: {  	s1 =	sld [smem:$0x3FFD];
	_ =	sdelay $0x3  }
0xe: {  	_ =	strace s1  }
0xf: {  	_ =	strace $0x8FFFFFFF  }
0x10: {  	s19 =	sld [smem:$0x3FDB];
	_ =	sdelay $0x1  }
0x11: {  	s20 =	simm.s32 $_scs_section_size  }
0x12: {  	s4 =	simm.s32 $_size__tile_overlayer_lowered;
	s5 =	simm.s32 $_tile_overlayer_lowered  }
0x13: {  	s23 =	simm.s32 $0x1BFF;
	s22 =	sshll.u32 s5, $0x1;
	s1 =	sadd.s32 s20, s19  }
0x14: {  	s6 =	simm.s32 $0x0;
	s21 =	sshll.u32 s4, $0x1;
	s4 =	sadd.s32 s22, s1  }
0x15: {  	[timem:s6], [sflag:s23] =	dma.local [hbm:s4], s21  }
0x16: {  	_ =	swait.ge [sflag:s23], s21  }
0x17: {  	s2 =	ssub.s32 $0x0, s21;
	[sflag:s23] =	ssyncset.done $0x0  }
0x18: {  	[sflag:s23] =	ssyncadd.s32 s2;
	_ =	sdelay $0x1  }
0x19: {  	s24 =	simm.s32 $0x1B8B  }
0x1a: {  	_ =	swait.ge [sflag:s24], $0x1  }
0x1b: {  	[sflag:s24] =	ssyncset.done $0x0  }
0x1c: {  	s26 =	simm.s32 $0x1B8E;
	s25 =	sld [smem:$0x3FFE];
	[sflag:s24] =	ssyncadd.s32 $0xFFFFFFFF  }
0x1d: {  	s27 =	simm.s32 $execute0_lowered;
	[smem:$0x3FD2] =	sst s26  }
0x1e: {  	s4 =	sshll.u32 s27, $0x1;
	_ =	strace $0x80000046;
	[dreg:$0x1] =	wrdreg $0xFFFFFFFF  }
0x1f: {  	s28 =	simm.s32 $_size_execute0_lowered;
	s1 =	sadd.s32 s1, s4;
	[dreg:$0x0] =	wrdreg $0x0  }
0x20: {  	s4 =	sshll.u32 s28, $0x1;
	[dreg:$0x2] =	wrdreg s1  }
0x21: {  	[dreg:$0x3] =	wrdreg s4  }
0x22: {  	[dreg:$0x4] =	wrdreg $0xC0  }
0x23: {  	_ =	task [dreg:s6], $0x5FFFF  }
0x24: {  	[dreg:$0x1] =	wrdreg $0xFFFFFFFF  }
0x25: {  	[dreg:$0x0] =	wrdreg $0x60  }
0x26: {  	[dreg:$0x2] =	wrdreg s25  }
0x27: {  	[dreg:$0x3] =	wrdreg $0x9  }
0x28: {  	_ =	task.clear_ibuf [dreg:s6], $0x4FFFF;
	_ =	strace $0x90000046  }
0x29: {  	s29 =	simm.s32 $0x9;
	_ =	strace $0x80000048  }
0x2a: {  	_ =	swait.ge [sflag:s29], $0x1  }
0x2b: {  	[sflag:s29] =	ssyncadd.s32 $0xFFFFFFFF  }
0x2c: {  	_ =	strace $0x90000048  }
0x2d: {  	_ =	sfence  }
0x2e: {  	s30 =	sld [smem:$0x0];
	_ =	sdelay $0x2  }
0x2f: {  	s31 =	sshll.u32 s3, $0xD;
	s3 =	sshrl.u32 s3, $0x2  }
0x30: {  	s2 =	sand.u32 $0x4000, s31;
	s1 =	sadd.s32 s3, s30  }
0x31: {  	s0 =	sor.u32 s2, s0;
	s1 =	sshll.u32 s1, $0x11  }
0x32: {  	s0 =	sor.u32 s1, s0  }
0x33: {  	s0 =	sadd.s32 $0x8F2B, s0  }
0x34: {  	[sflag:s0] =	ssyncadd.remote.s32 $0x1  }
0x35: {  	_ =	sfence.sel $0xFFFF  }
0x36: {  	[dreg:$0x0] =	wrdreg $0xFFFFFFFF;
	(pc) =	sbr.abs _section_cstart, $3  }
0x37: {  	[dreg:$0x1] =	wrdreg $0xFFFFFFFF  }
0x38: {  	_ =	task.clear_ibuf [dreg:s6], $0x2FFFF;
	_ =	strace $0x9FFFFFFF  }
0x39: {  	(tm) =	ssettm $0x7FFFFFFF  }
tec
execute0_lowered:
.L_overlay_start_1:
0x0: {  	(tag) =	ssettag $0x1  }
0x1: {  	s1 =	rddreg [dreg:$0x0]  }
0x2: {  	s0 =	rddreg [dreg:$0x1];
	_ =	strace $0x80000047;
	s4 =	srdreg.scid  }
0x3: {  	s7 =	simm.s32 $0x2;
	s13 =	simm.s32 $0x0;
	p0 =	por $0x0, $0x0  }
0x4: {  	s14 =	simm.s32 $0x0;
	s16 =	simm.s32 $0x0;
	s15 =	simm.s32 $0x0  }
0x5: {  	s9 =	simm.s32 $0x0;
	s10 =	simm.s32 $0x0;
	s2 =	sadd.s32 $0xA00, s1  }
.Ltmp0:
0x6: {  	s3 =	sadd.s32 $0x200E00, s1;
	s4 =	sshll.u32 s4, $0x4;
	(pc) =	sbr.rel .LBB1_1-.Ltmp0, $4  }
0x7: {  	s1 =	stileid.u32;
	s5 =	sand.u32 $0x10, s4;
	s4 =	simm.s32 $0x1  }
0x8: {  	s8 =	simm.s32 $0x0;
	s6 =	sor.u32 s1, s5;
	[sflag:s4] =	ssyncpa.u1 $0x0  }
0x9: {  	s5 =	sand.u32 $0x7, s1;
	s6 =	sshrl.u32 s6, $0x3;
	[sflag:s7] =	ssyncpa.u1 $0x0  }
0xa: {  	s7 =	simm.s32 $0x1000;
	s12 =	smov.u32 s5;
	s11 =	smov.u32 s6  }
.LBB1_5:
0xb: {  	s17 =	sadd.s32 $0x80, s9  }
0xc: {  	s13 =	sadd.s32 $0x80, s10;
	s18 =	smov.u32 s10;
	p2 =	sgt.s32 s17, $0x1FF  }
0xd: {  	s18 =	smov.u32 @p2 s13  }
0xe: {  	s19 =	smov.u32 s11;
	s13 =	sadd.s32 $0x4, s11;
	p3 =	sgt.s32 s18, $0x1FF  }
0xf: {  	s19 =	smov.u32 @p3 s13  }
0x10: {  	s20 =	smov.u32 s12;
	s13 =	sadd.s32 $0x8, s12;
	p4 =	sgt.s32 s19, $0x7  }
0x11: {  	p1 =	slt.u32 s8, $0x2;
	s20 =	smov.u32 @p4 s13  }
0x12: {  	s8 =	sadd.s32 $0x1, s8;
	s17 =	simm.s32 @p2 $0x0;
	p2 =	sgt.s32 s20, $0x7  }
0x13: {  	s21 =	simm.s32 @!p1 $0x2;
	s20 =	smov.u32 @p2 s5;
	p2 =	sne.s32 s8, $0x22  }
.Ltmp1:
0x14: {  	s14 =	smov.u32 s10;
	_ =	swait.ge @!p1 [sflag:s21], $0x4000;
	(pc) =	sbr.rel @!p2 .LBB1_6-.Ltmp1, $4  }
0x15: {  	s16 =	smov.u32 s11;
	s15 =	smov.u32 s12;
	[sflag:s21] =	ssyncset.done @!p1 $0x0  }
0x16: {  	p0 =	por !p0, !p0;
	s18 =	simm.s32 @p3 $0x0;
	[sflag:s21] =	ssyncadd.s32 @!p1 $0xFFFFC000  }
0x17: {  	s10 =	smov.u32 s18;
	s19 =	smov.u32 @p4 s6;
	s13 =	smov.u32 s9  }
0x18: {  	s9 =	smov.u32 s17;
	s11 =	smov.u32 s19;
	s12 =	smov.u32 s20  }
.LBB1_1:
0x19: {  	p1 =	sgt.u32 s8, $0x1F  }
0x1a: {  	s17 =	sxor.u32 @!p1 $0xFFFFFFFF, s8;
	s18 =	sand.u32 @!p1 $0x78, s9;
	s19 =	sshll.u32 @!p1 s10, $0x9  }
0x1b: {  	s20 =	sshll.u32 @!p1 s9, $0x3;
	s21 =	sshll.u32 @!p1 s10, $0x7;
	s17 =	sshll.u32 @!p1 s17, $0xE  }
0x1c: {  	s19 =	sand.u32 @!p1 $0x3F000, s19;
	s20 =	sand.u32 @!p1 $0x3FC00, s20;
	s17 =	sand.u32 @!p1 $0x4000, s17  }
0x1d: {  	s19 =	sadd.s32 @!p1 s19, s20;
	s20 =	sand.u32 @!p1 $0x200, s21;
	s21 =	sand.u32 @!p1 $0x180, s21  }
0x1e: {  	s19 =	sor.u32 @!p1 s20, s19;
	s18 =	sor.u32 @!p1 s18, s21;
	s20 =	sshll.u32 @!p1 s12, $0x12  }
0x1f: {  	s21 =	sshll.u32 @!p1 s11, $0xF;
	s19 =	sshrl.u32 @!p1 s19, $0x3;
	s20 =	sadd.s32 @!p1 s2, s20  }
0x20: {  	s18 =	sshrl.u32 @!p1 s18, $0x3;
	s20 =	sadd.s32 @!p1 s21, s20;
	s21 =	sand.u32 @!p1 $0x7, s9  }
0x21: {  	s19 =	sand.u32 @!p1 $0x7FC0, s19;
	s18 =	sadd.s32 @!p1 s18, s20;
	s20 =	sshll.u32 @!p1 s21, $0x12  }
0x22: {  	s18 =	sadd.s32 @!p1 s19, s18;
	s19 =	sor.u32 @!p1 $0x400, s20;
	s20 =	simm.s32 @!p1 $0x1000  }
0x23: {  	[tilespmem:s17], [sflag:$0x1] =	stream.strided.gather @!p1 [hbm4b:s18+s19], $0x4000, s20, s19, $0x38;
	[tilespmem:$0x10000] =	vst v63  }
0x24: {  	p1 =	seq.s32 s8, $0x0  }
0x25: {  	p2 =	seq.s32 @!p1 s8, $0x21  }
0x26: {  	p1 =	por p1, p2  }
.Ltmp2:
0x27: {  	_ = 	snop;
	(pc) =	sbr.rel @p1 .LBB1_5-.Ltmp2, $1  }
0x28: {  	_ =	sdelay $0x3  }
0x29: {  	s17 =	simm.s32 $0x1  }
0x2a: {  	s17 =	simm.s32 @!p0 $0x0  }
0x2b: {  	s17 =	sshll.u32 s17, $0xE  }
0x2c: {  	s18 =	sor.u32 $0x40, s17  }
0x2d: {  	v1 =	vmov s18;
	_ =	sdelay $0x1  }
0x2e: {  	_ =	swait.ge [sflag:s4], $0x4000  }
0x2f: {  	[sflag:s4] =	ssyncset.done $0x0  }
0x30: {  	s19 =	simm.s32 $0x0;
	[sflag:s4] =	ssyncadd.s32 $0xFFFFC000  }
0x31: {  	s17 =	sor.u32 $0x8070, s17;
	v7 =	vld.idx.msk [tilespmem:v1+s19+$0x30 ss:$0x1], $0xffff  }
0x32: {  	v0 =	vmov s17;
	v8 =	vld.idx.msk [tilespmem:v1+s19+$0xFFFFFFC0 ss:$0x1], $0xffff  }
0x33: {  	v6 =	vld.idx.msk [tilespmem:v1+s19+$0xFFFFFFD0 ss:$0x1], $0xffff  }
0x34: {  	v4 =	vld.idx.msk [tilespmem:v1+s19+$0xFFFFFFE0 ss:$0x1], $0xffff  }
0x35: {  	v2 =	vld.idx.msk [tilespmem:v1+s19+$0xFFFFFFF0 ss:$0x1], $0xffff  }
0x36: {  	s31 =	sshll.u32 s8, $0xE;
	v3 =	vld.idx.msk [tilespmem:v1+s19+$0x0 ss:$0x1], $0xffff  }
0x37: {  	s17 =	sand.u32 $0x4000, s31;
	v5 =	vld.idx.msk [tilespmem:v1+s19+$0x10 ss:$0x1], $0xffff;
	[tilespmem:v0+s19+$0x0 ss:$0x1] =	vst.idx.msk $0xffff, v7  }
0x38: {  	s20 =	simm.s32 $0x400;
	s18 =	simm.s32 $0x80;
	s17 =	sor.u32 $0x8000, s17;
	[tilespmem:v0+s19+$0xFFFFFF90 ss:$0x1] =	vst.idx.msk $0xffff, v8;
	v7 =	vld.idx.msk [tilespmem:v1+s19+$0x20 ss:$0x1], $0xffff  }
.LBB1_3:
0x39: {  	p1 =	sne.s32 s20, $0xFE00;
	v8 =	vld.idx.msk [tilespmem:v1+s18+$0x30 ss:$0x1], $0xffff;
	[tilespmem:v0+s19+$0xFFFFFFA0 ss:$0x1] =	vst.idx.msk $0xffff, v6  }
0x3a: {  	v9 =	vld.idx.msk [tilespmem:v1+s18+$0xFFFFFFC0 ss:$0x1], $0xffff;
	[tilespmem:v0+s19+$0xFFFFFFB0 ss:$0x1] =	vst.idx.msk $0xffff, v4  }
0x3b: {  	v6 =	vld.idx.msk [tilespmem:v1+s18+$0xFFFFFFD0 ss:$0x1], $0xffff;
	[tilespmem:v0+s19+$0xFFFFFFC0 ss:$0x1] =	vst.idx.msk $0xffff, v2  }
.Ltmp3:
0x3c: {  	v4 =	vld.idx.msk [tilespmem:v1+s18+$0xFFFFFFE0 ss:$0x1], $0xffff;
	[tilespmem:v0+s19+$0xFFFFFFD0 ss:$0x1] =	vst.idx.msk $0xffff, v3;
	(pc) =	sbr.rel @p1 .LBB1_3-.Ltmp3, $4  }
0x3d: {  	v2 =	vld.idx.msk [tilespmem:v1+s18+$0xFFFFFFF0 ss:$0x1], $0xffff;
	[tilespmem:v0+s19+$0xFFFFFFE0 ss:$0x1] =	vst.idx.msk $0xffff, v5  }
0x3e: {  	v3 =	vld.idx.msk [tilespmem:v1+s18+$0x0 ss:$0x1], $0xffff;
	[tilespmem:v0+s19+$0xFFFFFFF0 ss:$0x1] =	vst.idx.msk $0xffff, v7;
	s19 =	smov.u32 s18  }
0x3f: {  	v5 =	vld.idx.msk [tilespmem:v1+s19+$0x10 ss:$0x1], $0xffff;
	[tilespmem:v0+s19+$0x0 ss:$0x1] =	vst.idx.msk $0xffff, v8  }
0x40: {  	s18 =	sshra.s32 s20, $0x2;
	s20 =	sadd.s32 $0x200, s20;
	[tilespmem:v0+s19+$0xFFFFFF90 ss:$0x1] =	vst.idx.msk $0xffff, v9;
	v7 =	vld.idx.msk [tilespmem:v1+s19+$0x20 ss:$0x1], $0xffff  }
0x41: {  	_ =	sdelay $0x3  }
0x42: {  	[tilespmem:v0+s19+$0xFFFFFFA0 ss:$0x1] =	vst.idx.msk $0xffff, v6  }
0x43: {  	v56 =	vld.idx.msk [tilespmem:v1+s18+$0x30 ss:$0x1], $0xffff;
	[tilespmem:v0+s19+$0xFFFFFFB0 ss:$0x1] =	vst.idx.msk $0xffff, v4  }
0x44: {  	v57 =	vld.idx.msk [tilespmem:v1+s18+$0xFFFFFFC0 ss:$0x1], $0xffff;
	[tilespmem:v0+s19+$0xFFFFFFC0 ss:$0x1] =	vst.idx.msk $0xffff, v2  }
0x45: {  	v58 =	vld.idx.msk [tilespmem:v1+s18+$0xFFFFFFD0 ss:$0x1], $0xffff;
	[tilespmem:v0+s19+$0xFFFFFFD0 ss:$0x1] =	vst.idx.msk $0xffff, v3  }
0x46: {  	v59 =	vld.idx.msk [tilespmem:v1+s18+$0xFFFFFFE0 ss:$0x1], $0xffff;
	[tilespmem:v0+s19+$0xFFFFFFE0 ss:$0x1] =	vst.idx.msk $0xffff, v5  }
0x47: {  	v60 =	vld.idx.msk [tilespmem:v1+s18+$0xFFFFFFF0 ss:$0x1], $0xffff;
	[tilespmem:v0+s19+$0xFFFFFFF0 ss:$0x1] =	vst.idx.msk $0xffff, v7  }
0x48: {  	v61 =	vld.idx.msk [tilespmem:v1+s18+$0x0 ss:$0x1], $0xffff;
	[tilespmem:v0+s18+$0x0 ss:$0x1] =	vst.idx.msk $0xffff, v56  }
0x49: {  	v62 =	vld.idx.msk [tilespmem:v1+s18+$0x10 ss:$0x1], $0xffff;
	[tilespmem:v0+s18+$0xFFFFFF90 ss:$0x1] =	vst.idx.msk $0xffff, v57  }
0x4a: {  	s16 =	sshll.u32 s16, $0x7;
	v63 =	vld.idx.msk [tilespmem:v1+s18+$0x20 ss:$0x1], $0xffff;
	s29 =	sand.u32 $0x78, s13;
	s30 =	sshll.u32 s13, $0x3;
	[tilespmem:v0+s18+$0xFFFFFFA0 ss:$0x1] =	vst.idx.msk $0xffff, v58  }
0x4b: {  	s15 =	sshll.u32 s15, $0x12;
	s14 =	sshll.u32 s14, $0x9;
	s16 =	sand.u32 $0x380, s16;
	[tilespmem:v0+s18+$0xFFFFFFB0 ss:$0x1] =	vst.idx.msk $0xffff, v59  }
.Ltmp4:
0x4c: {  	s16 =	sor.u32 s29, s16;
	s19 =	sand.u32 $0xC00, s30;
	[tilespmem:v0+s18+$0xFFFFFFC0 ss:$0x1] =	vst.idx.msk $0xffff, v60;
	(pc) =	sbr.rel .LBB1_5-.Ltmp4, $4  }
0x4d: {  	s31 =	sand.u32 $0x7, s13;
	s15 =	sadd.s32 s3, s15;
	[tilespmem:v0+s18+$0xFFFFFFD0 ss:$0x1] =	vst.idx.msk $0xffff, v61;
	s16 =	sor.u32 s19, s16  }
0x4e: {  	s13 =	sshll.u32 s31, $0x12;
	s14 =	sadd.s32 s14, s15;
	[tilespmem:v0+s18+$0xFFFFFFE0 ss:$0x1] =	vst.idx.msk $0xffff, v62;
	s16 =	sshrl.u32 s16, $0x3  }
0x4f: {  	s13 =	sor.u32 $0x80, s13;
	[tilespmem:v0+s18+$0xFFFFFFF0 ss:$0x1] =	vst.idx.msk $0xffff, v63;
	s14 =	sadd.s32 s16, s14  }
0x50: {  	[hbm4b:s14+s13] =	stream.strided.scatter [tilespmem:s17], [sflag:$0x2], $0x4000, s7, s13, $0x38;
	[tilespmem:$0x10000] =	vst v63  }
.LBB1_6:
0x51: {  	_ =	sfence.sel $0x180000  }
0x52: {  	s2 =	simm.s32 $0x1;
	[bflag:$0x0] =	sbarrier.arrive $0xFFFF  }
0x53: {  	s31 =	simm.s32 $0x2;
	[sflag:s2] =	ssyncpa.u1 $0x1  }
0x54: {  	[sflag:s31] =	ssyncpa.u1 $0x1  }
0x55: {  	p0 =	sne.s32 s1, $0x0;
	_ =	strace $0x90000047  }
0x56: {  	s0 =	sadd.s32 @!p0 $0x100000, s0;
	[bflag:$0x2] =	sbarrier.arrive $0xFFFF  }
0x57: {  	[sflag:s0] =	ssyncadd.tile.s32 @!p0 $0x1;
	_ =	shalt  }
.Lfunc_end1:
_tile_overlayer_lowered:
.L_overlay_start_2:
0x58: {  	(tag) =	ssettag $0x2  }
0x59: {  	s0 =	rddreg [dreg:$0x0];
	s2 =	stileid.u32  }
0x5a: {  	s1 =	rddreg [dreg:$0x1];
	p0 =	sne.s32 s2, $0x0  }
0x5b: {  	s3 =	rddreg [dreg:$0x2];
	[bflag:$0x3] =	sbarrier.arrive $0xFFFF;
	s2 =	simm.s32 @!p0 $0x1C01  }
0x5c: {  	[timem:s3], [sflag:s2] =	dma.local @!p0 [hbm:s0], s1  }
0x5d: {  	s0 =	simm.s32 @!p0 $0x1  }
0x5e: {  	_ =	swait.ge @!p0 [sflag:s0], s1  }
0x5f: {  	s1 =	ssub.s32 @!p0 $0x0, s1;
	[sflag:s0] =	ssyncset.done @!p0 $0x0  }
0x60: {  	[sflag:s0] =	ssyncadd.s32 @!p0 s1  }
0x61: {  	[bflag:$0x3] =	sbarrier.arrive $0xFFFF  }
0x62: {  	_ =	shalt  }

</sc_bundles>
